<compile_context>
chip_gen: v7x
topology: tpu7x:2x2x1
jax: 0.10.2.dev20260603
libtpu: 0.0.44.dev20260713+nightly
codegen_flags: <defaults>
</compile_context>

<pallas_src>
import functools

import jax
import jax.numpy as jnp
from jax import lax
from jax.experimental import pallas as pl
from jax.experimental.pallas import tpu as pltpu
from jax.experimental.pallas import tpu_sc as plsc

N = 10000
E = 320000
F = 128
C = 10
G = 64

NC, NS = 2, 16
NW = NC * NS
NPAD = 10112
SUBROWS = NPAD // NS
CH = 128
NCHUNK = 81
EPW = NCHUNK * CH
EP = NW * EPW

_HIGH = jax.lax.Precision.HIGHEST


@functools.cache
def _mesh():
    return plsc.VectorSubcoreMesh(core_axis_name="c", subcore_axis_name="s",
                                  num_cores=NC, num_subcores=NS)



def _deg_body(dstv_hbm, out_hbm, dst_v, hist_v):
    c = lax.axis_index("c")
    s = lax.axis_index("s")
    wid = s * NC + c
    pltpu.sync_copy(dstv_hbm.at[wid], dst_v)

    zeros16 = jnp.zeros((16,), jnp.float32)
    def _zero(i, carry):
        hist_v[pl.ds(i * 16, 16)] = zeros16
        return carry
    lax.fori_loop(0, NPAD // 16, _zero, 0)

    ones16 = jnp.ones((16,), jnp.float32)
    def _acc(j, carry):
        def _acc16(k, carry2):
            idx = dst_v[j, pl.ds(k * 16, 16)]
            plsc.addupdate_scatter(hist_v, [idx], ones16)
            return carry2
        lax.fori_loop(0, CH // 16, _acc16, 0)
        return carry
    lax.fori_loop(0, NCHUNK, _acc, 0)

    pltpu.sync_copy(hist_v, out_hbm.at[wid])


@functools.cache
def _deg_kernel():
    return pl.kernel(
        _deg_body,
        out_type=jax.ShapeDtypeStruct((NW, NPAD), jnp.float32),
        mesh=_mesh(),
        scratch_types=[
            pltpu.VMEM((NCHUNK, CH), jnp.int32),
            pltpu.VMEM((NPAD,), jnp.float32),
        ],
        compiler_params=pltpu.CompilerParams(needs_layout_passes=False),
    )


def _mp_body(y_hbm, srcv_hbm, dstv_hbm, zrows_hbm, out_hbm,
             iw0, iw1, iw2, buf0, buf1, buf2, acc_sh,
             rs0, rs1, rs2, ss0, ss1, ss2, is0, is1, is2):
    c = lax.axis_index("c")
    s = lax.axis_index("s")
    wid = s * NC + c
    iws = (iw0, iw1, iw2)
    bufs = (buf0, buf1, buf2)
    rss = (rs0, rs1, rs2)
    sss = (ss0, ss1, ss2)
    iss = (is0, is1, is2)

    def _fetch_idx(t, j):
        pltpu.async_copy(srcv_hbm.at[wid, j], iws[t].at[0], iss[t])
        pltpu.async_copy(dstv_hbm.at[wid, j], iws[t].at[1], iss[t])
        pltpu.make_async_copy(srcv_hbm.at[wid, j], iws[t].at[0], iss[t]).wait()
        pltpu.make_async_copy(dstv_hbm.at[wid, j], iws[t].at[1], iss[t]).wait()

    for t in range(3):
        _fetch_idx(t, t)
        pltpu.async_copy(y_hbm.at[iws[t].at[0]], bufs[t], rss[t])
    pltpu.sync_copy(zrows_hbm, acc_sh.at[pl.ds(s * SUBROWS, SUBROWS)])
    plsc.subcore_barrier()

    def _triplet(g, carry):
        j0 = 3 * g
        for t in range(3):
            pltpu.make_async_copy(y_hbm.at[iws[t].at[0]], bufs[t],
                                  rss[t]).wait()
            pltpu.async_copy(bufs[t], acc_sh.at[iws[t].at[1]], sss[t],
                             add=True)
        @pl.when(g < NCHUNK // 3 - 1)
        def _():
            for t in range(3):
                pltpu.make_async_copy(bufs[t], acc_sh.at[iws[t].at[1]],
                                      sss[t]).wait()
                _fetch_idx(t, j0 + 3 + t)
                pltpu.async_copy(y_hbm.at[iws[t].at[0]], bufs[t], rss[t])
        return carry
    lax.fori_loop(0, NCHUNK // 3, _triplet, 0)

    for t in range(3):
        pltpu.make_async_copy(bufs[t], acc_sh.at[iws[t].at[1]],
                              sss[t]).wait()
    plsc.subcore_barrier()
    pltpu.sync_copy(acc_sh.at[pl.ds(s * SUBROWS, SUBROWS)],
                    out_hbm.at[c, pl.ds(s * SUBROWS, SUBROWS)])


@functools.cache
def _mp_kernel():
    return pl.kernel(
        _mp_body,
        out_type=jax.ShapeDtypeStruct((NC, NPAD, F), jnp.float32),
        mesh=_mesh(),
        scratch_types=[
            pltpu.VMEM((2, CH), jnp.int32),
            pltpu.VMEM((2, CH), jnp.int32),
            pltpu.VMEM((2, CH), jnp.int32),
            pltpu.VMEM((CH, F), jnp.float32),
            pltpu.VMEM((CH, F), jnp.float32),
            pltpu.VMEM((CH, F), jnp.float32),
            pltpu.VMEM_SHARED((NPAD, F), jnp.float32),
            pltpu.SemaphoreType.DMA,
            pltpu.SemaphoreType.DMA,
            pltpu.SemaphoreType.DMA,
            pltpu.SemaphoreType.DMA,
            pltpu.SemaphoreType.DMA,
            pltpu.SemaphoreType.DMA,
            pltpu.SemaphoreType.DMA,
            pltpu.SemaphoreType.DMA,
            pltpu.SemaphoreType.DMA,
        ],
        compiler_params=pltpu.CompilerParams(needs_layout_passes=False),
    )



def _split_body(ei_ref, src_ref, dst_ref):
    pads = lax.broadcasted_iota(jnp.int32, (1, EP - E), 1)
    src_ref[...] = jnp.concatenate(
        [ei_ref[0, :], (pads % N).reshape(EP - E)])
    dst_ref[...] = jnp.concatenate(
        [ei_ref[1, :], (N + pads % (NPAD - N)).reshape(EP - E)])


def _prep_body(degp_ref, dinv_ref):
    deg = jnp.sum(degp_ref[...], axis=0, keepdims=True) + 1.0
    r = lax.rsqrt(deg)
    dinv_ref[...] = (r * (1.5 - 0.5 * deg * r * r)).reshape(NPAD, 1)


def _l1_body(x_ref, W_ref, dinv_ref, y_ref):
    xw = jnp.dot(x_ref[...], W_ref[...],
                 preferred_element_type=jnp.float32)
    y_ref[...] = jnp.concatenate(
        [xw * dinv_ref[0:N], jnp.zeros((NPAD - N, F), jnp.float32)], axis=0)


def _layer_body(acc_ref, yprev_ref, dinv_ref, b_ref, W_ref, y_ref):
    pre = (acc_ref[0] + acc_ref[1] + yprev_ref[...]) * dinv_ref[...] + b_ref[...]
    h = jnp.maximum(pre, 0.0)
    y_ref[...] = jnp.dot(h, W_ref[...],
                         preferred_element_type=jnp.float32) * dinv_ref[...]


def _final_body(acc_ref, y3_ref, dinv_ref, b3_ref, batch_ref,
                Wl1_ref, bl1_ref, Wl2_ref, bl2_ref, out_ref):
    out3 = (acc_ref[0] + acc_ref[1] + y3_ref[...]) * dinv_ref[...] + b3_ref[...]
    gid = lax.broadcasted_iota(jnp.int32, (G, NPAD), 0)
    maskT = (batch_ref[...] == gid).astype(jnp.float32)
    psum = jnp.dot(maskT, out3,
                   preferred_element_type=jnp.float32, precision=_HIGH)
    counts = jnp.sum(maskT, axis=1, keepdims=True)
    pooled = psum / jnp.maximum(counts, 1.0)
    z = jnp.maximum(
        jnp.dot(pooled, Wl1_ref[...],
                preferred_element_type=jnp.float32)
        + bl1_ref[...], 0.0)
    out_ref[...] = jnp.dot(z, Wl2_ref[...],
                           preferred_element_type=jnp.float32) + bl2_ref[...]


def _tc_call(body, out_shape):
    return pl.pallas_call(body, out_shape=out_shape)



def kernel(x, edge_index, batch, W1, b1, W2, b2, W3, b3, Wl1, bl1, Wl2, bl2):
    f32 = jnp.float32
    src, dst = pl.pallas_call(
        _split_body,
        out_shape=[jax.ShapeDtypeStruct((EP,), jnp.int32),
                   jax.ShapeDtypeStruct((EP,), jnp.int32)],
    )(edge_index)
    srcv = src.reshape(NW, NCHUNK, CH)
    dstv = dst.reshape(NW, NCHUNK, CH)
    batch_row = jnp.concatenate([batch,
                                 jnp.full((NPAD - N,), G, jnp.int32)]
                                ).reshape(1, NPAD)
    zrows = jnp.zeros((SUBROWS, F), f32)

    deg_part = _deg_kernel()(dstv)
    dinv = _tc_call(_prep_body,
                    jax.ShapeDtypeStruct((NPAD, 1), f32))(deg_part)

    y_shape = jax.ShapeDtypeStruct((NPAD, F), f32)
    y1 = _tc_call(_l1_body, y_shape)(x, W1, dinv)
    acc1 = _mp_kernel()(y1, srcv, dstv, zrows)
    y2 = _tc_call(_layer_body, y_shape)(acc1, y1, dinv, b1.reshape(1, F), W2)
    acc2 = _mp_kernel()(y2, srcv, dstv, zrows)
    y3 = _tc_call(_layer_body, y_shape)(acc2, y2, dinv, b2.reshape(1, F), W3)
    acc3 = _mp_kernel()(y3, srcv, dstv, zrows)

    out = _tc_call(_final_body, jax.ShapeDtypeStruct((G, C), f32))(
        acc3, y3, dinv, b3.reshape(1, F), batch_row,
        Wl1, bl1.reshape(1, F), Wl2, bl2.reshape(1, C))
    return out

# --- scband reference (transcript-rebuilt; emitter-appended) ---
"""Pipeline reference for scband-gnnmodel-54855322305069 (READ-ONLY COPY).

The authoritative reference and input builder live on the scoring server;
editing this copy changes nothing except your own understanding.
"""

import jax, jax.numpy as jnp
import numpy as np

N = 10000
E = 320000
F_IN = 128
H = 128
C = 10
G = 64


def setup_inputs(seed: int = 0) -> dict:
    key = jax.random.key(seed)
    ks = jax.random.split(key, 16)
    x = jax.random.normal(ks[0], (N, F_IN), dtype=jnp.float32)
    edge_index = jax.random.randint(ks[1], (2, E), 0, N, dtype=jnp.int32)
    batch = jnp.sort(jax.random.randint(ks[2], (N,), 0, G, dtype=jnp.int32))
    def lin_init(k, fan_in, fan_out):
        kw, kb = jax.random.split(k)
        W = jax.random.normal(kw, (fan_in, fan_out), dtype=jnp.float32) / np.sqrt(fan_in)
        b = jax.random.normal(kb, (fan_out,), dtype=jnp.float32) * 0.01
        return W, b
    W1, b1 = lin_init(ks[3], F_IN, H)
    W2, b2 = lin_init(ks[4], H, H)
    W3, b3 = lin_init(ks[5], H, H)
    Wl1, bl1 = lin_init(ks[6], H, H)
    Wl2, bl2 = lin_init(ks[7], H, C)
    return {"x": x, "edge_index": edge_index, "batch": batch,
            "W1": W1, "b1": b1, "W2": W2, "b2": b2, "W3": W3, "b3": b3,
            "Wl1": Wl1, "bl1": bl1, "Wl2": Wl2, "bl2": bl2}


def gcn_conv(x, edge_index, W, b):
    n = x.shape[0]
    loop = jnp.arange(n, dtype=edge_index.dtype)
    src = jnp.concatenate([edge_index[0], loop])
    dst = jnp.concatenate([edge_index[1], loop])
    xw = x @ W
    deg = jnp.zeros((n,), dtype=x.dtype).at[dst].add(1.0)
    dinv = jnp.where(deg > 0, deg ** -0.5, 0.0)
    norm = dinv[src] * dinv[dst]
    msg = xw[src] * norm[:, None]
    out = jnp.zeros_like(xw).at[dst].add(msg)
    return out + b


def reference(x, edge_index, batch, W1, b1, W2, b2, W3, b3, Wl1, bl1, Wl2, bl2):
    h = jax.nn.relu(gcn_conv(x, edge_index, W1, b1))
    h = jax.nn.relu(gcn_conv(h, edge_index, W2, b2))
    h = gcn_conv(h, edge_index, W3, b3)
    pooled_sum = jax.ops.segment_sum(h, batch, num_segments=G)
    counts = jax.ops.segment_sum(jnp.ones((h.shape[0],), dtype=h.dtype), batch, num_segments=G)
    pooled = pooled_sum / jnp.maximum(counts, 1.0)[:, None]
    z = jax.nn.relu(pooled @ Wl1 + bl1)
    # dropout p=0.5 in eval mode -> identity
    out = z @ Wl2 + bl2
    return out

if __name__ == "__main__":
    import jax
    _d = setup_inputs()
    print(jax.jit(kernel)(*tuple(_d.values())))

</pallas_src>

<mosaic_0001>
#map = affine_map<(d0, d1) -> (0, 0)>
#map1 = affine_map<(d0, d1) -> (0, 0, 0)>
module attributes {stable_mosaic.version = 14 : i64} {
  func.func @_mp_body(%arg0: i32, %arg1: i32, %arg2: memref<10112x128xf32, #tpu.memory_space<hbm>>, %arg3: memref<32x81x128xi32, #tpu.memory_space<hbm>>, %arg4: memref<32x81x128xi32, #tpu.memory_space<hbm>>, %arg5: memref<632x128xf32, #tpu.memory_space<hbm>>, %arg6: memref<2x10112x128xf32, #tpu.memory_space<hbm>>, %arg7: memref<2x128xi32, #tpu.memory_space<vmem>>, %arg8: memref<2x128xi32, #tpu.memory_space<vmem>>, %arg9: memref<2x128xi32, #tpu.memory_space<vmem>>, %arg10: memref<128x128xf32, #tpu.memory_space<vmem>>, %arg11: memref<128x128xf32, #tpu.memory_space<vmem>>, %arg12: memref<128x128xf32, #tpu.memory_space<vmem>>, %arg13: memref<10112x128xf32, #tpu.memory_space<vmem_shared>>, %arg14: memref<!tpu.dma_semaphore, #tpu.memory_space<semaphore_mem>>, %arg15: memref<!tpu.dma_semaphore, #tpu.memory_space<semaphore_mem>>, %arg16: memref<!tpu.dma_semaphore, #tpu.memory_space<semaphore_mem>>, %arg17: memref<!tpu.dma_semaphore, #tpu.memory_space<semaphore_mem>>, %arg18: memref<!tpu.dma_semaphore, #tpu.memory_space<semaphore_mem>>, %arg19: memref<!tpu.dma_semaphore, #tpu.memory_space<semaphore_mem>>, %arg20: memref<!tpu.dma_semaphore, #tpu.memory_space<semaphore_mem>>, %arg21: memref<!tpu.dma_semaphore, #tpu.memory_space<semaphore_mem>>, %arg22: memref<!tpu.dma_semaphore, #tpu.memory_space<semaphore_mem>>) attributes {dimension_semantics = [#tpu.dimension_semantics<core_parallel>, #tpu.dimension_semantics<subcore_parallel>], iteration_bounds = array<i64: 2, 16>, scalar_prefetch = 0 : i64, scratch_operands = 16 : i64, tpu.core_type = #tpu.core_type<sc_vector_subcore>, window_params = [{transform_indices = #map}, {transform_indices = #map1}, {transform_indices = #map1}, {transform_indices = #map}, {transform_indices = #map1}]} {
    %mul3A = arith.constant 2 : i32
    %mul3A_0 = arith.muli %arg1, %mul3A : i32
    %add3A = arith.addi %mul3A_0, %arg0 : i32
    %dma_start3A = arith.constant 0 : i32
    %dma_start3A_1 = arith.constant 0 : i32
    %dma_start3A_2 = arith.constant 0 : i32
    %dma_start3A_3 = tpu.memref_slice %arg7[%dma_start3A_1, %dma_start3A_2] : memref<2x128xi32, #tpu.memory_space<vmem>> -> memref<1x128xi32, #tpu.memory_space<vmem>>
    %dma_start3A_4 = tpu.memref_squeeze %dma_start3A_3 : memref<1x128xi32, #tpu.memory_space<vmem>> -> memref<128xi32, #tpu.memory_space<vmem>>
    %dma_start3A_5 = arith.constant 0 : i32
    %dma_start3A_6 = tpu.memref_slice %arg3[%add3A, %dma_start3A, %dma_start3A_5] : memref<32x81x128xi32, #tpu.memory_space<hbm>> -> memref<1x1x128xi32, #tpu.memory_space<hbm>>
    %dma_start3A_7 = tpu.memref_squeeze %dma_start3A_6 : memref<1x1x128xi32, #tpu.memory_space<hbm>> -> memref<128xi32, #tpu.memory_space<hbm>>
    %dma_start3A_8 = arith.constant 0 : i32
    %dma_start3A_9 = tpu.memref_slice %arg7[%dma_start3A_1, %dma_start3A_8] : memref<2x128xi32, #tpu.memory_space<vmem>> -> memref<1x128xi32, #tpu.memory_space<vmem>>
    %dma_start3A_10 = tpu.memref_squeeze %dma_start3A_9 : memref<1x128xi32, #tpu.memory_space<vmem>> -> memref<128xi32, #tpu.memory_space<vmem>>
    %dma_start3A_11 = arith.constant 0 : i32
    %dma_start3A_12 = tpu.memref_slice %arg3[%add3A, %dma_start3A, %dma_start3A_11] : memref<32x81x128xi32, #tpu.memory_space<hbm>> -> memref<1x1x128xi32, #tpu.memory_space<hbm>>
    %dma_start3A_13 = tpu.memref_squeeze %dma_start3A_12 : memref<1x1x128xi32, #tpu.memory_space<hbm>> -> memref<128xi32, #tpu.memory_space<hbm>>
    tpu.enqueue_dma source(%dma_start3A_13 : memref<128xi32, #tpu.memory_space<hbm>>) target(%dma_start3A_10 : memref<128xi32, #tpu.memory_space<vmem>>) target_semaphore(%arg20 : memref<!tpu.dma_semaphore, #tpu.memory_space<semaphore_mem>>)
    %dma_start3A_14 = arith.constant 0 : i32
    %dma_start3A_15 = arith.constant 1 : i32
    %dma_start3A_16 = arith.constant 0 : i32
    %dma_start3A_17 = tpu.memref_slice %arg7[%dma_start3A_15, %dma_start3A_16] : memref<2x128xi32, #tpu.memory_space<vmem>> -> memref<1x128xi32, #tpu.memory_space<vmem>>
    %dma_start3A_18 = tpu.memref_squeeze %dma_start3A_17 : memref<1x128xi32, #tpu.memory_space<vmem>> -> memref<128xi32, #tpu.memory_space<vmem>>
    %dma_start3A_19 = arith.constant 0 : i32
    %dma_start3A_20 = tpu.memref_slice %arg4[%add3A, %dma_start3A_14, %dma_start3A_19] : memref<32x81x128xi32, #tpu.memory_space<hbm>> -> memref<1x1x128xi32, #tpu.memory_space<hbm>>
    %dma_start3A_21 = tpu.memref_squeeze %dma_start3A_20 : memref<1x1x128xi32, #tpu.memory_space<hbm>> -> memref<128xi32, #tpu.memory_space<hbm>>
    %dma_start3A_22 = arith.constant 0 : i32
    %dma_start3A_23 = tpu.memref_slice %arg7[%dma_start3A_15, %dma_start3A_22] : memref<2x128xi32, #tpu.memory_space<vmem>> -> memref<1x128xi32, #tpu.memory_space<vmem>>
    %dma_start3A_24 = tpu.memref_squeeze %dma_start3A_23 : memref<1x128xi32, #tpu.memory_space<vmem>> -> memref<128xi32, #tpu.memory_space<vmem>>
    %dma_start3A_25 = arith.constant 0 : i32
    %dma_start3A_26 = tpu.memref_slice %arg4[%add3A, %dma_start3A_14, %dma_start3A_25] : memref<32x81x128xi32, #tpu.memory_space<hbm>> -> memref<1x1x128xi32, #tpu.memory_space<hbm>>
    %dma_start3A_27 = tpu.memref_squeeze %dma_start3A_26 : memref<1x1x128xi32, #tpu.memory_space<hbm>> -> memref<128xi32, #tpu.memory_space<hbm>>
    tpu.enqueue_dma source(%dma_start3A_27 : memref<128xi32, #tpu.memory_space<hbm>>) target(%dma_start3A_24 : memref<128xi32, #tpu.memory_space<vmem>>) target_semaphore(%arg20 : memref<!tpu.dma_semaphore, #tpu.memory_space<semaphore_mem>>)
    %dma_wait3A = arith.constant 0 : i32
    %dma_wait3A_28 = arith.constant 0 : i32
    %dma_wait3A_29 = arith.constant 0 : i32
    %dma_wait3A_30 = tpu.memref_slice %arg7[%dma_wait3A_28, %dma_wait3A_29] : memref<2x128xi32, #tpu.memory_space<vmem>> -> memref<1x128xi32, #tpu.memory_space<vmem>>
    %dma_wait3A_31 = tpu.memref_squeeze %dma_wait3A_30 : memref<1x128xi32, #tpu.memory_space<vmem>> -> memref<128xi32, #tpu.memory_space<vmem>>
    %dma_wait3A_32 = arith.constant 0 : i32
    %dma_wait3A_33 = tpu.memref_slice %arg3[%add3A, %dma_wait3A, %dma_wait3A_32] : memref<32x81x128xi32, #tpu.memory_space<hbm>> -> memref<1x1x128xi32, #tpu.memory_space<hbm>>
    %dma_wait3A_34 = tpu.memref_squeeze %dma_wait3A_33 : memref<1x1x128xi32, #tpu.memory_space<hbm>> -> memref<128xi32, #tpu.memory_space<hbm>>
    %dma_wait3A_35 = arith.constant 0 : i32
    %dma_wait3A_36 = tpu.memref_slice %arg7[%dma_wait3A_28, %dma_wait3A_35] : memref<2x128xi32, #tpu.memory_space<vmem>> -> memref<1x128xi32, #tpu.memory_space<vmem>>
    %dma_wait3A_37 = tpu.memref_squeeze %dma_wait3A_36 : memref<1x128xi32, #tpu.memory_space<vmem>> -> memref<128xi32, #tpu.memory_space<vmem>>
    %dma_wait3A_38 = arith.constant 0 : i32
    %dma_wait3A_39 = tpu.memref_slice %arg3[%add3A, %dma_wait3A, %dma_wait3A_38] : memref<32x81x128xi32, #tpu.memory_space<hbm>> -> memref<1x1x128xi32, #tpu.memory_space<hbm>>
    %dma_wait3A_40 = tpu.memref_squeeze %dma_wait3A_39 : memref<1x1x128xi32, #tpu.memory_space<hbm>> -> memref<128xi32, #tpu.memory_space<hbm>>
    tpu.wait_dma2 semaphore(%arg20 : memref<!tpu.dma_semaphore, #tpu.memory_space<semaphore_mem>>) src(%dma_wait3A_40 : memref<128xi32, #tpu.memory_space<hbm>>) dst(%dma_wait3A_37 : memref<128xi32, #tpu.memory_space<vmem>>)
    %dma_wait3A_41 = arith.constant 0 : i32
    %dma_wait3A_42 = arith.constant 1 : i32
    %dma_wait3A_43 = arith.constant 0 : i32
    %dma_wait3A_44 = tpu.memref_slice %arg7[%dma_wait3A_42, %dma_wait3A_43] : memref<2x128xi32, #tpu.memory_space<vmem>> -> memref<1x128xi32, #tpu.memory_space<vmem>>
    %dma_wait3A_45 = tpu.memref_squeeze %dma_wait3A_44 : memref<1x128xi32, #tpu.memory_space<vmem>> -> memref<128xi32, #tpu.memory_space<vmem>>
    %dma_wait3A_46 = arith.constant 0 : i32
    %dma_wait3A_47 = tpu.memref_slice %arg4[%add3A, %dma_wait3A_41, %dma_wait3A_46] : memref<32x81x128xi32, #tpu.memory_space<hbm>> -> memref<1x1x128xi32, #tpu.memory_space<hbm>>
    %dma_wait3A_48 = tpu.memref_squeeze %dma_wait3A_47 : memref<1x1x128xi32, #tpu.memory_space<hbm>> -> memref<128xi32, #tpu.memory_space<hbm>>
    %dma_wait3A_49 = arith.constant 0 : i32
    %dma_wait3A_50 = tpu.memref_slice %arg7[%dma_wait3A_42, %dma_wait3A_49] : memref<2x128xi32, #tpu.memory_space<vmem>> -> memref<1x128xi32, #tpu.memory_space<vmem>>
    %dma_wait3A_51 = tpu.memref_squeeze %dma_wait3A_50 : memref<1x128xi32, #tpu.memory_space<vmem>> -> memref<128xi32, #tpu.memory_space<vmem>>
    %dma_wait3A_52 = arith.constant 0 : i32
    %dma_wait3A_53 = tpu.memref_slice %arg4[%add3A, %dma_wait3A_41, %dma_wait3A_52] : memref<32x81x128xi32, #tpu.memory_space<hbm>> -> memref<1x1x128xi32, #tpu.memory_space<hbm>>
    %dma_wait3A_54 = tpu.memref_squeeze %dma_wait3A_53 : memref<1x1x128xi32, #tpu.memory_space<hbm>> -> memref<128xi32, #tpu.memory_space<hbm>>
    tpu.wait_dma2 semaphore(%arg20 : memref<!tpu.dma_semaphore, #tpu.memory_space<semaphore_mem>>) src(%dma_wait3A_54 : memref<128xi32, #tpu.memory_space<hbm>>) dst(%dma_wait3A_51 : memref<128xi32, #tpu.memory_space<vmem>>)
    %dma_start3A_55 = arith.constant 0 : i32
    %dma_start3A_56 = arith.constant 0 : i32
    %dma_start3A_57 = tpu.memref_slice %arg7[%dma_start3A_55, %dma_start3A_56] : memref<2x128xi32, #tpu.memory_space<vmem>> -> memref<1x128xi32, #tpu.memory_space<vmem>>
    %dma_start3A_58 = tpu.memref_squeeze %dma_start3A_57 : memref<1x128xi32, #tpu.memory_space<vmem>> -> memref<128xi32, #tpu.memory_space<vmem>>
    %dma_start3A_59 = arith.constant 0 : i32
    %dma_start3A_60 = arith.constant 0 : i32
    %dma_start3A_61 = tpu.memref_slice %arg2[%dma_start3A_59, %dma_start3A_60] : memref<10112x128xf32, #tpu.memory_space<hbm>> -> memref<10112x128xf32, #tpu.memory_space<hbm>>
    tpu.enqueue_indirect_dma source(%dma_start3A_61 : memref<10112x128xf32, #tpu.memory_space<hbm>>) target(%arg10 : memref<128x128xf32, #tpu.memory_space<vmem>>) offsets(%dma_start3A_58 : memref<128xi32, #tpu.memory_space<vmem>>) semaphore(%arg14 : memref<!tpu.dma_semaphore, #tpu.memory_space<semaphore_mem>>)
    %dma_start3A_62 = arith.constant 1 : i32
    %dma_start3A_63 = arith.constant 0 : i32
    %dma_start3A_64 = arith.constant 0 : i32
    %dma_start3A_65 = tpu.memref_slice %arg8[%dma_start3A_63, %dma_start3A_64] : memref<2x128xi32, #tpu.memory_space<vmem>> -> memref<1x128xi32, #tpu.memory_space<vmem>>
    %dma_start3A_66 = tpu.memref_squeeze %dma_start3A_65 : memref<1x128xi32, #tpu.memory_space<vmem>> -> memref<128xi32, #tpu.memory_space<vmem>>
    %dma_start3A_67 = arith.constant 0 : i32
    %dma_start3A_68 = tpu.memref_slice %arg3[%add3A, %dma_start3A_62, %dma_start3A_67] : memref<32x81x128xi32, #tpu.memory_space<hbm>> -> memref<1x1x128xi32, #tpu.memory_space<hbm>>
    %dma_start3A_69 = tpu.memref_squeeze %dma_start3A_68 : memref<1x1x128xi32, #tpu.memory_space<hbm>> -> memref<128xi32, #tpu.memory_space<hbm>>
    %dma_start3A_70 = arith.constant 0 : i32
    %dma_start3A_71 = tpu.memref_slice %arg8[%dma_start3A_63, %dma_start3A_70] : memref<2x128xi32, #tpu.memory_space<vmem>> -> memref<1x128xi32, #tpu.memory_space<vmem>>
    %dma_start3A_72 = tpu.memref_squeeze %dma_start3A_71 : memref<1x128xi32, #tpu.memory_space<vmem>> -> memref<128xi32, #tpu.memory_space<vmem>>
    %dma_start3A_73 = arith.constant 0 : i32
    %dma_start3A_74 = tpu.memref_slice %arg3[%add3A, %dma_start3A_62, %dma_start3A_73] : memref<32x81x128xi32, #tpu.memory_space<hbm>> -> memref<1x1x128xi32, #tpu.memory_space<hbm>>
    %dma_start3A_75 = tpu.memref_squeeze %dma_start3A_74 : memref<1x1x128xi32, #tpu.memory_space<hbm>> -> memref<128xi32, #tpu.memory_space<hbm>>
    tpu.enqueue_dma source(%dma_start3A_75 : memref<128xi32, #tpu.memory_space<hbm>>) target(%dma_start3A_72 : memref<128xi32, #tpu.memory_space<vmem>>) target_semaphore(%arg21 : memref<!tpu.dma_semaphore, #tpu.memory_space<semaphore_mem>>)
    %dma_start3A_76 = arith.constant 1 : i32
    %dma_start3A_77 = arith.constant 1 : i32
    %dma_start3A_78 = arith.constant 0 : i32
    %dma_start3A_79 = tpu.memref_slice %arg8[%dma_start3A_77, %dma_start3A_78] : memref<2x128xi32, #tpu.memory_space<vmem>> -> memref<1x128xi32, #tpu.memory_space<vmem>>
    %dma_start3A_80 = tpu.memref_squeeze %dma_start3A_79 : memref<1x128xi32, #tpu.memory_space<vmem>> -> memref<128xi32, #tpu.memory_space<vmem>>
    %dma_start3A_81 = arith.constant 0 : i32
    %dma_start3A_82 = tpu.memref_slice %arg4[%add3A, %dma_start3A_76, %dma_start3A_81] : memref<32x81x128xi32, #tpu.memory_space<hbm>> -> memref<1x1x128xi32, #tpu.memory_space<hbm>>
    %dma_start3A_83 = tpu.memref_squeeze %dma_start3A_82 : memref<1x1x128xi32, #tpu.memory_space<hbm>> -> memref<128xi32, #tpu.memory_space<hbm>>
    %dma_start3A_84 = arith.constant 0 : i32
    %dma_start3A_85 = tpu.memref_slice %arg8[%dma_start3A_77, %dma_start3A_84] : memref<2x128xi32, #tpu.memory_space<vmem>> -> memref<1x128xi32, #tpu.memory_space<vmem>>
    %dma_start3A_86 = tpu.memref_squeeze %dma_start3A_85 : memref<1x128xi32, #tpu.memory_space<vmem>> -> memref<128xi32, #tpu.memory_space<vmem>>
    %dma_start3A_87 = arith.constant 0 : i32
    %dma_start3A_88 = tpu.memref_slice %arg4[%add3A, %dma_start3A_76, %dma_start3A_87] : memref<32x81x128xi32, #tpu.memory_space<hbm>> -> memref<1x1x128xi32, #tpu.memory_space<hbm>>
    %dma_start3A_89 = tpu.memref_squeeze %dma_start3A_88 : memref<1x1x128xi32, #tpu.memory_space<hbm>> -> memref<128xi32, #tpu.memory_space<hbm>>
    tpu.enqueue_dma source(%dma_start3A_89 : memref<128xi32, #tpu.memory_space<hbm>>) target(%dma_start3A_86 : memref<128xi32, #tpu.memory_space<vmem>>) target_semaphore(%arg21 : memref<!tpu.dma_semaphore, #tpu.memory_space<semaphore_mem>>)
    %dma_wait3A_90 = arith.constant 1 : i32
    %dma_wait3A_91 = arith.constant 0 : i32
    %dma_wait3A_92 = arith.constant 0 : i32
    %dma_wait3A_93 = tpu.memref_slice %arg8[%dma_wait3A_91, %dma_wait3A_92] : memref<2x128xi32, #tpu.memory_space<vmem>> -> memref<1x128xi32, #tpu.memory_space<vmem>>
    %dma_wait3A_94 = tpu.memref_squeeze %dma_wait3A_93 : memref<1x128xi32, #tpu.memory_space<vmem>> -> memref<128xi32, #tpu.memory_space<vmem>>
    %dma_wait3A_95 = arith.constant 0 : i32
    %dma_wait3A_96 = tpu.memref_slice %arg3[%add3A, %dma_wait3A_90, %dma_wait3A_95] : memref<32x81x128xi32, #tpu.memory_space<hbm>> -> memref<1x1x128xi32, #tpu.memory_space<hbm>>
    %dma_wait3A_97 = tpu.memref_squeeze %dma_wait3A_96 : memref<1x1x128xi32, #tpu.memory_space<hbm>> -> memref<128xi32, #tpu.memory_space<hbm>>
    %dma_wait3A_98 = arith.constant 0 : i32
    %dma_wait3A_99 = tpu.memref_slice %arg8[%dma_wait3A_91, %dma_wait3A_98] : memref<2x128xi32, #tpu.memory_space<vmem>> -> memref<1x128xi32, #tpu.memory_space<vmem>>
    %dma_wait3A_100 = tpu.memref_squeeze %dma_wait3A_99 : memref<1x128xi32, #tpu.memory_space<vmem>> -> memref<128xi32, #tpu.memory_space<vmem>>
    %dma_wait3A_101 = arith.constant 0 : i32
    %dma_wait3A_102 = tpu.memref_slice %arg3[%add3A, %dma_wait3A_90, %dma_wait3A_101] : memref<32x81x128xi32, #tpu.memory_space<hbm>> -> memref<1x1x128xi32, #tpu.memory_space<hbm>>
    %dma_wait3A_103 = tpu.memref_squeeze %dma_wait3A_102 : memref<1x1x128xi32, #tpu.memory_space<hbm>> -> memref<128xi32, #tpu.memory_space<hbm>>
    tpu.wait_dma2 semaphore(%arg21 : memref<!tpu.dma_semaphore, #tpu.memory_space<semaphore_mem>>) src(%dma_wait3A_103 : memref<128xi32, #tpu.memory_space<hbm>>) dst(%dma_wait3A_100 : memref<128xi32, #tpu.memory_space<vmem>>)
    %dma_wait3A_104 = arith.constant 1 : i32
    %dma_wait3A_105 = arith.constant 1 : i32
    %dma_wait3A_106 = arith.constant 0 : i32
    %dma_wait3A_107 = tpu.memref_slice %arg8[%dma_wait3A_105, %dma_wait3A_106] : memref<2x128xi32, #tpu.memory_space<vmem>> -> memref<1x128xi32, #tpu.memory_space<vmem>>
    %dma_wait3A_108 = tpu.memref_squeeze %dma_wait3A_107 : memref<1x128xi32, #tpu.memory_space<vmem>> -> memref<128xi32, #tpu.memory_space<vmem>>
    %dma_wait3A_109 = arith.constant 0 : i32
    %dma_wait3A_110 = tpu.memref_slice %arg4[%add3A, %dma_wait3A_104, %dma_wait3A_109] : memref<32x81x128xi32, #tpu.memory_space<hbm>> -> memref<1x1x128xi32, #tpu.memory_space<hbm>>
    %dma_wait3A_111 = tpu.memref_squeeze %dma_wait3A_110 : memref<1x1x128xi32, #tpu.memory_space<hbm>> -> memref<128xi32, #tpu.memory_space<hbm>>
    %dma_wait3A_112 = arith.constant 0 : i32
    %dma_wait3A_113 = tpu.memref_slice %arg8[%dma_wait3A_105, %dma_wait3A_112] : memref<2x128xi32, #tpu.memory_space<vmem>> -> memref<1x128xi32, #tpu.memory_space<vmem>>
    %dma_wait3A_114 = tpu.memref_squeeze %dma_wait3A_113 : memref<1x128xi32, #tpu.memory_space<vmem>> -> memref<128xi32, #tpu.memory_space<vmem>>
    %dma_wait3A_115 = arith.constant 0 : i32
    %dma_wait3A_116 = tpu.memref_slice %arg4[%add3A, %dma_wait3A_104, %dma_wait3A_115] : memref<32x81x128xi32, #tpu.memory_space<hbm>> -> memref<1x1x128xi32, #tpu.memory_space<hbm>>
    %dma_wait3A_117 = tpu.memref_squeeze %dma_wait3A_116 : memref<1x1x128xi32, #tpu.memory_space<hbm>> -> memref<128xi32, #tpu.memory_space<hbm>>
    tpu.wait_dma2 semaphore(%arg21 : memref<!tpu.dma_semaphore, #tpu.memory_space<semaphore_mem>>) src(%dma_wait3A_117 : memref<128xi32, #tpu.memory_space<hbm>>) dst(%dma_wait3A_114 : memref<128xi32, #tpu.memory_space<vmem>>)
    %dma_start3A_118 = arith.constant 0 : i32
    %dma_start3A_119 = arith.constant 0 : i32
    %dma_start3A_120 = tpu.memref_slice %arg8[%dma_start3A_118, %dma_start3A_119] : memref<2x128xi32, #tpu.memory_space<vmem>> -> memref<1x128xi32, #tpu.memory_space<vmem>>
    %dma_start3A_121 = tpu.memref_squeeze %dma_start3A_120 : memref<1x128xi32, #tpu.memory_space<vmem>> -> memref<128xi32, #tpu.memory_space<vmem>>
    %dma_start3A_122 = arith.constant 0 : i32
    %dma_start3A_123 = arith.constant 0 : i32
    %dma_start3A_124 = tpu.memref_slice %arg2[%dma_start3A_122, %dma_start3A_123] : memref<10112x128xf32, #tpu.memory_space<hbm>> -> memref<10112x128xf32, #tpu.memory_space<hbm>>
    tpu.enqueue_indirect_dma source(%dma_start3A_124 : memref<10112x128xf32, #tpu.memory_space<hbm>>) target(%arg11 : memref<128x128xf32, #tpu.memory_space<vmem>>) offsets(%dma_start3A_121 : memref<128xi32, #tpu.memory_space<vmem>>) semaphore(%arg15 : memref<!tpu.dma_semaphore, #tpu.memory_space<semaphore_mem>>)
    %dma_start3A_125 = arith.constant 2 : i32
    %dma_start3A_126 = arith.constant 0 : i32
    %dma_start3A_127 = arith.constant 0 : i32
    %dma_start3A_128 = tpu.memref_slice %arg9[%dma_start3A_126, %dma_start3A_127] : memref<2x128xi32, #tpu.memory_space<vmem>> -> memref<1x128xi32, #tpu.memory_space<vmem>>
    %dma_start3A_129 = tpu.memref_squeeze %dma_start3A_128 : memref<1x128xi32, #tpu.memory_space<vmem>> -> memref<128xi32, #tpu.memory_space<vmem>>
    %dma_start3A_130 = arith.constant 0 : i32
    %dma_start3A_131 = tpu.memref_slice %arg3[%add3A, %dma_start3A_125, %dma_start3A_130] : memref<32x81x128xi32, #tpu.memory_space<hbm>> -> memref<1x1x128xi32, #tpu.memory_space<hbm>>
    %dma_start3A_132 = tpu.memref_squeeze %dma_start3A_131 : memref<1x1x128xi32, #tpu.memory_space<hbm>> -> memref<128xi32, #tpu.memory_space<hbm>>
    %dma_start3A_133 = arith.constant 0 : i32
    %dma_start3A_134 = tpu.memref_slice %arg9[%dma_start3A_126, %dma_start3A_133] : memref<2x128xi32, #tpu.memory_space<vmem>> -> memref<1x128xi32, #tpu.memory_space<vmem>>
    %dma_start3A_135 = tpu.memref_squeeze %dma_start3A_134 : memref<1x128xi32, #tpu.memory_space<vmem>> -> memref<128xi32, #tpu.memory_space<vmem>>
    %dma_start3A_136 = arith.constant 0 : i32
    %dma_start3A_137 = tpu.memref_slice %arg3[%add3A, %dma_start3A_125, %dma_start3A_136] : memref<32x81x128xi32, #tpu.memory_space<hbm>> -> memref<1x1x128xi32, #tpu.memory_space<hbm>>
    %dma_start3A_138 = tpu.memref_squeeze %dma_start3A_137 : memref<1x1x128xi32, #tpu.memory_space<hbm>> -> memref<128xi32, #tpu.memory_space<hbm>>
    tpu.enqueue_dma source(%dma_start3A_138 : memref<128xi32, #tpu.memory_space<hbm>>) target(%dma_start3A_135 : memref<128xi32, #tpu.memory_space<vmem>>) target_semaphore(%arg22 : memref<!tpu.dma_semaphore, #tpu.memory_space<semaphore_mem>>)
    %dma_start3A_139 = arith.constant 2 : i32
    %dma_start3A_140 = arith.constant 1 : i32
    %dma_start3A_141 = arith.constant 0 : i32
    %dma_start3A_142 = tpu.memref_slice %arg9[%dma_start3A_140, %dma_start3A_141] : memref<2x128xi32, #tpu.memory_space<vmem>> -> memref<1x128xi32, #tpu.memory_space<vmem>>
    %dma_start3A_143 = tpu.memref_squeeze %dma_start3A_142 : memref<1x128xi32, #tpu.memory_space<vmem>> -> memref<128xi32, #tpu.memory_space<vmem>>
    %dma_start3A_144 = arith.constant 0 : i32
    %dma_start3A_145 = tpu.memref_slice %arg4[%add3A, %dma_start3A_139, %dma_start3A_144] : memref<32x81x128xi32, #tpu.memory_space<hbm>> -> memref<1x1x128xi32, #tpu.memory_space<hbm>>
    %dma_start3A_146 = tpu.memref_squeeze %dma_start3A_145 : memref<1x1x128xi32, #tpu.memory_space<hbm>> -> memref<128xi32, #tpu.memory_space<hbm>>
    %dma_start3A_147 = arith.constant 0 : i32
    %dma_start3A_148 = tpu.memref_slice %arg9[%dma_start3A_140, %dma_start3A_147] : memref<2x128xi32, #tpu.memory_space<vmem>> -> memref<1x128xi32, #tpu.memory_space<vmem>>
    %dma_start3A_149 = tpu.memref_squeeze %dma_start3A_148 : memref<1x128xi32, #tpu.memory_space<vmem>> -> memref<128xi32, #tpu.memory_space<vmem>>
    %dma_start3A_150 = arith.constant 0 : i32
    %dma_start3A_151 = tpu.memref_slice %arg4[%add3A, %dma_start3A_139, %dma_start3A_150] : memref<32x81x128xi32, #tpu.memory_space<hbm>> -> memref<1x1x128xi32, #tpu.memory_space<hbm>>
    %dma_start3A_152 = tpu.memref_squeeze %dma_start3A_151 : memref<1x1x128xi32, #tpu.memory_space<hbm>> -> memref<128xi32, #tpu.memory_space<hbm>>
    tpu.enqueue_dma source(%dma_start3A_152 : memref<128xi32, #tpu.memory_space<hbm>>) target(%dma_start3A_149 : memref<128xi32, #tpu.memory_space<vmem>>) target_semaphore(%arg22 : memref<!tpu.dma_semaphore, #tpu.memory_space<semaphore_mem>>)
    %dma_wait3A_153 = arith.constant 2 : i32
    %dma_wait3A_154 = arith.constant 0 : i32
    %dma_wait3A_155 = arith.constant 0 : i32
    %dma_wait3A_156 = tpu.memref_slice %arg9[%dma_wait3A_154, %dma_wait3A_155] : memref<2x128xi32, #tpu.memory_space<vmem>> -> memref<1x128xi32, #tpu.memory_space<vmem>>
    %dma_wait3A_157 = tpu.memref_squeeze %dma_wait3A_156 : memref<1x128xi32, #tpu.memory_space<vmem>> -> memref<128xi32, #tpu.memory_space<vmem>>
    %dma_wait3A_158 = arith.constant 0 : i32
    %dma_wait3A_159 = tpu.memref_slice %arg3[%add3A, %dma_wait3A_153, %dma_wait3A_158] : memref<32x81x128xi32, #tpu.memory_space<hbm>> -> memref<1x1x128xi32, #tpu.memory_space<hbm>>
    %dma_wait3A_160 = tpu.memref_squeeze %dma_wait3A_159 : memref<1x1x128xi32, #tpu.memory_space<hbm>> -> memref<128xi32, #tpu.memory_space<hbm>>
    %dma_wait3A_161 = arith.constant 0 : i32
    %dma_wait3A_162 = tpu.memref_slice %arg9[%dma_wait3A_154, %dma_wait3A_161] : memref<2x128xi32, #tpu.memory_space<vmem>> -> memref<1x128xi32, #tpu.memory_space<vmem>>
    %dma_wait3A_163 = tpu.memref_squeeze %dma_wait3A_162 : memref<1x128xi32, #tpu.memory_space<vmem>> -> memref<128xi32, #tpu.memory_space<vmem>>
    %dma_wait3A_164 = arith.constant 0 : i32
    %dma_wait3A_165 = tpu.memref_slice %arg3[%add3A, %dma_wait3A_153, %dma_wait3A_164] : memref<32x81x128xi32, #tpu.memory_space<hbm>> -> memref<1x1x128xi32, #tpu.memory_space<hbm>>
    %dma_wait3A_166 = tpu.memref_squeeze %dma_wait3A_165 : memref<1x1x128xi32, #tpu.memory_space<hbm>> -> memref<128xi32, #tpu.memory_space<hbm>>
    tpu.wait_dma2 semaphore(%arg22 : memref<!tpu.dma_semaphore, #tpu.memory_space<semaphore_mem>>) src(%dma_wait3A_166 : memref<128xi32, #tpu.memory_space<hbm>>) dst(%dma_wait3A_163 : memref<128xi32, #tpu.memory_space<vmem>>)
    %dma_wait3A_167 = arith.constant 2 : i32
    %dma_wait3A_168 = arith.constant 1 : i32
    %dma_wait3A_169 = arith.constant 0 : i32
    %dma_wait3A_170 = tpu.memref_slice %arg9[%dma_wait3A_168, %dma_wait3A_169] : memref<2x128xi32, #tpu.memory_space<vmem>> -> memref<1x128xi32, #tpu.memory_space<vmem>>
    %dma_wait3A_171 = tpu.memref_squeeze %dma_wait3A_170 : memref<1x128xi32, #tpu.memory_space<vmem>> -> memref<128xi32, #tpu.memory_space<vmem>>
    %dma_wait3A_172 = arith.constant 0 : i32
    %dma_wait3A_173 = tpu.memref_slice %arg4[%add3A, %dma_wait3A_167, %dma_wait3A_172] : memref<32x81x128xi32, #tpu.memory_space<hbm>> -> memref<1x1x128xi32, #tpu.memory_space<hbm>>
    %dma_wait3A_174 = tpu.memref_squeeze %dma_wait3A_173 : memref<1x1x128xi32, #tpu.memory_space<hbm>> -> memref<128xi32, #tpu.memory_space<hbm>>
    %dma_wait3A_175 = arith.constant 0 : i32
    %dma_wait3A_176 = tpu.memref_slice %arg9[%dma_wait3A_168, %dma_wait3A_175] : memref<2x128xi32, #tpu.memory_space<vmem>> -> memref<1x128xi32, #tpu.memory_space<vmem>>
    %dma_wait3A_177 = tpu.memref_squeeze %dma_wait3A_176 : memref<1x128xi32, #tpu.memory_space<vmem>> -> memref<128xi32, #tpu.memory_space<vmem>>
    %dma_wait3A_178 = arith.constant 0 : i32
    %dma_wait3A_179 = tpu.memref_slice %arg4[%add3A, %dma_wait3A_167, %dma_wait3A_178] : memref<32x81x128xi32, #tpu.memory_space<hbm>> -> memref<1x1x128xi32, #tpu.memory_space<hbm>>
    %dma_wait3A_180 = tpu.memref_squeeze %dma_wait3A_179 : memref<1x1x128xi32, #tpu.memory_space<hbm>> -> memref<128xi32, #tpu.memory_space<hbm>>
    tpu.wait_dma2 semaphore(%arg22 : memref<!tpu.dma_semaphore, #tpu.memory_space<semaphore_mem>>) src(%dma_wait3A_180 : memref<128xi32, #tpu.memory_space<hbm>>) dst(%dma_wait3A_177 : memref<128xi32, #tpu.memory_space<vmem>>)
    %dma_start3A_181 = arith.constant 0 : i32
    %dma_start3A_182 = arith.constant 0 : i32
    %dma_start3A_183 = tpu.memref_slice %arg9[%dma_start3A_181, %dma_start3A_182] : memref<2x128xi32, #tpu.memory_space<vmem>> -> memref<1x128xi32, #tpu.memory_space<vmem>>
    %dma_start3A_184 = tpu.memref_squeeze %dma_start3A_183 : memref<1x128xi32, #tpu.memory_space<vmem>> -> memref<128xi32, #tpu.memory_space<vmem>>
    %dma_start3A_185 = arith.constant 0 : i32
    %dma_start3A_186 = arith.constant 0 : i32
    %dma_start3A_187 = tpu.memref_slice %arg2[%dma_start3A_185, %dma_start3A_186] : memref<10112x128xf32, #tpu.memory_space<hbm>> -> memref<10112x128xf32, #tpu.memory_space<hbm>>
    tpu.enqueue_indirect_dma source(%dma_start3A_187 : memref<10112x128xf32, #tpu.memory_space<hbm>>) target(%arg12 : memref<128x128xf32, #tpu.memory_space<vmem>>) offsets(%dma_start3A_184 : memref<128xi32, #tpu.memory_space<vmem>>) semaphore(%arg16 : memref<!tpu.dma_semaphore, #tpu.memory_space<semaphore_mem>>)
    %mul3A_188 = arith.constant 632 : i32
    %mul3A_189 = arith.muli %arg1, %mul3A_188 : i32
    "tpu.region"() ({
      %run_scoped3A = tpu.sem_alloc : memref<!tpu.dma_semaphore, #tpu.memory_space<semaphore_mem>>
      %dma_start3A_221 = arith.constant 0 : i32
      %dma_start3A_222 = tpu.memref_slice %arg13[%mul3A_189, %dma_start3A_221] : memref<10112x128xf32, #tpu.memory_space<vmem_shared>> -> memref<632x128xf32, #tpu.memory_space<vmem_shared>>
      tpu.enqueue_dma source(%arg5 : memref<632x128xf32, #tpu.memory_space<hbm>>) target(%dma_start3A_222 : memref<632x128xf32, #tpu.memory_space<vmem_shared>>) target_semaphore(%run_scoped3A : memref<!tpu.dma_semaphore, #tpu.memory_space<semaphore_mem>>)
      %dma_wait3A_223 = arith.constant 0 : i32
      %dma_wait3A_224 = tpu.memref_slice %arg13[%mul3A_189, %dma_wait3A_223] : memref<10112x128xf32, #tpu.memory_space<vmem_shared>> -> memref<632x128xf32, #tpu.memory_space<vmem_shared>>
      tpu.wait_dma2 semaphore(%run_scoped3A : memref<!tpu.dma_semaphore, #tpu.memory_space<semaphore_mem>>) src(%arg5 : memref<632x128xf32, #tpu.memory_space<hbm>>) dst(%dma_wait3A_224 : memref<632x128xf32, #tpu.memory_space<vmem_shared>>)
      tpu.yield
    }) : () -> ()
    %barrier3A = arith.constant 0 : index
    tpu.barrier barrier_id(%barrier3A)
    %scan3A = arith.constant 0 : i32
    %scan3A_190 = arith.constant 0 : i32
    %scan3A_191 = arith.constant 27 : i32
    %scan3A_192 = arith.addi %scan3A_190, %scan3A_191 : i32
    %scan3A_193 = arith.constant 1 : i32
    scf.for %scan3A_221 = %scan3A_190 to %scan3A_192 step %scan3A_193  : i32 {
      %mul3A_222 = arith.constant 3 : i32
      %mul3A_223 = arith.muli %mul3A_222, %scan3A_221 : i32
      %dma_wait3A_224 = arith.constant 0 : i32
      %dma_wait3A_225 = arith.constant 0 : i32
      %dma_wait3A_226 = tpu.memref_slice %arg7[%dma_wait3A_224, %dma_wait3A_225] : memref<2x128xi32, #tpu.memory_space<vmem>> -> memref<1x128xi32, #tpu.memory_space<vmem>>
      %dma_wait3A_227 = tpu.memref_squeeze %dma_wait3A_226 : memref<1x128xi32, #tpu.memory_space<vmem>> -> memref<128xi32, #tpu.memory_space<vmem>>
      %dma_wait3A_228 = arith.constant 0 : i32
      %dma_wait3A_229 = arith.constant 0 : i32
      %dma_wait3A_230 = tpu.memref_slice %arg2[%dma_wait3A_228, %dma_wait3A_229] : memref<10112x128xf32, #tpu.memory_space<hbm>> -> memref<10112x128xf32, #tpu.memory_space<hbm>>
      tpu.wait_indirect_dma semaphore(%arg14 : memref<!tpu.dma_semaphore, #tpu.memory_space<semaphore_mem>>) src(%dma_wait3A_230 : memref<10112x128xf32, #tpu.memory_space<hbm>>) dst(%arg10 : memref<128x128xf32, #tpu.memory_space<vmem>>)
      %dma_start3A_231 = arith.constant 1 : i32
      %dma_start3A_232 = arith.constant 0 : i32
      %dma_start3A_233 = tpu.memref_slice %arg7[%dma_start3A_231, %dma_start3A_232] : memref<2x128xi32, #tpu.memory_space<vmem>> -> memref<1x128xi32, #tpu.memory_space<vmem>>
      %dma_start3A_234 = tpu.memref_squeeze %dma_start3A_233 : memref<1x128xi32, #tpu.memory_space<vmem>> -> memref<128xi32, #tpu.memory_space<vmem>>
      %dma_start3A_235 = arith.constant 0 : i32
      %dma_start3A_236 = arith.constant 0 : i32
      %dma_start3A_237 = tpu.memref_slice %arg13[%dma_start3A_235, %dma_start3A_236] : memref<10112x128xf32, #tpu.memory_space<vmem_shared>> -> memref<10112x128xf32, #tpu.memory_space<vmem_shared>>
      tpu.enqueue_indirect_dma source(%arg10 : memref<128x128xf32, #tpu.memory_space<vmem>>) target(%dma_start3A_237 : memref<10112x128xf32, #tpu.memory_space<vmem_shared>>) offsets(%dma_start3A_234 : memref<128xi32, #tpu.memory_space<vmem>>) semaphore(%arg17 : memref<!tpu.dma_semaphore, #tpu.memory_space<semaphore_mem>>) {add = true}
      %dma_wait3A_238 = arith.constant 0 : i32
      %dma_wait3A_239 = arith.constant 0 : i32
      %dma_wait3A_240 = tpu.memref_slice %arg8[%dma_wait3A_238, %dma_wait3A_239] : memref<2x128xi32, #tpu.memory_space<vmem>> -> memref<1x128xi32, #tpu.memory_space<vmem>>
      %dma_wait3A_241 = tpu.memref_squeeze %dma_wait3A_240 : memref<1x128xi32, #tpu.memory_space<vmem>> -> memref<128xi32, #tpu.memory_space<vmem>>
      %dma_wait3A_242 = arith.constant 0 : i32
      %dma_wait3A_243 = arith.constant 0 : i32
      %dma_wait3A_244 = tpu.memref_slice %arg2[%dma_wait3A_242, %dma_wait3A_243] : memref<10112x128xf32, #tpu.memory_space<hbm>> -> memref<10112x128xf32, #tpu.memory_space<hbm>>
      tpu.wait_indirect_dma semaphore(%arg15 : memref<!tpu.dma_semaphore, #tpu.memory_space<semaphore_mem>>) src(%dma_wait3A_244 : memref<10112x128xf32, #tpu.memory_space<hbm>>) dst(%arg11 : memref<128x128xf32, #tpu.memory_space<vmem>>)
      %dma_start3A_245 = arith.constant 1 : i32
      %dma_start3A_246 = arith.constant 0 : i32
      %dma_start3A_247 = tpu.memref_slice %arg8[%dma_start3A_245, %dma_start3A_246] : memref<2x128xi32, #tpu.memory_space<vmem>> -> memref<1x128xi32, #tpu.memory_space<vmem>>
      %dma_start3A_248 = tpu.memref_squeeze %dma_start3A_247 : memref<1x128xi32, #tpu.memory_space<vmem>> -> memref<128xi32, #tpu.memory_space<vmem>>
      %dma_start3A_249 = arith.constant 0 : i32
      %dma_start3A_250 = arith.constant 0 : i32
      %dma_start3A_251 = tpu.memref_slice %arg13[%dma_start3A_249, %dma_start3A_250] : memref<10112x128xf32, #tpu.memory_space<vmem_shared>> -> memref<10112x128xf32, #tpu.memory_space<vmem_shared>>
      tpu.enqueue_indirect_dma source(%arg11 : memref<128x128xf32, #tpu.memory_space<vmem>>) target(%dma_start3A_251 : memref<10112x128xf32, #tpu.memory_space<vmem_shared>>) offsets(%dma_start3A_248 : memref<128xi32, #tpu.memory_space<vmem>>) semaphore(%arg18 : memref<!tpu.dma_semaphore, #tpu.memory_space<semaphore_mem>>) {add = true}
      %dma_wait3A_252 = arith.constant 0 : i32
      %dma_wait3A_253 = arith.constant 0 : i32
      %dma_wait3A_254 = tpu.memref_slice %arg9[%dma_wait3A_252, %dma_wait3A_253] : memref<2x128xi32, #tpu.memory_space<vmem>> -> memref<1x128xi32, #tpu.memory_space<vmem>>
      %dma_wait3A_255 = tpu.memref_squeeze %dma_wait3A_254 : memref<1x128xi32, #tpu.memory_space<vmem>> -> memref<128xi32, #tpu.memory_space<vmem>>
      %dma_wait3A_256 = arith.constant 0 : i32
      %dma_wait3A_257 = arith.constant 0 : i32
      %dma_wait3A_258 = tpu.memref_slice %arg2[%dma_wait3A_256, %dma_wait3A_257] : memref<10112x128xf32, #tpu.memory_space<hbm>> -> memref<10112x128xf32, #tpu.memory_space<hbm>>
      tpu.wait_indirect_dma semaphore(%arg16 : memref<!tpu.dma_semaphore, #tpu.memory_space<semaphore_mem>>) src(%dma_wait3A_258 : memref<10112x128xf32, #tpu.memory_space<hbm>>) dst(%arg12 : memref<128x128xf32, #tpu.memory_space<vmem>>)
      %dma_start3A_259 = arith.constant 1 : i32
      %dma_start3A_260 = arith.constant 0 : i32
      %dma_start3A_261 = tpu.memref_slice %arg9[%dma_start3A_259, %dma_start3A_260] : memref<2x128xi32, #tpu.memory_space<vmem>> -> memref<1x128xi32, #tpu.memory_space<vmem>>
      %dma_start3A_262 = tpu.memref_squeeze %dma_start3A_261 : memref<1x128xi32, #tpu.memory_space<vmem>> -> memref<128xi32, #tpu.memory_space<vmem>>
      %dma_start3A_263 = arith.constant 0 : i32
      %dma_start3A_264 = arith.constant 0 : i32
      %dma_start3A_265 = tpu.memref_slice %arg13[%dma_start3A_263, %dma_start3A_264] : memref<10112x128xf32, #tpu.memory_space<vmem_shared>> -> memref<10112x128xf32, #tpu.memory_space<vmem_shared>>
      tpu.enqueue_indirect_dma source(%arg12 : memref<128x128xf32, #tpu.memory_space<vmem>>) target(%dma_start3A_265 : memref<10112x128xf32, #tpu.memory_space<vmem_shared>>) offsets(%dma_start3A_262 : memref<128xi32, #tpu.memory_space<vmem>>) semaphore(%arg19 : memref<!tpu.dma_semaphore, #tpu.memory_space<semaphore_mem>>) {add = true}
      %lt3A = arith.constant 26 : i32
      %lt3A_266 = arith.cmpi slt, %scan3A_221, %lt3A : i32
      %convert_element_type3A = arith.extui %lt3A_266 : i1 to i32
      %cond3A = arith.constant 0 : i32
      %cond3A_267 = arith.cmpi ne, %convert_element_type3A, %cond3A : i32
      scf.if %cond3A_267 {
        %dma_wait3A_268 = arith.constant 1 : i32
        %dma_wait3A_269 = arith.constant 0 : i32
        %dma_wait3A_270 = tpu.memref_slice %arg7[%dma_wait3A_268, %dma_wait3A_269] : memref<2x128xi32, #tpu.memory_space<vmem>> -> memref<1x128xi32, #tpu.memory_space<vmem>>
        %dma_wait3A_271 = tpu.memref_squeeze %dma_wait3A_270 : memref<1x128xi32, #tpu.memory_space<vmem>> -> memref<128xi32, #tpu.memory_space<vmem>>
        %dma_wait3A_272 = arith.constant 0 : i32
        %dma_wait3A_273 = arith.constant 0 : i32
        %dma_wait3A_274 = tpu.memref_slice %arg13[%dma_wait3A_272, %dma_wait3A_273] : memref<10112x128xf32, #tpu.memory_space<vmem_shared>> -> memref<10112x128xf32, #tpu.memory_space<vmem_shared>>
        tpu.wait_indirect_dma semaphore(%arg17 : memref<!tpu.dma_semaphore, #tpu.memory_space<semaphore_mem>>) src(%arg10 : memref<128x128xf32, #tpu.memory_space<vmem>>) dst(%dma_wait3A_274 : memref<10112x128xf32, #tpu.memory_space<vmem_shared>>)
        %add3A_275 = arith.constant 3 : i32
        %add3A_276 = arith.addi %mul3A_223, %add3A_275 : i32
        %add3A_277 = arith.constant 0 : i32
        %add3A_278 = arith.addi %add3A_276, %add3A_277 : i32
        %dma_start3A_279 = arith.constant 0 : i32
        %dma_start3A_280 = arith.constant 0 : i32
        %dma_start3A_281 = tpu.memref_slice %arg7[%dma_start3A_279, %dma_start3A_280] : memref<2x128xi32, #tpu.memory_space<vmem>> -> memref<1x128xi32, #tpu.memory_space<vmem>>
        %dma_start3A_282 = tpu.memref_squeeze %dma_start3A_281 : memref<1x128xi32, #tpu.memory_space<vmem>> -> memref<128xi32, #tpu.memory_space<vmem>>
        %dma_start3A_283 = arith.constant 0 : i32
        %dma_start3A_284 = tpu.memref_slice %arg3[%add3A, %add3A_278, %dma_start3A_283] : memref<32x81x128xi32, #tpu.memory_space<hbm>> -> memref<1x1x128xi32, #tpu.memory_space<hbm>>
        %dma_start3A_285 = tpu.memref_squeeze %dma_start3A_284 : memref<1x1x128xi32, #tpu.memory_space<hbm>> -> memref<128xi32, #tpu.memory_space<hbm>>
        %dma_start3A_286 = arith.constant 0 : i32
        %dma_start3A_287 = tpu.memref_slice %arg7[%dma_start3A_279, %dma_start3A_286] : memref<2x128xi32, #tpu.memory_space<vmem>> -> memref<1x128xi32, #tpu.memory_space<vmem>>
        %dma_start3A_288 = tpu.memref_squeeze %dma_start3A_287 : memref<1x128xi32, #tpu.memory_space<vmem>> -> memref<128xi32, #tpu.memory_space<vmem>>
        %dma_start3A_289 = arith.constant 0 : i32
        %dma_start3A_290 = tpu.memref_slice %arg3[%add3A, %add3A_278, %dma_start3A_289] : memref<32x81x128xi32, #tpu.memory_space<hbm>> -> memref<1x1x128xi32, #tpu.memory_space<hbm>>
        %dma_start3A_291 = tpu.memref_squeeze %dma_start3A_290 : memref<1x1x128xi32, #tpu.memory_space<hbm>> -> memref<128xi32, #tpu.memory_space<hbm>>
        tpu.enqueue_dma source(%dma_start3A_291 : memref<128xi32, #tpu.memory_space<hbm>>) target(%dma_start3A_288 : memref<128xi32, #tpu.memory_space<vmem>>) target_semaphore(%arg20 : memref<!tpu.dma_semaphore, #tpu.memory_space<semaphore_mem>>)
        %dma_start3A_292 = arith.constant 1 : i32
        %dma_start3A_293 = arith.constant 0 : i32
        %dma_start3A_294 = tpu.memref_slice %arg7[%dma_start3A_292, %dma_start3A_293] : memref<2x128xi32, #tpu.memory_space<vmem>> -> memref<1x128xi32, #tpu.memory_space<vmem>>
        %dma_start3A_295 = tpu.memref_squeeze %dma_start3A_294 : memref<1x128xi32, #tpu.memory_space<vmem>> -> memref<128xi32, #tpu.memory_space<vmem>>
        %dma_start3A_296 = arith.constant 0 : i32
        %dma_start3A_297 = tpu.memref_slice %arg4[%add3A, %add3A_278, %dma_start3A_296] : memref<32x81x128xi32, #tpu.memory_space<hbm>> -> memref<1x1x128xi32, #tpu.memory_space<hbm>>
        %dma_start3A_298 = tpu.memref_squeeze %dma_start3A_297 : memref<1x1x128xi32, #tpu.memory_space<hbm>> -> memref<128xi32, #tpu.memory_space<hbm>>
        %dma_start3A_299 = arith.constant 0 : i32
        %dma_start3A_300 = tpu.memref_slice %arg7[%dma_start3A_292, %dma_start3A_299] : memref<2x128xi32, #tpu.memory_space<vmem>> -> memref<1x128xi32, #tpu.memory_space<vmem>>
        %dma_start3A_301 = tpu.memref_squeeze %dma_start3A_300 : memref<1x128xi32, #tpu.memory_space<vmem>> -> memref<128xi32, #tpu.memory_space<vmem>>
        %dma_start3A_302 = arith.constant 0 : i32
        %dma_start3A_303 = tpu.memref_slice %arg4[%add3A, %add3A_278, %dma_start3A_302] : memref<32x81x128xi32, #tpu.memory_space<hbm>> -> memref<1x1x128xi32, #tpu.memory_space<hbm>>
        %dma_start3A_304 = tpu.memref_squeeze %dma_start3A_303 : memref<1x1x128xi32, #tpu.memory_space<hbm>> -> memref<128xi32, #tpu.memory_space<hbm>>
        tpu.enqueue_dma source(%dma_start3A_304 : memref<128xi32, #tpu.memory_space<hbm>>) target(%dma_start3A_301 : memref<128xi32, #tpu.memory_space<vmem>>) target_semaphore(%arg20 : memref<!tpu.dma_semaphore, #tpu.memory_space<semaphore_mem>>)
        %dma_wait3A_305 = arith.constant 0 : i32
        %dma_wait3A_306 = arith.constant 0 : i32
        %dma_wait3A_307 = tpu.memref_slice %arg7[%dma_wait3A_305, %dma_wait3A_306] : memref<2x128xi32, #tpu.memory_space<vmem>> -> memref<1x128xi32, #tpu.memory_space<vmem>>
        %dma_wait3A_308 = tpu.memref_squeeze %dma_wait3A_307 : memref<1x128xi32, #tpu.memory_space<vmem>> -> memref<128xi32, #tpu.memory_space<vmem>>
        %dma_wait3A_309 = arith.constant 0 : i32
        %dma_wait3A_310 = tpu.memref_slice %arg3[%add3A, %add3A_278, %dma_wait3A_309] : memref<32x81x128xi32, #tpu.memory_space<hbm>> -> memref<1x1x128xi32, #tpu.memory_space<hbm>>
        %dma_wait3A_311 = tpu.memref_squeeze %dma_wait3A_310 : memref<1x1x128xi32, #tpu.memory_space<hbm>> -> memref<128xi32, #tpu.memory_space<hbm>>
        %dma_wait3A_312 = arith.constant 0 : i32
        %dma_wait3A_313 = tpu.memref_slice %arg7[%dma_wait3A_305, %dma_wait3A_312] : memref<2x128xi32, #tpu.memory_space<vmem>> -> memref<1x128xi32, #tpu.memory_space<vmem>>
        %dma_wait3A_314 = tpu.memref_squeeze %dma_wait3A_313 : memref<1x128xi32, #tpu.memory_space<vmem>> -> memref<128xi32, #tpu.memory_space<vmem>>
        %dma_wait3A_315 = arith.constant 0 : i32
        %dma_wait3A_316 = tpu.memref_slice %arg3[%add3A, %add3A_278, %dma_wait3A_315] : memref<32x81x128xi32, #tpu.memory_space<hbm>> -> memref<1x1x128xi32, #tpu.memory_space<hbm>>
        %dma_wait3A_317 = tpu.memref_squeeze %dma_wait3A_316 : memref<1x1x128xi32, #tpu.memory_space<hbm>> -> memref<128xi32, #tpu.memory_space<hbm>>
        tpu.wait_dma2 semaphore(%arg20 : memref<!tpu.dma_semaphore, #tpu.memory_space<semaphore_mem>>) src(%dma_wait3A_317 : memref<128xi32, #tpu.memory_space<hbm>>) dst(%dma_wait3A_314 : memref<128xi32, #tpu.memory_space<vmem>>)
        %dma_wait3A_318 = arith.constant 1 : i32
        %dma_wait3A_319 = arith.constant 0 : i32
        %dma_wait3A_320 = tpu.memref_slice %arg7[%dma_wait3A_318, %dma_wait3A_319] : memref<2x128xi32, #tpu.memory_space<vmem>> -> memref<1x128xi32, #tpu.memory_space<vmem>>
        %dma_wait3A_321 = tpu.memref_squeeze %dma_wait3A_320 : memref<1x128xi32, #tpu.memory_space<vmem>> -> memref<128xi32, #tpu.memory_space<vmem>>
        %dma_wait3A_322 = arith.constant 0 : i32
        %dma_wait3A_323 = tpu.memref_slice %arg4[%add3A, %add3A_278, %dma_wait3A_322] : memref<32x81x128xi32, #tpu.memory_space<hbm>> -> memref<1x1x128xi32, #tpu.memory_space<hbm>>
        %dma_wait3A_324 = tpu.memref_squeeze %dma_wait3A_323 : memref<1x1x128xi32, #tpu.memory_space<hbm>> -> memref<128xi32, #tpu.memory_space<hbm>>
        %dma_wait3A_325 = arith.constant 0 : i32
        %dma_wait3A_326 = tpu.memref_slice %arg7[%dma_wait3A_318, %dma_wait3A_325] : memref<2x128xi32, #tpu.memory_space<vmem>> -> memref<1x128xi32, #tpu.memory_space<vmem>>
        %dma_wait3A_327 = tpu.memref_squeeze %dma_wait3A_326 : memref<1x128xi32, #tpu.memory_space<vmem>> -> memref<128xi32, #tpu.memory_space<vmem>>
        %dma_wait3A_328 = arith.constant 0 : i32
        %dma_wait3A_329 = tpu.memref_slice %arg4[%add3A, %add3A_278, %dma_wait3A_328] : memref<32x81x128xi32, #tpu.memory_space<hbm>> -> memref<1x1x128xi32, #tpu.memory_space<hbm>>
        %dma_wait3A_330 = tpu.memref_squeeze %dma_wait3A_329 : memref<1x1x128xi32, #tpu.memory_space<hbm>> -> memref<128xi32, #tpu.memory_space<hbm>>
        tpu.wait_dma2 semaphore(%arg20 : memref<!tpu.dma_semaphore, #tpu.memory_space<semaphore_mem>>) src(%dma_wait3A_330 : memref<128xi32, #tpu.memory_space<hbm>>) dst(%dma_wait3A_327 : memref<128xi32, #tpu.memory_space<vmem>>)
        %dma_start3A_331 = arith.constant 0 : i32
        %dma_start3A_332 = arith.constant 0 : i32
        %dma_start3A_333 = tpu.memref_slice %arg7[%dma_start3A_331, %dma_start3A_332] : memref<2x128xi32, #tpu.memory_space<vmem>> -> memref<1x128xi32, #tpu.memory_space<vmem>>
        %dma_start3A_334 = tpu.memref_squeeze %dma_start3A_333 : memref<1x128xi32, #tpu.memory_space<vmem>> -> memref<128xi32, #tpu.memory_space<vmem>>
        %dma_start3A_335 = arith.constant 0 : i32
        %dma_start3A_336 = arith.constant 0 : i32
        %dma_start3A_337 = tpu.memref_slice %arg2[%dma_start3A_335, %dma_start3A_336] : memref<10112x128xf32, #tpu.memory_space<hbm>> -> memref<10112x128xf32, #tpu.memory_space<hbm>>
        tpu.enqueue_indirect_dma source(%dma_start3A_337 : memref<10112x128xf32, #tpu.memory_space<hbm>>) target(%arg10 : memref<128x128xf32, #tpu.memory_space<vmem>>) offsets(%dma_start3A_334 : memref<128xi32, #tpu.memory_space<vmem>>) semaphore(%arg14 : memref<!tpu.dma_semaphore, #tpu.memory_space<semaphore_mem>>)
        %dma_wait3A_338 = arith.constant 1 : i32
        %dma_wait3A_339 = arith.constant 0 : i32
        %dma_wait3A_340 = tpu.memref_slice %arg8[%dma_wait3A_338, %dma_wait3A_339] : memref<2x128xi32, #tpu.memory_space<vmem>> -> memref<1x128xi32, #tpu.memory_space<vmem>>
        %dma_wait3A_341 = tpu.memref_squeeze %dma_wait3A_340 : memref<1x128xi32, #tpu.memory_space<vmem>> -> memref<128xi32, #tpu.memory_space<vmem>>
        %dma_wait3A_342 = arith.constant 0 : i32
        %dma_wait3A_343 = arith.constant 0 : i32
        %dma_wait3A_344 = tpu.memref_slice %arg13[%dma_wait3A_342, %dma_wait3A_343] : memref<10112x128xf32, #tpu.memory_space<vmem_shared>> -> memref<10112x128xf32, #tpu.memory_space<vmem_shared>>
        tpu.wait_indirect_dma semaphore(%arg18 : memref<!tpu.dma_semaphore, #tpu.memory_space<semaphore_mem>>) src(%arg11 : memref<128x128xf32, #tpu.memory_space<vmem>>) dst(%dma_wait3A_344 : memref<10112x128xf32, #tpu.memory_space<vmem_shared>>)
        %add3A_345 = arith.constant 3 : i32
        %add3A_346 = arith.addi %mul3A_223, %add3A_345 : i32
        %add3A_347 = arith.constant 1 : i32
        %add3A_348 = arith.addi %add3A_346, %add3A_347 : i32
        %dma_start3A_349 = arith.constant 0 : i32
        %dma_start3A_350 = arith.constant 0 : i32
        %dma_start3A_351 = tpu.memref_slice %arg8[%dma_start3A_349, %dma_start3A_350] : memref<2x128xi32, #tpu.memory_space<vmem>> -> memref<1x128xi32, #tpu.memory_space<vmem>>
        %dma_start3A_352 = tpu.memref_squeeze %dma_start3A_351 : memref<1x128xi32, #tpu.memory_space<vmem>> -> memref<128xi32, #tpu.memory_space<vmem>>
        %dma_start3A_353 = arith.constant 0 : i32
        %dma_start3A_354 = tpu.memref_slice %arg3[%add3A, %add3A_348, %dma_start3A_353] : memref<32x81x128xi32, #tpu.memory_space<hbm>> -> memref<1x1x128xi32, #tpu.memory_space<hbm>>
        %dma_start3A_355 = tpu.memref_squeeze %dma_start3A_354 : memref<1x1x128xi32, #tpu.memory_space<hbm>> -> memref<128xi32, #tpu.memory_space<hbm>>
        %dma_start3A_356 = arith.constant 0 : i32
        %dma_start3A_357 = tpu.memref_slice %arg8[%dma_start3A_349, %dma_start3A_356] : memref<2x128xi32, #tpu.memory_space<vmem>> -> memref<1x128xi32, #tpu.memory_space<vmem>>
        %dma_start3A_358 = tpu.memref_squeeze %dma_start3A_357 : memref<1x128xi32, #tpu.memory_space<vmem>> -> memref<128xi32, #tpu.memory_space<vmem>>
        %dma_start3A_359 = arith.constant 0 : i32
        %dma_start3A_360 = tpu.memref_slice %arg3[%add3A, %add3A_348, %dma_start3A_359] : memref<32x81x128xi32, #tpu.memory_space<hbm>> -> memref<1x1x128xi32, #tpu.memory_space<hbm>>
        %dma_start3A_361 = tpu.memref_squeeze %dma_start3A_360 : memref<1x1x128xi32, #tpu.memory_space<hbm>> -> memref<128xi32, #tpu.memory_space<hbm>>
        tpu.enqueue_dma source(%dma_start3A_361 : memref<128xi32, #tpu.memory_space<hbm>>) target(%dma_start3A_358 : memref<128xi32, #tpu.memory_space<vmem>>) target_semaphore(%arg21 : memref<!tpu.dma_semaphore, #tpu.memory_space<semaphore_mem>>)
        %dma_start3A_362 = arith.constant 1 : i32
        %dma_start3A_363 = arith.constant 0 : i32
        %dma_start3A_364 = tpu.memref_slice %arg8[%dma_start3A_362, %dma_start3A_363] : memref<2x128xi32, #tpu.memory_space<vmem>> -> memref<1x128xi32, #tpu.memory_space<vmem>>
        %dma_start3A_365 = tpu.memref_squeeze %dma_start3A_364 : memref<1x128xi32, #tpu.memory_space<vmem>> -> memref<128xi32, #tpu.memory_space<vmem>>
        %dma_start3A_366 = arith.constant 0 : i32
        %dma_start3A_367 = tpu.memref_slice %arg4[%add3A, %add3A_348, %dma_start3A_366] : memref<32x81x128xi32, #tpu.memory_space<hbm>> -> memref<1x1x128xi32, #tpu.memory_space<hbm>>
        %dma_start3A_368 = tpu.memref_squeeze %dma_start3A_367 : memref<1x1x128xi32, #tpu.memory_space<hbm>> -> memref<128xi32, #tpu.memory_space<hbm>>
        %dma_start3A_369 = arith.constant 0 : i32
        %dma_start3A_370 = tpu.memref_slice %arg8[%dma_start3A_362, %dma_start3A_369] : memref<2x128xi32, #tpu.memory_space<vmem>> -> memref<1x128xi32, #tpu.memory_space<vmem>>
        %dma_start3A_371 = tpu.memref_squeeze %dma_start3A_370 : memref<1x128xi32, #tpu.memory_space<vmem>> -> memref<128xi32, #tpu.memory_space<vmem>>
        %dma_start3A_372 = arith.constant 0 : i32
        %dma_start3A_373 = tpu.memref_slice %arg4[%add3A, %add3A_348, %dma_start3A_372] : memref<32x81x128xi32, #tpu.memory_space<hbm>> -> memref<1x1x128xi32, #tpu.memory_space<hbm>>
        %dma_start3A_374 = tpu.memref_squeeze %dma_start3A_373 : memref<1x1x128xi32, #tpu.memory_space<hbm>> -> memref<128xi32, #tpu.memory_space<hbm>>
        tpu.enqueue_dma source(%dma_start3A_374 : memref<128xi32, #tpu.memory_space<hbm>>) target(%dma_start3A_371 : memref<128xi32, #tpu.memory_space<vmem>>) target_semaphore(%arg21 : memref<!tpu.dma_semaphore, #tpu.memory_space<semaphore_mem>>)
        %dma_wait3A_375 = arith.constant 0 : i32
        %dma_wait3A_376 = arith.constant 0 : i32
        %dma_wait3A_377 = tpu.memref_slice %arg8[%dma_wait3A_375, %dma_wait3A_376] : memref<2x128xi32, #tpu.memory_space<vmem>> -> memref<1x128xi32, #tpu.memory_space<vmem>>
        %dma_wait3A_378 = tpu.memref_squeeze %dma_wait3A_377 : memref<1x128xi32, #tpu.memory_space<vmem>> -> memref<128xi32, #tpu.memory_space<vmem>>
        %dma_wait3A_379 = arith.constant 0 : i32
        %dma_wait3A_380 = tpu.memref_slice %arg3[%add3A, %add3A_348, %dma_wait3A_379] : memref<32x81x128xi32, #tpu.memory_space<hbm>> -> memref<1x1x128xi32, #tpu.memory_space<hbm>>
        %dma_wait3A_381 = tpu.memref_squeeze %dma_wait3A_380 : memref<1x1x128xi32, #tpu.memory_space<hbm>> -> memref<128xi32, #tpu.memory_space<hbm>>
        %dma_wait3A_382 = arith.constant 0 : i32
        %dma_wait3A_383 = tpu.memref_slice %arg8[%dma_wait3A_375, %dma_wait3A_382] : memref<2x128xi32, #tpu.memory_space<vmem>> -> memref<1x128xi32, #tpu.memory_space<vmem>>
        %dma_wait3A_384 = tpu.memref_squeeze %dma_wait3A_383 : memref<1x128xi32, #tpu.memory_space<vmem>> -> memref<128xi32, #tpu.memory_space<vmem>>
        %dma_wait3A_385 = arith.constant 0 : i32
        %dma_wait3A_386 = tpu.memref_slice %arg3[%add3A, %add3A_348, %dma_wait3A_385] : memref<32x81x128xi32, #tpu.memory_space<hbm>> -> memref<1x1x128xi32, #tpu.memory_space<hbm>>
        %dma_wait3A_387 = tpu.memref_squeeze %dma_wait3A_386 : memref<1x1x128xi32, #tpu.memory_space<hbm>> -> memref<128xi32, #tpu.memory_space<hbm>>
        tpu.wait_dma2 semaphore(%arg21 : memref<!tpu.dma_semaphore, #tpu.memory_space<semaphore_mem>>) src(%dma_wait3A_387 : memref<128xi32, #tpu.memory_space<hbm>>) dst(%dma_wait3A_384 : memref<128xi32, #tpu.memory_space<vmem>>)
        %dma_wait3A_388 = arith.constant 1 : i32
        %dma_wait3A_389 = arith.constant 0 : i32
        %dma_wait3A_390 = tpu.memref_slice %arg8[%dma_wait3A_388, %dma_wait3A_389] : memref<2x128xi32, #tpu.memory_space<vmem>> -> memref<1x128xi32, #tpu.memory_space<vmem>>
        %dma_wait3A_391 = tpu.memref_squeeze %dma_wait3A_390 : memref<1x128xi32, #tpu.memory_space<vmem>> -> memref<128xi32, #tpu.memory_space<vmem>>
        %dma_wait3A_392 = arith.constant 0 : i32
        %dma_wait3A_393 = tpu.memref_slice %arg4[%add3A, %add3A_348, %dma_wait3A_392] : memref<32x81x128xi32, #tpu.memory_space<hbm>> -> memref<1x1x128xi32, #tpu.memory_space<hbm>>
        %dma_wait3A_394 = tpu.memref_squeeze %dma_wait3A_393 : memref<1x1x128xi32, #tpu.memory_space<hbm>> -> memref<128xi32, #tpu.memory_space<hbm>>
        %dma_wait3A_395 = arith.constant 0 : i32
        %dma_wait3A_396 = tpu.memref_slice %arg8[%dma_wait3A_388, %dma_wait3A_395] : memref<2x128xi32, #tpu.memory_space<vmem>> -> memref<1x128xi32, #tpu.memory_space<vmem>>
        %dma_wait3A_397 = tpu.memref_squeeze %dma_wait3A_396 : memref<1x128xi32, #tpu.memory_space<vmem>> -> memref<128xi32, #tpu.memory_space<vmem>>
        %dma_wait3A_398 = arith.constant 0 : i32
        %dma_wait3A_399 = tpu.memref_slice %arg4[%add3A, %add3A_348, %dma_wait3A_398] : memref<32x81x128xi32, #tpu.memory_space<hbm>> -> memref<1x1x128xi32, #tpu.memory_space<hbm>>
        %dma_wait3A_400 = tpu.memref_squeeze %dma_wait3A_399 : memref<1x1x128xi32, #tpu.memory_space<hbm>> -> memref<128xi32, #tpu.memory_space<hbm>>
        tpu.wait_dma2 semaphore(%arg21 : memref<!tpu.dma_semaphore, #tpu.memory_space<semaphore_mem>>) src(%dma_wait3A_400 : memref<128xi32, #tpu.memory_space<hbm>>) dst(%dma_wait3A_397 : memref<128xi32, #tpu.memory_space<vmem>>)
        %dma_start3A_401 = arith.constant 0 : i32
        %dma_start3A_402 = arith.constant 0 : i32
        %dma_start3A_403 = tpu.memref_slice %arg8[%dma_start3A_401, %dma_start3A_402] : memref<2x128xi32, #tpu.memory_space<vmem>> -> memref<1x128xi32, #tpu.memory_space<vmem>>
        %dma_start3A_404 = tpu.memref_squeeze %dma_start3A_403 : memref<1x128xi32, #tpu.memory_space<vmem>> -> memref<128xi32, #tpu.memory_space<vmem>>
        %dma_start3A_405 = arith.constant 0 : i32
        %dma_start3A_406 = arith.constant 0 : i32
        %dma_start3A_407 = tpu.memref_slice %arg2[%dma_start3A_405, %dma_start3A_406] : memref<10112x128xf32, #tpu.memory_space<hbm>> -> memref<10112x128xf32, #tpu.memory_space<hbm>>
        tpu.enqueue_indirect_dma source(%dma_start3A_407 : memref<10112x128xf32, #tpu.memory_space<hbm>>) target(%arg11 : memref<128x128xf32, #tpu.memory_space<vmem>>) offsets(%dma_start3A_404 : memref<128xi32, #tpu.memory_space<vmem>>) semaphore(%arg15 : memref<!tpu.dma_semaphore, #tpu.memory_space<semaphore_mem>>)
        %dma_wait3A_408 = arith.constant 1 : i32
        %dma_wait3A_409 = arith.constant 0 : i32
        %dma_wait3A_410 = tpu.memref_slice %arg9[%dma_wait3A_408, %dma_wait3A_409] : memref<2x128xi32, #tpu.memory_space<vmem>> -> memref<1x128xi32, #tpu.memory_space<vmem>>
        %dma_wait3A_411 = tpu.memref_squeeze %dma_wait3A_410 : memref<1x128xi32, #tpu.memory_space<vmem>> -> memref<128xi32, #tpu.memory_space<vmem>>
        %dma_wait3A_412 = arith.constant 0 : i32
        %dma_wait3A_413 = arith.constant 0 : i32
        %dma_wait3A_414 = tpu.memref_slice %arg13[%dma_wait3A_412, %dma_wait3A_413] : memref<10112x128xf32, #tpu.memory_space<vmem_shared>> -> memref<10112x128xf32, #tpu.memory_space<vmem_shared>>
        tpu.wait_indirect_dma semaphore(%arg19 : memref<!tpu.dma_semaphore, #tpu.memory_space<semaphore_mem>>) src(%arg12 : memref<128x128xf32, #tpu.memory_space<vmem>>) dst(%dma_wait3A_414 : memref<10112x128xf32, #tpu.memory_space<vmem_shared>>)
        %add3A_415 = arith.constant 3 : i32
        %add3A_416 = arith.addi %mul3A_223, %add3A_415 : i32
        %add3A_417 = arith.constant 2 : i32
        %add3A_418 = arith.addi %add3A_416, %add3A_417 : i32
        %dma_start3A_419 = arith.constant 0 : i32
        %dma_start3A_420 = arith.constant 0 : i32
        %dma_start3A_421 = tpu.memref_slice %arg9[%dma_start3A_419, %dma_start3A_420] : memref<2x128xi32, #tpu.memory_space<vmem>> -> memref<1x128xi32, #tpu.memory_space<vmem>>
        %dma_start3A_422 = tpu.memref_squeeze %dma_start3A_421 : memref<1x128xi32, #tpu.memory_space<vmem>> -> memref<128xi32, #tpu.memory_space<vmem>>
        %dma_start3A_423 = arith.constant 0 : i32
        %dma_start3A_424 = tpu.memref_slice %arg3[%add3A, %add3A_418, %dma_start3A_423] : memref<32x81x128xi32, #tpu.memory_space<hbm>> -> memref<1x1x128xi32, #tpu.memory_space<hbm>>
        %dma_start3A_425 = tpu.memref_squeeze %dma_start3A_424 : memref<1x1x128xi32, #tpu.memory_space<hbm>> -> memref<128xi32, #tpu.memory_space<hbm>>
        %dma_start3A_426 = arith.constant 0 : i32
        %dma_start3A_427 = tpu.memref_slice %arg9[%dma_start3A_419, %dma_start3A_426] : memref<2x128xi32, #tpu.memory_space<vmem>> -> memref<1x128xi32, #tpu.memory_space<vmem>>
        %dma_start3A_428 = tpu.memref_squeeze %dma_start3A_427 : memref<1x128xi32, #tpu.memory_space<vmem>> -> memref<128xi32, #tpu.memory_space<vmem>>
        %dma_start3A_429 = arith.constant 0 : i32
        %dma_start3A_430 = tpu.memref_slice %arg3[%add3A, %add3A_418, %dma_start3A_429] : memref<32x81x128xi32, #tpu.memory_space<hbm>> -> memref<1x1x128xi32, #tpu.memory_space<hbm>>
        %dma_start3A_431 = tpu.memref_squeeze %dma_start3A_430 : memref<1x1x128xi32, #tpu.memory_space<hbm>> -> memref<128xi32, #tpu.memory_space<hbm>>
        tpu.enqueue_dma source(%dma_start3A_431 : memref<128xi32, #tpu.memory_space<hbm>>) target(%dma_start3A_428 : memref<128xi32, #tpu.memory_space<vmem>>) target_semaphore(%arg22 : memref<!tpu.dma_semaphore, #tpu.memory_space<semaphore_mem>>)
        %dma_start3A_432 = arith.constant 1 : i32
        %dma_start3A_433 = arith.constant 0 : i32
        %dma_start3A_434 = tpu.memref_slice %arg9[%dma_start3A_432, %dma_start3A_433] : memref<2x128xi32, #tpu.memory_space<vmem>> -> memref<1x128xi32, #tpu.memory_space<vmem>>
        %dma_start3A_435 = tpu.memref_squeeze %dma_start3A_434 : memref<1x128xi32, #tpu.memory_space<vmem>> -> memref<128xi32, #tpu.memory_space<vmem>>
        %dma_start3A_436 = arith.constant 0 : i32
        %dma_start3A_437 = tpu.memref_slice %arg4[%add3A, %add3A_418, %dma_start3A_436] : memref<32x81x128xi32, #tpu.memory_space<hbm>> -> memref<1x1x128xi32, #tpu.memory_space<hbm>>
        %dma_start3A_438 = tpu.memref_squeeze %dma_start3A_437 : memref<1x1x128xi32, #tpu.memory_space<hbm>> -> memref<128xi32, #tpu.memory_space<hbm>>
        %dma_start3A_439 = arith.constant 0 : i32
        %dma_start3A_440 = tpu.memref_slice %arg9[%dma_start3A_432, %dma_start3A_439] : memref<2x128xi32, #tpu.memory_space<vmem>> -> memref<1x128xi32, #tpu.memory_space<vmem>>
        %dma_start3A_441 = tpu.memref_squeeze %dma_start3A_440 : memref<1x128xi32, #tpu.memory_space<vmem>> -> memref<128xi32, #tpu.memory_space<vmem>>
        %dma_start3A_442 = arith.constant 0 : i32
        %dma_start3A_443 = tpu.memref_slice %arg4[%add3A, %add3A_418, %dma_start3A_442] : memref<32x81x128xi32, #tpu.memory_space<hbm>> -> memref<1x1x128xi32, #tpu.memory_space<hbm>>
        %dma_start3A_444 = tpu.memref_squeeze %dma_start3A_443 : memref<1x1x128xi32, #tpu.memory_space<hbm>> -> memref<128xi32, #tpu.memory_space<hbm>>
        tpu.enqueue_dma source(%dma_start3A_444 : memref<128xi32, #tpu.memory_space<hbm>>) target(%dma_start3A_441 : memref<128xi32, #tpu.memory_space<vmem>>) target_semaphore(%arg22 : memref<!tpu.dma_semaphore, #tpu.memory_space<semaphore_mem>>)
        %dma_wait3A_445 = arith.constant 0 : i32
        %dma_wait3A_446 = arith.constant 0 : i32
        %dma_wait3A_447 = tpu.memref_slice %arg9[%dma_wait3A_445, %dma_wait3A_446] : memref<2x128xi32, #tpu.memory_space<vmem>> -> memref<1x128xi32, #tpu.memory_space<vmem>>
        %dma_wait3A_448 = tpu.memref_squeeze %dma_wait3A_447 : memref<1x128xi32, #tpu.memory_space<vmem>> -> memref<128xi32, #tpu.memory_space<vmem>>
        %dma_wait3A_449 = arith.constant 0 : i32
        %dma_wait3A_450 = tpu.memref_slice %arg3[%add3A, %add3A_418, %dma_wait3A_449] : memref<32x81x128xi32, #tpu.memory_space<hbm>> -> memref<1x1x128xi32, #tpu.memory_space<hbm>>
        %dma_wait3A_451 = tpu.memref_squeeze %dma_wait3A_450 : memref<1x1x128xi32, #tpu.memory_space<hbm>> -> memref<128xi32, #tpu.memory_space<hbm>>
        %dma_wait3A_452 = arith.constant 0 : i32
        %dma_wait3A_453 = tpu.memref_slice %arg9[%dma_wait3A_445, %dma_wait3A_452] : memref<2x128xi32, #tpu.memory_space<vmem>> -> memref<1x128xi32, #tpu.memory_space<vmem>>
        %dma_wait3A_454 = tpu.memref_squeeze %dma_wait3A_453 : memref<1x128xi32, #tpu.memory_space<vmem>> -> memref<128xi32, #tpu.memory_space<vmem>>
        %dma_wait3A_455 = arith.constant 0 : i32
        %dma_wait3A_456 = tpu.memref_slice %arg3[%add3A, %add3A_418, %dma_wait3A_455] : memref<32x81x128xi32, #tpu.memory_space<hbm>> -> memref<1x1x128xi32, #tpu.memory_space<hbm>>
        %dma_wait3A_457 = tpu.memref_squeeze %dma_wait3A_456 : memref<1x1x128xi32, #tpu.memory_space<hbm>> -> memref<128xi32, #tpu.memory_space<hbm>>
        tpu.wait_dma2 semaphore(%arg22 : memref<!tpu.dma_semaphore, #tpu.memory_space<semaphore_mem>>) src(%dma_wait3A_457 : memref<128xi32, #tpu.memory_space<hbm>>) dst(%dma_wait3A_454 : memref<128xi32, #tpu.memory_space<vmem>>)
        %dma_wait3A_458 = arith.constant 1 : i32
        %dma_wait3A_459 = arith.constant 0 : i32
        %dma_wait3A_460 = tpu.memref_slice %arg9[%dma_wait3A_458, %dma_wait3A_459] : memref<2x128xi32, #tpu.memory_space<vmem>> -> memref<1x128xi32, #tpu.memory_space<vmem>>
        %dma_wait3A_461 = tpu.memref_squeeze %dma_wait3A_460 : memref<1x128xi32, #tpu.memory_space<vmem>> -> memref<128xi32, #tpu.memory_space<vmem>>
        %dma_wait3A_462 = arith.constant 0 : i32
        %dma_wait3A_463 = tpu.memref_slice %arg4[%add3A, %add3A_418, %dma_wait3A_462] : memref<32x81x128xi32, #tpu.memory_space<hbm>> -> memref<1x1x128xi32, #tpu.memory_space<hbm>>
        %dma_wait3A_464 = tpu.memref_squeeze %dma_wait3A_463 : memref<1x1x128xi32, #tpu.memory_space<hbm>> -> memref<128xi32, #tpu.memory_space<hbm>>
        %dma_wait3A_465 = arith.constant 0 : i32
        %dma_wait3A_466 = tpu.memref_slice %arg9[%dma_wait3A_458, %dma_wait3A_465] : memref<2x128xi32, #tpu.memory_space<vmem>> -> memref<1x128xi32, #tpu.memory_space<vmem>>
        %dma_wait3A_467 = tpu.memref_squeeze %dma_wait3A_466 : memref<1x128xi32, #tpu.memory_space<vmem>> -> memref<128xi32, #tpu.memory_space<vmem>>
        %dma_wait3A_468 = arith.constant 0 : i32
        %dma_wait3A_469 = tpu.memref_slice %arg4[%add3A, %add3A_418, %dma_wait3A_468] : memref<32x81x128xi32, #tpu.memory_space<hbm>> -> memref<1x1x128xi32, #tpu.memory_space<hbm>>
        %dma_wait3A_470 = tpu.memref_squeeze %dma_wait3A_469 : memref<1x1x128xi32, #tpu.memory_space<hbm>> -> memref<128xi32, #tpu.memory_space<hbm>>
        tpu.wait_dma2 semaphore(%arg22 : memref<!tpu.dma_semaphore, #tpu.memory_space<semaphore_mem>>) src(%dma_wait3A_470 : memref<128xi32, #tpu.memory_space<hbm>>) dst(%dma_wait3A_467 : memref<128xi32, #tpu.memory_space<vmem>>)
        %dma_start3A_471 = arith.constant 0 : i32
        %dma_start3A_472 = arith.constant 0 : i32
        %dma_start3A_473 = tpu.memref_slice %arg9[%dma_start3A_471, %dma_start3A_472] : memref<2x128xi32, #tpu.memory_space<vmem>> -> memref<1x128xi32, #tpu.memory_space<vmem>>
        %dma_start3A_474 = tpu.memref_squeeze %dma_start3A_473 : memref<1x128xi32, #tpu.memory_space<vmem>> -> memref<128xi32, #tpu.memory_space<vmem>>
        %dma_start3A_475 = arith.constant 0 : i32
        %dma_start3A_476 = arith.constant 0 : i32
        %dma_start3A_477 = tpu.memref_slice %arg2[%dma_start3A_475, %dma_start3A_476] : memref<10112x128xf32, #tpu.memory_space<hbm>> -> memref<10112x128xf32, #tpu.memory_space<hbm>>
        tpu.enqueue_indirect_dma source(%dma_start3A_477 : memref<10112x128xf32, #tpu.memory_space<hbm>>) target(%arg12 : memref<128x128xf32, #tpu.memory_space<vmem>>) offsets(%dma_start3A_474 : memref<128xi32, #tpu.memory_space<vmem>>) semaphore(%arg16 : memref<!tpu.dma_semaphore, #tpu.memory_space<semaphore_mem>>)
      } else {
      }
    }
    %scan3A_194 = arith.constant 27 : i32
    %dma_wait3A_195 = arith.constant 1 : i32
    %dma_wait3A_196 = arith.constant 0 : i32
    %dma_wait3A_197 = tpu.memref_slice %arg7[%dma_wait3A_195, %dma_wait3A_196] : memref<2x128xi32, #tpu.memory_space<vmem>> -> memref<1x128xi32, #tpu.memory_space<vmem>>
    %dma_wait3A_198 = tpu.memref_squeeze %dma_wait3A_197 : memref<1x128xi32, #tpu.memory_space<vmem>> -> memref<128xi32, #tpu.memory_space<vmem>>
    %dma_wait3A_199 = arith.constant 0 : i32
    %dma_wait3A_200 = arith.constant 0 : i32
    %dma_wait3A_201 = tpu.memref_slice %arg13[%dma_wait3A_199, %dma_wait3A_200] : memref<10112x128xf32, #tpu.memory_space<vmem_shared>> -> memref<10112x128xf32, #tpu.memory_space<vmem_shared>>
    tpu.wait_indirect_dma semaphore(%arg17 : memref<!tpu.dma_semaphore, #tpu.memory_space<semaphore_mem>>) src(%arg10 : memref<128x128xf32, #tpu.memory_space<vmem>>) dst(%dma_wait3A_201 : memref<10112x128xf32, #tpu.memory_space<vmem_shared>>)
    %dma_wait3A_202 = arith.constant 1 : i32
    %dma_wait3A_203 = arith.constant 0 : i32
    %dma_wait3A_204 = tpu.memref_slice %arg8[%dma_wait3A_202, %dma_wait3A_203] : memref<2x128xi32, #tpu.memory_space<vmem>> -> memref<1x128xi32, #tpu.memory_space<vmem>>
    %dma_wait3A_205 = tpu.memref_squeeze %dma_wait3A_204 : memref<1x128xi32, #tpu.memory_space<vmem>> -> memref<128xi32, #tpu.memory_space<vmem>>
    %dma_wait3A_206 = arith.constant 0 : i32
    %dma_wait3A_207 = arith.constant 0 : i32
    %dma_wait3A_208 = tpu.memref_slice %arg13[%dma_wait3A_206, %dma_wait3A_207] : memref<10112x128xf32, #tpu.memory_space<vmem_shared>> -> memref<10112x128xf32, #tpu.memory_space<vmem_shared>>
    tpu.wait_indirect_dma semaphore(%arg18 : memref<!tpu.dma_semaphore, #tpu.memory_space<semaphore_mem>>) src(%arg11 : memref<128x128xf32, #tpu.memory_space<vmem>>) dst(%dma_wait3A_208 : memref<10112x128xf32, #tpu.memory_space<vmem_shared>>)
    %dma_wait3A_209 = arith.constant 1 : i32
    %dma_wait3A_210 = arith.constant 0 : i32
    %dma_wait3A_211 = tpu.memref_slice %arg9[%dma_wait3A_209, %dma_wait3A_210] : memref<2x128xi32, #tpu.memory_space<vmem>> -> memref<1x128xi32, #tpu.memory_space<vmem>>
    %dma_wait3A_212 = tpu.memref_squeeze %dma_wait3A_211 : memref<1x128xi32, #tpu.memory_space<vmem>> -> memref<128xi32, #tpu.memory_space<vmem>>
    %dma_wait3A_213 = arith.constant 0 : i32
    %dma_wait3A_214 = arith.constant 0 : i32
    %dma_wait3A_215 = tpu.memref_slice %arg13[%dma_wait3A_213, %dma_wait3A_214] : memref<10112x128xf32, #tpu.memory_space<vmem_shared>> -> memref<10112x128xf32, #tpu.memory_space<vmem_shared>>
    tpu.wait_indirect_dma semaphore(%arg19 : memref<!tpu.dma_semaphore, #tpu.memory_space<semaphore_mem>>) src(%arg12 : memref<128x128xf32, #tpu.memory_space<vmem>>) dst(%dma_wait3A_215 : memref<10112x128xf32, #tpu.memory_space<vmem_shared>>)
    %barrier3A_216 = arith.constant 0 : index
    tpu.barrier barrier_id(%barrier3A_216)
    %mul3A_217 = arith.constant 632 : i32
    %mul3A_218 = arith.muli %arg1, %mul3A_217 : i32
    %mul3A_219 = arith.constant 632 : i32
    %mul3A_220 = arith.muli %arg1, %mul3A_219 : i32
    "tpu.region"() ({
      %run_scoped3A = tpu.sem_alloc : memref<!tpu.dma_semaphore, #tpu.memory_space<semaphore_mem>>
      %dma_start3A_221 = arith.constant 0 : i32
      %dma_start3A_222 = tpu.memref_slice %arg6[%arg0, %mul3A_220, %dma_start3A_221] : memref<2x10112x128xf32, #tpu.memory_space<hbm>> -> memref<1x632x128xf32, #tpu.memory_space<hbm>>
      %dma_start3A_223 = tpu.memref_squeeze %dma_start3A_222 : memref<1x632x128xf32, #tpu.memory_space<hbm>> -> memref<632x128xf32, #tpu.memory_space<hbm>>
      %dma_start3A_224 = arith.constant 0 : i32
      %dma_start3A_225 = tpu.memref_slice %arg13[%mul3A_218, %dma_start3A_224] : memref<10112x128xf32, #tpu.memory_space<vmem_shared>> -> memref<632x128xf32, #tpu.memory_space<vmem_shared>>
      tpu.enqueue_dma source(%dma_start3A_225 : memref<632x128xf32, #tpu.memory_space<vmem_shared>>) target(%dma_start3A_223 : memref<632x128xf32, #tpu.memory_space<hbm>>) target_semaphore(%run_scoped3A : memref<!tpu.dma_semaphore, #tpu.memory_space<semaphore_mem>>)
      %dma_wait3A_226 = arith.constant 0 : i32
      %dma_wait3A_227 = tpu.memref_slice %arg6[%arg0, %mul3A_220, %dma_wait3A_226] : memref<2x10112x128xf32, #tpu.memory_space<hbm>> -> memref<1x632x128xf32, #tpu.memory_space<hbm>>
      %dma_wait3A_228 = tpu.memref_squeeze %dma_wait3A_227 : memref<1x632x128xf32, #tpu.memory_space<hbm>> -> memref<632x128xf32, #tpu.memory_space<hbm>>
      %dma_wait3A_229 = arith.constant 0 : i32
      %dma_wait3A_230 = tpu.memref_slice %arg13[%mul3A_218, %dma_wait3A_229] : memref<10112x128xf32, #tpu.memory_space<vmem_shared>> -> memref<632x128xf32, #tpu.memory_space<vmem_shared>>
      tpu.wait_dma2 semaphore(%run_scoped3A : memref<!tpu.dma_semaphore, #tpu.memory_space<semaphore_mem>>) src(%dma_wait3A_230 : memref<632x128xf32, #tpu.memory_space<vmem_shared>>) dst(%dma_wait3A_228 : memref<632x128xf32, #tpu.memory_space<hbm>>)
      tpu.yield
    }) : () -> ()
    return
  }
}

#map = affine_map<(d0, d1) -> (0, 0, 0)>
#map1 = affine_map<(d0, d1) -> (0, 0)>
module attributes {stable_mosaic.version = 14 : i64} {
  func.func @_deg_body(%arg0: i32, %arg1: i32, %arg2: memref<32x81x128xi32, #tpu.memory_space<hbm>>, %arg3: memref<32x10112xf32, #tpu.memory_space<hbm>>, %arg4: memref<81x128xi32, #tpu.memory_space<vmem>>, %arg5: memref<10112xf32, #tpu.memory_space<vmem>>) attributes {dimension_semantics = [#tpu.dimension_semantics<core_parallel>, #tpu.dimension_semantics<subcore_parallel>], iteration_bounds = array<i64: 2, 16>, scalar_prefetch = 0 : i64, scratch_operands = 2 : i64, tpu.core_type = #tpu.core_type<sc_vector_subcore>, window_params = [{transform_indices = #map}, {transform_indices = #map1}]} {
    %mul3A = arith.constant 2 : i32
    %mul3A_0 = arith.muli %arg1, %mul3A : i32
    %add3A = arith.addi %mul3A_0, %arg0 : i32
    "tpu.region"() ({
      %run_scoped3A = tpu.sem_alloc : memref<!tpu.dma_semaphore, #tpu.memory_space<semaphore_mem>>
      %dma_start3A = arith.constant 0 : i32
      %dma_start3A_15 = arith.constant 0 : i32
      %dma_start3A_16 = tpu.memref_slice %arg2[%add3A, %dma_start3A, %dma_start3A_15] : memref<32x81x128xi32, #tpu.memory_space<hbm>> -> memref<1x81x128xi32, #tpu.memory_space<hbm>>
      %dma_start3A_17 = tpu.memref_squeeze %dma_start3A_16 : memref<1x81x128xi32, #tpu.memory_space<hbm>> -> memref<81x128xi32, #tpu.memory_space<hbm>>
      %dma_start3A_18 = arith.constant 0 : i32
      %dma_start3A_19 = arith.constant 0 : i32
      %dma_start3A_20 = tpu.memref_slice %arg2[%add3A, %dma_start3A_18, %dma_start3A_19] : memref<32x81x128xi32, #tpu.memory_space<hbm>> -> memref<1x81x128xi32, #tpu.memory_space<hbm>>
      %dma_start3A_21 = tpu.memref_squeeze %dma_start3A_20 : memref<1x81x128xi32, #tpu.memory_space<hbm>> -> memref<81x128xi32, #tpu.memory_space<hbm>>
      tpu.enqueue_dma source(%dma_start3A_21 : memref<81x128xi32, #tpu.memory_space<hbm>>) target(%arg4 : memref<81x128xi32, #tpu.memory_space<vmem>>) target_semaphore(%run_scoped3A : memref<!tpu.dma_semaphore, #tpu.memory_space<semaphore_mem>>)
      %dma_wait3A = arith.constant 0 : i32
      %dma_wait3A_22 = arith.constant 0 : i32
      %dma_wait3A_23 = tpu.memref_slice %arg2[%add3A, %dma_wait3A, %dma_wait3A_22] : memref<32x81x128xi32, #tpu.memory_space<hbm>> -> memref<1x81x128xi32, #tpu.memory_space<hbm>>
      %dma_wait3A_24 = tpu.memref_squeeze %dma_wait3A_23 : memref<1x81x128xi32, #tpu.memory_space<hbm>> -> memref<81x128xi32, #tpu.memory_space<hbm>>
      %dma_wait3A_25 = arith.constant 0 : i32
      %dma_wait3A_26 = arith.constant 0 : i32
      %dma_wait3A_27 = tpu.memref_slice %arg2[%add3A, %dma_wait3A_25, %dma_wait3A_26] : memref<32x81x128xi32, #tpu.memory_space<hbm>> -> memref<1x81x128xi32, #tpu.memory_space<hbm>>
      %dma_wait3A_28 = tpu.memref_squeeze %dma_wait3A_27 : memref<1x81x128xi32, #tpu.memory_space<hbm>> -> memref<81x128xi32, #tpu.memory_space<hbm>>
      tpu.wait_dma2 semaphore(%run_scoped3A : memref<!tpu.dma_semaphore, #tpu.memory_space<semaphore_mem>>) src(%dma_wait3A_28 : memref<81x128xi32, #tpu.memory_space<hbm>>) dst(%arg4 : memref<81x128xi32, #tpu.memory_space<vmem>>)
      tpu.yield
    }) : () -> ()
    %broadcast_in_dim3A = arith.constant 0.000000e+00 : f32
    %broadcast_in_dim3A_1 = vector.broadcast %broadcast_in_dim3A : f32 to vector<16xf32>
    %scan3A = arith.constant 0 : i32
    %scan3A_2 = arith.constant 0 : i32
    %scan3A_3 = arith.constant 632 : i32
    %scan3A_4 = arith.addi %scan3A_2, %scan3A_3 : i32
    %scan3A_5 = arith.constant 1 : i32
    scf.for %scan3A_15 = %scan3A_2 to %scan3A_4 step %scan3A_5  : i32 {
      %mul3A_16 = arith.constant 16 : i32
      %mul3A_17 = arith.muli %scan3A_15, %mul3A_16 : i32
      %swap3A = arith.index_cast %mul3A_17 : i32 to index
      %swap3A_18 = tpu.vector_load %arg5[%swap3A] {strides = array<i32>} : memref<10112xf32, #tpu.memory_space<vmem>>, vector<16xf32>,
      tpu.vector_store %arg5[%swap3A], %broadcast_in_dim3A_1 {strides = array<i32>} : memref<10112xf32, #tpu.memory_space<vmem>>, vector<16xf32>,
    }
    %scan3A_6 = arith.constant 632 : i32
    %broadcast_in_dim3A_7 = arith.constant 1.000000e+00 : f32
    %broadcast_in_dim3A_8 = vector.broadcast %broadcast_in_dim3A_7 : f32 to vector<16xf32>
    %scan3A_9 = arith.constant 0 : i32
    %scan3A_10 = arith.constant 0 : i32
    %scan3A_11 = arith.constant 81 : i32
    %scan3A_12 = arith.addi %scan3A_10, %scan3A_11 : i32
    %scan3A_13 = arith.constant 1 : i32
    scf.for %scan3A_15 = %scan3A_10 to %scan3A_12 step %scan3A_13  : i32 {
      %scan3A_16 = arith.constant 0 : i32
      %scan3A_17 = arith.constant 0 : i32
      %scan3A_18 = arith.constant 8 : i32
      %scan3A_19 = arith.addi %scan3A_17, %scan3A_18 : i32
      %scan3A_20 = arith.constant 1 : i32
      scf.for %scan3A_22 = %scan3A_17 to %scan3A_19 step %scan3A_20  : i32 {
        %mul3A_23 = arith.constant 16 : i32
        %mul3A_24 = arith.muli %scan3A_22, %mul3A_23 : i32
        %get3A = arith.index_cast %scan3A_15 : i32 to index
        %get3A_25 = arith.index_cast %mul3A_24 : i32 to index
        %get3A_26 = tpu.vector_load %arg4[%get3A, %get3A_25] {strides = array<i32>} : memref<81x128xi32, #tpu.memory_space<vmem>>, vector<16xi32>,
        tpu.vector_store_idx %arg5[%get3A_26], %broadcast_in_dim3A_8 {add = true} : memref<10112xf32, #tpu.memory_space<vmem>>[vector<16xi32>], vector<16xf32>,
      }
      %scan3A_21 = arith.constant 8 : i32
    }
    %scan3A_14 = arith.constant 81 : i32
    "tpu.region"() ({
      %run_scoped3A = tpu.sem_alloc : memref<!tpu.dma_semaphore, #tpu.memory_space<semaphore_mem>>
      %dma_start3A = arith.constant 0 : i32
      %dma_start3A_15 = tpu.memref_slice %arg3[%add3A, %dma_start3A] : memref<32x10112xf32, #tpu.memory_space<hbm>> -> memref<1x10112xf32, #tpu.memory_space<hbm>>
      %dma_start3A_16 = tpu.memref_squeeze %dma_start3A_15 : memref<1x10112xf32, #tpu.memory_space<hbm>> -> memref<10112xf32, #tpu.memory_space<hbm>>
      %dma_start3A_17 = arith.constant 0 : i32
      %dma_start3A_18 = tpu.memref_slice %arg3[%add3A, %dma_start3A_17] : memref<32x10112xf32, #tpu.memory_space<hbm>> -> memref<1x10112xf32, #tpu.memory_space<hbm>>
      %dma_start3A_19 = tpu.memref_squeeze %dma_start3A_18 : memref<1x10112xf32, #tpu.memory_space<hbm>> -> memref<10112xf32, #tpu.memory_space<hbm>>
      tpu.enqueue_dma source(%arg5 : memref<10112xf32, #tpu.memory_space<vmem>>) target(%dma_start3A_19 : memref<10112xf32, #tpu.memory_space<hbm>>) target_semaphore(%run_scoped3A : memref<!tpu.dma_semaphore, #tpu.memory_space<semaphore_mem>>)
      %dma_wait3A = arith.constant 0 : i32
      %dma_wait3A_20 = tpu.memref_slice %arg3[%add3A, %dma_wait3A] : memref<32x10112xf32, #tpu.memory_space<hbm>> -> memref<1x10112xf32, #tpu.memory_space<hbm>>
      %dma_wait3A_21 = tpu.memref_squeeze %dma_wait3A_20 : memref<1x10112xf32, #tpu.memory_space<hbm>> -> memref<10112xf32, #tpu.memory_space<hbm>>
      %dma_wait3A_22 = arith.constant 0 : i32
      %dma_wait3A_23 = tpu.memref_slice %arg3[%add3A, %dma_wait3A_22] : memref<32x10112xf32, #tpu.memory_space<hbm>> -> memref<1x10112xf32, #tpu.memory_space<hbm>>
      %dma_wait3A_24 = tpu.memref_squeeze %dma_wait3A_23 : memref<1x10112xf32, #tpu.memory_space<hbm>> -> memref<10112xf32, #tpu.memory_space<hbm>>
      tpu.wait_dma2 semaphore(%run_scoped3A : memref<!tpu.dma_semaphore, #tpu.memory_space<semaphore_mem>>) src(%arg5 : memref<10112xf32, #tpu.memory_space<vmem>>) dst(%dma_wait3A_24 : memref<10112xf32, #tpu.memory_space<hbm>>)
      tpu.yield
    }) : () -> ()
    return
  }
}

#map = affine_map<(d0, d1) -> (0, 0)>
#map1 = affine_map<(d0, d1) -> (0, 0, 0)>
module attributes {stable_mosaic.version = 14 : i64} {
  func.func @_mp_body(%arg0: i32, %arg1: i32, %arg2: memref<10112x128xf32, #tpu.memory_space<hbm>>, %arg3: memref<32x81x128xi32, #tpu.memory_space<hbm>>, %arg4: memref<32x81x128xi32, #tpu.memory_space<hbm>>, %arg5: memref<632x128xf32, #tpu.memory_space<hbm>>, %arg6: memref<2x10112x128xf32, #tpu.memory_space<hbm>>, %arg7: memref<2x128xi32, #tpu.memory_space<vmem>>, %arg8: memref<2x128xi32, #tpu.memory_space<vmem>>, %arg9: memref<2x128xi32, #tpu.memory_space<vmem>>, %arg10: memref<128x128xf32, #tpu.memory_space<vmem>>, %arg11: memref<128x128xf32, #tpu.memory_space<vmem>>, %arg12: memref<128x128xf32, #tpu.memory_space<vmem>>, %arg13: memref<10112x128xf32, #tpu.memory_space<vmem_shared>>, %arg14: memref<!tpu.dma_semaphore, #tpu.memory_space<semaphore_mem>>, %arg15: memref<!tpu.dma_semaphore, #tpu.memory_space<semaphore_mem>>, %arg16: memref<!tpu.dma_semaphore, #tpu.memory_space<semaphore_mem>>, %arg17: memref<!tpu.dma_semaphore, #tpu.memory_space<semaphore_mem>>, %arg18: memref<!tpu.dma_semaphore, #tpu.memory_space<semaphore_mem>>, %arg19: memref<!tpu.dma_semaphore, #tpu.memory_space<semaphore_mem>>, %arg20: memref<!tpu.dma_semaphore, #tpu.memory_space<semaphore_mem>>, %arg21: memref<!tpu.dma_semaphore, #tpu.memory_space<semaphore_mem>>, %arg22: memref<!tpu.dma_semaphore, #tpu.memory_space<semaphore_mem>>) attributes {dimension_semantics = [#tpu.dimension_semantics<core_parallel>, #tpu.dimension_semantics<subcore_parallel>], iteration_bounds = array<i64: 2, 16>, scalar_prefetch = 0 : i64, scratch_operands = 16 : i64, tpu.core_type = #tpu.core_type<sc_vector_subcore>, window_params = [{transform_indices = #map}, {transform_indices = #map1}, {transform_indices = #map1}, {transform_indices = #map}, {transform_indices = #map1}]} {
    %mul3A = arith.constant 2 : i32
    %mul3A_0 = arith.muli %arg1, %mul3A : i32
    %add3A = arith.addi %mul3A_0, %arg0 : i32
    %dma_start3A = arith.constant 0 : i32
    %dma_start3A_1 = arith.constant 0 : i32
    %dma_start3A_2 = arith.constant 0 : i32
    %dma_start3A_3 = tpu.memref_slice %arg7[%dma_start3A_1, %dma_start3A_2] : memref<2x128xi32, #tpu.memory_space<vmem>> -> memref<1x128xi32, #tpu.memory_space<vmem>>
    %dma_start3A_4 = tpu.memref_squeeze %dma_start3A_3 : memref<1x128xi32, #tpu.memory_space<vmem>> -> memref<128xi32, #tpu.memory_space<vmem>>
    %dma_start3A_5 = arith.constant 0 : i32
    %dma_start3A_6 = tpu.memref_slice %arg3[%add3A, %dma_start3A, %dma_start3A_5] : memref<32x81x128xi32, #tpu.memory_space<hbm>> -> memref<1x1x128xi32, #tpu.memory_space<hbm>>
    %dma_start3A_7 = tpu.memref_squeeze %dma_start3A_6 : memref<1x1x128xi32, #tpu.memory_space<hbm>> -> memref<128xi32, #tpu.memory_space<hbm>>
    %dma_start3A_8 = arith.constant 0 : i32
    %dma_start3A_9 = tpu.memref_slice %arg7[%dma_start3A_1, %dma_start3A_8] : memref<2x128xi32, #tpu.memory_space<vmem>> -> memref<1x128xi32, #tpu.memory_space<vmem>>
    %dma_start3A_10 = tpu.memref_squeeze %dma_start3A_9 : memref<1x128xi32, #tpu.memory_space<vmem>> -> memref<128xi32, #tpu.memory_space<vmem>>
    %dma_start3A_11 = arith.constant 0 : i32
    %dma_start3A_12 = tpu.memref_slice %arg3[%add3A, %dma_start3A, %dma_start3A_11] : memref<32x81x128xi32, #tpu.memory_space<hbm>> -> memref<1x1x128xi32, #tpu.memory_space<hbm>>
    %dma_start3A_13 = tpu.memref_squeeze %dma_start3A_12 : memref<1x1x128xi32, #tpu.memory_space<hbm>> -> memref<128xi32, #tpu.memory_space<hbm>>
    tpu.enqueue_dma source(%dma_start3A_13 : memref<128xi32, #tpu.memory_space<hbm>>) target(%dma_start3A_10 : memref<128xi32, #tpu.memory_space<vmem>>) target_semaphore(%arg20 : memref<!tpu.dma_semaphore, #tpu.memory_space<semaphore_mem>>)
    %dma_start3A_14 = arith.constant 0 : i32
    %dma_start3A_15 = arith.constant 1 : i32
    %dma_start3A_16 = arith.constant 0 : i32
    %dma_start3A_17 = tpu.memref_slice %arg7[%dma_start3A_15, %dma_start3A_16] : memref<2x128xi32, #tpu.memory_space<vmem>> -> memref<1x128xi32, #tpu.memory_space<vmem>>
    %dma_start3A_18 = tpu.memref_squeeze %dma_start3A_17 : memref<1x128xi32, #tpu.memory_space<vmem>> -> memref<128xi32, #tpu.memory_space<vmem>>
    %dma_start3A_19 = arith.constant 0 : i32
    %dma_start3A_20 = tpu.memref_slice %arg4[%add3A, %dma_start3A_14, %dma_start3A_19] : memref<32x81x128xi32, #tpu.memory_space<hbm>> -> memref<1x1x128xi32, #tpu.memory_space<hbm>>
    %dma_start3A_21 = tpu.memref_squeeze %dma_start3A_20 : memref<1x1x128xi32, #tpu.memory_space<hbm>> -> memref<128xi32, #tpu.memory_space<hbm>>
    %dma_start3A_22 = arith.constant 0 : i32
    %dma_start3A_23 = tpu.memref_slice %arg7[%dma_start3A_15, %dma_start3A_22] : memref<2x128xi32, #tpu.memory_space<vmem>> -> memref<1x128xi32, #tpu.memory_space<vmem>>
    %dma_start3A_24 = tpu.memref_squeeze %dma_start3A_23 : memref<1x128xi32, #tpu.memory_space<vmem>> -> memref<128xi32, #tpu.memory_space<vmem>>
    %dma_start3A_25 = arith.constant 0 : i32
    %dma_start3A_26 = tpu.memref_slice %arg4[%add3A, %dma_start3A_14, %dma_start3A_25] : memref<32x81x128xi32, #tpu.memory_space<hbm>> -> memref<1x1x128xi32, #tpu.memory_space<hbm>>
    %dma_start3A_27 = tpu.memref_squeeze %dma_start3A_26 : memref<1x1x128xi32, #tpu.memory_space<hbm>> -> memref<128xi32, #tpu.memory_space<hbm>>
    tpu.enqueue_dma source(%dma_start3A_27 : memref<128xi32, #tpu.memory_space<hbm>>) target(%dma_start3A_24 : memref<128xi32, #tpu.memory_space<vmem>>) target_semaphore(%arg20 : memref<!tpu.dma_semaphore, #tpu.memory_space<semaphore_mem>>)
    %dma_wait3A = arith.constant 0 : i32
    %dma_wait3A_28 = arith.constant 0 : i32
    %dma_wait3A_29 = arith.constant 0 : i32
    %dma_wait3A_30 = tpu.memref_slice %arg7[%dma_wait3A_28, %dma_wait3A_29] : memref<2x128xi32, #tpu.memory_space<vmem>> -> memref<1x128xi32, #tpu.memory_space<vmem>>
    %dma_wait3A_31 = tpu.memref_squeeze %dma_wait3A_30 : memref<1x128xi32, #tpu.memory_space<vmem>> -> memref<128xi32, #tpu.memory_space<vmem>>
    %dma_wait3A_32 = arith.constant 0 : i32
    %dma_wait3A_33 = tpu.memref_slice %arg3[%add3A, %dma_wait3A, %dma_wait3A_32] : memref<32x81x128xi32, #tpu.memory_space<hbm>> -> memref<1x1x128xi32, #tpu.memory_space<hbm>>
    %dma_wait3A_34 = tpu.memref_squeeze %dma_wait3A_33 : memref<1x1x128xi32, #tpu.memory_space<hbm>> -> memref<128xi32, #tpu.memory_space<hbm>>
    %dma_wait3A_35 = arith.constant 0 : i32
    %dma_wait3A_36 = tpu.memref_slice %arg7[%dma_wait3A_28, %dma_wait3A_35] : memref<2x128xi32, #tpu.memory_space<vmem>> -> memref<1x128xi32, #tpu.memory_space<vmem>>
    %dma_wait3A_37 = tpu.memref_squeeze %dma_wait3A_36 : memref<1x128xi32, #tpu.memory_space<vmem>> -> memref<128xi32, #tpu.memory_space<vmem>>
    %dma_wait3A_38 = arith.constant 0 : i32
    %dma_wait3A_39 = tpu.memref_slice %arg3[%add3A, %dma_wait3A, %dma_wait3A_38] : memref<32x81x128xi32, #tpu.memory_space<hbm>> -> memref<1x1x128xi32, #tpu.memory_space<hbm>>
    %dma_wait3A_40 = tpu.memref_squeeze %dma_wait3A_39 : memref<1x1x128xi32, #tpu.memory_space<hbm>> -> memref<128xi32, #tpu.memory_space<hbm>>
    tpu.wait_dma2 semaphore(%arg20 : memref<!tpu.dma_semaphore, #tpu.memory_space<semaphore_mem>>) src(%dma_wait3A_40 : memref<128xi32, #tpu.memory_space<hbm>>) dst(%dma_wait3A_37 : memref<128xi32, #tpu.memory_space<vmem>>)
    %dma_wait3A_41 = arith.constant 0 : i32
    %dma_wait3A_42 = arith.constant 1 : i32
    %dma_wait3A_43 = arith.constant 0 : i32
    %dma_wait3A_44 = tpu.memref_slice %arg7[%dma_wait3A_42, %dma_wait3A_43] : memref<2x128xi32, #tpu.memory_space<vmem>> -> memref<1x128xi32, #tpu.memory_space<vmem>>
    %dma_wait3A_45 = tpu.memref_squeeze %dma_wait3A_44 : memref<1x128xi32, #tpu.memory_space<vmem>> -> memref<128xi32, #tpu.memory_space<vmem>>
    %dma_wait3A_46 = arith.constant 0 : i32
    %dma_wait3A_47 = tpu.memref_slice %arg4[%add3A, %dma_wait3A_41, %dma_wait3A_46] : memref<32x81x128xi32, #tpu.memory_space<hbm>> -> memref<1x1x128xi32, #tpu.memory_space<hbm>>
    %dma_wait3A_48 = tpu.memref_squeeze %dma_wait3A_47 : memref<1x1x128xi32, #tpu.memory_space<hbm>> -> memref<128xi32, #tpu.memory_space<hbm>>
    %dma_wait3A_49 = arith.constant 0 : i32
    %dma_wait3A_50 = tpu.memref_slice %arg7[%dma_wait3A_42, %dma_wait3A_49] : memref<2x128xi32, #tpu.memory_space<vmem>> -> memref<1x128xi32, #tpu.memory_space<vmem>>
    %dma_wait3A_51 = tpu.memref_squeeze %dma_wait3A_50 : memref<1x128xi32, #tpu.memory_space<vmem>> -> memref<128xi32, #tpu.memory_space<vmem>>
    %dma_wait3A_52 = arith.constant 0 : i32
    %dma_wait3A_53 = tpu.memref_slice %arg4[%add3A, %dma_wait3A_41, %dma_wait3A_52] : memref<32x81x128xi32, #tpu.memory_space<hbm>> -> memref<1x1x128xi32, #tpu.memory_space<hbm>>
    %dma_wait3A_54 = tpu.memref_squeeze %dma_wait3A_53 : memref<1x1x128xi32, #tpu.memory_space<hbm>> -> memref<128xi32, #tpu.memory_space<hbm>>
    tpu.wait_dma2 semaphore(%arg20 : memref<!tpu.dma_semaphore, #tpu.memory_space<semaphore_mem>>) src(%dma_wait3A_54 : memref<128xi32, #tpu.memory_space<hbm>>) dst(%dma_wait3A_51 : memref<128xi32, #tpu.memory_space<vmem>>)
    %dma_start3A_55 = arith.constant 0 : i32
    %dma_start3A_56 = arith.constant 0 : i32
    %dma_start3A_57 = tpu.memref_slice %arg7[%dma_start3A_55, %dma_start3A_56] : memref<2x128xi32, #tpu.memory_space<vmem>> -> memref<1x128xi32, #tpu.memory_space<vmem>>
    %dma_start3A_58 = tpu.memref_squeeze %dma_start3A_57 : memref<1x128xi32, #tpu.memory_space<vmem>> -> memref<128xi32, #tpu.memory_space<vmem>>
    %dma_start3A_59 = arith.constant 0 : i32
    %dma_start3A_60 = arith.constant 0 : i32
    %dma_start3A_61 = tpu.memref_slice %arg2[%dma_start3A_59, %dma_start3A_60] : memref<10112x128xf32, #tpu.memory_space<hbm>> -> memref<10112x128xf32, #tpu.memory_space<hbm>>
    tpu.enqueue_indirect_dma source(%dma_start3A_61 : memref<10112x128xf32, #tpu.memory_space<hbm>>) target(%arg10 : memref<128x128xf32, #tpu.memory_space<vmem>>) offsets(%dma_start3A_58 : memref<128xi32, #tpu.memory_space<vmem>>) semaphore(%arg14 : memref<!tpu.dma_semaphore, #tpu.memory_space<semaphore_mem>>)
    %dma_start3A_62 = arith.constant 1 : i32
    %dma_start3A_63 = arith.constant 0 : i32
    %dma_start3A_64 = arith.constant 0 : i32
    %dma_start3A_65 = tpu.memref_slice %arg8[%dma_start3A_63, %dma_start3A_64] : memref<2x128xi32, #tpu.memory_space<vmem>> -> memref<1x128xi32, #tpu.memory_space<vmem>>
    %dma_start3A_66 = tpu.memref_squeeze %dma_start3A_65 : memref<1x128xi32, #tpu.memory_space<vmem>> -> memref<128xi32, #tpu.memory_space<vmem>>
    %dma_start3A_67 = arith.constant 0 : i32
    %dma_start3A_68 = tpu.memref_slice %arg3[%add3A, %dma_start3A_62, %dma_start3A_67] : memref<32x81x128xi32, #tpu.memory_space<hbm>> -> memref<1x1x128xi32, #tpu.memory_space<hbm>>
    %dma_start3A_69 = tpu.memref_squeeze %dma_start3A_68 : memref<1x1x128xi32, #tpu.memory_space<hbm>> -> memref<128xi32, #tpu.memory_space<hbm>>
    %dma_start3A_70 = arith.constant 0 : i32
    %dma_start3A_71 = tpu.memref_slice %arg8[%dma_start3A_63, %dma_start3A_70] : memref<2x128xi32, #tpu.memory_space<vmem>> -> memref<1x128xi32, #tpu.memory_space<vmem>>
    %dma_start3A_72 = tpu.memref_squeeze %dma_start3A_71 : memref<1x128xi32, #tpu.memory_space<vmem>> -> memref<128xi32, #tpu.memory_space<vmem>>
    %dma_start3A_73 = arith.constant 0 : i32
    %dma_start3A_74 = tpu.memref_slice %arg3[%add3A, %dma_start3A_62, %dma_start3A_73] : memref<32x81x128xi32, #tpu.memory_space<hbm>> -> memref<1x1x128xi32, #tpu.memory_space<hbm>>
    %dma_start3A_75 = tpu.memref_squeeze %dma_start3A_74 : memref<1x1x128xi32, #tpu.memory_space<hbm>> -> memref<128xi32, #tpu.memory_space<hbm>>
    tpu.enqueue_dma source(%dma_start3A_75 : memref<128xi32, #tpu.memory_space<hbm>>) target(%dma_start3A_72 : memref<128xi32, #tpu.memory_space<vmem>>) target_semaphore(%arg21 : memref<!tpu.dma_semaphore, #tpu.memory_space<semaphore_mem>>)
    %dma_start3A_76 = arith.constant 1 : i32
    %dma_start3A_77 = arith.constant 1 : i32
    %dma_start3A_78 = arith.constant 0 : i32
    %dma_start3A_79 = tpu.memref_slice %arg8[%dma_start3A_77, %dma_start3A_78] : memref<2x128xi32, #tpu.memory_space<vmem>> -> memref<1x128xi32, #tpu.memory_space<vmem>>
    %dma_start3A_80 = tpu.memref_squeeze %dma_start3A_79 : memref<1x128xi32, #tpu.memory_space<vmem>> -> memref<128xi32, #tpu.memory_space<vmem>>
    %dma_start3A_81 = arith.constant 0 : i32
    %dma_start3A_82 = tpu.memref_slice %arg4[%add3A, %dma_start3A_76, %dma_start3A_81] : memref<32x81x128xi32, #tpu.memory_space<hbm>> -> memref<1x1x128xi32, #tpu.memory_space<hbm>>
    %dma_start3A_83 = tpu.memref_squeeze %dma_start3A_82 : memref<1x1x128xi32, #tpu.memory_space<hbm>> -> memref<128xi32, #tpu.memory_space<hbm>>
    %dma_start3A_84 = arith.constant 0 : i32
    %dma_start3A_85 = tpu.memref_slice %arg8[%dma_start3A_77, %dma_start3A_84] : memref<2x128xi32, #tpu.memory_space<vmem>> -> memref<1x128xi32, #tpu.memory_space<vmem>>
    %dma_start3A_86 = tpu.memref_squeeze %dma_start3A_85 : memref<1x128xi32, #tpu.memory_space<vmem>> -> memref<128xi32, #tpu.memory_space<vmem>>
    %dma_start3A_87 = arith.constant 0 : i32
    %dma_start3A_88 = tpu.memref_slice %arg4[%add3A, %dma_start3A_76, %dma_start3A_87] : memref<32x81x128xi32, #tpu.memory_space<hbm>> -> memref<1x1x128xi32, #tpu.memory_space<hbm>>
    %dma_start3A_89 = tpu.memref_squeeze %dma_start3A_88 : memref<1x1x128xi32, #tpu.memory_space<hbm>> -> memref<128xi32, #tpu.memory_space<hbm>>
    tpu.enqueue_dma source(%dma_start3A_89 : memref<128xi32, #tpu.memory_space<hbm>>) target(%dma_start3A_86 : memref<128xi32, #tpu.memory_space<vmem>>) target_semaphore(%arg21 : memref<!tpu.dma_semaphore, #tpu.memory_space<semaphore_mem>>)
    %dma_wait3A_90 = arith.constant 1 : i32
    %dma_wait3A_91 = arith.constant 0 : i32
    %dma_wait3A_92 = arith.constant 0 : i32
    %dma_wait3A_93 = tpu.memref_slice %arg8[%dma_wait3A_91, %dma_wait3A_92] : memref<2x128xi32, #tpu.memory_space<vmem>> -> memref<1x128xi32, #tpu.memory_space<vmem>>
    %dma_wait3A_94 = tpu.memref_squeeze %dma_wait3A_93 : memref<1x128xi32, #tpu.memory_space<vmem>> -> memref<128xi32, #tpu.memory_space<vmem>>
    %dma_wait3A_95 = arith.constant 0 : i32
    %dma_wait3A_96 = tpu.memref_slice %arg3[%add3A, %dma_wait3A_90, %dma_wait3A_95] : memref<32x81x128xi32, #tpu.memory_space<hbm>> -> memref<1x1x128xi32, #tpu.memory_space<hbm>>
    %dma_wait3A_97 = tpu.memref_squeeze %dma_wait3A_96 : memref<1x1x128xi32, #tpu.memory_space<hbm>> -> memref<128xi32, #tpu.memory_space<hbm>>
    %dma_wait3A_98 = arith.constant 0 : i32
    %dma_wait3A_99 = tpu.memref_slice %arg8[%dma_wait3A_91, %dma_wait3A_98] : memref<2x128xi32, #tpu.memory_space<vmem>> -> memref<1x128xi32, #tpu.memory_space<vmem>>
    %dma_wait3A_100 = tpu.memref_squeeze %dma_wait3A_99 : memref<1x128xi32, #tpu.memory_space<vmem>> -> memref<128xi32, #tpu.memory_space<vmem>>
    %dma_wait3A_101 = arith.constant 0 : i32
    %dma_wait3A_102 = tpu.memref_slice %arg3[%add3A, %dma_wait3A_90, %dma_wait3A_101] : memref<32x81x128xi32, #tpu.memory_space<hbm>> -> memref<1x1x128xi32, #tpu.memory_space<hbm>>
    %dma_wait3A_103 = tpu.memref_squeeze %dma_wait3A_102 : memref<1x1x128xi32, #tpu.memory_space<hbm>> -> memref<128xi32, #tpu.memory_space<hbm>>
    tpu.wait_dma2 semaphore(%arg21 : memref<!tpu.dma_semaphore, #tpu.memory_space<semaphore_mem>>) src(%dma_wait3A_103 : memref<128xi32, #tpu.memory_space<hbm>>) dst(%dma_wait3A_100 : memref<128xi32, #tpu.memory_space<vmem>>)
    %dma_wait3A_104 = arith.constant 1 : i32
    %dma_wait3A_105 = arith.constant 1 : i32
    %dma_wait3A_106 = arith.constant 0 : i32
    %dma_wait3A_107 = tpu.memref_slice %arg8[%dma_wait3A_105, %dma_wait3A_106] : memref<2x128xi32, #tpu.memory_space<vmem>> -> memref<1x128xi32, #tpu.memory_space<vmem>>
    %dma_wait3A_108 = tpu.memref_squeeze %dma_wait3A_107 : memref<1x128xi32, #tpu.memory_space<vmem>> -> memref<128xi32, #tpu.memory_space<vmem>>
    %dma_wait3A_109 = arith.constant 0 : i32
    %dma_wait3A_110 = tpu.memref_slice %arg4[%add3A, %dma_wait3A_104, %dma_wait3A_109] : memref<32x81x128xi32, #tpu.memory_space<hbm>> -> memref<1x1x128xi32, #tpu.memory_space<hbm>>
    %dma_wait3A_111 = tpu.memref_squeeze %dma_wait3A_110 : memref<1x1x128xi32, #tpu.memory_space<hbm>> -> memref<128xi32, #tpu.memory_space<hbm>>
    %dma_wait3A_112 = arith.constant 0 : i32
    %dma_wait3A_113 = tpu.memref_slice %arg8[%dma_wait3A_105, %dma_wait3A_112] : memref<2x128xi32, #tpu.memory_space<vmem>> -> memref<1x128xi32, #tpu.memory_space<vmem>>
    %dma_wait3A_114 = tpu.memref_squeeze %dma_wait3A_113 : memref<1x128xi32, #tpu.memory_space<vmem>> -> memref<128xi32, #tpu.memory_space<vmem>>
    %dma_wait3A_115 = arith.constant 0 : i32
    %dma_wait3A_116 = tpu.memref_slice %arg4[%add3A, %dma_wait3A_104, %dma_wait3A_115] : memref<32x81x128xi32, #tpu.memory_space<hbm>> -> memref<1x1x128xi32, #tpu.memory_space<hbm>>
    %dma_wait3A_117 = tpu.memref_squeeze %dma_wait3A_116 : memref<1x1x128xi32, #tpu.memory_space<hbm>> -> memref<128xi32, #tpu.memory_space<hbm>>
    tpu.wait_dma2 semaphore(%arg21 : memref<!tpu.dma_semaphore, #tpu.memory_space<semaphore_mem>>) src(%dma_wait3A_117 : memref<128xi32, #tpu.memory_space<hbm>>) dst(%dma_wait3A_114 : memref<128xi32, #tpu.memory_space<vmem>>)
    %dma_start3A_118 = arith.constant 0 : i32
    %dma_start3A_119 = arith.constant 0 : i32
    %dma_start3A_120 = tpu.memref_slice %arg8[%dma_start3A_118, %dma_start3A_119] : memref<2x128xi32, #tpu.memory_space<vmem>> -> memref<1x128xi32, #tpu.memory_space<vmem>>
    %dma_start3A_121 = tpu.memref_squeeze %dma_start3A_120 : memref<1x128xi32, #tpu.memory_space<vmem>> -> memref<128xi32, #tpu.memory_space<vmem>>
    %dma_start3A_122 = arith.constant 0 : i32
    %dma_start3A_123 = arith.constant 0 : i32
    %dma_start3A_124 = tpu.memref_slice %arg2[%dma_start3A_122, %dma_start3A_123] : memref<10112x128xf32, #tpu.memory_space<hbm>> -> memref<10112x128xf32, #tpu.memory_space<hbm>>
    tpu.enqueue_indirect_dma source(%dma_start3A_124 : memref<10112x128xf32, #tpu.memory_space<hbm>>) target(%arg11 : memref<128x128xf32, #tpu.memory_space<vmem>>) offsets(%dma_start3A_121 : memref<128xi32, #tpu.memory_space<vmem>>) semaphore(%arg15 : memref<!tpu.dma_semaphore, #tpu.memory_space<semaphore_mem>>)
    %dma_start3A_125 = arith.constant 2 : i32
    %dma_start3A_126 = arith.constant 0 : i32
    %dma_start3A_127 = arith.constant 0 : i32
    %dma_start3A_128 = tpu.memref_slice %arg9[%dma_start3A_126, %dma_start3A_127] : memref<2x128xi32, #tpu.memory_space<vmem>> -> memref<1x128xi32, #tpu.memory_space<vmem>>
    %dma_start3A_129 = tpu.memref_squeeze %dma_start3A_128 : memref<1x128xi32, #tpu.memory_space<vmem>> -> memref<128xi32, #tpu.memory_space<vmem>>
    %dma_start3A_130 = arith.constant 0 : i32
    %dma_start3A_131 = tpu.memref_slice %arg3[%add3A, %dma_start3A_125, %dma_start3A_130] : memref<32x81x128xi32, #tpu.memory_space<hbm>> -> memref<1x1x128xi32, #tpu.memory_space<hbm>>
    %dma_start3A_132 = tpu.memref_squeeze %dma_start3A_131 : memref<1x1x128xi32, #tpu.memory_space<hbm>> -> memref<128xi32, #tpu.memory_space<hbm>>
    %dma_start3A_133 = arith.constant 0 : i32
    %dma_start3A_134 = tpu.memref_slice %arg9[%dma_start3A_126, %dma_start3A_133] : memref<2x128xi32, #tpu.memory_space<vmem>> -> memref<1x128xi32, #tpu.memory_space<vmem>>
    %dma_start3A_135 = tpu.memref_squeeze %dma_start3A_134 : memref<1x128xi32, #tpu.memory_space<vmem>> -> memref<128xi32, #tpu.memory_space<vmem>>
    %dma_start3A_136 = arith.constant 0 : i32
    %dma_start3A_137 = tpu.memref_slice %arg3[%add3A, %dma_start3A_125, %dma_start3A_136] : memref<32x81x128xi32, #tpu.memory_space<hbm>> -> memref<1x1x128xi32, #tpu.memory_space<hbm>>
    %dma_start3A_138 = tpu.memref_squeeze %dma_start3A_137 : memref<1x1x128xi32, #tpu.memory_space<hbm>> -> memref<128xi32, #tpu.memory_space<hbm>>
    tpu.enqueue_dma source(%dma_start3A_138 : memref<128xi32, #tpu.memory_space<hbm>>) target(%dma_start3A_135 : memref<128xi32, #tpu.memory_space<vmem>>) target_semaphore(%arg22 : memref<!tpu.dma_semaphore, #tpu.memory_space<semaphore_mem>>)
    %dma_start3A_139 = arith.constant 2 : i32
    %dma_start3A_140 = arith.constant 1 : i32
    %dma_start3A_141 = arith.constant 0 : i32
    %dma_start3A_142 = tpu.memref_slice %arg9[%dma_start3A_140, %dma_start3A_141] : memref<2x128xi32, #tpu.memory_space<vmem>> -> memref<1x128xi32, #tpu.memory_space<vmem>>
    %dma_start3A_143 = tpu.memref_squeeze %dma_start3A_142 : memref<1x128xi32, #tpu.memory_space<vmem>> -> memref<128xi32, #tpu.memory_space<vmem>>
    %dma_start3A_144 = arith.constant 0 : i32
    %dma_start3A_145 = tpu.memref_slice %arg4[%add3A, %dma_start3A_139, %dma_start3A_144] : memref<32x81x128xi32, #tpu.memory_space<hbm>> -> memref<1x1x128xi32, #tpu.memory_space<hbm>>
    %dma_start3A_146 = tpu.memref_squeeze %dma_start3A_145 : memref<1x1x128xi32, #tpu.memory_space<hbm>> -> memref<128xi32, #tpu.memory_space<hbm>>
    %dma_start3A_147 = arith.constant 0 : i32
    %dma_start3A_148 = tpu.memref_slice %arg9[%dma_start3A_140, %dma_start3A_147] : memref<2x128xi32, #tpu.memory_space<vmem>> -> memref<1x128xi32, #tpu.memory_space<vmem>>
    %dma_start3A_149 = tpu.memref_squeeze %dma_start3A_148 : memref<1x128xi32, #tpu.memory_space<vmem>> -> memref<128xi32, #tpu.memory_space<vmem>>
    %dma_start3A_150 = arith.constant 0 : i32
    %dma_start3A_151 = tpu.memref_slice %arg4[%add3A, %dma_start3A_139, %dma_start3A_150] : memref<32x81x128xi32, #tpu.memory_space<hbm>> -> memref<1x1x128xi32, #tpu.memory_space<hbm>>
    %dma_start3A_152 = tpu.memref_squeeze %dma_start3A_151 : memref<1x1x128xi32, #tpu.memory_space<hbm>> -> memref<128xi32, #tpu.memory_space<hbm>>
    tpu.enqueue_dma source(%dma_start3A_152 : memref<128xi32, #tpu.memory_space<hbm>>) target(%dma_start3A_149 : memref<128xi32, #tpu.memory_space<vmem>>) target_semaphore(%arg22 : memref<!tpu.dma_semaphore, #tpu.memory_space<semaphore_mem>>)
    %dma_wait3A_153 = arith.constant 2 : i32
    %dma_wait3A_154 = arith.constant 0 : i32
    %dma_wait3A_155 = arith.constant 0 : i32
    %dma_wait3A_156 = tpu.memref_slice %arg9[%dma_wait3A_154, %dma_wait3A_155] : memref<2x128xi32, #tpu.memory_space<vmem>> -> memref<1x128xi32, #tpu.memory_space<vmem>>
    %dma_wait3A_157 = tpu.memref_squeeze %dma_wait3A_156 : memref<1x128xi32, #tpu.memory_space<vmem>> -> memref<128xi32, #tpu.memory_space<vmem>>
    %dma_wait3A_158 = arith.constant 0 : i32
    %dma_wait3A_159 = tpu.memref_slice %arg3[%add3A, %dma_wait3A_153, %dma_wait3A_158] : memref<32x81x128xi32, #tpu.memory_space<hbm>> -> memref<1x1x128xi32, #tpu.memory_space<hbm>>
    %dma_wait3A_160 = tpu.memref_squeeze %dma_wait3A_159 : memref<1x1x128xi32, #tpu.memory_space<hbm>> -> memref<128xi32, #tpu.memory_space<hbm>>
    %dma_wait3A_161 = arith.constant 0 : i32
    %dma_wait3A_162 = tpu.memref_slice %arg9[%dma_wait3A_154, %dma_wait3A_161] : memref<2x128xi32, #tpu.memory_space<vmem>> -> memref<1x128xi32, #tpu.memory_space<vmem>>
    %dma_wait3A_163 = tpu.memref_squeeze %dma_wait3A_162 : memref<1x128xi32, #tpu.memory_space<vmem>> -> memref<128xi32, #tpu.memory_space<vmem>>
    %dma_wait3A_164 = arith.constant 0 : i32
    %dma_wait3A_165 = tpu.memref_slice %arg3[%add3A, %dma_wait3A_153, %dma_wait3A_164] : memref<32x81x128xi32, #tpu.memory_space<hbm>> -> memref<1x1x128xi32, #tpu.memory_space<hbm>>
    %dma_wait3A_166 = tpu.memref_squeeze %dma_wait3A_165 : memref<1x1x128xi32, #tpu.memory_space<hbm>> -> memref<128xi32, #tpu.memory_space<hbm>>
    tpu.wait_dma2 semaphore(%arg22 : memref<!tpu.dma_semaphore, #tpu.memory_space<semaphore_mem>>) src(%dma_wait3A_166 : memref<128xi32, #tpu.memory_space<hbm>>) dst(%dma_wait3A_163 : memref<128xi32, #tpu.memory_space<vmem>>)
    %dma_wait3A_167 = arith.constant 2 : i32
    %dma_wait3A_168 = arith.constant 1 : i32
    %dma_wait3A_169 = arith.constant 0 : i32
    %dma_wait3A_170 = tpu.memref_slice %arg9[%dma_wait3A_168, %dma_wait3A_169] : memref<2x128xi32, #tpu.memory_space<vmem>> -> memref<1x128xi32, #tpu.memory_space<vmem>>
    %dma_wait3A_171 = tpu.memref_squeeze %dma_wait3A_170 : memref<1x128xi32, #tpu.memory_space<vmem>> -> memref<128xi32, #tpu.memory_space<vmem>>
    %dma_wait3A_172 = arith.constant 0 : i32
    %dma_wait3A_173 = tpu.memref_slice %arg4[%add3A, %dma_wait3A_167, %dma_wait3A_172] : memref<32x81x128xi32, #tpu.memory_space<hbm>> -> memref<1x1x128xi32, #tpu.memory_space<hbm>>
    %dma_wait3A_174 = tpu.memref_squeeze %dma_wait3A_173 : memref<1x1x128xi32, #tpu.memory_space<hbm>> -> memref<128xi32, #tpu.memory_space<hbm>>
    %dma_wait3A_175 = arith.constant 0 : i32
    %dma_wait3A_176 = tpu.memref_slice %arg9[%dma_wait3A_168, %dma_wait3A_175] : memref<2x128xi32, #tpu.memory_space<vmem>> -> memref<1x128xi32, #tpu.memory_space<vmem>>
    %dma_wait3A_177 = tpu.memref_squeeze %dma_wait3A_176 : memref<1x128xi32, #tpu.memory_space<vmem>> -> memref<128xi32, #tpu.memory_space<vmem>>
    %dma_wait3A_178 = arith.constant 0 : i32
    %dma_wait3A_179 = tpu.memref_slice %arg4[%add3A, %dma_wait3A_167, %dma_wait3A_178] : memref<32x81x128xi32, #tpu.memory_space<hbm>> -> memref<1x1x128xi32, #tpu.memory_space<hbm>>
    %dma_wait3A_180 = tpu.memref_squeeze %dma_wait3A_179 : memref<1x1x128xi32, #tpu.memory_space<hbm>> -> memref<128xi32, #tpu.memory_space<hbm>>
    tpu.wait_dma2 semaphore(%arg22 : memref<!tpu.dma_semaphore, #tpu.memory_space<semaphore_mem>>) src(%dma_wait3A_180 : memref<128xi32, #tpu.memory_space<hbm>>) dst(%dma_wait3A_177 : memref<128xi32, #tpu.memory_space<vmem>>)
    %dma_start3A_181 = arith.constant 0 : i32
    %dma_start3A_182 = arith.constant 0 : i32
    %dma_start3A_183 = tpu.memref_slice %arg9[%dma_start3A_181, %dma_start3A_182] : memref<2x128xi32, #tpu.memory_space<vmem>> -> memref<1x128xi32, #tpu.memory_space<vmem>>
    %dma_start3A_184 = tpu.memref_squeeze %dma_start3A_183 : memref<1x128xi32, #tpu.memory_space<vmem>> -> memref<128xi32, #tpu.memory_space<vmem>>
    %dma_start3A_185 = arith.constant 0 : i32
    %dma_start3A_186 = arith.constant 0 : i32
    %dma_start3A_187 = tpu.memref_slice %arg2[%dma_start3A_185, %dma_start3A_186] : memref<10112x128xf32, #tpu.memory_space<hbm>> -> memref<10112x128xf32, #tpu.memory_space<hbm>>
    tpu.enqueue_indirect_dma source(%dma_start3A_187 : memref<10112x128xf32, #tpu.memory_space<hbm>>) target(%arg12 : memref<128x128xf32, #tpu.memory_space<vmem>>) offsets(%dma_start3A_184 : memref<128xi32, #tpu.memory_space<vmem>>) semaphore(%arg16 : memref<!tpu.dma_semaphore, #tpu.memory_space<semaphore_mem>>)
    %mul3A_188 = arith.constant 632 : i32
    %mul3A_189 = arith.muli %arg1, %mul3A_188 : i32
    "tpu.region"() ({
      %run_scoped3A = tpu.sem_alloc : memref<!tpu.dma_semaphore, #tpu.memory_space<semaphore_mem>>
      %dma_start3A_221 = arith.constant 0 : i32
      %dma_start3A_222 = tpu.memref_slice %arg13[%mul3A_189, %dma_start3A_221] : memref<10112x128xf32, #tpu.memory_space<vmem_shared>> -> memref<632x128xf32, #tpu.memory_space<vmem_shared>>
      tpu.enqueue_dma source(%arg5 : memref<632x128xf32, #tpu.memory_space<hbm>>) target(%dma_start3A_222 : memref<632x128xf32, #tpu.memory_space<vmem_shared>>) target_semaphore(%run_scoped3A : memref<!tpu.dma_semaphore, #tpu.memory_space<semaphore_mem>>)
      %dma_wait3A_223 = arith.constant 0 : i32
      %dma_wait3A_224 = tpu.memref_slice %arg13[%mul3A_189, %dma_wait3A_223] : memref<10112x128xf32, #tpu.memory_space<vmem_shared>> -> memref<632x128xf32, #tpu.memory_space<vmem_shared>>
      tpu.wait_dma2 semaphore(%run_scoped3A : memref<!tpu.dma_semaphore, #tpu.memory_space<semaphore_mem>>) src(%arg5 : memref<632x128xf32, #tpu.memory_space<hbm>>) dst(%dma_wait3A_224 : memref<632x128xf32, #tpu.memory_space<vmem_shared>>)
      tpu.yield
    }) : () -> ()
    %barrier3A = arith.constant 0 : index
    tpu.barrier barrier_id(%barrier3A)
    %scan3A = arith.constant 0 : i32
    %scan3A_190 = arith.constant 0 : i32
    %scan3A_191 = arith.constant 27 : i32
    %scan3A_192 = arith.addi %scan3A_190, %scan3A_191 : i32
    %scan3A_193 = arith.constant 1 : i32
    scf.for %scan3A_221 = %scan3A_190 to %scan3A_192 step %scan3A_193  : i32 {
      %mul3A_222 = arith.constant 3 : i32
      %mul3A_223 = arith.muli %mul3A_222, %scan3A_221 : i32
      %dma_wait3A_224 = arith.constant 0 : i32
      %dma_wait3A_225 = arith.constant 0 : i32
      %dma_wait3A_226 = tpu.memref_slice %arg7[%dma_wait3A_224, %dma_wait3A_225] : memref<2x128xi32, #tpu.memory_space<vmem>> -> memref<1x128xi32, #tpu.memory_space<vmem>>
      %dma_wait3A_227 = tpu.memref_squeeze %dma_wait3A_226 : memref<1x128xi32, #tpu.memory_space<vmem>> -> memref<128xi32, #tpu.memory_space<vmem>>
      %dma_wait3A_228 = arith.constant 0 : i32
      %dma_wait3A_229 = arith.constant 0 : i32
      %dma_wait3A_230 = tpu.memref_slice %arg2[%dma_wait3A_228, %dma_wait3A_229] : memref<10112x128xf32, #tpu.memory_space<hbm>> -> memref<10112x128xf32, #tpu.memory_space<hbm>>
      tpu.wait_indirect_dma semaphore(%arg14 : memref<!tpu.dma_semaphore, #tpu.memory_space<semaphore_mem>>) src(%dma_wait3A_230 : memref<10112x128xf32, #tpu.memory_space<hbm>>) dst(%arg10 : memref<128x128xf32, #tpu.memory_space<vmem>>)
      %dma_start3A_231 = arith.constant 1 : i32
      %dma_start3A_232 = arith.constant 0 : i32
      %dma_start3A_233 = tpu.memref_slice %arg7[%dma_start3A_231, %dma_start3A_232] : memref<2x128xi32, #tpu.memory_space<vmem>> -> memref<1x128xi32, #tpu.memory_space<vmem>>
      %dma_start3A_234 = tpu.memref_squeeze %dma_start3A_233 : memref<1x128xi32, #tpu.memory_space<vmem>> -> memref<128xi32, #tpu.memory_space<vmem>>
      %dma_start3A_235 = arith.constant 0 : i32
      %dma_start3A_236 = arith.constant 0 : i32
      %dma_start3A_237 = tpu.memref_slice %arg13[%dma_start3A_235, %dma_start3A_236] : memref<10112x128xf32, #tpu.memory_space<vmem_shared>> -> memref<10112x128xf32, #tpu.memory_space<vmem_shared>>
      tpu.enqueue_indirect_dma source(%arg10 : memref<128x128xf32, #tpu.memory_space<vmem>>) target(%dma_start3A_237 : memref<10112x128xf32, #tpu.memory_space<vmem_shared>>) offsets(%dma_start3A_234 : memref<128xi32, #tpu.memory_space<vmem>>) semaphore(%arg17 : memref<!tpu.dma_semaphore, #tpu.memory_space<semaphore_mem>>) {add = true}
      %dma_wait3A_238 = arith.constant 0 : i32
      %dma_wait3A_239 = arith.constant 0 : i32
      %dma_wait3A_240 = tpu.memref_slice %arg8[%dma_wait3A_238, %dma_wait3A_239] : memref<2x128xi32, #tpu.memory_space<vmem>> -> memref<1x128xi32, #tpu.memory_space<vmem>>
      %dma_wait3A_241 = tpu.memref_squeeze %dma_wait3A_240 : memref<1x128xi32, #tpu.memory_space<vmem>> -> memref<128xi32, #tpu.memory_space<vmem>>
      %dma_wait3A_242 = arith.constant 0 : i32
      %dma_wait3A_243 = arith.constant 0 : i32
      %dma_wait3A_244 = tpu.memref_slice %arg2[%dma_wait3A_242, %dma_wait3A_243] : memref<10112x128xf32, #tpu.memory_space<hbm>> -> memref<10112x128xf32, #tpu.memory_space<hbm>>
      tpu.wait_indirect_dma semaphore(%arg15 : memref<!tpu.dma_semaphore, #tpu.memory_space<semaphore_mem>>) src(%dma_wait3A_244 : memref<10112x128xf32, #tpu.memory_space<hbm>>) dst(%arg11 : memref<128x128xf32, #tpu.memory_space<vmem>>)
      %dma_start3A_245 = arith.constant 1 : i32
      %dma_start3A_246 = arith.constant 0 : i32
      %dma_start3A_247 = tpu.memref_slice %arg8[%dma_start3A_245, %dma_start3A_246] : memref<2x128xi32, #tpu.memory_space<vmem>> -> memref<1x128xi32, #tpu.memory_space<vmem>>
      %dma_start3A_248 = tpu.memref_squeeze %dma_start3A_247 : memref<1x128xi32, #tpu.memory_space<vmem>> -> memref<128xi32, #tpu.memory_space<vmem>>
      %dma_start3A_249 = arith.constant 0 : i32
      %dma_start3A_250 = arith.constant 0 : i32
      %dma_start3A_251 = tpu.memref_slice %arg13[%dma_start3A_249, %dma_start3A_250] : memref<10112x128xf32, #tpu.memory_space<vmem_shared>> -> memref<10112x128xf32, #tpu.memory_space<vmem_shared>>
      tpu.enqueue_indirect_dma source(%arg11 : memref<128x128xf32, #tpu.memory_space<vmem>>) target(%dma_start3A_251 : memref<10112x128xf32, #tpu.memory_space<vmem_shared>>) offsets(%dma_start3A_248 : memref<128xi32, #tpu.memory_space<vmem>>) semaphore(%arg18 : memref<!tpu.dma_semaphore, #tpu.memory_space<semaphore_mem>>) {add = true}
      %dma_wait3A_252 = arith.constant 0 : i32
      %dma_wait3A_253 = arith.constant 0 : i32
      %dma_wait3A_254 = tpu.memref_slice %arg9[%dma_wait3A_252, %dma_wait3A_253] : memref<2x128xi32, #tpu.memory_space<vmem>> -> memref<1x128xi32, #tpu.memory_space<vmem>>
      %dma_wait3A_255 = tpu.memref_squeeze %dma_wait3A_254 : memref<1x128xi32, #tpu.memory_space<vmem>> -> memref<128xi32, #tpu.memory_space<vmem>>
      %dma_wait3A_256 = arith.constant 0 : i32
      %dma_wait3A_257 = arith.constant 0 : i32
      %dma_wait3A_258 = tpu.memref_slice %arg2[%dma_wait3A_256, %dma_wait3A_257] : memref<10112x128xf32, #tpu.memory_space<hbm>> -> memref<10112x128xf32, #tpu.memory_space<hbm>>
      tpu.wait_indirect_dma semaphore(%arg16 : memref<!tpu.dma_semaphore, #tpu.memory_space<semaphore_mem>>) src(%dma_wait3A_258 : memref<10112x128xf32, #tpu.memory_space<hbm>>) dst(%arg12 : memref<128x128xf32, #tpu.memory_space<vmem>>)
      %dma_start3A_259 = arith.constant 1 : i32
      %dma_start3A_260 = arith.constant 0 : i32
      %dma_start3A_261 = tpu.memref_slice %arg9[%dma_start3A_259, %dma_start3A_260] : memref<2x128xi32, #tpu.memory_space<vmem>> -> memref<1x128xi32, #tpu.memory_space<vmem>>
      %dma_start3A_262 = tpu.memref_squeeze %dma_start3A_261 : memref<1x128xi32, #tpu.memory_space<vmem>> -> memref<128xi32, #tpu.memory_space<vmem>>
      %dma_start3A_263 = arith.constant 0 : i32
      %dma_start3A_264 = arith.constant 0 : i32
      %dma_start3A_265 = tpu.memref_slice %arg13[%dma_start3A_263, %dma_start3A_264] : memref<10112x128xf32, #tpu.memory_space<vmem_shared>> -> memref<10112x128xf32, #tpu.memory_space<vmem_shared>>
      tpu.enqueue_indirect_dma source(%arg12 : memref<128x128xf32, #tpu.memory_space<vmem>>) target(%dma_start3A_265 : memref<10112x128xf32, #tpu.memory_space<vmem_shared>>) offsets(%dma_start3A_262 : memref<128xi32, #tpu.memory_space<vmem>>) semaphore(%arg19 : memref<!tpu.dma_semaphore, #tpu.memory_space<semaphore_mem>>) {add = true}
      %lt3A = arith.constant 26 : i32
      %lt3A_266 = arith.cmpi slt, %scan3A_221, %lt3A : i32
      %convert_element_type3A = arith.extui %lt3A_266 : i1 to i32
      %cond3A = arith.constant 0 : i32
      %cond3A_267 = arith.cmpi ne, %convert_element_type3A, %cond3A : i32
      scf.if %cond3A_267 {
        %dma_wait3A_268 = arith.constant 1 : i32
        %dma_wait3A_269 = arith.constant 0 : i32
        %dma_wait3A_270 = tpu.memref_slice %arg7[%dma_wait3A_268, %dma_wait3A_269] : memref<2x128xi32, #tpu.memory_space<vmem>> -> memref<1x128xi32, #tpu.memory_space<vmem>>
        %dma_wait3A_271 = tpu.memref_squeeze %dma_wait3A_270 : memref<1x128xi32, #tpu.memory_space<vmem>> -> memref<128xi32, #tpu.memory_space<vmem>>
        %dma_wait3A_272 = arith.constant 0 : i32
        %dma_wait3A_273 = arith.constant 0 : i32
        %dma_wait3A_274 = tpu.memref_slice %arg13[%dma_wait3A_272, %dma_wait3A_273] : memref<10112x128xf32, #tpu.memory_space<vmem_shared>> -> memref<10112x128xf32, #tpu.memory_space<vmem_shared>>
        tpu.wait_indirect_dma semaphore(%arg17 : memref<!tpu.dma_semaphore, #tpu.memory_space<semaphore_mem>>) src(%arg10 : memref<128x128xf32, #tpu.memory_space<vmem>>) dst(%dma_wait3A_274 : memref<10112x128xf32, #tpu.memory_space<vmem_shared>>)
        %add3A_275 = arith.constant 3 : i32
        %add3A_276 = arith.addi %mul3A_223, %add3A_275 : i32
        %add3A_277 = arith.constant 0 : i32
        %add3A_278 = arith.addi %add3A_276, %add3A_277 : i32
        %dma_start3A_279 = arith.constant 0 : i32
        %dma_start3A_280 = arith.constant 0 : i32
        %dma_start3A_281 = tpu.memref_slice %arg7[%dma_start3A_279, %dma_start3A_280] : memref<2x128xi32, #tpu.memory_space<vmem>> -> memref<1x128xi32, #tpu.memory_space<vmem>>
        %dma_start3A_282 = tpu.memref_squeeze %dma_start3A_281 : memref<1x128xi32, #tpu.memory_space<vmem>> -> memref<128xi32, #tpu.memory_space<vmem>>
        %dma_start3A_283 = arith.constant 0 : i32
        %dma_start3A_284 = tpu.memref_slice %arg3[%add3A, %add3A_278, %dma_start3A_283] : memref<32x81x128xi32, #tpu.memory_space<hbm>> -> memref<1x1x128xi32, #tpu.memory_space<hbm>>
        %dma_start3A_285 = tpu.memref_squeeze %dma_start3A_284 : memref<1x1x128xi32, #tpu.memory_space<hbm>> -> memref<128xi32, #tpu.memory_space<hbm>>
        %dma_start3A_286 = arith.constant 0 : i32
        %dma_start3A_287 = tpu.memref_slice %arg7[%dma_start3A_279, %dma_start3A_286] : memref<2x128xi32, #tpu.memory_space<vmem>> -> memref<1x128xi32, #tpu.memory_space<vmem>>
        %dma_start3A_288 = tpu.memref_squeeze %dma_start3A_287 : memref<1x128xi32, #tpu.memory_space<vmem>> -> memref<128xi32, #tpu.memory_space<vmem>>
        %dma_start3A_289 = arith.constant 0 : i32
        %dma_start3A_290 = tpu.memref_slice %arg3[%add3A, %add3A_278, %dma_start3A_289] : memref<32x81x128xi32, #tpu.memory_space<hbm>> -> memref<1x1x128xi32, #tpu.memory_space<hbm>>
        %dma_start3A_291 = tpu.memref_squeeze %dma_start3A_290 : memref<1x1x128xi32, #tpu.memory_space<hbm>> -> memref<128xi32, #tpu.memory_space<hbm>>
        tpu.enqueue_dma source(%dma_start3A_291 : memref<128xi32, #tpu.memory_space<hbm>>) target(%dma_start3A_288 : memref<128xi32, #tpu.memory_space<vmem>>) target_semaphore(%arg20 : memref<!tpu.dma_semaphore, #tpu.memory_space<semaphore_mem>>)
        %dma_start3A_292 = arith.constant 1 : i32
        %dma_start3A_293 = arith.constant 0 : i32
        %dma_start3A_294 = tpu.memref_slice %arg7[%dma_start3A_292, %dma_start3A_293] : memref<2x128xi32, #tpu.memory_space<vmem>> -> memref<1x128xi32, #tpu.memory_space<vmem>>
        %dma_start3A_295 = tpu.memref_squeeze %dma_start3A_294 : memref<1x128xi32, #tpu.memory_space<vmem>> -> memref<128xi32, #tpu.memory_space<vmem>>
        %dma_start3A_296 = arith.constant 0 : i32
        %dma_start3A_297 = tpu.memref_slice %arg4[%add3A, %add3A_278, %dma_start3A_296] : memref<32x81x128xi32, #tpu.memory_space<hbm>> -> memref<1x1x128xi32, #tpu.memory_space<hbm>>
        %dma_start3A_298 = tpu.memref_squeeze %dma_start3A_297 : memref<1x1x128xi32, #tpu.memory_space<hbm>> -> memref<128xi32, #tpu.memory_space<hbm>>
        %dma_start3A_299 = arith.constant 0 : i32
        %dma_start3A_300 = tpu.memref_slice %arg7[%dma_start3A_292, %dma_start3A_299] : memref<2x128xi32, #tpu.memory_space<vmem>> -> memref<1x128xi32, #tpu.memory_space<vmem>>
        %dma_start3A_301 = tpu.memref_squeeze %dma_start3A_300 : memref<1x128xi32, #tpu.memory_space<vmem>> -> memref<128xi32, #tpu.memory_space<vmem>>
        %dma_start3A_302 = arith.constant 0 : i32
        %dma_start3A_303 = tpu.memref_slice %arg4[%add3A, %add3A_278, %dma_start3A_302] : memref<32x81x128xi32, #tpu.memory_space<hbm>> -> memref<1x1x128xi32, #tpu.memory_space<hbm>>
        %dma_start3A_304 = tpu.memref_squeeze %dma_start3A_303 : memref<1x1x128xi32, #tpu.memory_space<hbm>> -> memref<128xi32, #tpu.memory_space<hbm>>
        tpu.enqueue_dma source(%dma_start3A_304 : memref<128xi32, #tpu.memory_space<hbm>>) target(%dma_start3A_301 : memref<128xi32, #tpu.memory_space<vmem>>) target_semaphore(%arg20 : memref<!tpu.dma_semaphore, #tpu.memory_space<semaphore_mem>>)
        %dma_wait3A_305 = arith.constant 0 : i32
        %dma_wait3A_306 = arith.constant 0 : i32
        %dma_wait3A_307 = tpu.memref_slice %arg7[%dma_wait3A_305, %dma_wait3A_306] : memref<2x128xi32, #tpu.memory_space<vmem>> -> memref<1x128xi32, #tpu.memory_space<vmem>>
        %dma_wait3A_308 = tpu.memref_squeeze %dma_wait3A_307 : memref<1x128xi32, #tpu.memory_space<vmem>> -> memref<128xi32, #tpu.memory_space<vmem>>
        %dma_wait3A_309 = arith.constant 0 : i32
        %dma_wait3A_310 = tpu.memref_slice %arg3[%add3A, %add3A_278, %dma_wait3A_309] : memref<32x81x128xi32, #tpu.memory_space<hbm>> -> memref<1x1x128xi32, #tpu.memory_space<hbm>>
        %dma_wait3A_311 = tpu.memref_squeeze %dma_wait3A_310 : memref<1x1x128xi32, #tpu.memory_space<hbm>> -> memref<128xi32, #tpu.memory_space<hbm>>
        %dma_wait3A_312 = arith.constant 0 : i32
        %dma_wait3A_313 = tpu.memref_slice %arg7[%dma_wait3A_305, %dma_wait3A_312] : memref<2x128xi32, #tpu.memory_space<vmem>> -> memref<1x128xi32, #tpu.memory_space<vmem>>
        %dma_wait3A_314 = tpu.memref_squeeze %dma_wait3A_313 : memref<1x128xi32, #tpu.memory_space<vmem>> -> memref<128xi32, #tpu.memory_space<vmem>>
        %dma_wait3A_315 = arith.constant 0 : i32
        %dma_wait3A_316 = tpu.memref_slice %arg3[%add3A, %add3A_278, %dma_wait3A_315] : memref<32x81x128xi32, #tpu.memory_space<hbm>> -> memref<1x1x128xi32, #tpu.memory_space<hbm>>
        %dma_wait3A_317 = tpu.memref_squeeze %dma_wait3A_316 : memref<1x1x128xi32, #tpu.memory_space<hbm>> -> memref<128xi32, #tpu.memory_space<hbm>>
        tpu.wait_dma2 semaphore(%arg20 : memref<!tpu.dma_semaphore, #tpu.memory_space<semaphore_mem>>) src(%dma_wait3A_317 : memref<128xi32, #tpu.memory_space<hbm>>) dst(%dma_wait3A_314 : memref<128xi32, #tpu.memory_space<vmem>>)
        %dma_wait3A_318 = arith.constant 1 : i32
        %dma_wait3A_319 = arith.constant 0 : i32
        %dma_wait3A_320 = tpu.memref_slice %arg7[%dma_wait3A_318, %dma_wait3A_319] : memref<2x128xi32, #tpu.memory_space<vmem>> -> memref<1x128xi32, #tpu.memory_space<vmem>>
        %dma_wait3A_321 = tpu.memref_squeeze %dma_wait3A_320 : memref<1x128xi32, #tpu.memory_space<vmem>> -> memref<128xi32, #tpu.memory_space<vmem>>
        %dma_wait3A_322 = arith.constant 0 : i32
        %dma_wait3A_323 = tpu.memref_slice %arg4[%add3A, %add3A_278, %dma_wait3A_322] : memref<32x81x128xi32, #tpu.memory_space<hbm>> -> memref<1x1x128xi32, #tpu.memory_space<hbm>>
        %dma_wait3A_324 = tpu.memref_squeeze %dma_wait3A_323 : memref<1x1x128xi32, #tpu.memory_space<hbm>> -> memref<128xi32, #tpu.memory_space<hbm>>
        %dma_wait3A_325 = arith.constant 0 : i32
        %dma_wait3A_326 = tpu.memref_slice %arg7[%dma_wait3A_318, %dma_wait3A_325] : memref<2x128xi32, #tpu.memory_space<vmem>> -> memref<1x128xi32, #tpu.memory_space<vmem>>
        %dma_wait3A_327 = tpu.memref_squeeze %dma_wait3A_326 : memref<1x128xi32, #tpu.memory_space<vmem>> -> memref<128xi32, #tpu.memory_space<vmem>>
        %dma_wait3A_328 = arith.constant 0 : i32
        %dma_wait3A_329 = tpu.memref_slice %arg4[%add3A, %add3A_278, %dma_wait3A_328] : memref<32x81x128xi32, #tpu.memory_space<hbm>> -> memref<1x1x128xi32, #tpu.memory_space<hbm>>
        %dma_wait3A_330 = tpu.memref_squeeze %dma_wait3A_329 : memref<1x1x128xi32, #tpu.memory_space<hbm>> -> memref<128xi32, #tpu.memory_space<hbm>>
        tpu.wait_dma2 semaphore(%arg20 : memref<!tpu.dma_semaphore, #tpu.memory_space<semaphore_mem>>) src(%dma_wait3A_330 : memref<128xi32, #tpu.memory_space<hbm>>) dst(%dma_wait3A_327 : memref<128xi32, #tpu.memory_space<vmem>>)
        %dma_start3A_331 = arith.constant 0 : i32
        %dma_start3A_332 = arith.constant 0 : i32
        %dma_start3A_333 = tpu.memref_slice %arg7[%dma_start3A_331, %dma_start3A_332] : memref<2x128xi32, #tpu.memory_space<vmem>> -> memref<1x128xi32, #tpu.memory_space<vmem>>
        %dma_start3A_334 = tpu.memref_squeeze %dma_start3A_333 : memref<1x128xi32, #tpu.memory_space<vmem>> -> memref<128xi32, #tpu.memory_space<vmem>>
        %dma_start3A_335 = arith.constant 0 : i32
        %dma_start3A_336 = arith.constant 0 : i32
        %dma_start3A_337 = tpu.memref_slice %arg2[%dma_start3A_335, %dma_start3A_336] : memref<10112x128xf32, #tpu.memory_space<hbm>> -> memref<10112x128xf32, #tpu.memory_space<hbm>>
        tpu.enqueue_indirect_dma source(%dma_start3A_337 : memref<10112x128xf32, #tpu.memory_space<hbm>>) target(%arg10 : memref<128x128xf32, #tpu.memory_space<vmem>>) offsets(%dma_start3A_334 : memref<128xi32, #tpu.memory_space<vmem>>) semaphore(%arg14 : memref<!tpu.dma_semaphore, #tpu.memory_space<semaphore_mem>>)
        %dma_wait3A_338 = arith.constant 1 : i32
        %dma_wait3A_339 = arith.constant 0 : i32
        %dma_wait3A_340 = tpu.memref_slice %arg8[%dma_wait3A_338, %dma_wait3A_339] : memref<2x128xi32, #tpu.memory_space<vmem>> -> memref<1x128xi32, #tpu.memory_space<vmem>>
        %dma_wait3A_341 = tpu.memref_squeeze %dma_wait3A_340 : memref<1x128xi32, #tpu.memory_space<vmem>> -> memref<128xi32, #tpu.memory_space<vmem>>
        %dma_wait3A_342 = arith.constant 0 : i32
        %dma_wait3A_343 = arith.constant 0 : i32
        %dma_wait3A_344 = tpu.memref_slice %arg13[%dma_wait3A_342, %dma_wait3A_343] : memref<10112x128xf32, #tpu.memory_space<vmem_shared>> -> memref<10112x128xf32, #tpu.memory_space<vmem_shared>>
        tpu.wait_indirect_dma semaphore(%arg18 : memref<!tpu.dma_semaphore, #tpu.memory_space<semaphore_mem>>) src(%arg11 : memref<128x128xf32, #tpu.memory_space<vmem>>) dst(%dma_wait3A_344 : memref<10112x128xf32, #tpu.memory_space<vmem_shared>>)
        %add3A_345 = arith.constant 3 : i32
        %add3A_346 = arith.addi %mul3A_223, %add3A_345 : i32
        %add3A_347 = arith.constant 1 : i32
        %add3A_348 = arith.addi %add3A_346, %add3A_347 : i32
        %dma_start3A_349 = arith.constant 0 : i32
        %dma_start3A_350 = arith.constant 0 : i32
        %dma_start3A_351 = tpu.memref_slice %arg8[%dma_start3A_349, %dma_start3A_350] : memref<2x128xi32, #tpu.memory_space<vmem>> -> memref<1x128xi32, #tpu.memory_space<vmem>>
        %dma_start3A_352 = tpu.memref_squeeze %dma_start3A_351 : memref<1x128xi32, #tpu.memory_space<vmem>> -> memref<128xi32, #tpu.memory_space<vmem>>
        %dma_start3A_353 = arith.constant 0 : i32
        %dma_start3A_354 = tpu.memref_slice %arg3[%add3A, %add3A_348, %dma_start3A_353] : memref<32x81x128xi32, #tpu.memory_space<hbm>> -> memref<1x1x128xi32, #tpu.memory_space<hbm>>
        %dma_start3A_355 = tpu.memref_squeeze %dma_start3A_354 : memref<1x1x128xi32, #tpu.memory_space<hbm>> -> memref<128xi32, #tpu.memory_space<hbm>>
        %dma_start3A_356 = arith.constant 0 : i32
        %dma_start3A_357 = tpu.memref_slice %arg8[%dma_start3A_349, %dma_start3A_356] : memref<2x128xi32, #tpu.memory_space<vmem>> -> memref<1x128xi32, #tpu.memory_space<vmem>>
        %dma_start3A_358 = tpu.memref_squeeze %dma_start3A_357 : memref<1x128xi32, #tpu.memory_space<vmem>> -> memref<128xi32, #tpu.memory_space<vmem>>
        %dma_start3A_359 = arith.constant 0 : i32
        %dma_start3A_360 = tpu.memref_slice %arg3[%add3A, %add3A_348, %dma_start3A_359] : memref<32x81x128xi32, #tpu.memory_space<hbm>> -> memref<1x1x128xi32, #tpu.memory_space<hbm>>
        %dma_start3A_361 = tpu.memref_squeeze %dma_start3A_360 : memref<1x1x128xi32, #tpu.memory_space<hbm>> -> memref<128xi32, #tpu.memory_space<hbm>>
        tpu.enqueue_dma source(%dma_start3A_361 : memref<128xi32, #tpu.memory_space<hbm>>) target(%dma_start3A_358 : memref<128xi32, #tpu.memory_space<vmem>>) target_semaphore(%arg21 : memref<!tpu.dma_semaphore, #tpu.memory_space<semaphore_mem>>)
        %dma_start3A_362 = arith.constant 1 : i32
        %dma_start3A_363 = arith.constant 0 : i32
        %dma_start3A_364 = tpu.memref_slice %arg8[%dma_start3A_362, %dma_start3A_363] : memref<2x128xi32, #tpu.memory_space<vmem>> -> memref<1x128xi32, #tpu.memory_space<vmem>>
        %dma_start3A_365 = tpu.memref_squeeze %dma_start3A_364 : memref<1x128xi32, #tpu.memory_space<vmem>> -> memref<128xi32, #tpu.memory_space<vmem>>
        %dma_start3A_366 = arith.constant 0 : i32
        %dma_start3A_367 = tpu.memref_slice %arg4[%add3A, %add3A_348, %dma_start3A_366] : memref<32x81x128xi32, #tpu.memory_space<hbm>> -> memref<1x1x128xi32, #tpu.memory_space<hbm>>
        %dma_start3A_368 = tpu.memref_squeeze %dma_start3A_367 : memref<1x1x128xi32, #tpu.memory_space<hbm>> -> memref<128xi32, #tpu.memory_space<hbm>>
        %dma_start3A_369 = arith.constant 0 : i32
        %dma_start3A_370 = tpu.memref_slice %arg8[%dma_start3A_362, %dma_start3A_369] : memref<2x128xi32, #tpu.memory_space<vmem>> -> memref<1x128xi32, #tpu.memory_space<vmem>>
        %dma_start3A_371 = tpu.memref_squeeze %dma_start3A_370 : memref<1x128xi32, #tpu.memory_space<vmem>> -> memref<128xi32, #tpu.memory_space<vmem>>
        %dma_start3A_372 = arith.constant 0 : i32
        %dma_start3A_373 = tpu.memref_slice %arg4[%add3A, %add3A_348, %dma_start3A_372] : memref<32x81x128xi32, #tpu.memory_space<hbm>> -> memref<1x1x128xi32, #tpu.memory_space<hbm>>
        %dma_start3A_374 = tpu.memref_squeeze %dma_start3A_373 : memref<1x1x128xi32, #tpu.memory_space<hbm>> -> memref<128xi32, #tpu.memory_space<hbm>>
        tpu.enqueue_dma source(%dma_start3A_374 : memref<128xi32, #tpu.memory_space<hbm>>) target(%dma_start3A_371 : memref<128xi32, #tpu.memory_space<vmem>>) target_semaphore(%arg21 : memref<!tpu.dma_semaphore, #tpu.memory_space<semaphore_mem>>)
        %dma_wait3A_375 = arith.constant 0 : i32
        %dma_wait3A_376 = arith.constant 0 : i32
        %dma_wait3A_377 = tpu.memref_slice %arg8[%dma_wait3A_375, %dma_wait3A_376] : memref<2x128xi32, #tpu.memory_space<vmem>> -> memref<1x128xi32, #tpu.memory_space<vmem>>
        %dma_wait3A_378 = tpu.memref_squeeze %dma_wait3A_377 : memref<1x128xi32, #tpu.memory_space<vmem>> -> memref<128xi32, #tpu.memory_space<vmem>>
        %dma_wait3A_379 = arith.constant 0 : i32
        %dma_wait3A_380 = tpu.memref_slice %arg3[%add3A, %add3A_348, %dma_wait3A_379] : memref<32x81x128xi32, #tpu.memory_space<hbm>> -> memref<1x1x128xi32, #tpu.memory_space<hbm>>
        %dma_wait3A_381 = tpu.memref_squeeze %dma_wait3A_380 : memref<1x1x128xi32, #tpu.memory_space<hbm>> -> memref<128xi32, #tpu.memory_space<hbm>>
        %dma_wait3A_382 = arith.constant 0 : i32
        %dma_wait3A_383 = tpu.memref_slice %arg8[%dma_wait3A_375, %dma_wait3A_382] : memref<2x128xi32, #tpu.memory_space<vmem>> -> memref<1x128xi32, #tpu.memory_space<vmem>>
        %dma_wait3A_384 = tpu.memref_squeeze %dma_wait3A_383 : memref<1x128xi32, #tpu.memory_space<vmem>> -> memref<128xi32, #tpu.memory_space<vmem>>
        %dma_wait3A_385 = arith.constant 0 : i32
        %dma_wait3A_386 = tpu.memref_slice %arg3[%add3A, %add3A_348, %dma_wait3A_385] : memref<32x81x128xi32, #tpu.memory_space<hbm>> -> memref<1x1x128xi32, #tpu.memory_space<hbm>>
        %dma_wait3A_387 = tpu.memref_squeeze %dma_wait3A_386 : memref<1x1x128xi32, #tpu.memory_space<hbm>> -> memref<128xi32, #tpu.memory_space<hbm>>
        tpu.wait_dma2 semaphore(%arg21 : memref<!tpu.dma_semaphore, #tpu.memory_space<semaphore_mem>>) src(%dma_wait3A_387 : memref<128xi32, #tpu.memory_space<hbm>>) dst(%dma_wait3A_384 : memref<128xi32, #tpu.memory_space<vmem>>)
        %dma_wait3A_388 = arith.constant 1 : i32
        %dma_wait3A_389 = arith.constant 0 : i32
        %dma_wait3A_390 = tpu.memref_slice %arg8[%dma_wait3A_388, %dma_wait3A_389] : memref<2x128xi32, #tpu.memory_space<vmem>> -> memref<1x128xi32, #tpu.memory_space<vmem>>
        %dma_wait3A_391 = tpu.memref_squeeze %dma_wait3A_390 : memref<1x128xi32, #tpu.memory_space<vmem>> -> memref<128xi32, #tpu.memory_space<vmem>>
        %dma_wait3A_392 = arith.constant 0 : i32
        %dma_wait3A_393 = tpu.memref_slice %arg4[%add3A, %add3A_348, %dma_wait3A_392] : memref<32x81x128xi32, #tpu.memory_space<hbm>> -> memref<1x1x128xi32, #tpu.memory_space<hbm>>
        %dma_wait3A_394 = tpu.memref_squeeze %dma_wait3A_393 : memref<1x1x128xi32, #tpu.memory_space<hbm>> -> memref<128xi32, #tpu.memory_space<hbm>>
        %dma_wait3A_395 = arith.constant 0 : i32
        %dma_wait3A_396 = tpu.memref_slice %arg8[%dma_wait3A_388, %dma_wait3A_395] : memref<2x128xi32, #tpu.memory_space<vmem>> -> memref<1x128xi32, #tpu.memory_space<vmem>>
        %dma_wait3A_397 = tpu.memref_squeeze %dma_wait3A_396 : memref<1x128xi32, #tpu.memory_space<vmem>> -> memref<128xi32, #tpu.memory_space<vmem>>
        %dma_wait3A_398 = arith.constant 0 : i32
        %dma_wait3A_399 = tpu.memref_slice %arg4[%add3A, %add3A_348, %dma_wait3A_398] : memref<32x81x128xi32, #tpu.memory_space<hbm>> -> memref<1x1x128xi32, #tpu.memory_space<hbm>>
        %dma_wait3A_400 = tpu.memref_squeeze %dma_wait3A_399 : memref<1x1x128xi32, #tpu.memory_space<hbm>> -> memref<128xi32, #tpu.memory_space<hbm>>
        tpu.wait_dma2 semaphore(%arg21 : memref<!tpu.dma_semaphore, #tpu.memory_space<semaphore_mem>>) src(%dma_wait3A_400 : memref<128xi32, #tpu.memory_space<hbm>>) dst(%dma_wait3A_397 : memref<128xi32, #tpu.memory_space<vmem>>)
        %dma_start3A_401 = arith.constant 0 : i32
        %dma_start3A_402 = arith.constant 0 : i32
        %dma_start3A_403 = tpu.memref_slice %arg8[%dma_start3A_401, %dma_start3A_402] : memref<2x128xi32, #tpu.memory_space<vmem>> -> memref<1x128xi32, #tpu.memory_space<vmem>>
        %dma_start3A_404 = tpu.memref_squeeze %dma_start3A_403 : memref<1x128xi32, #tpu.memory_space<vmem>> -> memref<128xi32, #tpu.memory_space<vmem>>
        %dma_start3A_405 = arith.constant 0 : i32
        %dma_start3A_406 = arith.constant 0 : i32
        %dma_start3A_407 = tpu.memref_slice %arg2[%dma_start3A_405, %dma_start3A_406] : memref<10112x128xf32, #tpu.memory_space<hbm>> -> memref<10112x128xf32, #tpu.memory_space<hbm>>
        tpu.enqueue_indirect_dma source(%dma_start3A_407 : memref<10112x128xf32, #tpu.memory_space<hbm>>) target(%arg11 : memref<128x128xf32, #tpu.memory_space<vmem>>) offsets(%dma_start3A_404 : memref<128xi32, #tpu.memory_space<vmem>>) semaphore(%arg15 : memref<!tpu.dma_semaphore, #tpu.memory_space<semaphore_mem>>)
        %dma_wait3A_408 = arith.constant 1 : i32
        %dma_wait3A_409 = arith.constant 0 : i32
        %dma_wait3A_410 = tpu.memref_slice %arg9[%dma_wait3A_408, %dma_wait3A_409] : memref<2x128xi32, #tpu.memory_space<vmem>> -> memref<1x128xi32, #tpu.memory_space<vmem>>
        %dma_wait3A_411 = tpu.memref_squeeze %dma_wait3A_410 : memref<1x128xi32, #tpu.memory_space<vmem>> -> memref<128xi32, #tpu.memory_space<vmem>>
        %dma_wait3A_412 = arith.constant 0 : i32
        %dma_wait3A_413 = arith.constant 0 : i32
        %dma_wait3A_414 = tpu.memref_slice %arg13[%dma_wait3A_412, %dma_wait3A_413] : memref<10112x128xf32, #tpu.memory_space<vmem_shared>> -> memref<10112x128xf32, #tpu.memory_space<vmem_shared>>
        tpu.wait_indirect_dma semaphore(%arg19 : memref<!tpu.dma_semaphore, #tpu.memory_space<semaphore_mem>>) src(%arg12 : memref<128x128xf32, #tpu.memory_space<vmem>>) dst(%dma_wait3A_414 : memref<10112x128xf32, #tpu.memory_space<vmem_shared>>)
        %add3A_415 = arith.constant 3 : i32
        %add3A_416 = arith.addi %mul3A_223, %add3A_415 : i32
        %add3A_417 = arith.constant 2 : i32
        %add3A_418 = arith.addi %add3A_416, %add3A_417 : i32
        %dma_start3A_419 = arith.constant 0 : i32
        %dma_start3A_420 = arith.constant 0 : i32
        %dma_start3A_421 = tpu.memref_slice %arg9[%dma_start3A_419, %dma_start3A_420] : memref<2x128xi32, #tpu.memory_space<vmem>> -> memref<1x128xi32, #tpu.memory_space<vmem>>
        %dma_start3A_422 = tpu.memref_squeeze %dma_start3A_421 : memref<1x128xi32, #tpu.memory_space<vmem>> -> memref<128xi32, #tpu.memory_space<vmem>>
        %dma_start3A_423 = arith.constant 0 : i32
        %dma_start3A_424 = tpu.memref_slice %arg3[%add3A, %add3A_418, %dma_start3A_423] : memref<32x81x128xi32, #tpu.memory_space<hbm>> -> memref<1x1x128xi32, #tpu.memory_space<hbm>>
        %dma_start3A_425 = tpu.memref_squeeze %dma_start3A_424 : memref<1x1x128xi32, #tpu.memory_space<hbm>> -> memref<128xi32, #tpu.memory_space<hbm>>
        %dma_start3A_426 = arith.constant 0 : i32
        %dma_start3A_427 = tpu.memref_slice %arg9[%dma_start3A_419, %dma_start3A_426] : memref<2x128xi32, #tpu.memory_space<vmem>> -> memref<1x128xi32, #tpu.memory_space<vmem>>
        %dma_start3A_428 = tpu.memref_squeeze %dma_start3A_427 : memref<1x128xi32, #tpu.memory_space<vmem>> -> memref<128xi32, #tpu.memory_space<vmem>>
        %dma_start3A_429 = arith.constant 0 : i32
        %dma_start3A_430 = tpu.memref_slice %arg3[%add3A, %add3A_418, %dma_start3A_429] : memref<32x81x128xi32, #tpu.memory_space<hbm>> -> memref<1x1x128xi32, #tpu.memory_space<hbm>>
        %dma_start3A_431 = tpu.memref_squeeze %dma_start3A_430 : memref<1x1x128xi32, #tpu.memory_space<hbm>> -> memref<128xi32, #tpu.memory_space<hbm>>
        tpu.enqueue_dma source(%dma_start3A_431 : memref<128xi32, #tpu.memory_space<hbm>>) target(%dma_start3A_428 : memref<128xi32, #tpu.memory_space<vmem>>) target_semaphore(%arg22 : memref<!tpu.dma_semaphore, #tpu.memory_space<semaphore_mem>>)
        %dma_start3A_432 = arith.constant 1 : i32
        %dma_start3A_433 = arith.constant 0 : i32
        %dma_start3A_434 = tpu.memref_slice %arg9[%dma_start3A_432, %dma_start3A_433] : memref<2x128xi32, #tpu.memory_space<vmem>> -> memref<1x128xi32, #tpu.memory_space<vmem>>
        %dma_start3A_435 = tpu.memref_squeeze %dma_start3A_434 : memref<1x128xi32, #tpu.memory_space<vmem>> -> memref<128xi32, #tpu.memory_space<vmem>>
        %dma_start3A_436 = arith.constant 0 : i32
        %dma_start3A_437 = tpu.memref_slice %arg4[%add3A, %add3A_418, %dma_start3A_436] : memref<32x81x128xi32, #tpu.memory_space<hbm>> -> memref<1x1x128xi32, #tpu.memory_space<hbm>>
        %dma_start3A_438 = tpu.memref_squeeze %dma_start3A_437 : memref<1x1x128xi32, #tpu.memory_space<hbm>> -> memref<128xi32, #tpu.memory_space<hbm>>
        %dma_start3A_439 = arith.constant 0 : i32
        %dma_start3A_440 = tpu.memref_slice %arg9[%dma_start3A_432, %dma_start3A_439] : memref<2x128xi32, #tpu.memory_space<vmem>> -> memref<1x128xi32, #tpu.memory_space<vmem>>
        %dma_start3A_441 = tpu.memref_squeeze %dma_start3A_440 : memref<1x128xi32, #tpu.memory_space<vmem>> -> memref<128xi32, #tpu.memory_space<vmem>>
        %dma_start3A_442 = arith.constant 0 : i32
        %dma_start3A_443 = tpu.memref_slice %arg4[%add3A, %add3A_418, %dma_start3A_442] : memref<32x81x128xi32, #tpu.memory_space<hbm>> -> memref<1x1x128xi32, #tpu.memory_space<hbm>>
        %dma_start3A_444 = tpu.memref_squeeze %dma_start3A_443 : memref<1x1x128xi32, #tpu.memory_space<hbm>> -> memref<128xi32, #tpu.memory_space<hbm>>
        tpu.enqueue_dma source(%dma_start3A_444 : memref<128xi32, #tpu.memory_space<hbm>>) target(%dma_start3A_441 : memref<128xi32, #tpu.memory_space<vmem>>) target_semaphore(%arg22 : memref<!tpu.dma_semaphore, #tpu.memory_space<semaphore_mem>>)
        %dma_wait3A_445 = arith.constant 0 : i32
        %dma_wait3A_446 = arith.constant 0 : i32
        %dma_wait3A_447 = tpu.memref_slice %arg9[%dma_wait3A_445, %dma_wait3A_446] : memref<2x128xi32, #tpu.memory_space<vmem>> -> memref<1x128xi32, #tpu.memory_space<vmem>>
        %dma_wait3A_448 = tpu.memref_squeeze %dma_wait3A_447 : memref<1x128xi32, #tpu.memory_space<vmem>> -> memref<128xi32, #tpu.memory_space<vmem>>
        %dma_wait3A_449 = arith.constant 0 : i32
        %dma_wait3A_450 = tpu.memref_slice %arg3[%add3A, %add3A_418, %dma_wait3A_449] : memref<32x81x128xi32, #tpu.memory_space<hbm>> -> memref<1x1x128xi32, #tpu.memory_space<hbm>>
        %dma_wait3A_451 = tpu.memref_squeeze %dma_wait3A_450 : memref<1x1x128xi32, #tpu.memory_space<hbm>> -> memref<128xi32, #tpu.memory_space<hbm>>
        %dma_wait3A_452 = arith.constant 0 : i32
        %dma_wait3A_453 = tpu.memref_slice %arg9[%dma_wait3A_445, %dma_wait3A_452] : memref<2x128xi32, #tpu.memory_space<vmem>> -> memref<1x128xi32, #tpu.memory_space<vmem>>
        %dma_wait3A_454 = tpu.memref_squeeze %dma_wait3A_453 : memref<1x128xi32, #tpu.memory_space<vmem>> -> memref<128xi32, #tpu.memory_space<vmem>>
        %dma_wait3A_455 = arith.constant 0 : i32
        %dma_wait3A_456 = tpu.memref_slice %arg3[%add3A, %add3A_418, %dma_wait3A_455] : memref<32x81x128xi32, #tpu.memory_space<hbm>> -> memref<1x1x128xi32, #tpu.memory_space<hbm>>
        %dma_wait3A_457 = tpu.memref_squeeze %dma_wait3A_456 : memref<1x1x128xi32, #tpu.memory_space<hbm>> -> memref<128xi32, #tpu.memory_space<hbm>>
        tpu.wait_dma2 semaphore(%arg22 : memref<!tpu.dma_semaphore, #tpu.memory_space<semaphore_mem>>) src(%dma_wait3A_457 : memref<128xi32, #tpu.memory_space<hbm>>) dst(%dma_wait3A_454 : memref<128xi32, #tpu.memory_space<vmem>>)
        %dma_wait3A_458 = arith.constant 1 : i32
        %dma_wait3A_459 = arith.constant 0 : i32
        %dma_wait3A_460 = tpu.memref_slice %arg9[%dma_wait3A_458, %dma_wait3A_459] : memref<2x128xi32, #tpu.memory_space<vmem>> -> memref<1x128xi32, #tpu.memory_space<vmem>>
        %dma_wait3A_461 = tpu.memref_squeeze %dma_wait3A_460 : memref<1x128xi32, #tpu.memory_space<vmem>> -> memref<128xi32, #tpu.memory_space<vmem>>
        %dma_wait3A_462 = arith.constant 0 : i32
        %dma_wait3A_463 = tpu.memref_slice %arg4[%add3A, %add3A_418, %dma_wait3A_462] : memref<32x81x128xi32, #tpu.memory_space<hbm>> -> memref<1x1x128xi32, #tpu.memory_space<hbm>>
        %dma_wait3A_464 = tpu.memref_squeeze %dma_wait3A_463 : memref<1x1x128xi32, #tpu.memory_space<hbm>> -> memref<128xi32, #tpu.memory_space<hbm>>
        %dma_wait3A_465 = arith.constant 0 : i32
        %dma_wait3A_466 = tpu.memref_slice %arg9[%dma_wait3A_458, %dma_wait3A_465] : memref<2x128xi32, #tpu.memory_space<vmem>> -> memref<1x128xi32, #tpu.memory_space<vmem>>
        %dma_wait3A_467 = tpu.memref_squeeze %dma_wait3A_466 : memref<1x128xi32, #tpu.memory_space<vmem>> -> memref<128xi32, #tpu.memory_space<vmem>>
        %dma_wait3A_468 = arith.constant 0 : i32
        %dma_wait3A_469 = tpu.memref_slice %arg4[%add3A, %add3A_418, %dma_wait3A_468] : memref<32x81x128xi32, #tpu.memory_space<hbm>> -> memref<1x1x128xi32, #tpu.memory_space<hbm>>
        %dma_wait3A_470 = tpu.memref_squeeze %dma_wait3A_469 : memref<1x1x128xi32, #tpu.memory_space<hbm>> -> memref<128xi32, #tpu.memory_space<hbm>>
        tpu.wait_dma2 semaphore(%arg22 : memref<!tpu.dma_semaphore, #tpu.memory_space<semaphore_mem>>) src(%dma_wait3A_470 : memref<128xi32, #tpu.memory_space<hbm>>) dst(%dma_wait3A_467 : memref<128xi32, #tpu.memory_space<vmem>>)
        %dma_start3A_471 = arith.constant 0 : i32
        %dma_start3A_472 = arith.constant 0 : i32
        %dma_start3A_473 = tpu.memref_slice %arg9[%dma_start3A_471, %dma_start3A_472] : memref<2x128xi32, #tpu.memory_space<vmem>> -> memref<1x128xi32, #tpu.memory_space<vmem>>
        %dma_start3A_474 = tpu.memref_squeeze %dma_start3A_473 : memref<1x128xi32, #tpu.memory_space<vmem>> -> memref<128xi32, #tpu.memory_space<vmem>>
        %dma_start3A_475 = arith.constant 0 : i32
        %dma_start3A_476 = arith.constant 0 : i32
        %dma_start3A_477 = tpu.memref_slice %arg2[%dma_start3A_475, %dma_start3A_476] : memref<10112x128xf32, #tpu.memory_space<hbm>> -> memref<10112x128xf32, #tpu.memory_space<hbm>>
        tpu.enqueue_indirect_dma source(%dma_start3A_477 : memref<10112x128xf32, #tpu.memory_space<hbm>>) target(%arg12 : memref<128x128xf32, #tpu.memory_space<vmem>>) offsets(%dma_start3A_474 : memref<128xi32, #tpu.memory_space<vmem>>) semaphore(%arg16 : memref<!tpu.dma_semaphore, #tpu.memory_space<semaphore_mem>>)
      } else {
      }
    }
    %scan3A_194 = arith.constant 27 : i32
    %dma_wait3A_195 = arith.constant 1 : i32
    %dma_wait3A_196 = arith.constant 0 : i32
    %dma_wait3A_197 = tpu.memref_slice %arg7[%dma_wait3A_195, %dma_wait3A_196] : memref<2x128xi32, #tpu.memory_space<vmem>> -> memref<1x128xi32, #tpu.memory_space<vmem>>
    %dma_wait3A_198 = tpu.memref_squeeze %dma_wait3A_197 : memref<1x128xi32, #tpu.memory_space<vmem>> -> memref<128xi32, #tpu.memory_space<vmem>>
    %dma_wait3A_199 = arith.constant 0 : i32
    %dma_wait3A_200 = arith.constant 0 : i32
    %dma_wait3A_201 = tpu.memref_slice %arg13[%dma_wait3A_199, %dma_wait3A_200] : memref<10112x128xf32, #tpu.memory_space<vmem_shared>> -> memref<10112x128xf32, #tpu.memory_space<vmem_shared>>
    tpu.wait_indirect_dma semaphore(%arg17 : memref<!tpu.dma_semaphore, #tpu.memory_space<semaphore_mem>>) src(%arg10 : memref<128x128xf32, #tpu.memory_space<vmem>>) dst(%dma_wait3A_201 : memref<10112x128xf32, #tpu.memory_space<vmem_shared>>)
    %dma_wait3A_202 = arith.constant 1 : i32
    %dma_wait3A_203 = arith.constant 0 : i32
    %dma_wait3A_204 = tpu.memref_slice %arg8[%dma_wait3A_202, %dma_wait3A_203] : memref<2x128xi32, #tpu.memory_space<vmem>> -> memref<1x128xi32, #tpu.memory_space<vmem>>
    %dma_wait3A_205 = tpu.memref_squeeze %dma_wait3A_204 : memref<1x128xi32, #tpu.memory_space<vmem>> -> memref<128xi32, #tpu.memory_space<vmem>>
    %dma_wait3A_206 = arith.constant 0 : i32
    %dma_wait3A_207 = arith.constant 0 : i32
    %dma_wait3A_208 = tpu.memref_slice %arg13[%dma_wait3A_206, %dma_wait3A_207] : memref<10112x128xf32, #tpu.memory_space<vmem_shared>> -> memref<10112x128xf32, #tpu.memory_space<vmem_shared>>
    tpu.wait_indirect_dma semaphore(%arg18 : memref<!tpu.dma_semaphore, #tpu.memory_space<semaphore_mem>>) src(%arg11 : memref<128x128xf32, #tpu.memory_space<vmem>>) dst(%dma_wait3A_208 : memref<10112x128xf32, #tpu.memory_space<vmem_shared>>)
    %dma_wait3A_209 = arith.constant 1 : i32
    %dma_wait3A_210 = arith.constant 0 : i32
    %dma_wait3A_211 = tpu.memref_slice %arg9[%dma_wait3A_209, %dma_wait3A_210] : memref<2x128xi32, #tpu.memory_space<vmem>> -> memref<1x128xi32, #tpu.memory_space<vmem>>
    %dma_wait3A_212 = tpu.memref_squeeze %dma_wait3A_211 : memref<1x128xi32, #tpu.memory_space<vmem>> -> memref<128xi32, #tpu.memory_space<vmem>>
    %dma_wait3A_213 = arith.constant 0 : i32
    %dma_wait3A_214 = arith.constant 0 : i32
    %dma_wait3A_215 = tpu.memref_slice %arg13[%dma_wait3A_213, %dma_wait3A_214] : memref<10112x128xf32, #tpu.memory_space<vmem_shared>> -> memref<10112x128xf32, #tpu.memory_space<vmem_shared>>
    tpu.wait_indirect_dma semaphore(%arg19 : memref<!tpu.dma_semaphore, #tpu.memory_space<semaphore_mem>>) src(%arg12 : memref<128x128xf32, #tpu.memory_space<vmem>>) dst(%dma_wait3A_215 : memref<10112x128xf32, #tpu.memory_space<vmem_shared>>)
    %barrier3A_216 = arith.constant 0 : index
    tpu.barrier barrier_id(%barrier3A_216)
    %mul3A_217 = arith.constant 632 : i32
    %mul3A_218 = arith.muli %arg1, %mul3A_217 : i32
    %mul3A_219 = arith.constant 632 : i32
    %mul3A_220 = arith.muli %arg1, %mul3A_219 : i32
    "tpu.region"() ({
      %run_scoped3A = tpu.sem_alloc : memref<!tpu.dma_semaphore, #tpu.memory_space<semaphore_mem>>
      %dma_start3A_221 = arith.constant 0 : i32
      %dma_start3A_222 = tpu.memref_slice %arg6[%arg0, %mul3A_220, %dma_start3A_221] : memref<2x10112x128xf32, #tpu.memory_space<hbm>> -> memref<1x632x128xf32, #tpu.memory_space<hbm>>
      %dma_start3A_223 = tpu.memref_squeeze %dma_start3A_222 : memref<1x632x128xf32, #tpu.memory_space<hbm>> -> memref<632x128xf32, #tpu.memory_space<hbm>>
      %dma_start3A_224 = arith.constant 0 : i32
      %dma_start3A_225 = tpu.memref_slice %arg13[%mul3A_218, %dma_start3A_224] : memref<10112x128xf32, #tpu.memory_space<vmem_shared>> -> memref<632x128xf32, #tpu.memory_space<vmem_shared>>
      tpu.enqueue_dma source(%dma_start3A_225 : memref<632x128xf32, #tpu.memory_space<vmem_shared>>) target(%dma_start3A_223 : memref<632x128xf32, #tpu.memory_space<hbm>>) target_semaphore(%run_scoped3A : memref<!tpu.dma_semaphore, #tpu.memory_space<semaphore_mem>>)
      %dma_wait3A_226 = arith.constant 0 : i32
      %dma_wait3A_227 = tpu.memref_slice %arg6[%arg0, %mul3A_220, %dma_wait3A_226] : memref<2x10112x128xf32, #tpu.memory_space<hbm>> -> memref<1x632x128xf32, #tpu.memory_space<hbm>>
      %dma_wait3A_228 = tpu.memref_squeeze %dma_wait3A_227 : memref<1x632x128xf32, #tpu.memory_space<hbm>> -> memref<632x128xf32, #tpu.memory_space<hbm>>
      %dma_wait3A_229 = arith.constant 0 : i32
      %dma_wait3A_230 = tpu.memref_slice %arg13[%mul3A_218, %dma_wait3A_229] : memref<10112x128xf32, #tpu.memory_space<vmem_shared>> -> memref<632x128xf32, #tpu.memory_space<vmem_shared>>
      tpu.wait_dma2 semaphore(%run_scoped3A : memref<!tpu.dma_semaphore, #tpu.memory_space<semaphore_mem>>) src(%dma_wait3A_230 : memref<632x128xf32, #tpu.memory_space<vmem_shared>>) dst(%dma_wait3A_228 : memref<632x128xf32, #tpu.memory_space<hbm>>)
      tpu.yield
    }) : () -> ()
    return
  }
}

#map = affine_map<(d0, d1) -> (0, 0)>
#map1 = affine_map<(d0, d1) -> (0, 0, 0)>
module attributes {stable_mosaic.version = 14 : i64} {
  func.func @_mp_body(%arg0: i32, %arg1: i32, %arg2: memref<10112x128xf32, #tpu.memory_space<hbm>>, %arg3: memref<32x81x128xi32, #tpu.memory_space<hbm>>, %arg4: memref<32x81x128xi32, #tpu.memory_space<hbm>>, %arg5: memref<632x128xf32, #tpu.memory_space<hbm>>, %arg6: memref<2x10112x128xf32, #tpu.memory_space<hbm>>, %arg7: memref<2x128xi32, #tpu.memory_space<vmem>>, %arg8: memref<2x128xi32, #tpu.memory_space<vmem>>, %arg9: memref<2x128xi32, #tpu.memory_space<vmem>>, %arg10: memref<128x128xf32, #tpu.memory_space<vmem>>, %arg11: memref<128x128xf32, #tpu.memory_space<vmem>>, %arg12: memref<128x128xf32, #tpu.memory_space<vmem>>, %arg13: memref<10112x128xf32, #tpu.memory_space<vmem_shared>>, %arg14: memref<!tpu.dma_semaphore, #tpu.memory_space<semaphore_mem>>, %arg15: memref<!tpu.dma_semaphore, #tpu.memory_space<semaphore_mem>>, %arg16: memref<!tpu.dma_semaphore, #tpu.memory_space<semaphore_mem>>, %arg17: memref<!tpu.dma_semaphore, #tpu.memory_space<semaphore_mem>>, %arg18: memref<!tpu.dma_semaphore, #tpu.memory_space<semaphore_mem>>, %arg19: memref<!tpu.dma_semaphore, #tpu.memory_space<semaphore_mem>>, %arg20: memref<!tpu.dma_semaphore, #tpu.memory_space<semaphore_mem>>, %arg21: memref<!tpu.dma_semaphore, #tpu.memory_space<semaphore_mem>>, %arg22: memref<!tpu.dma_semaphore, #tpu.memory_space<semaphore_mem>>) attributes {dimension_semantics = [#tpu.dimension_semantics<core_parallel>, #tpu.dimension_semantics<subcore_parallel>], iteration_bounds = array<i64: 2, 16>, scalar_prefetch = 0 : i64, scratch_operands = 16 : i64, tpu.core_type = #tpu.core_type<sc_vector_subcore>, window_params = [{transform_indices = #map}, {transform_indices = #map1}, {transform_indices = #map1}, {transform_indices = #map}, {transform_indices = #map1}]} {
    %mul3A = arith.constant 2 : i32
    %mul3A_0 = arith.muli %arg1, %mul3A : i32
    %add3A = arith.addi %mul3A_0, %arg0 : i32
    %dma_start3A = arith.constant 0 : i32
    %dma_start3A_1 = arith.constant 0 : i32
    %dma_start3A_2 = arith.constant 0 : i32
    %dma_start3A_3 = tpu.memref_slice %arg7[%dma_start3A_1, %dma_start3A_2] : memref<2x128xi32, #tpu.memory_space<vmem>> -> memref<1x128xi32, #tpu.memory_space<vmem>>
    %dma_start3A_4 = tpu.memref_squeeze %dma_start3A_3 : memref<1x128xi32, #tpu.memory_space<vmem>> -> memref<128xi32, #tpu.memory_space<vmem>>
    %dma_start3A_5 = arith.constant 0 : i32
    %dma_start3A_6 = tpu.memref_slice %arg3[%add3A, %dma_start3A, %dma_start3A_5] : memref<32x81x128xi32, #tpu.memory_space<hbm>> -> memref<1x1x128xi32, #tpu.memory_space<hbm>>
    %dma_start3A_7 = tpu.memref_squeeze %dma_start3A_6 : memref<1x1x128xi32, #tpu.memory_space<hbm>> -> memref<128xi32, #tpu.memory_space<hbm>>
    %dma_start3A_8 = arith.constant 0 : i32
    %dma_start3A_9 = tpu.memref_slice %arg7[%dma_start3A_1, %dma_start3A_8] : memref<2x128xi32, #tpu.memory_space<vmem>> -> memref<1x128xi32, #tpu.memory_space<vmem>>
    %dma_start3A_10 = tpu.memref_squeeze %dma_start3A_9 : memref<1x128xi32, #tpu.memory_space<vmem>> -> memref<128xi32, #tpu.memory_space<vmem>>
    %dma_start3A_11 = arith.constant 0 : i32
    %dma_start3A_12 = tpu.memref_slice %arg3[%add3A, %dma_start3A, %dma_start3A_11] : memref<32x81x128xi32, #tpu.memory_space<hbm>> -> memref<1x1x128xi32, #tpu.memory_space<hbm>>
    %dma_start3A_13 = tpu.memref_squeeze %dma_start3A_12 : memref<1x1x128xi32, #tpu.memory_space<hbm>> -> memref<128xi32, #tpu.memory_space<hbm>>
    tpu.enqueue_dma source(%dma_start3A_13 : memref<128xi32, #tpu.memory_space<hbm>>) target(%dma_start3A_10 : memref<128xi32, #tpu.memory_space<vmem>>) target_semaphore(%arg20 : memref<!tpu.dma_semaphore, #tpu.memory_space<semaphore_mem>>)
    %dma_start3A_14 = arith.constant 0 : i32
    %dma_start3A_15 = arith.constant 1 : i32
    %dma_start3A_16 = arith.constant 0 : i32
    %dma_start3A_17 = tpu.memref_slice %arg7[%dma_start3A_15, %dma_start3A_16] : memref<2x128xi32, #tpu.memory_space<vmem>> -> memref<1x128xi32, #tpu.memory_space<vmem>>
    %dma_start3A_18 = tpu.memref_squeeze %dma_start3A_17 : memref<1x128xi32, #tpu.memory_space<vmem>> -> memref<128xi32, #tpu.memory_space<vmem>>
    %dma_start3A_19 = arith.constant 0 : i32
    %dma_start3A_20 = tpu.memref_slice %arg4[%add3A, %dma_start3A_14, %dma_start3A_19] : memref<32x81x128xi32, #tpu.memory_space<hbm>> -> memref<1x1x128xi32, #tpu.memory_space<hbm>>
    %dma_start3A_21 = tpu.memref_squeeze %dma_start3A_20 : memref<1x1x128xi32, #tpu.memory_space<hbm>> -> memref<128xi32, #tpu.memory_space<hbm>>
    %dma_start3A_22 = arith.constant 0 : i32
    %dma_start3A_23 = tpu.memref_slice %arg7[%dma_start3A_15, %dma_start3A_22] : memref<2x128xi32, #tpu.memory_space<vmem>> -> memref<1x128xi32, #tpu.memory_space<vmem>>
    %dma_start3A_24 = tpu.memref_squeeze %dma_start3A_23 : memref<1x128xi32, #tpu.memory_space<vmem>> -> memref<128xi32, #tpu.memory_space<vmem>>
    %dma_start3A_25 = arith.constant 0 : i32
    %dma_start3A_26 = tpu.memref_slice %arg4[%add3A, %dma_start3A_14, %dma_start3A_25] : memref<32x81x128xi32, #tpu.memory_space<hbm>> -> memref<1x1x128xi32, #tpu.memory_space<hbm>>
    %dma_start3A_27 = tpu.memref_squeeze %dma_start3A_26 : memref<1x1x128xi32, #tpu.memory_space<hbm>> -> memref<128xi32, #tpu.memory_space<hbm>>
    tpu.enqueue_dma source(%dma_start3A_27 : memref<128xi32, #tpu.memory_space<hbm>>) target(%dma_start3A_24 : memref<128xi32, #tpu.memory_space<vmem>>) target_semaphore(%arg20 : memref<!tpu.dma_semaphore, #tpu.memory_space<semaphore_mem>>)
    %dma_wait3A = arith.constant 0 : i32
    %dma_wait3A_28 = arith.constant 0 : i32
    %dma_wait3A_29 = arith.constant 0 : i32
    %dma_wait3A_30 = tpu.memref_slice %arg7[%dma_wait3A_28, %dma_wait3A_29] : memref<2x128xi32, #tpu.memory_space<vmem>> -> memref<1x128xi32, #tpu.memory_space<vmem>>
    %dma_wait3A_31 = tpu.memref_squeeze %dma_wait3A_30 : memref<1x128xi32, #tpu.memory_space<vmem>> -> memref<128xi32, #tpu.memory_space<vmem>>
    %dma_wait3A_32 = arith.constant 0 : i32
    %dma_wait3A_33 = tpu.memref_slice %arg3[%add3A, %dma_wait3A, %dma_wait3A_32] : memref<32x81x128xi32, #tpu.memory_space<hbm>> -> memref<1x1x128xi32, #tpu.memory_space<hbm>>
    %dma_wait3A_34 = tpu.memref_squeeze %dma_wait3A_33 : memref<1x1x128xi32, #tpu.memory_space<hbm>> -> memref<128xi32, #tpu.memory_space<hbm>>
    %dma_wait3A_35 = arith.constant 0 : i32
    %dma_wait3A_36 = tpu.memref_slice %arg7[%dma_wait3A_28, %dma_wait3A_35] : memref<2x128xi32, #tpu.memory_space<vmem>> -> memref<1x128xi32, #tpu.memory_space<vmem>>
    %dma_wait3A_37 = tpu.memref_squeeze %dma_wait3A_36 : memref<1x128xi32, #tpu.memory_space<vmem>> -> memref<128xi32, #tpu.memory_space<vmem>>
    %dma_wait3A_38 = arith.constant 0 : i32
    %dma_wait3A_39 = tpu.memref_slice %arg3[%add3A, %dma_wait3A, %dma_wait3A_38] : memref<32x81x128xi32, #tpu.memory_space<hbm>> -> memref<1x1x128xi32, #tpu.memory_space<hbm>>
    %dma_wait3A_40 = tpu.memref_squeeze %dma_wait3A_39 : memref<1x1x128xi32, #tpu.memory_space<hbm>> -> memref<128xi32, #tpu.memory_space<hbm>>
    tpu.wait_dma2 semaphore(%arg20 : memref<!tpu.dma_semaphore, #tpu.memory_space<semaphore_mem>>) src(%dma_wait3A_40 : memref<128xi32, #tpu.memory_space<hbm>>) dst(%dma_wait3A_37 : memref<128xi32, #tpu.memory_space<vmem>>)
    %dma_wait3A_41 = arith.constant 0 : i32
    %dma_wait3A_42 = arith.constant 1 : i32
    %dma_wait3A_43 = arith.constant 0 : i32
    %dma_wait3A_44 = tpu.memref_slice %arg7[%dma_wait3A_42, %dma_wait3A_43] : memref<2x128xi32, #tpu.memory_space<vmem>> -> memref<1x128xi32, #tpu.memory_space<vmem>>
    %dma_wait3A_45 = tpu.memref_squeeze %dma_wait3A_44 : memref<1x128xi32, #tpu.memory_space<vmem>> -> memref<128xi32, #tpu.memory_space<vmem>>
    %dma_wait3A_46 = arith.constant 0 : i32
    %dma_wait3A_47 = tpu.memref_slice %arg4[%add3A, %dma_wait3A_41, %dma_wait3A_46] : memref<32x81x128xi32, #tpu.memory_space<hbm>> -> memref<1x1x128xi32, #tpu.memory_space<hbm>>
    %dma_wait3A_48 = tpu.memref_squeeze %dma_wait3A_47 : memref<1x1x128xi32, #tpu.memory_space<hbm>> -> memref<128xi32, #tpu.memory_space<hbm>>
    %dma_wait3A_49 = arith.constant 0 : i32
    %dma_wait3A_50 = tpu.memref_slice %arg7[%dma_wait3A_42, %dma_wait3A_49] : memref<2x128xi32, #tpu.memory_space<vmem>> -> memref<1x128xi32, #tpu.memory_space<vmem>>
    %dma_wait3A_51 = tpu.memref_squeeze %dma_wait3A_50 : memref<1x128xi32, #tpu.memory_space<vmem>> -> memref<128xi32, #tpu.memory_space<vmem>>
    %dma_wait3A_52 = arith.constant 0 : i32
    %dma_wait3A_53 = tpu.memref_slice %arg4[%add3A, %dma_wait3A_41, %dma_wait3A_52] : memref<32x81x128xi32, #tpu.memory_space<hbm>> -> memref<1x1x128xi32, #tpu.memory_space<hbm>>
    %dma_wait3A_54 = tpu.memref_squeeze %dma_wait3A_53 : memref<1x1x128xi32, #tpu.memory_space<hbm>> -> memref<128xi32, #tpu.memory_space<hbm>>
    tpu.wait_dma2 semaphore(%arg20 : memref<!tpu.dma_semaphore, #tpu.memory_space<semaphore_mem>>) src(%dma_wait3A_54 : memref<128xi32, #tpu.memory_space<hbm>>) dst(%dma_wait3A_51 : memref<128xi32, #tpu.memory_space<vmem>>)
    %dma_start3A_55 = arith.constant 0 : i32
    %dma_start3A_56 = arith.constant 0 : i32
    %dma_start3A_57 = tpu.memref_slice %arg7[%dma_start3A_55, %dma_start3A_56] : memref<2x128xi32, #tpu.memory_space<vmem>> -> memref<1x128xi32, #tpu.memory_space<vmem>>
    %dma_start3A_58 = tpu.memref_squeeze %dma_start3A_57 : memref<1x128xi32, #tpu.memory_space<vmem>> -> memref<128xi32, #tpu.memory_space<vmem>>
    %dma_start3A_59 = arith.constant 0 : i32
    %dma_start3A_60 = arith.constant 0 : i32
    %dma_start3A_61 = tpu.memref_slice %arg2[%dma_start3A_59, %dma_start3A_60] : memref<10112x128xf32, #tpu.memory_space<hbm>> -> memref<10112x128xf32, #tpu.memory_space<hbm>>
    tpu.enqueue_indirect_dma source(%dma_start3A_61 : memref<10112x128xf32, #tpu.memory_space<hbm>>) target(%arg10 : memref<128x128xf32, #tpu.memory_space<vmem>>) offsets(%dma_start3A_58 : memref<128xi32, #tpu.memory_space<vmem>>) semaphore(%arg14 : memref<!tpu.dma_semaphore, #tpu.memory_space<semaphore_mem>>)
    %dma_start3A_62 = arith.constant 1 : i32
    %dma_start3A_63 = arith.constant 0 : i32
    %dma_start3A_64 = arith.constant 0 : i32
    %dma_start3A_65 = tpu.memref_slice %arg8[%dma_start3A_63, %dma_start3A_64] : memref<2x128xi32, #tpu.memory_space<vmem>> -> memref<1x128xi32, #tpu.memory_space<vmem>>
    %dma_start3A_66 = tpu.memref_squeeze %dma_start3A_65 : memref<1x128xi32, #tpu.memory_space<vmem>> -> memref<128xi32, #tpu.memory_space<vmem>>
    %dma_start3A_67 = arith.constant 0 : i32
    %dma_start3A_68 = tpu.memref_slice %arg3[%add3A, %dma_start3A_62, %dma_start3A_67] : memref<32x81x128xi32, #tpu.memory_space<hbm>> -> memref<1x1x128xi32, #tpu.memory_space<hbm>>
    %dma_start3A_69 = tpu.memref_squeeze %dma_start3A_68 : memref<1x1x128xi32, #tpu.memory_space<hbm>> -> memref<128xi32, #tpu.memory_space<hbm>>
    %dma_start3A_70 = arith.constant 0 : i32
    %dma_start3A_71 = tpu.memref_slice %arg8[%dma_start3A_63, %dma_start3A_70] : memref<2x128xi32, #tpu.memory_space<vmem>> -> memref<1x128xi32, #tpu.memory_space<vmem>>
    %dma_start3A_72 = tpu.memref_squeeze %dma_start3A_71 : memref<1x128xi32, #tpu.memory_space<vmem>> -> memref<128xi32, #tpu.memory_space<vmem>>
    %dma_start3A_73 = arith.constant 0 : i32
    %dma_start3A_74 = tpu.memref_slice %arg3[%add3A, %dma_start3A_62, %dma_start3A_73] : memref<32x81x128xi32, #tpu.memory_space<hbm>> -> memref<1x1x128xi32, #tpu.memory_space<hbm>>
    %dma_start3A_75 = tpu.memref_squeeze %dma_start3A_74 : memref<1x1x128xi32, #tpu.memory_space<hbm>> -> memref<128xi32, #tpu.memory_space<hbm>>
    tpu.enqueue_dma source(%dma_start3A_75 : memref<128xi32, #tpu.memory_space<hbm>>) target(%dma_start3A_72 : memref<128xi32, #tpu.memory_space<vmem>>) target_semaphore(%arg21 : memref<!tpu.dma_semaphore, #tpu.memory_space<semaphore_mem>>)
    %dma_start3A_76 = arith.constant 1 : i32
    %dma_start3A_77 = arith.constant 1 : i32
    %dma_start3A_78 = arith.constant 0 : i32
    %dma_start3A_79 = tpu.memref_slice %arg8[%dma_start3A_77, %dma_start3A_78] : memref<2x128xi32, #tpu.memory_space<vmem>> -> memref<1x128xi32, #tpu.memory_space<vmem>>
    %dma_start3A_80 = tpu.memref_squeeze %dma_start3A_79 : memref<1x128xi32, #tpu.memory_space<vmem>> -> memref<128xi32, #tpu.memory_space<vmem>>
    %dma_start3A_81 = arith.constant 0 : i32
    %dma_start3A_82 = tpu.memref_slice %arg4[%add3A, %dma_start3A_76, %dma_start3A_81] : memref<32x81x128xi32, #tpu.memory_space<hbm>> -> memref<1x1x128xi32, #tpu.memory_space<hbm>>
    %dma_start3A_83 = tpu.memref_squeeze %dma_start3A_82 : memref<1x1x128xi32, #tpu.memory_space<hbm>> -> memref<128xi32, #tpu.memory_space<hbm>>
    %dma_start3A_84 = arith.constant 0 : i32
    %dma_start3A_85 = tpu.memref_slice %arg8[%dma_start3A_77, %dma_start3A_84] : memref<2x128xi32, #tpu.memory_space<vmem>> -> memref<1x128xi32, #tpu.memory_space<vmem>>
    %dma_start3A_86 = tpu.memref_squeeze %dma_start3A_85 : memref<1x128xi32, #tpu.memory_space<vmem>> -> memref<128xi32, #tpu.memory_space<vmem>>
    %dma_start3A_87 = arith.constant 0 : i32
    %dma_start3A_88 = tpu.memref_slice %arg4[%add3A, %dma_start3A_76, %dma_start3A_87] : memref<32x81x128xi32, #tpu.memory_space<hbm>> -> memref<1x1x128xi32, #tpu.memory_space<hbm>>
    %dma_start3A_89 = tpu.memref_squeeze %dma_start3A_88 : memref<1x1x128xi32, #tpu.memory_space<hbm>> -> memref<128xi32, #tpu.memory_space<hbm>>
    tpu.enqueue_dma source(%dma_start3A_89 : memref<128xi32, #tpu.memory_space<hbm>>) target(%dma_start3A_86 : memref<128xi32, #tpu.memory_space<vmem>>) target_semaphore(%arg21 : memref<!tpu.dma_semaphore, #tpu.memory_space<semaphore_mem>>)
    %dma_wait3A_90 = arith.constant 1 : i32
    %dma_wait3A_91 = arith.constant 0 : i32
    %dma_wait3A_92 = arith.constant 0 : i32
    %dma_wait3A_93 = tpu.memref_slice %arg8[%dma_wait3A_91, %dma_wait3A_92] : memref<2x128xi32, #tpu.memory_space<vmem>> -> memref<1x128xi32, #tpu.memory_space<vmem>>
    %dma_wait3A_94 = tpu.memref_squeeze %dma_wait3A_93 : memref<1x128xi32, #tpu.memory_space<vmem>> -> memref<128xi32, #tpu.memory_space<vmem>>
    %dma_wait3A_95 = arith.constant 0 : i32
    %dma_wait3A_96 = tpu.memref_slice %arg3[%add3A, %dma_wait3A_90, %dma_wait3A_95] : memref<32x81x128xi32, #tpu.memory_space<hbm>> -> memref<1x1x128xi32, #tpu.memory_space<hbm>>
    %dma_wait3A_97 = tpu.memref_squeeze %dma_wait3A_96 : memref<1x1x128xi32, #tpu.memory_space<hbm>> -> memref<128xi32, #tpu.memory_space<hbm>>
    %dma_wait3A_98 = arith.constant 0 : i32
    %dma_wait3A_99 = tpu.memref_slice %arg8[%dma_wait3A_91, %dma_wait3A_98] : memref<2x128xi32, #tpu.memory_space<vmem>> -> memref<1x128xi32, #tpu.memory_space<vmem>>
    %dma_wait3A_100 = tpu.memref_squeeze %dma_wait3A_99 : memref<1x128xi32, #tpu.memory_space<vmem>> -> memref<128xi32, #tpu.memory_space<vmem>>
    %dma_wait3A_101 = arith.constant 0 : i32
    %dma_wait3A_102 = tpu.memref_slice %arg3[%add3A, %dma_wait3A_90, %dma_wait3A_101] : memref<32x81x128xi32, #tpu.memory_space<hbm>> -> memref<1x1x128xi32, #tpu.memory_space<hbm>>
    %dma_wait3A_103 = tpu.memref_squeeze %dma_wait3A_102 : memref<1x1x128xi32, #tpu.memory_space<hbm>> -> memref<128xi32, #tpu.memory_space<hbm>>
    tpu.wait_dma2 semaphore(%arg21 : memref<!tpu.dma_semaphore, #tpu.memory_space<semaphore_mem>>) src(%dma_wait3A_103 : memref<128xi32, #tpu.memory_space<hbm>>) dst(%dma_wait3A_100 : memref<128xi32, #tpu.memory_space<vmem>>)
    %dma_wait3A_104 = arith.constant 1 : i32
    %dma_wait3A_105 = arith.constant 1 : i32
    %dma_wait3A_106 = arith.constant 0 : i32
    %dma_wait3A_107 = tpu.memref_slice %arg8[%dma_wait3A_105, %dma_wait3A_106] : memref<2x128xi32, #tpu.memory_space<vmem>> -> memref<1x128xi32, #tpu.memory_space<vmem>>
    %dma_wait3A_108 = tpu.memref_squeeze %dma_wait3A_107 : memref<1x128xi32, #tpu.memory_space<vmem>> -> memref<128xi32, #tpu.memory_space<vmem>>
    %dma_wait3A_109 = arith.constant 0 : i32
    %dma_wait3A_110 = tpu.memref_slice %arg4[%add3A, %dma_wait3A_104, %dma_wait3A_109] : memref<32x81x128xi32, #tpu.memory_space<hbm>> -> memref<1x1x128xi32, #tpu.memory_space<hbm>>
    %dma_wait3A_111 = tpu.memref_squeeze %dma_wait3A_110 : memref<1x1x128xi32, #tpu.memory_space<hbm>> -> memref<128xi32, #tpu.memory_space<hbm>>
    %dma_wait3A_112 = arith.constant 0 : i32
    %dma_wait3A_113 = tpu.memref_slice %arg8[%dma_wait3A_105, %dma_wait3A_112] : memref<2x128xi32, #tpu.memory_space<vmem>> -> memref<1x128xi32, #tpu.memory_space<vmem>>
    %dma_wait3A_114 = tpu.memref_squeeze %dma_wait3A_113 : memref<1x128xi32, #tpu.memory_space<vmem>> -> memref<128xi32, #tpu.memory_space<vmem>>
    %dma_wait3A_115 = arith.constant 0 : i32
    %dma_wait3A_116 = tpu.memref_slice %arg4[%add3A, %dma_wait3A_104, %dma_wait3A_115] : memref<32x81x128xi32, #tpu.memory_space<hbm>> -> memref<1x1x128xi32, #tpu.memory_space<hbm>>
    %dma_wait3A_117 = tpu.memref_squeeze %dma_wait3A_116 : memref<1x1x128xi32, #tpu.memory_space<hbm>> -> memref<128xi32, #tpu.memory_space<hbm>>
    tpu.wait_dma2 semaphore(%arg21 : memref<!tpu.dma_semaphore, #tpu.memory_space<semaphore_mem>>) src(%dma_wait3A_117 : memref<128xi32, #tpu.memory_space<hbm>>) dst(%dma_wait3A_114 : memref<128xi32, #tpu.memory_space<vmem>>)
    %dma_start3A_118 = arith.constant 0 : i32
    %dma_start3A_119 = arith.constant 0 : i32
    %dma_start3A_120 = tpu.memref_slice %arg8[%dma_start3A_118, %dma_start3A_119] : memref<2x128xi32, #tpu.memory_space<vmem>> -> memref<1x128xi32, #tpu.memory_space<vmem>>
    %dma_start3A_121 = tpu.memref_squeeze %dma_start3A_120 : memref<1x128xi32, #tpu.memory_space<vmem>> -> memref<128xi32, #tpu.memory_space<vmem>>
    %dma_start3A_122 = arith.constant 0 : i32
    %dma_start3A_123 = arith.constant 0 : i32
    %dma_start3A_124 = tpu.memref_slice %arg2[%dma_start3A_122, %dma_start3A_123] : memref<10112x128xf32, #tpu.memory_space<hbm>> -> memref<10112x128xf32, #tpu.memory_space<hbm>>
    tpu.enqueue_indirect_dma source(%dma_start3A_124 : memref<10112x128xf32, #tpu.memory_space<hbm>>) target(%arg11 : memref<128x128xf32, #tpu.memory_space<vmem>>) offsets(%dma_start3A_121 : memref<128xi32, #tpu.memory_space<vmem>>) semaphore(%arg15 : memref<!tpu.dma_semaphore, #tpu.memory_space<semaphore_mem>>)
    %dma_start3A_125 = arith.constant 2 : i32
    %dma_start3A_126 = arith.constant 0 : i32
    %dma_start3A_127 = arith.constant 0 : i32
    %dma_start3A_128 = tpu.memref_slice %arg9[%dma_start3A_126, %dma_start3A_127] : memref<2x128xi32, #tpu.memory_space<vmem>> -> memref<1x128xi32, #tpu.memory_space<vmem>>
    %dma_start3A_129 = tpu.memref_squeeze %dma_start3A_128 : memref<1x128xi32, #tpu.memory_space<vmem>> -> memref<128xi32, #tpu.memory_space<vmem>>
    %dma_start3A_130 = arith.constant 0 : i32
    %dma_start3A_131 = tpu.memref_slice %arg3[%add3A, %dma_start3A_125, %dma_start3A_130] : memref<32x81x128xi32, #tpu.memory_space<hbm>> -> memref<1x1x128xi32, #tpu.memory_space<hbm>>
    %dma_start3A_132 = tpu.memref_squeeze %dma_start3A_131 : memref<1x1x128xi32, #tpu.memory_space<hbm>> -> memref<128xi32, #tpu.memory_space<hbm>>
    %dma_start3A_133 = arith.constant 0 : i32
    %dma_start3A_134 = tpu.memref_slice %arg9[%dma_start3A_126, %dma_start3A_133] : memref<2x128xi32, #tpu.memory_space<vmem>> -> memref<1x128xi32, #tpu.memory_space<vmem>>
    %dma_start3A_135 = tpu.memref_squeeze %dma_start3A_134 : memref<1x128xi32, #tpu.memory_space<vmem>> -> memref<128xi32, #tpu.memory_space<vmem>>
    %dma_start3A_136 = arith.constant 0 : i32
    %dma_start3A_137 = tpu.memref_slice %arg3[%add3A, %dma_start3A_125, %dma_start3A_136] : memref<32x81x128xi32, #tpu.memory_space<hbm>> -> memref<1x1x128xi32, #tpu.memory_space<hbm>>
    %dma_start3A_138 = tpu.memref_squeeze %dma_start3A_137 : memref<1x1x128xi32, #tpu.memory_space<hbm>> -> memref<128xi32, #tpu.memory_space<hbm>>
    tpu.enqueue_dma source(%dma_start3A_138 : memref<128xi32, #tpu.memory_space<hbm>>) target(%dma_start3A_135 : memref<128xi32, #tpu.memory_space<vmem>>) target_semaphore(%arg22 : memref<!tpu.dma_semaphore, #tpu.memory_space<semaphore_mem>>)
    %dma_start3A_139 = arith.constant 2 : i32
    %dma_start3A_140 = arith.constant 1 : i32
    %dma_start3A_141 = arith.constant 0 : i32
    %dma_start3A_142 = tpu.memref_slice %arg9[%dma_start3A_140, %dma_start3A_141] : memref<2x128xi32, #tpu.memory_space<vmem>> -> memref<1x128xi32, #tpu.memory_space<vmem>>
    %dma_start3A_143 = tpu.memref_squeeze %dma_start3A_142 : memref<1x128xi32, #tpu.memory_space<vmem>> -> memref<128xi32, #tpu.memory_space<vmem>>
    %dma_start3A_144 = arith.constant 0 : i32
    %dma_start3A_145 = tpu.memref_slice %arg4[%add3A, %dma_start3A_139, %dma_start3A_144] : memref<32x81x128xi32, #tpu.memory_space<hbm>> -> memref<1x1x128xi32, #tpu.memory_space<hbm>>
    %dma_start3A_146 = tpu.memref_squeeze %dma_start3A_145 : memref<1x1x128xi32, #tpu.memory_space<hbm>> -> memref<128xi32, #tpu.memory_space<hbm>>
    %dma_start3A_147 = arith.constant 0 : i32
    %dma_start3A_148 = tpu.memref_slice %arg9[%dma_start3A_140, %dma_start3A_147] : memref<2x128xi32, #tpu.memory_space<vmem>> -> memref<1x128xi32, #tpu.memory_space<vmem>>
    %dma_start3A_149 = tpu.memref_squeeze %dma_start3A_148 : memref<1x128xi32, #tpu.memory_space<vmem>> -> memref<128xi32, #tpu.memory_space<vmem>>
    %dma_start3A_150 = arith.constant 0 : i32
    %dma_start3A_151 = tpu.memref_slice %arg4[%add3A, %dma_start3A_139, %dma_start3A_150] : memref<32x81x128xi32, #tpu.memory_space<hbm>> -> memref<1x1x128xi32, #tpu.memory_space<hbm>>
    %dma_start3A_152 = tpu.memref_squeeze %dma_start3A_151 : memref<1x1x128xi32, #tpu.memory_space<hbm>> -> memref<128xi32, #tpu.memory_space<hbm>>
    tpu.enqueue_dma source(%dma_start3A_152 : memref<128xi32, #tpu.memory_space<hbm>>) target(%dma_start3A_149 : memref<128xi32, #tpu.memory_space<vmem>>) target_semaphore(%arg22 : memref<!tpu.dma_semaphore, #tpu.memory_space<semaphore_mem>>)
    %dma_wait3A_153 = arith.constant 2 : i32
    %dma_wait3A_154 = arith.constant 0 : i32
    %dma_wait3A_155 = arith.constant 0 : i32
    %dma_wait3A_156 = tpu.memref_slice %arg9[%dma_wait3A_154, %dma_wait3A_155] : memref<2x128xi32, #tpu.memory_space<vmem>> -> memref<1x128xi32, #tpu.memory_space<vmem>>
    %dma_wait3A_157 = tpu.memref_squeeze %dma_wait3A_156 : memref<1x128xi32, #tpu.memory_space<vmem>> -> memref<128xi32, #tpu.memory_space<vmem>>
    %dma_wait3A_158 = arith.constant 0 : i32
    %dma_wait3A_159 = tpu.memref_slice %arg3[%add3A, %dma_wait3A_153, %dma_wait3A_158] : memref<32x81x128xi32, #tpu.memory_space<hbm>> -> memref<1x1x128xi32, #tpu.memory_space<hbm>>
    %dma_wait3A_160 = tpu.memref_squeeze %dma_wait3A_159 : memref<1x1x128xi32, #tpu.memory_space<hbm>> -> memref<128xi32, #tpu.memory_space<hbm>>
    %dma_wait3A_161 = arith.constant 0 : i32
    %dma_wait3A_162 = tpu.memref_slice %arg9[%dma_wait3A_154, %dma_wait3A_161] : memref<2x128xi32, #tpu.memory_space<vmem>> -> memref<1x128xi32, #tpu.memory_space<vmem>>
    %dma_wait3A_163 = tpu.memref_squeeze %dma_wait3A_162 : memref<1x128xi32, #tpu.memory_space<vmem>> -> memref<128xi32, #tpu.memory_space<vmem>>
    %dma_wait3A_164 = arith.constant 0 : i32
    %dma_wait3A_165 = tpu.memref_slice %arg3[%add3A, %dma_wait3A_153, %dma_wait3A_164] : memref<32x81x128xi32, #tpu.memory_space<hbm>> -> memref<1x1x128xi32, #tpu.memory_space<hbm>>
    %dma_wait3A_166 = tpu.memref_squeeze %dma_wait3A_165 : memref<1x1x128xi32, #tpu.memory_space<hbm>> -> memref<128xi32, #tpu.memory_space<hbm>>
    tpu.wait_dma2 semaphore(%arg22 : memref<!tpu.dma_semaphore, #tpu.memory_space<semaphore_mem>>) src(%dma_wait3A_166 : memref<128xi32, #tpu.memory_space<hbm>>) dst(%dma_wait3A_163 : memref<128xi32, #tpu.memory_space<vmem>>)
    %dma_wait3A_167 = arith.constant 2 : i32
    %dma_wait3A_168 = arith.constant 1 : i32
    %dma_wait3A_169 = arith.constant 0 : i32
    %dma_wait3A_170 = tpu.memref_slice %arg9[%dma_wait3A_168, %dma_wait3A_169] : memref<2x128xi32, #tpu.memory_space<vmem>> -> memref<1x128xi32, #tpu.memory_space<vmem>>
    %dma_wait3A_171 = tpu.memref_squeeze %dma_wait3A_170 : memref<1x128xi32, #tpu.memory_space<vmem>> -> memref<128xi32, #tpu.memory_space<vmem>>
    %dma_wait3A_172 = arith.constant 0 : i32
    %dma_wait3A_173 = tpu.memref_slice %arg4[%add3A, %dma_wait3A_167, %dma_wait3A_172] : memref<32x81x128xi32, #tpu.memory_space<hbm>> -> memref<1x1x128xi32, #tpu.memory_space<hbm>>
    %dma_wait3A_174 = tpu.memref_squeeze %dma_wait3A_173 : memref<1x1x128xi32, #tpu.memory_space<hbm>> -> memref<128xi32, #tpu.memory_space<hbm>>
    %dma_wait3A_175 = arith.constant 0 : i32
    %dma_wait3A_176 = tpu.memref_slice %arg9[%dma_wait3A_168, %dma_wait3A_175] : memref<2x128xi32, #tpu.memory_space<vmem>> -> memref<1x128xi32, #tpu.memory_space<vmem>>
    %dma_wait3A_177 = tpu.memref_squeeze %dma_wait3A_176 : memref<1x128xi32, #tpu.memory_space<vmem>> -> memref<128xi32, #tpu.memory_space<vmem>>
    %dma_wait3A_178 = arith.constant 0 : i32
    %dma_wait3A_179 = tpu.memref_slice %arg4[%add3A, %dma_wait3A_167, %dma_wait3A_178] : memref<32x81x128xi32, #tpu.memory_space<hbm>> -> memref<1x1x128xi32, #tpu.memory_space<hbm>>
    %dma_wait3A_180 = tpu.memref_squeeze %dma_wait3A_179 : memref<1x1x128xi32, #tpu.memory_space<hbm>> -> memref<128xi32, #tpu.memory_space<hbm>>
    tpu.wait_dma2 semaphore(%arg22 : memref<!tpu.dma_semaphore, #tpu.memory_space<semaphore_mem>>) src(%dma_wait3A_180 : memref<128xi32, #tpu.memory_space<hbm>>) dst(%dma_wait3A_177 : memref<128xi32, #tpu.memory_space<vmem>>)
    %dma_start3A_181 = arith.constant 0 : i32
    %dma_start3A_182 = arith.constant 0 : i32
    %dma_start3A_183 = tpu.memref_slice %arg9[%dma_start3A_181, %dma_start3A_182] : memref<2x128xi32, #tpu.memory_space<vmem>> -> memref<1x128xi32, #tpu.memory_space<vmem>>
    %dma_start3A_184 = tpu.memref_squeeze %dma_start3A_183 : memref<1x128xi32, #tpu.memory_space<vmem>> -> memref<128xi32, #tpu.memory_space<vmem>>
    %dma_start3A_185 = arith.constant 0 : i32
    %dma_start3A_186 = arith.constant 0 : i32
    %dma_start3A_187 = tpu.memref_slice %arg2[%dma_start3A_185, %dma_start3A_186] : memref<10112x128xf32, #tpu.memory_space<hbm>> -> memref<10112x128xf32, #tpu.memory_space<hbm>>
    tpu.enqueue_indirect_dma source(%dma_start3A_187 : memref<10112x128xf32, #tpu.memory_space<hbm>>) target(%arg12 : memref<128x128xf32, #tpu.memory_space<vmem>>) offsets(%dma_start3A_184 : memref<128xi32, #tpu.memory_space<vmem>>) semaphore(%arg16 : memref<!tpu.dma_semaphore, #tpu.memory_space<semaphore_mem>>)
    %mul3A_188 = arith.constant 632 : i32
    %mul3A_189 = arith.muli %arg1, %mul3A_188 : i32
    "tpu.region"() ({
      %run_scoped3A = tpu.sem_alloc : memref<!tpu.dma_semaphore, #tpu.memory_space<semaphore_mem>>
      %dma_start3A_221 = arith.constant 0 : i32
      %dma_start3A_222 = tpu.memref_slice %arg13[%mul3A_189, %dma_start3A_221] : memref<10112x128xf32, #tpu.memory_space<vmem_shared>> -> memref<632x128xf32, #tpu.memory_space<vmem_shared>>
      tpu.enqueue_dma source(%arg5 : memref<632x128xf32, #tpu.memory_space<hbm>>) target(%dma_start3A_222 : memref<632x128xf32, #tpu.memory_space<vmem_shared>>) target_semaphore(%run_scoped3A : memref<!tpu.dma_semaphore, #tpu.memory_space<semaphore_mem>>)
      %dma_wait3A_223 = arith.constant 0 : i32
      %dma_wait3A_224 = tpu.memref_slice %arg13[%mul3A_189, %dma_wait3A_223] : memref<10112x128xf32, #tpu.memory_space<vmem_shared>> -> memref<632x128xf32, #tpu.memory_space<vmem_shared>>
      tpu.wait_dma2 semaphore(%run_scoped3A : memref<!tpu.dma_semaphore, #tpu.memory_space<semaphore_mem>>) src(%arg5 : memref<632x128xf32, #tpu.memory_space<hbm>>) dst(%dma_wait3A_224 : memref<632x128xf32, #tpu.memory_space<vmem_shared>>)
      tpu.yield
    }) : () -> ()
    %barrier3A = arith.constant 0 : index
    tpu.barrier barrier_id(%barrier3A)
    %scan3A = arith.constant 0 : i32
    %scan3A_190 = arith.constant 0 : i32
    %scan3A_191 = arith.constant 27 : i32
    %scan3A_192 = arith.addi %scan3A_190, %scan3A_191 : i32
    %scan3A_193 = arith.constant 1 : i32
    scf.for %scan3A_221 = %scan3A_190 to %scan3A_192 step %scan3A_193  : i32 {
      %mul3A_222 = arith.constant 3 : i32
      %mul3A_223 = arith.muli %mul3A_222, %scan3A_221 : i32
      %dma_wait3A_224 = arith.constant 0 : i32
      %dma_wait3A_225 = arith.constant 0 : i32
      %dma_wait3A_226 = tpu.memref_slice %arg7[%dma_wait3A_224, %dma_wait3A_225] : memref<2x128xi32, #tpu.memory_space<vmem>> -> memref<1x128xi32, #tpu.memory_space<vmem>>
      %dma_wait3A_227 = tpu.memref_squeeze %dma_wait3A_226 : memref<1x128xi32, #tpu.memory_space<vmem>> -> memref<128xi32, #tpu.memory_space<vmem>>
      %dma_wait3A_228 = arith.constant 0 : i32
      %dma_wait3A_229 = arith.constant 0 : i32
      %dma_wait3A_230 = tpu.memref_slice %arg2[%dma_wait3A_228, %dma_wait3A_229] : memref<10112x128xf32, #tpu.memory_space<hbm>> -> memref<10112x128xf32, #tpu.memory_space<hbm>>
      tpu.wait_indirect_dma semaphore(%arg14 : memref<!tpu.dma_semaphore, #tpu.memory_space<semaphore_mem>>) src(%dma_wait3A_230 : memref<10112x128xf32, #tpu.memory_space<hbm>>) dst(%arg10 : memref<128x128xf32, #tpu.memory_space<vmem>>)
      %dma_start3A_231 = arith.constant 1 : i32
      %dma_start3A_232 = arith.constant 0 : i32
      %dma_start3A_233 = tpu.memref_slice %arg7[%dma_start3A_231, %dma_start3A_232] : memref<2x128xi32, #tpu.memory_space<vmem>> -> memref<1x128xi32, #tpu.memory_space<vmem>>
      %dma_start3A_234 = tpu.memref_squeeze %dma_start3A_233 : memref<1x128xi32, #tpu.memory_space<vmem>> -> memref<128xi32, #tpu.memory_space<vmem>>
      %dma_start3A_235 = arith.constant 0 : i32
      %dma_start3A_236 = arith.constant 0 : i32
      %dma_start3A_237 = tpu.memref_slice %arg13[%dma_start3A_235, %dma_start3A_236] : memref<10112x128xf32, #tpu.memory_space<vmem_shared>> -> memref<10112x128xf32, #tpu.memory_space<vmem_shared>>
      tpu.enqueue_indirect_dma source(%arg10 : memref<128x128xf32, #tpu.memory_space<vmem>>) target(%dma_start3A_237 : memref<10112x128xf32, #tpu.memory_space<vmem_shared>>) offsets(%dma_start3A_234 : memref<128xi32, #tpu.memory_space<vmem>>) semaphore(%arg17 : memref<!tpu.dma_semaphore, #tpu.memory_space<semaphore_mem>>) {add = true}
      %dma_wait3A_238 = arith.constant 0 : i32
      %dma_wait3A_239 = arith.constant 0 : i32
      %dma_wait3A_240 = tpu.memref_slice %arg8[%dma_wait3A_238, %dma_wait3A_239] : memref<2x128xi32, #tpu.memory_space<vmem>> -> memref<1x128xi32, #tpu.memory_space<vmem>>
      %dma_wait3A_241 = tpu.memref_squeeze %dma_wait3A_240 : memref<1x128xi32, #tpu.memory_space<vmem>> -> memref<128xi32, #tpu.memory_space<vmem>>
      %dma_wait3A_242 = arith.constant 0 : i32
      %dma_wait3A_243 = arith.constant 0 : i32
      %dma_wait3A_244 = tpu.memref_slice %arg2[%dma_wait3A_242, %dma_wait3A_243] : memref<10112x128xf32, #tpu.memory_space<hbm>> -> memref<10112x128xf32, #tpu.memory_space<hbm>>
      tpu.wait_indirect_dma semaphore(%arg15 : memref<!tpu.dma_semaphore, #tpu.memory_space<semaphore_mem>>) src(%dma_wait3A_244 : memref<10112x128xf32, #tpu.memory_space<hbm>>) dst(%arg11 : memref<128x128xf32, #tpu.memory_space<vmem>>)
      %dma_start3A_245 = arith.constant 1 : i32
      %dma_start3A_246 = arith.constant 0 : i32
      %dma_start3A_247 = tpu.memref_slice %arg8[%dma_start3A_245, %dma_start3A_246] : memref<2x128xi32, #tpu.memory_space<vmem>> -> memref<1x128xi32, #tpu.memory_space<vmem>>
      %dma_start3A_248 = tpu.memref_squeeze %dma_start3A_247 : memref<1x128xi32, #tpu.memory_space<vmem>> -> memref<128xi32, #tpu.memory_space<vmem>>
      %dma_start3A_249 = arith.constant 0 : i32
      %dma_start3A_250 = arith.constant 0 : i32
      %dma_start3A_251 = tpu.memref_slice %arg13[%dma_start3A_249, %dma_start3A_250] : memref<10112x128xf32, #tpu.memory_space<vmem_shared>> -> memref<10112x128xf32, #tpu.memory_space<vmem_shared>>
      tpu.enqueue_indirect_dma source(%arg11 : memref<128x128xf32, #tpu.memory_space<vmem>>) target(%dma_start3A_251 : memref<10112x128xf32, #tpu.memory_space<vmem_shared>>) offsets(%dma_start3A_248 : memref<128xi32, #tpu.memory_space<vmem>>) semaphore(%arg18 : memref<!tpu.dma_semaphore, #tpu.memory_space<semaphore_mem>>) {add = true}
      %dma_wait3A_252 = arith.constant 0 : i32
      %dma_wait3A_253 = arith.constant 0 : i32
      %dma_wait3A_254 = tpu.memref_slice %arg9[%dma_wait3A_252, %dma_wait3A_253] : memref<2x128xi32, #tpu.memory_space<vmem>> -> memref<1x128xi32, #tpu.memory_space<vmem>>
      %dma_wait3A_255 = tpu.memref_squeeze %dma_wait3A_254 : memref<1x128xi32, #tpu.memory_space<vmem>> -> memref<128xi32, #tpu.memory_space<vmem>>
      %dma_wait3A_256 = arith.constant 0 : i32
      %dma_wait3A_257 = arith.constant 0 : i32
      %dma_wait3A_258 = tpu.memref_slice %arg2[%dma_wait3A_256, %dma_wait3A_257] : memref<10112x128xf32, #tpu.memory_space<hbm>> -> memref<10112x128xf32, #tpu.memory_space<hbm>>
      tpu.wait_indirect_dma semaphore(%arg16 : memref<!tpu.dma_semaphore, #tpu.memory_space<semaphore_mem>>) src(%dma_wait3A_258 : memref<10112x128xf32, #tpu.memory_space<hbm>>) dst(%arg12 : memref<128x128xf32, #tpu.memory_space<vmem>>)
      %dma_start3A_259 = arith.constant 1 : i32
      %dma_start3A_260 = arith.constant 0 : i32
      %dma_start3A_261 = tpu.memref_slice %arg9[%dma_start3A_259, %dma_start3A_260] : memref<2x128xi32, #tpu.memory_space<vmem>> -> memref<1x128xi32, #tpu.memory_space<vmem>>
      %dma_start3A_262 = tpu.memref_squeeze %dma_start3A_261 : memref<1x128xi32, #tpu.memory_space<vmem>> -> memref<128xi32, #tpu.memory_space<vmem>>
      %dma_start3A_263 = arith.constant 0 : i32
      %dma_start3A_264 = arith.constant 0 : i32
      %dma_start3A_265 = tpu.memref_slice %arg13[%dma_start3A_263, %dma_start3A_264] : memref<10112x128xf32, #tpu.memory_space<vmem_shared>> -> memref<10112x128xf32, #tpu.memory_space<vmem_shared>>
      tpu.enqueue_indirect_dma source(%arg12 : memref<128x128xf32, #tpu.memory_space<vmem>>) target(%dma_start3A_265 : memref<10112x128xf32, #tpu.memory_space<vmem_shared>>) offsets(%dma_start3A_262 : memref<128xi32, #tpu.memory_space<vmem>>) semaphore(%arg19 : memref<!tpu.dma_semaphore, #tpu.memory_space<semaphore_mem>>) {add = true}
      %lt3A = arith.constant 26 : i32
      %lt3A_266 = arith.cmpi slt, %scan3A_221, %lt3A : i32
      %convert_element_type3A = arith.extui %lt3A_266 : i1 to i32
      %cond3A = arith.constant 0 : i32
      %cond3A_267 = arith.cmpi ne, %convert_element_type3A, %cond3A : i32
      scf.if %cond3A_267 {
        %dma_wait3A_268 = arith.constant 1 : i32
        %dma_wait3A_269 = arith.constant 0 : i32
        %dma_wait3A_270 = tpu.memref_slice %arg7[%dma_wait3A_268, %dma_wait3A_269] : memref<2x128xi32, #tpu.memory_space<vmem>> -> memref<1x128xi32, #tpu.memory_space<vmem>>
        %dma_wait3A_271 = tpu.memref_squeeze %dma_wait3A_270 : memref<1x128xi32, #tpu.memory_space<vmem>> -> memref<128xi32, #tpu.memory_space<vmem>>
        %dma_wait3A_272 = arith.constant 0 : i32
        %dma_wait3A_273 = arith.constant 0 : i32
        %dma_wait3A_274 = tpu.memref_slice %arg13[%dma_wait3A_272, %dma_wait3A_273] : memref<10112x128xf32, #tpu.memory_space<vmem_shared>> -> memref<10112x128xf32, #tpu.memory_space<vmem_shared>>
        tpu.wait_indirect_dma semaphore(%arg17 : memref<!tpu.dma_semaphore, #tpu.memory_space<semaphore_mem>>) src(%arg10 : memref<128x128xf32, #tpu.memory_space<vmem>>) dst(%dma_wait3A_274 : memref<10112x128xf32, #tpu.memory_space<vmem_shared>>)
        %add3A_275 = arith.constant 3 : i32
        %add3A_276 = arith.addi %mul3A_223, %add3A_275 : i32
        %add3A_277 = arith.constant 0 : i32
        %add3A_278 = arith.addi %add3A_276, %add3A_277 : i32
        %dma_start3A_279 = arith.constant 0 : i32
        %dma_start3A_280 = arith.constant 0 : i32
        %dma_start3A_281 = tpu.memref_slice %arg7[%dma_start3A_279, %dma_start3A_280] : memref<2x128xi32, #tpu.memory_space<vmem>> -> memref<1x128xi32, #tpu.memory_space<vmem>>
        %dma_start3A_282 = tpu.memref_squeeze %dma_start3A_281 : memref<1x128xi32, #tpu.memory_space<vmem>> -> memref<128xi32, #tpu.memory_space<vmem>>
        %dma_start3A_283 = arith.constant 0 : i32
        %dma_start3A_284 = tpu.memref_slice %arg3[%add3A, %add3A_278, %dma_start3A_283] : memref<32x81x128xi32, #tpu.memory_space<hbm>> -> memref<1x1x128xi32, #tpu.memory_space<hbm>>
        %dma_start3A_285 = tpu.memref_squeeze %dma_start3A_284 : memref<1x1x128xi32, #tpu.memory_space<hbm>> -> memref<128xi32, #tpu.memory_space<hbm>>
        %dma_start3A_286 = arith.constant 0 : i32
        %dma_start3A_287 = tpu.memref_slice %arg7[%dma_start3A_279, %dma_start3A_286] : memref<2x128xi32, #tpu.memory_space<vmem>> -> memref<1x128xi32, #tpu.memory_space<vmem>>
        %dma_start3A_288 = tpu.memref_squeeze %dma_start3A_287 : memref<1x128xi32, #tpu.memory_space<vmem>> -> memref<128xi32, #tpu.memory_space<vmem>>
        %dma_start3A_289 = arith.constant 0 : i32
        %dma_start3A_290 = tpu.memref_slice %arg3[%add3A, %add3A_278, %dma_start3A_289] : memref<32x81x128xi32, #tpu.memory_space<hbm>> -> memref<1x1x128xi32, #tpu.memory_space<hbm>>
        %dma_start3A_291 = tpu.memref_squeeze %dma_start3A_290 : memref<1x1x128xi32, #tpu.memory_space<hbm>> -> memref<128xi32, #tpu.memory_space<hbm>>
        tpu.enqueue_dma source(%dma_start3A_291 : memref<128xi32, #tpu.memory_space<hbm>>) target(%dma_start3A_288 : memref<128xi32, #tpu.memory_space<vmem>>) target_semaphore(%arg20 : memref<!tpu.dma_semaphore, #tpu.memory_space<semaphore_mem>>)
        %dma_start3A_292 = arith.constant 1 : i32
        %dma_start3A_293 = arith.constant 0 : i32
        %dma_start3A_294 = tpu.memref_slice %arg7[%dma_start3A_292, %dma_start3A_293] : memref<2x128xi32, #tpu.memory_space<vmem>> -> memref<1x128xi32, #tpu.memory_space<vmem>>
        %dma_start3A_295 = tpu.memref_squeeze %dma_start3A_294 : memref<1x128xi32, #tpu.memory_space<vmem>> -> memref<128xi32, #tpu.memory_space<vmem>>
        %dma_start3A_296 = arith.constant 0 : i32
        %dma_start3A_297 = tpu.memref_slice %arg4[%add3A, %add3A_278, %dma_start3A_296] : memref<32x81x128xi32, #tpu.memory_space<hbm>> -> memref<1x1x128xi32, #tpu.memory_space<hbm>>
        %dma_start3A_298 = tpu.memref_squeeze %dma_start3A_297 : memref<1x1x128xi32, #tpu.memory_space<hbm>> -> memref<128xi32, #tpu.memory_space<hbm>>
        %dma_start3A_299 = arith.constant 0 : i32
        %dma_start3A_300 = tpu.memref_slice %arg7[%dma_start3A_292, %dma_start3A_299] : memref<2x128xi32, #tpu.memory_space<vmem>> -> memref<1x128xi32, #tpu.memory_space<vmem>>
        %dma_start3A_301 = tpu.memref_squeeze %dma_start3A_300 : memref<1x128xi32, #tpu.memory_space<vmem>> -> memref<128xi32, #tpu.memory_space<vmem>>
        %dma_start3A_302 = arith.constant 0 : i32
        %dma_start3A_303 = tpu.memref_slice %arg4[%add3A, %add3A_278, %dma_start3A_302] : memref<32x81x128xi32, #tpu.memory_space<hbm>> -> memref<1x1x128xi32, #tpu.memory_space<hbm>>
        %dma_start3A_304 = tpu.memref_squeeze %dma_start3A_303 : memref<1x1x128xi32, #tpu.memory_space<hbm>> -> memref<128xi32, #tpu.memory_space<hbm>>
        tpu.enqueue_dma source(%dma_start3A_304 : memref<128xi32, #tpu.memory_space<hbm>>) target(%dma_start3A_301 : memref<128xi32, #tpu.memory_space<vmem>>) target_semaphore(%arg20 : memref<!tpu.dma_semaphore, #tpu.memory_space<semaphore_mem>>)
        %dma_wait3A_305 = arith.constant 0 : i32
        %dma_wait3A_306 = arith.constant 0 : i32
        %dma_wait3A_307 = tpu.memref_slice %arg7[%dma_wait3A_305, %dma_wait3A_306] : memref<2x128xi32, #tpu.memory_space<vmem>> -> memref<1x128xi32, #tpu.memory_space<vmem>>
        %dma_wait3A_308 = tpu.memref_squeeze %dma_wait3A_307 : memref<1x128xi32, #tpu.memory_space<vmem>> -> memref<128xi32, #tpu.memory_space<vmem>>
        %dma_wait3A_309 = arith.constant 0 : i32
        %dma_wait3A_310 = tpu.memref_slice %arg3[%add3A, %add3A_278, %dma_wait3A_309] : memref<32x81x128xi32, #tpu.memory_space<hbm>> -> memref<1x1x128xi32, #tpu.memory_space<hbm>>
        %dma_wait3A_311 = tpu.memref_squeeze %dma_wait3A_310 : memref<1x1x128xi32, #tpu.memory_space<hbm>> -> memref<128xi32, #tpu.memory_space<hbm>>
        %dma_wait3A_312 = arith.constant 0 : i32
        %dma_wait3A_313 = tpu.memref_slice %arg7[%dma_wait3A_305, %dma_wait3A_312] : memref<2x128xi32, #tpu.memory_space<vmem>> -> memref<1x128xi32, #tpu.memory_space<vmem>>
        %dma_wait3A_314 = tpu.memref_squeeze %dma_wait3A_313 : memref<1x128xi32, #tpu.memory_space<vmem>> -> memref<128xi32, #tpu.memory_space<vmem>>
        %dma_wait3A_315 = arith.constant 0 : i32
        %dma_wait3A_316 = tpu.memref_slice %arg3[%add3A, %add3A_278, %dma_wait3A_315] : memref<32x81x128xi32, #tpu.memory_space<hbm>> -> memref<1x1x128xi32, #tpu.memory_space<hbm>>
        %dma_wait3A_317 = tpu.memref_squeeze %dma_wait3A_316 : memref<1x1x128xi32, #tpu.memory_space<hbm>> -> memref<128xi32, #tpu.memory_space<hbm>>
        tpu.wait_dma2 semaphore(%arg20 : memref<!tpu.dma_semaphore, #tpu.memory_space<semaphore_mem>>) src(%dma_wait3A_317 : memref<128xi32, #tpu.memory_space<hbm>>) dst(%dma_wait3A_314 : memref<128xi32, #tpu.memory_space<vmem>>)
        %dma_wait3A_318 = arith.constant 1 : i32
        %dma_wait3A_319 = arith.constant 0 : i32
        %dma_wait3A_320 = tpu.memref_slice %arg7[%dma_wait3A_318, %dma_wait3A_319] : memref<2x128xi32, #tpu.memory_space<vmem>> -> memref<1x128xi32, #tpu.memory_space<vmem>>
        %dma_wait3A_321 = tpu.memref_squeeze %dma_wait3A_320 : memref<1x128xi32, #tpu.memory_space<vmem>> -> memref<128xi32, #tpu.memory_space<vmem>>
        %dma_wait3A_322 = arith.constant 0 : i32
        %dma_wait3A_323 = tpu.memref_slice %arg4[%add3A, %add3A_278, %dma_wait3A_322] : memref<32x81x128xi32, #tpu.memory_space<hbm>> -> memref<1x1x128xi32, #tpu.memory_space<hbm>>
        %dma_wait3A_324 = tpu.memref_squeeze %dma_wait3A_323 : memref<1x1x128xi32, #tpu.memory_space<hbm>> -> memref<128xi32, #tpu.memory_space<hbm>>
        %dma_wait3A_325 = arith.constant 0 : i32
        %dma_wait3A_326 = tpu.memref_slice %arg7[%dma_wait3A_318, %dma_wait3A_325] : memref<2x128xi32, #tpu.memory_space<vmem>> -> memref<1x128xi32, #tpu.memory_space<vmem>>
        %dma_wait3A_327 = tpu.memref_squeeze %dma_wait3A_326 : memref<1x128xi32, #tpu.memory_space<vmem>> -> memref<128xi32, #tpu.memory_space<vmem>>
        %dma_wait3A_328 = arith.constant 0 : i32
        %dma_wait3A_329 = tpu.memref_slice %arg4[%add3A, %add3A_278, %dma_wait3A_328] : memref<32x81x128xi32, #tpu.memory_space<hbm>> -> memref<1x1x128xi32, #tpu.memory_space<hbm>>
        %dma_wait3A_330 = tpu.memref_squeeze %dma_wait3A_329 : memref<1x1x128xi32, #tpu.memory_space<hbm>> -> memref<128xi32, #tpu.memory_space<hbm>>
        tpu.wait_dma2 semaphore(%arg20 : memref<!tpu.dma_semaphore, #tpu.memory_space<semaphore_mem>>) src(%dma_wait3A_330 : memref<128xi32, #tpu.memory_space<hbm>>) dst(%dma_wait3A_327 : memref<128xi32, #tpu.memory_space<vmem>>)
        %dma_start3A_331 = arith.constant 0 : i32
        %dma_start3A_332 = arith.constant 0 : i32
        %dma_start3A_333 = tpu.memref_slice %arg7[%dma_start3A_331, %dma_start3A_332] : memref<2x128xi32, #tpu.memory_space<vmem>> -> memref<1x128xi32, #tpu.memory_space<vmem>>
        %dma_start3A_334 = tpu.memref_squeeze %dma_start3A_333 : memref<1x128xi32, #tpu.memory_space<vmem>> -> memref<128xi32, #tpu.memory_space<vmem>>
        %dma_start3A_335 = arith.constant 0 : i32
        %dma_start3A_336 = arith.constant 0 : i32
        %dma_start3A_337 = tpu.memref_slice %arg2[%dma_start3A_335, %dma_start3A_336] : memref<10112x128xf32, #tpu.memory_space<hbm>> -> memref<10112x128xf32, #tpu.memory_space<hbm>>
        tpu.enqueue_indirect_dma source(%dma_start3A_337 : memref<10112x128xf32, #tpu.memory_space<hbm>>) target(%arg10 : memref<128x128xf32, #tpu.memory_space<vmem>>) offsets(%dma_start3A_334 : memref<128xi32, #tpu.memory_space<vmem>>) semaphore(%arg14 : memref<!tpu.dma_semaphore, #tpu.memory_space<semaphore_mem>>)
        %dma_wait3A_338 = arith.constant 1 : i32
        %dma_wait3A_339 = arith.constant 0 : i32
        %dma_wait3A_340 = tpu.memref_slice %arg8[%dma_wait3A_338, %dma_wait3A_339] : memref<2x128xi32, #tpu.memory_space<vmem>> -> memref<1x128xi32, #tpu.memory_space<vmem>>
        %dma_wait3A_341 = tpu.memref_squeeze %dma_wait3A_340 : memref<1x128xi32, #tpu.memory_space<vmem>> -> memref<128xi32, #tpu.memory_space<vmem>>
        %dma_wait3A_342 = arith.constant 0 : i32
        %dma_wait3A_343 = arith.constant 0 : i32
        %dma_wait3A_344 = tpu.memref_slice %arg13[%dma_wait3A_342, %dma_wait3A_343] : memref<10112x128xf32, #tpu.memory_space<vmem_shared>> -> memref<10112x128xf32, #tpu.memory_space<vmem_shared>>
        tpu.wait_indirect_dma semaphore(%arg18 : memref<!tpu.dma_semaphore, #tpu.memory_space<semaphore_mem>>) src(%arg11 : memref<128x128xf32, #tpu.memory_space<vmem>>) dst(%dma_wait3A_344 : memref<10112x128xf32, #tpu.memory_space<vmem_shared>>)
        %add3A_345 = arith.constant 3 : i32
        %add3A_346 = arith.addi %mul3A_223, %add3A_345 : i32
        %add3A_347 = arith.constant 1 : i32
        %add3A_348 = arith.addi %add3A_346, %add3A_347 : i32
        %dma_start3A_349 = arith.constant 0 : i32
        %dma_start3A_350 = arith.constant 0 : i32
        %dma_start3A_351 = tpu.memref_slice %arg8[%dma_start3A_349, %dma_start3A_350] : memref<2x128xi32, #tpu.memory_space<vmem>> -> memref<1x128xi32, #tpu.memory_space<vmem>>
        %dma_start3A_352 = tpu.memref_squeeze %dma_start3A_351 : memref<1x128xi32, #tpu.memory_space<vmem>> -> memref<128xi32, #tpu.memory_space<vmem>>
        %dma_start3A_353 = arith.constant 0 : i32
        %dma_start3A_354 = tpu.memref_slice %arg3[%add3A, %add3A_348, %dma_start3A_353] : memref<32x81x128xi32, #tpu.memory_space<hbm>> -> memref<1x1x128xi32, #tpu.memory_space<hbm>>
        %dma_start3A_355 = tpu.memref_squeeze %dma_start3A_354 : memref<1x1x128xi32, #tpu.memory_space<hbm>> -> memref<128xi32, #tpu.memory_space<hbm>>
        %dma_start3A_356 = arith.constant 0 : i32
        %dma_start3A_357 = tpu.memref_slice %arg8[%dma_start3A_349, %dma_start3A_356] : memref<2x128xi32, #tpu.memory_space<vmem>> -> memref<1x128xi32, #tpu.memory_space<vmem>>
        %dma_start3A_358 = tpu.memref_squeeze %dma_start3A_357 : memref<1x128xi32, #tpu.memory_space<vmem>> -> memref<128xi32, #tpu.memory_space<vmem>>
        %dma_start3A_359 = arith.constant 0 : i32
        %dma_start3A_360 = tpu.memref_slice %arg3[%add3A, %add3A_348, %dma_start3A_359] : memref<32x81x128xi32, #tpu.memory_space<hbm>> -> memref<1x1x128xi32, #tpu.memory_space<hbm>>
        %dma_start3A_361 = tpu.memref_squeeze %dma_start3A_360 : memref<1x1x128xi32, #tpu.memory_space<hbm>> -> memref<128xi32, #tpu.memory_space<hbm>>
        tpu.enqueue_dma source(%dma_start3A_361 : memref<128xi32, #tpu.memory_space<hbm>>) target(%dma_start3A_358 : memref<128xi32, #tpu.memory_space<vmem>>) target_semaphore(%arg21 : memref<!tpu.dma_semaphore, #tpu.memory_space<semaphore_mem>>)
        %dma_start3A_362 = arith.constant 1 : i32
        %dma_start3A_363 = arith.constant 0 : i32
        %dma_start3A_364 = tpu.memref_slice %arg8[%dma_start3A_362, %dma_start3A_363] : memref<2x128xi32, #tpu.memory_space<vmem>> -> memref<1x128xi32, #tpu.memory_space<vmem>>
        %dma_start3A_365 = tpu.memref_squeeze %dma_start3A_364 : memref<1x128xi32, #tpu.memory_space<vmem>> -> memref<128xi32, #tpu.memory_space<vmem>>
        %dma_start3A_366 = arith.constant 0 : i32
        %dma_start3A_367 = tpu.memref_slice %arg4[%add3A, %add3A_348, %dma_start3A_366] : memref<32x81x128xi32, #tpu.memory_space<hbm>> -> memref<1x1x128xi32, #tpu.memory_space<hbm>>
        %dma_start3A_368 = tpu.memref_squeeze %dma_start3A_367 : memref<1x1x128xi32, #tpu.memory_space<hbm>> -> memref<128xi32, #tpu.memory_space<hbm>>
        %dma_start3A_369 = arith.constant 0 : i32
        %dma_start3A_370 = tpu.memref_slice %arg8[%dma_start3A_362, %dma_start3A_369] : memref<2x128xi32, #tpu.memory_space<vmem>> -> memref<1x128xi32, #tpu.memory_space<vmem>>
        %dma_start3A_371 = tpu.memref_squeeze %dma_start3A_370 : memref<1x128xi32, #tpu.memory_space<vmem>> -> memref<128xi32, #tpu.memory_space<vmem>>
        %dma_start3A_372 = arith.constant 0 : i32
        %dma_start3A_373 = tpu.memref_slice %arg4[%add3A, %add3A_348, %dma_start3A_372] : memref<32x81x128xi32, #tpu.memory_space<hbm>> -> memref<1x1x128xi32, #tpu.memory_space<hbm>>
        %dma_start3A_374 = tpu.memref_squeeze %dma_start3A_373 : memref<1x1x128xi32, #tpu.memory_space<hbm>> -> memref<128xi32, #tpu.memory_space<hbm>>
        tpu.enqueue_dma source(%dma_start3A_374 : memref<128xi32, #tpu.memory_space<hbm>>) target(%dma_start3A_371 : memref<128xi32, #tpu.memory_space<vmem>>) target_semaphore(%arg21 : memref<!tpu.dma_semaphore, #tpu.memory_space<semaphore_mem>>)
        %dma_wait3A_375 = arith.constant 0 : i32
        %dma_wait3A_376 = arith.constant 0 : i32
        %dma_wait3A_377 = tpu.memref_slice %arg8[%dma_wait3A_375, %dma_wait3A_376] : memref<2x128xi32, #tpu.memory_space<vmem>> -> memref<1x128xi32, #tpu.memory_space<vmem>>
        %dma_wait3A_378 = tpu.memref_squeeze %dma_wait3A_377 : memref<1x128xi32, #tpu.memory_space<vmem>> -> memref<128xi32, #tpu.memory_space<vmem>>
        %dma_wait3A_379 = arith.constant 0 : i32
        %dma_wait3A_380 = tpu.memref_slice %arg3[%add3A, %add3A_348, %dma_wait3A_379] : memref<32x81x128xi32, #tpu.memory_space<hbm>> -> memref<1x1x128xi32, #tpu.memory_space<hbm>>
        %dma_wait3A_381 = tpu.memref_squeeze %dma_wait3A_380 : memref<1x1x128xi32, #tpu.memory_space<hbm>> -> memref<128xi32, #tpu.memory_space<hbm>>
        %dma_wait3A_382 = arith.constant 0 : i32
        %dma_wait3A_383 = tpu.memref_slice %arg8[%dma_wait3A_375, %dma_wait3A_382] : memref<2x128xi32, #tpu.memory_space<vmem>> -> memref<1x128xi32, #tpu.memory_space<vmem>>
        %dma_wait3A_384 = tpu.memref_squeeze %dma_wait3A_383 : memref<1x128xi32, #tpu.memory_space<vmem>> -> memref<128xi32, #tpu.memory_space<vmem>>
        %dma_wait3A_385 = arith.constant 0 : i32
        %dma_wait3A_386 = tpu.memref_slice %arg3[%add3A, %add3A_348, %dma_wait3A_385] : memref<32x81x128xi32, #tpu.memory_space<hbm>> -> memref<1x1x128xi32, #tpu.memory_space<hbm>>
        %dma_wait3A_387 = tpu.memref_squeeze %dma_wait3A_386 : memref<1x1x128xi32, #tpu.memory_space<hbm>> -> memref<128xi32, #tpu.memory_space<hbm>>
        tpu.wait_dma2 semaphore(%arg21 : memref<!tpu.dma_semaphore, #tpu.memory_space<semaphore_mem>>) src(%dma_wait3A_387 : memref<128xi32, #tpu.memory_space<hbm>>) dst(%dma_wait3A_384 : memref<128xi32, #tpu.memory_space<vmem>>)
        %dma_wait3A_388 = arith.constant 1 : i32
        %dma_wait3A_389 = arith.constant 0 : i32
        %dma_wait3A_390 = tpu.memref_slice %arg8[%dma_wait3A_388, %dma_wait3A_389] : memref<2x128xi32, #tpu.memory_space<vmem>> -> memref<1x128xi32, #tpu.memory_space<vmem>>
        %dma_wait3A_391 = tpu.memref_squeeze %dma_wait3A_390 : memref<1x128xi32, #tpu.memory_space<vmem>> -> memref<128xi32, #tpu.memory_space<vmem>>
        %dma_wait3A_392 = arith.constant 0 : i32
        %dma_wait3A_393 = tpu.memref_slice %arg4[%add3A, %add3A_348, %dma_wait3A_392] : memref<32x81x128xi32, #tpu.memory_space<hbm>> -> memref<1x1x128xi32, #tpu.memory_space<hbm>>
        %dma_wait3A_394 = tpu.memref_squeeze %dma_wait3A_393 : memref<1x1x128xi32, #tpu.memory_space<hbm>> -> memref<128xi32, #tpu.memory_space<hbm>>
        %dma_wait3A_395 = arith.constant 0 : i32
        %dma_wait3A_396 = tpu.memref_slice %arg8[%dma_wait3A_388, %dma_wait3A_395] : memref<2x128xi32, #tpu.memory_space<vmem>> -> memref<1x128xi32, #tpu.memory_space<vmem>>
        %dma_wait3A_397 = tpu.memref_squeeze %dma_wait3A_396 : memref<1x128xi32, #tpu.memory_space<vmem>> -> memref<128xi32, #tpu.memory_space<vmem>>
        %dma_wait3A_398 = arith.constant 0 : i32
        %dma_wait3A_399 = tpu.memref_slice %arg4[%add3A, %add3A_348, %dma_wait3A_398] : memref<32x81x128xi32, #tpu.memory_space<hbm>> -> memref<1x1x128xi32, #tpu.memory_space<hbm>>
        %dma_wait3A_400 = tpu.memref_squeeze %dma_wait3A_399 : memref<1x1x128xi32, #tpu.memory_space<hbm>> -> memref<128xi32, #tpu.memory_space<hbm>>
        tpu.wait_dma2 semaphore(%arg21 : memref<!tpu.dma_semaphore, #tpu.memory_space<semaphore_mem>>) src(%dma_wait3A_400 : memref<128xi32, #tpu.memory_space<hbm>>) dst(%dma_wait3A_397 : memref<128xi32, #tpu.memory_space<vmem>>)
        %dma_start3A_401 = arith.constant 0 : i32
        %dma_start3A_402 = arith.constant 0 : i32
        %dma_start3A_403 = tpu.memref_slice %arg8[%dma_start3A_401, %dma_start3A_402] : memref<2x128xi32, #tpu.memory_space<vmem>> -> memref<1x128xi32, #tpu.memory_space<vmem>>
        %dma_start3A_404 = tpu.memref_squeeze %dma_start3A_403 : memref<1x128xi32, #tpu.memory_space<vmem>> -> memref<128xi32, #tpu.memory_space<vmem>>
        %dma_start3A_405 = arith.constant 0 : i32
        %dma_start3A_406 = arith.constant 0 : i32
        %dma_start3A_407 = tpu.memref_slice %arg2[%dma_start3A_405, %dma_start3A_406] : memref<10112x128xf32, #tpu.memory_space<hbm>> -> memref<10112x128xf32, #tpu.memory_space<hbm>>
        tpu.enqueue_indirect_dma source(%dma_start3A_407 : memref<10112x128xf32, #tpu.memory_space<hbm>>) target(%arg11 : memref<128x128xf32, #tpu.memory_space<vmem>>) offsets(%dma_start3A_404 : memref<128xi32, #tpu.memory_space<vmem>>) semaphore(%arg15 : memref<!tpu.dma_semaphore, #tpu.memory_space<semaphore_mem>>)
        %dma_wait3A_408 = arith.constant 1 : i32
        %dma_wait3A_409 = arith.constant 0 : i32
        %dma_wait3A_410 = tpu.memref_slice %arg9[%dma_wait3A_408, %dma_wait3A_409] : memref<2x128xi32, #tpu.memory_space<vmem>> -> memref<1x128xi32, #tpu.memory_space<vmem>>
        %dma_wait3A_411 = tpu.memref_squeeze %dma_wait3A_410 : memref<1x128xi32, #tpu.memory_space<vmem>> -> memref<128xi32, #tpu.memory_space<vmem>>
        %dma_wait3A_412 = arith.constant 0 : i32
        %dma_wait3A_413 = arith.constant 0 : i32
        %dma_wait3A_414 = tpu.memref_slice %arg13[%dma_wait3A_412, %dma_wait3A_413] : memref<10112x128xf32, #tpu.memory_space<vmem_shared>> -> memref<10112x128xf32, #tpu.memory_space<vmem_shared>>
        tpu.wait_indirect_dma semaphore(%arg19 : memref<!tpu.dma_semaphore, #tpu.memory_space<semaphore_mem>>) src(%arg12 : memref<128x128xf32, #tpu.memory_space<vmem>>) dst(%dma_wait3A_414 : memref<10112x128xf32, #tpu.memory_space<vmem_shared>>)
        %add3A_415 = arith.constant 3 : i32
        %add3A_416 = arith.addi %mul3A_223, %add3A_415 : i32
        %add3A_417 = arith.constant 2 : i32
        %add3A_418 = arith.addi %add3A_416, %add3A_417 : i32
        %dma_start3A_419 = arith.constant 0 : i32
        %dma_start3A_420 = arith.constant 0 : i32
        %dma_start3A_421 = tpu.memref_slice %arg9[%dma_start3A_419, %dma_start3A_420] : memref<2x128xi32, #tpu.memory_space<vmem>> -> memref<1x128xi32, #tpu.memory_space<vmem>>
        %dma_start3A_422 = tpu.memref_squeeze %dma_start3A_421 : memref<1x128xi32, #tpu.memory_space<vmem>> -> memref<128xi32, #tpu.memory_space<vmem>>
        %dma_start3A_423 = arith.constant 0 : i32
        %dma_start3A_424 = tpu.memref_slice %arg3[%add3A, %add3A_418, %dma_start3A_423] : memref<32x81x128xi32, #tpu.memory_space<hbm>> -> memref<1x1x128xi32, #tpu.memory_space<hbm>>
        %dma_start3A_425 = tpu.memref_squeeze %dma_start3A_424 : memref<1x1x128xi32, #tpu.memory_space<hbm>> -> memref<128xi32, #tpu.memory_space<hbm>>
        %dma_start3A_426 = arith.constant 0 : i32
        %dma_start3A_427 = tpu.memref_slice %arg9[%dma_start3A_419, %dma_start3A_426] : memref<2x128xi32, #tpu.memory_space<vmem>> -> memref<1x128xi32, #tpu.memory_space<vmem>>
        %dma_start3A_428 = tpu.memref_squeeze %dma_start3A_427 : memref<1x128xi32, #tpu.memory_space<vmem>> -> memref<128xi32, #tpu.memory_space<vmem>>
        %dma_start3A_429 = arith.constant 0 : i32
        %dma_start3A_430 = tpu.memref_slice %arg3[%add3A, %add3A_418, %dma_start3A_429] : memref<32x81x128xi32, #tpu.memory_space<hbm>> -> memref<1x1x128xi32, #tpu.memory_space<hbm>>
        %dma_start3A_431 = tpu.memref_squeeze %dma_start3A_430 : memref<1x1x128xi32, #tpu.memory_space<hbm>> -> memref<128xi32, #tpu.memory_space<hbm>>
        tpu.enqueue_dma source(%dma_start3A_431 : memref<128xi32, #tpu.memory_space<hbm>>) target(%dma_start3A_428 : memref<128xi32, #tpu.memory_space<vmem>>) target_semaphore(%arg22 : memref<!tpu.dma_semaphore, #tpu.memory_space<semaphore_mem>>)
        %dma_start3A_432 = arith.constant 1 : i32
        %dma_start3A_433 = arith.constant 0 : i32
        %dma_start3A_434 = tpu.memref_slice %arg9[%dma_start3A_432, %dma_start3A_433] : memref<2x128xi32, #tpu.memory_space<vmem>> -> memref<1x128xi32, #tpu.memory_space<vmem>>
        %dma_start3A_435 = tpu.memref_squeeze %dma_start3A_434 : memref<1x128xi32, #tpu.memory_space<vmem>> -> memref<128xi32, #tpu.memory_space<vmem>>
        %dma_start3A_436 = arith.constant 0 : i32
        %dma_start3A_437 = tpu.memref_slice %arg4[%add3A, %add3A_418, %dma_start3A_436] : memref<32x81x128xi32, #tpu.memory_space<hbm>> -> memref<1x1x128xi32, #tpu.memory_space<hbm>>
        %dma_start3A_438 = tpu.memref_squeeze %dma_start3A_437 : memref<1x1x128xi32, #tpu.memory_space<hbm>> -> memref<128xi32, #tpu.memory_space<hbm>>
        %dma_start3A_439 = arith.constant 0 : i32
        %dma_start3A_440 = tpu.memref_slice %arg9[%dma_start3A_432, %dma_start3A_439] : memref<2x128xi32, #tpu.memory_space<vmem>> -> memref<1x128xi32, #tpu.memory_space<vmem>>
        %dma_start3A_441 = tpu.memref_squeeze %dma_start3A_440 : memref<1x128xi32, #tpu.memory_space<vmem>> -> memref<128xi32, #tpu.memory_space<vmem>>
        %dma_start3A_442 = arith.constant 0 : i32
        %dma_start3A_443 = tpu.memref_slice %arg4[%add3A, %add3A_418, %dma_start3A_442] : memref<32x81x128xi32, #tpu.memory_space<hbm>> -> memref<1x1x128xi32, #tpu.memory_space<hbm>>
        %dma_start3A_444 = tpu.memref_squeeze %dma_start3A_443 : memref<1x1x128xi32, #tpu.memory_space<hbm>> -> memref<128xi32, #tpu.memory_space<hbm>>
        tpu.enqueue_dma source(%dma_start3A_444 : memref<128xi32, #tpu.memory_space<hbm>>) target(%dma_start3A_441 : memref<128xi32, #tpu.memory_space<vmem>>) target_semaphore(%arg22 : memref<!tpu.dma_semaphore, #tpu.memory_space<semaphore_mem>>)
        %dma_wait3A_445 = arith.constant 0 : i32
        %dma_wait3A_446 = arith.constant 0 : i32
        %dma_wait3A_447 = tpu.memref_slice %arg9[%dma_wait3A_445, %dma_wait3A_446] : memref<2x128xi32, #tpu.memory_space<vmem>> -> memref<1x128xi32, #tpu.memory_space<vmem>>
        %dma_wait3A_448 = tpu.memref_squeeze %dma_wait3A_447 : memref<1x128xi32, #tpu.memory_space<vmem>> -> memref<128xi32, #tpu.memory_space<vmem>>
        %dma_wait3A_449 = arith.constant 0 : i32
        %dma_wait3A_450 = tpu.memref_slice %arg3[%add3A, %add3A_418, %dma_wait3A_449] : memref<32x81x128xi32, #tpu.memory_space<hbm>> -> memref<1x1x128xi32, #tpu.memory_space<hbm>>
        %dma_wait3A_451 = tpu.memref_squeeze %dma_wait3A_450 : memref<1x1x128xi32, #tpu.memory_space<hbm>> -> memref<128xi32, #tpu.memory_space<hbm>>
        %dma_wait3A_452 = arith.constant 0 : i32
        %dma_wait3A_453 = tpu.memref_slice %arg9[%dma_wait3A_445, %dma_wait3A_452] : memref<2x128xi32, #tpu.memory_space<vmem>> -> memref<1x128xi32, #tpu.memory_space<vmem>>
        %dma_wait3A_454 = tpu.memref_squeeze %dma_wait3A_453 : memref<1x128xi32, #tpu.memory_space<vmem>> -> memref<128xi32, #tpu.memory_space<vmem>>
        %dma_wait3A_455 = arith.constant 0 : i32
        %dma_wait3A_456 = tpu.memref_slice %arg3[%add3A, %add3A_418, %dma_wait3A_455] : memref<32x81x128xi32, #tpu.memory_space<hbm>> -> memref<1x1x128xi32, #tpu.memory_space<hbm>>
        %dma_wait3A_457 = tpu.memref_squeeze %dma_wait3A_456 : memref<1x1x128xi32, #tpu.memory_space<hbm>> -> memref<128xi32, #tpu.memory_space<hbm>>
        tpu.wait_dma2 semaphore(%arg22 : memref<!tpu.dma_semaphore, #tpu.memory_space<semaphore_mem>>) src(%dma_wait3A_457 : memref<128xi32, #tpu.memory_space<hbm>>) dst(%dma_wait3A_454 : memref<128xi32, #tpu.memory_space<vmem>>)
        %dma_wait3A_458 = arith.constant 1 : i32
        %dma_wait3A_459 = arith.constant 0 : i32
        %dma_wait3A_460 = tpu.memref_slice %arg9[%dma_wait3A_458, %dma_wait3A_459] : memref<2x128xi32, #tpu.memory_space<vmem>> -> memref<1x128xi32, #tpu.memory_space<vmem>>
        %dma_wait3A_461 = tpu.memref_squeeze %dma_wait3A_460 : memref<1x128xi32, #tpu.memory_space<vmem>> -> memref<128xi32, #tpu.memory_space<vmem>>
        %dma_wait3A_462 = arith.constant 0 : i32
        %dma_wait3A_463 = tpu.memref_slice %arg4[%add3A, %add3A_418, %dma_wait3A_462] : memref<32x81x128xi32, #tpu.memory_space<hbm>> -> memref<1x1x128xi32, #tpu.memory_space<hbm>>
        %dma_wait3A_464 = tpu.memref_squeeze %dma_wait3A_463 : memref<1x1x128xi32, #tpu.memory_space<hbm>> -> memref<128xi32, #tpu.memory_space<hbm>>
        %dma_wait3A_465 = arith.constant 0 : i32
        %dma_wait3A_466 = tpu.memref_slice %arg9[%dma_wait3A_458, %dma_wait3A_465] : memref<2x128xi32, #tpu.memory_space<vmem>> -> memref<1x128xi32, #tpu.memory_space<vmem>>
        %dma_wait3A_467 = tpu.memref_squeeze %dma_wait3A_466 : memref<1x128xi32, #tpu.memory_space<vmem>> -> memref<128xi32, #tpu.memory_space<vmem>>
        %dma_wait3A_468 = arith.constant 0 : i32
        %dma_wait3A_469 = tpu.memref_slice %arg4[%add3A, %add3A_418, %dma_wait3A_468] : memref<32x81x128xi32, #tpu.memory_space<hbm>> -> memref<1x1x128xi32, #tpu.memory_space<hbm>>
        %dma_wait3A_470 = tpu.memref_squeeze %dma_wait3A_469 : memref<1x1x128xi32, #tpu.memory_space<hbm>> -> memref<128xi32, #tpu.memory_space<hbm>>
        tpu.wait_dma2 semaphore(%arg22 : memref<!tpu.dma_semaphore, #tpu.memory_space<semaphore_mem>>) src(%dma_wait3A_470 : memref<128xi32, #tpu.memory_space<hbm>>) dst(%dma_wait3A_467 : memref<128xi32, #tpu.memory_space<vmem>>)
        %dma_start3A_471 = arith.constant 0 : i32
        %dma_start3A_472 = arith.constant 0 : i32
        %dma_start3A_473 = tpu.memref_slice %arg9[%dma_start3A_471, %dma_start3A_472] : memref<2x128xi32, #tpu.memory_space<vmem>> -> memref<1x128xi32, #tpu.memory_space<vmem>>
        %dma_start3A_474 = tpu.memref_squeeze %dma_start3A_473 : memref<1x128xi32, #tpu.memory_space<vmem>> -> memref<128xi32, #tpu.memory_space<vmem>>
        %dma_start3A_475 = arith.constant 0 : i32
        %dma_start3A_476 = arith.constant 0 : i32
        %dma_start3A_477 = tpu.memref_slice %arg2[%dma_start3A_475, %dma_start3A_476] : memref<10112x128xf32, #tpu.memory_space<hbm>> -> memref<10112x128xf32, #tpu.memory_space<hbm>>
        tpu.enqueue_indirect_dma source(%dma_start3A_477 : memref<10112x128xf32, #tpu.memory_space<hbm>>) target(%arg12 : memref<128x128xf32, #tpu.memory_space<vmem>>) offsets(%dma_start3A_474 : memref<128xi32, #tpu.memory_space<vmem>>) semaphore(%arg16 : memref<!tpu.dma_semaphore, #tpu.memory_space<semaphore_mem>>)
      } else {
      }
    }
    %scan3A_194 = arith.constant 27 : i32
    %dma_wait3A_195 = arith.constant 1 : i32
    %dma_wait3A_196 = arith.constant 0 : i32
    %dma_wait3A_197 = tpu.memref_slice %arg7[%dma_wait3A_195, %dma_wait3A_196] : memref<2x128xi32, #tpu.memory_space<vmem>> -> memref<1x128xi32, #tpu.memory_space<vmem>>
    %dma_wait3A_198 = tpu.memref_squeeze %dma_wait3A_197 : memref<1x128xi32, #tpu.memory_space<vmem>> -> memref<128xi32, #tpu.memory_space<vmem>>
    %dma_wait3A_199 = arith.constant 0 : i32
    %dma_wait3A_200 = arith.constant 0 : i32
    %dma_wait3A_201 = tpu.memref_slice %arg13[%dma_wait3A_199, %dma_wait3A_200] : memref<10112x128xf32, #tpu.memory_space<vmem_shared>> -> memref<10112x128xf32, #tpu.memory_space<vmem_shared>>
    tpu.wait_indirect_dma semaphore(%arg17 : memref<!tpu.dma_semaphore, #tpu.memory_space<semaphore_mem>>) src(%arg10 : memref<128x128xf32, #tpu.memory_space<vmem>>) dst(%dma_wait3A_201 : memref<10112x128xf32, #tpu.memory_space<vmem_shared>>)
    %dma_wait3A_202 = arith.constant 1 : i32
    %dma_wait3A_203 = arith.constant 0 : i32
    %dma_wait3A_204 = tpu.memref_slice %arg8[%dma_wait3A_202, %dma_wait3A_203] : memref<2x128xi32, #tpu.memory_space<vmem>> -> memref<1x128xi32, #tpu.memory_space<vmem>>
    %dma_wait3A_205 = tpu.memref_squeeze %dma_wait3A_204 : memref<1x128xi32, #tpu.memory_space<vmem>> -> memref<128xi32, #tpu.memory_space<vmem>>
    %dma_wait3A_206 = arith.constant 0 : i32
    %dma_wait3A_207 = arith.constant 0 : i32
    %dma_wait3A_208 = tpu.memref_slice %arg13[%dma_wait3A_206, %dma_wait3A_207] : memref<10112x128xf32, #tpu.memory_space<vmem_shared>> -> memref<10112x128xf32, #tpu.memory_space<vmem_shared>>
    tpu.wait_indirect_dma semaphore(%arg18 : memref<!tpu.dma_semaphore, #tpu.memory_space<semaphore_mem>>) src(%arg11 : memref<128x128xf32, #tpu.memory_space<vmem>>) dst(%dma_wait3A_208 : memref<10112x128xf32, #tpu.memory_space<vmem_shared>>)
    %dma_wait3A_209 = arith.constant 1 : i32
    %dma_wait3A_210 = arith.constant 0 : i32
    %dma_wait3A_211 = tpu.memref_slice %arg9[%dma_wait3A_209, %dma_wait3A_210] : memref<2x128xi32, #tpu.memory_space<vmem>> -> memref<1x128xi32, #tpu.memory_space<vmem>>
    %dma_wait3A_212 = tpu.memref_squeeze %dma_wait3A_211 : memref<1x128xi32, #tpu.memory_space<vmem>> -> memref<128xi32, #tpu.memory_space<vmem>>
    %dma_wait3A_213 = arith.constant 0 : i32
    %dma_wait3A_214 = arith.constant 0 : i32
    %dma_wait3A_215 = tpu.memref_slice %arg13[%dma_wait3A_213, %dma_wait3A_214] : memref<10112x128xf32, #tpu.memory_space<vmem_shared>> -> memref<10112x128xf32, #tpu.memory_space<vmem_shared>>
    tpu.wait_indirect_dma semaphore(%arg19 : memref<!tpu.dma_semaphore, #tpu.memory_space<semaphore_mem>>) src(%arg12 : memref<128x128xf32, #tpu.memory_space<vmem>>) dst(%dma_wait3A_215 : memref<10112x128xf32, #tpu.memory_space<vmem_shared>>)
    %barrier3A_216 = arith.constant 0 : index
    tpu.barrier barrier_id(%barrier3A_216)
    %mul3A_217 = arith.constant 632 : i32
    %mul3A_218 = arith.muli %arg1, %mul3A_217 : i32
    %mul3A_219 = arith.constant 632 : i32
    %mul3A_220 = arith.muli %arg1, %mul3A_219 : i32
    "tpu.region"() ({
      %run_scoped3A = tpu.sem_alloc : memref<!tpu.dma_semaphore, #tpu.memory_space<semaphore_mem>>
      %dma_start3A_221 = arith.constant 0 : i32
      %dma_start3A_222 = tpu.memref_slice %arg6[%arg0, %mul3A_220, %dma_start3A_221] : memref<2x10112x128xf32, #tpu.memory_space<hbm>> -> memref<1x632x128xf32, #tpu.memory_space<hbm>>
      %dma_start3A_223 = tpu.memref_squeeze %dma_start3A_222 : memref<1x632x128xf32, #tpu.memory_space<hbm>> -> memref<632x128xf32, #tpu.memory_space<hbm>>
      %dma_start3A_224 = arith.constant 0 : i32
      %dma_start3A_225 = tpu.memref_slice %arg13[%mul3A_218, %dma_start3A_224] : memref<10112x128xf32, #tpu.memory_space<vmem_shared>> -> memref<632x128xf32, #tpu.memory_space<vmem_shared>>
      tpu.enqueue_dma source(%dma_start3A_225 : memref<632x128xf32, #tpu.memory_space<vmem_shared>>) target(%dma_start3A_223 : memref<632x128xf32, #tpu.memory_space<hbm>>) target_semaphore(%run_scoped3A : memref<!tpu.dma_semaphore, #tpu.memory_space<semaphore_mem>>)
      %dma_wait3A_226 = arith.constant 0 : i32
      %dma_wait3A_227 = tpu.memref_slice %arg6[%arg0, %mul3A_220, %dma_wait3A_226] : memref<2x10112x128xf32, #tpu.memory_space<hbm>> -> memref<1x632x128xf32, #tpu.memory_space<hbm>>
      %dma_wait3A_228 = tpu.memref_squeeze %dma_wait3A_227 : memref<1x632x128xf32, #tpu.memory_space<hbm>> -> memref<632x128xf32, #tpu.memory_space<hbm>>
      %dma_wait3A_229 = arith.constant 0 : i32
      %dma_wait3A_230 = tpu.memref_slice %arg13[%mul3A_218, %dma_wait3A_229] : memref<10112x128xf32, #tpu.memory_space<vmem_shared>> -> memref<632x128xf32, #tpu.memory_space<vmem_shared>>
      tpu.wait_dma2 semaphore(%run_scoped3A : memref<!tpu.dma_semaphore, #tpu.memory_space<semaphore_mem>>) src(%dma_wait3A_230 : memref<632x128xf32, #tpu.memory_space<vmem_shared>>) dst(%dma_wait3A_228 : memref<632x128xf32, #tpu.memory_space<hbm>>)
      tpu.yield
    }) : () -> ()
    return
  }
}

module attributes {stable_mosaic.version = 14 : i64} {
  func.func @_l1_body(%arg0: memref<10000x128xf32, #tpu.memory_space<vmem>>, %arg1: memref<128x128xf32, #tpu.memory_space<vmem>>, %arg2: memref<10112x1xf32, #tpu.memory_space<vmem>>, %arg3: memref<10112x128xf32, #tpu.memory_space<vmem>>) attributes {dimension_semantics = [], scalar_prefetch = 0 : i64, scratch_operands = 0 : i64, tpu.core_type = #tpu.core_type<tc>} {
    %get3A = arith.constant 0 : index
    %get3A_0 = arith.constant 0 : index
    %get3A_1 = vector.load %arg0[%get3A, %get3A_0] : memref<10000x128xf32, #tpu.memory_space<vmem>>, vector<10000x128xf32>
    %get3A_2 = arith.constant 0 : index
    %get3A_3 = arith.constant 0 : index
    %get3A_4 = vector.load %arg1[%get3A_2, %get3A_3] : memref<128x128xf32, #tpu.memory_space<vmem>>, vector<128x128xf32>
    %dot_general3A = arith.constant dense<0.000000e+00> : vector<10000x128xf32>
    %dot_general3A_5 = tpu.matmul %get3A_1, %get3A_4, %dot_general3A {dimension_numbers = #tpu.dot_dimension_numbers<[1], [0], [0], [1], [0, 0, 1, 1], [], []>, transpose_lhs_hint = false} : vector<10000x128xf32>, vector<128x128xf32>, vector<10000x128xf32> -> vector<10000x128xf32>
    %get3A_6 = arith.constant 0 : index
    %get3A_7 = arith.constant 0 : index
    %get3A_8 = vector.load %arg2[%get3A_6, %get3A_7] : memref<10112x1xf32, #tpu.memory_space<vmem>>, vector<10000x1xf32>
    %mul3A = vector.broadcast %get3A_8 : vector<10000x1xf32> to vector<10000x128xf32>
    %mul3A_9 = arith.mulf %dot_general3A_5, %mul3A : vector<10000x128xf32>
    %broadcast_in_dim3A = arith.constant 0.000000e+00 : f32
    %broadcast_in_dim3A_10 = vector.broadcast %broadcast_in_dim3A : f32 to vector<112x128xf32>
    %concatenate3A = tpu.concatenate %mul3A_9, %broadcast_in_dim3A_10 in 0 : vector<10000x128xf32>, vector<112x128xf32> -> vector<10112x128xf32>
    %swap3A = arith.constant 0 : index
    %swap3A_11 = arith.constant 0 : index
    %swap3A_12 = vector.load %arg3[%swap3A, %swap3A_11] : memref<10112x128xf32, #tpu.memory_space<vmem>>, vector<10112x128xf32>
    tpu.vector_store %arg3[%swap3A, %swap3A_11], %concatenate3A {strides = array<i32>} : memref<10112x128xf32, #tpu.memory_space<vmem>>, vector<10112x128xf32>,
    return
  }
}

module attributes {stable_mosaic.version = 14 : i64} {
  func.func @_split_body(%arg0: memref<2x320000xi32, #tpu.memory_space<vmem>>, %arg1: memref<331776xi32, #tpu.memory_space<vmem>>, %arg2: memref<331776xi32, #tpu.memory_space<vmem>>) attributes {dimension_semantics = [], scalar_prefetch = 0 : i64, scratch_operands = 0 : i64, tpu.core_type = #tpu.core_type<tc>} {
    %iota3A = tpu.iota {dimensions = array<i32: 1>} : vector<1x11776xi32>
    %get3A = arith.constant 0 : index
    %get3A_0 = arith.constant 0 : index
    %get3A_1 = vector.load %arg0[%get3A, %get3A_0] : memref<2x320000xi32, #tpu.memory_space<vmem>>, vector<1x320000xi32>
    %get3A_2 = vector.shape_cast %get3A_1 : vector<1x320000xi32> to vector<320000xi32>
    %jit3A = arith.constant 10000 : i32
    %eq3A = arith.constant 0 : i32
    %eq3A_3 = arith.cmpi eq, %jit3A, %eq3A : i32
    %jit3A_4 = arith.constant 1 : i32
    %select_n3A = arith.select %eq3A_3, %jit3A_4, %jit3A : i32
    %rem3A = vector.broadcast %select_n3A : i32 to vector<1x11776xi32>
    %rem3A_5 = arith.remsi %iota3A, %rem3A : vector<1x11776xi32>
    %ne3A = arith.constant 0 : i32
    %ne3A_6 = vector.broadcast %ne3A : i32 to vector<1x11776xi32>
    %ne3A_7 = arith.cmpi ne, %rem3A_5, %ne3A_6 : vector<1x11776xi32>
    %lt3A = arith.constant 0 : i32
    %lt3A_8 = vector.broadcast %lt3A : i32 to vector<1x11776xi32>
    %lt3A_9 = arith.cmpi slt, %rem3A_5, %lt3A_8 : vector<1x11776xi32>
    %lt3A_10 = arith.constant 0 : i32
    %lt3A_11 = arith.cmpi slt, %select_n3A, %lt3A_10 : i32
    %ne3A_12 = vector.broadcast %lt3A_11 : i1 to vector<1x11776xi1>
    %ne3A_13 = vector.broadcast %ne3A_12 : vector<1x11776xi1> to vector<1x11776xi1>
    %ne3A_14 = arith.xori %lt3A_9, %ne3A_13 : vector<1x11776xi1>
    %and3A = arith.andi %ne3A_14, %ne3A_7 : vector<1x11776xi1>
    %add3A = vector.broadcast %select_n3A : i32 to vector<1x11776xi32>
    %add3A_15 = arith.addi %rem3A_5, %add3A : vector<1x11776xi32>
    %select_n3A_16 = arith.select %and3A, %add3A_15, %rem3A_5 : vector<1x11776xi1>, vector<1x11776xi32>
    %reshape3A = vector.shape_cast %select_n3A_16 : vector<1x11776xi32> to vector<11776xi32>
    %concatenate3A = tpu.concatenate %get3A_2, %reshape3A in 0 : vector<320000xi32>, vector<11776xi32> -> vector<331776xi32>
    %swap3A = arith.constant 0 : index
    %swap3A_17 = vector.load %arg1[%swap3A] : memref<331776xi32, #tpu.memory_space<vmem>>, vector<331776xi32>
    tpu.vector_store %arg1[%swap3A], %concatenate3A {strides = array<i32>} : memref<331776xi32, #tpu.memory_space<vmem>>, vector<331776xi32>,
    %get3A_18 = arith.constant 1 : index
    %get3A_19 = arith.constant 0 : index
    %get3A_20 = vector.load %arg0[%get3A_18, %get3A_19] : memref<2x320000xi32, #tpu.memory_space<vmem>>, vector<1x320000xi32>
    %get3A_21 = vector.shape_cast %get3A_20 : vector<1x320000xi32> to vector<320000xi32>
    %jit3A_22 = arith.constant 112 : i32
    %eq3A_23 = arith.constant 0 : i32
    %eq3A_24 = arith.cmpi eq, %jit3A_22, %eq3A_23 : i32
    %jit3A_25 = arith.constant 1 : i32
    %select_n3A_26 = arith.select %eq3A_24, %jit3A_25, %jit3A_22 : i32
    %rem3A_27 = vector.broadcast %select_n3A_26 : i32 to vector<1x11776xi32>
    %rem3A_28 = arith.remsi %iota3A, %rem3A_27 : vector<1x11776xi32>
    %ne3A_29 = arith.constant 0 : i32
    %ne3A_30 = vector.broadcast %ne3A_29 : i32 to vector<1x11776xi32>
    %ne3A_31 = arith.cmpi ne, %rem3A_28, %ne3A_30 : vector<1x11776xi32>
    %lt3A_32 = arith.constant 0 : i32
    %lt3A_33 = vector.broadcast %lt3A_32 : i32 to vector<1x11776xi32>
    %lt3A_34 = arith.cmpi slt, %rem3A_28, %lt3A_33 : vector<1x11776xi32>
    %lt3A_35 = arith.constant 0 : i32
    %lt3A_36 = arith.cmpi slt, %select_n3A_26, %lt3A_35 : i32
    %ne3A_37 = vector.broadcast %lt3A_36 : i1 to vector<1x11776xi1>
    %ne3A_38 = vector.broadcast %ne3A_37 : vector<1x11776xi1> to vector<1x11776xi1>
    %ne3A_39 = arith.xori %lt3A_34, %ne3A_38 : vector<1x11776xi1>
    %and3A_40 = arith.andi %ne3A_39, %ne3A_31 : vector<1x11776xi1>
    %add3A_41 = vector.broadcast %select_n3A_26 : i32 to vector<1x11776xi32>
    %add3A_42 = arith.addi %rem3A_28, %add3A_41 : vector<1x11776xi32>
    %select_n3A_43 = arith.select %and3A_40, %add3A_42, %rem3A_28 : vector<1x11776xi1>, vector<1x11776xi32>
    %add3A_44 = arith.constant 10000 : i32
    %add3A_45 = vector.broadcast %add3A_44 : i32 to vector<1x11776xi32>
    %add3A_46 = arith.addi %add3A_45, %select_n3A_43 : vector<1x11776xi32>
    %reshape3A_47 = vector.shape_cast %add3A_46 : vector<1x11776xi32> to vector<11776xi32>
    %concatenate3A_48 = tpu.concatenate %get3A_21, %reshape3A_47 in 0 : vector<320000xi32>, vector<11776xi32> -> vector<331776xi32>
    %swap3A_49 = arith.constant 0 : index
    %swap3A_50 = vector.load %arg2[%swap3A_49] : memref<331776xi32, #tpu.memory_space<vmem>>, vector<331776xi32>
    tpu.vector_store %arg2[%swap3A_49], %concatenate3A_48 {strides = array<i32>} : memref<331776xi32, #tpu.memory_space<vmem>>, vector<331776xi32>,
    return
  }
}

module attributes {stable_mosaic.version = 14 : i64} {
  func.func @_prep_body(%arg0: memref<32x10112xf32, #tpu.memory_space<vmem>>, %arg1: memref<10112x1xf32, #tpu.memory_space<vmem>>) attributes {dimension_semantics = [], scalar_prefetch = 0 : i64, scratch_operands = 0 : i64, tpu.core_type = #tpu.core_type<tc>} {
    %get3A = arith.constant 0 : index
    %get3A_0 = arith.constant 0 : index
    %get3A_1 = vector.load %arg0[%get3A, %get3A_0] : memref<32x10112xf32, #tpu.memory_space<vmem>>, vector<32x10112xf32>
    %reduce_sum3A = arith.constant dense<0.000000e+00> : vector<10112xf32>
    %reduce_sum3A_2 = vector.multi_reduction <add>, %get3A_1, %reduce_sum3A [0] : vector<32x10112xf32> to vector<10112xf32>
    %broadcast_in_dim3A = vector.shape_cast %reduce_sum3A_2 : vector<10112xf32> to vector<1x10112xf32>
    %add3A = arith.constant 1.000000e+00 : f32
    %add3A_3 = vector.broadcast %add3A : f32 to vector<1x10112xf32>
    %add3A_4 = arith.addf %broadcast_in_dim3A, %add3A_3 : vector<1x10112xf32>
    %rsqrt3A = math.rsqrt %add3A_4 : vector<1x10112xf32>
    %mul3A = arith.constant 5.000000e-01 : f32
    %mul3A_5 = vector.broadcast %mul3A : f32 to vector<1x10112xf32>
    %mul3A_6 = arith.mulf %mul3A_5, %add3A_4 : vector<1x10112xf32>
    %mul3A_7 = arith.mulf %mul3A_6, %rsqrt3A : vector<1x10112xf32>
    %mul3A_8 = arith.mulf %mul3A_7, %rsqrt3A : vector<1x10112xf32>
    %sub3A = arith.constant 1.500000e+00 : f32
    %sub3A_9 = vector.broadcast %sub3A : f32 to vector<1x10112xf32>
    %sub3A_10 = arith.subf %sub3A_9, %mul3A_8 : vector<1x10112xf32>
    %mul3A_11 = arith.mulf %rsqrt3A, %sub3A_10 : vector<1x10112xf32>
    %reshape3A = vector.shape_cast %mul3A_11 : vector<1x10112xf32> to vector<10112x1xf32>
    %swap3A = arith.constant 0 : index
    %swap3A_12 = arith.constant 0 : index
    %swap3A_13 = vector.load %arg1[%swap3A, %swap3A_12] : memref<10112x1xf32, #tpu.memory_space<vmem>>, vector<10112x1xf32>
    tpu.vector_store %arg1[%swap3A, %swap3A_12], %reshape3A {strides = array<i32>} : memref<10112x1xf32, #tpu.memory_space<vmem>>, vector<10112x1xf32>,
    return
  }
}

module attributes {stable_mosaic.version = 14 : i64} {
  func.func @_layer_body(%arg0: memref<2x10112x128xf32, #tpu.memory_space<vmem>>, %arg1: memref<10112x128xf32, #tpu.memory_space<vmem>>, %arg2: memref<10112x1xf32, #tpu.memory_space<vmem>>, %arg3: memref<1x128xf32, #tpu.memory_space<vmem>>, %arg4: memref<128x128xf32, #tpu.memory_space<vmem>>, %arg5: memref<10112x128xf32, #tpu.memory_space<vmem>>) attributes {dimension_semantics = [], scalar_prefetch = 0 : i64, scratch_operands = 0 : i64, tpu.core_type = #tpu.core_type<tc>} {
    %get3A = arith.constant 0 : index
    %get3A_0 = arith.constant 0 : index
    %get3A_1 = arith.constant 0 : index
    %get3A_2 = vector.load %arg0[%get3A, %get3A_0, %get3A_1] : memref<2x10112x128xf32, #tpu.memory_space<vmem>>, vector<1x10112x128xf32>
    %get3A_3 = vector.shape_cast %get3A_2 : vector<1x10112x128xf32> to vector<10112x128xf32>
    %get3A_4 = arith.constant 1 : index
    %get3A_5 = arith.constant 0 : index
    %get3A_6 = arith.constant 0 : index
    %get3A_7 = vector.load %arg0[%get3A_4, %get3A_5, %get3A_6] : memref<2x10112x128xf32, #tpu.memory_space<vmem>>, vector<1x10112x128xf32>
    %get3A_8 = vector.shape_cast %get3A_7 : vector<1x10112x128xf32> to vector<10112x128xf32>
    %add3A = arith.addf %get3A_3, %get3A_8 : vector<10112x128xf32>
    %get3A_9 = arith.constant 0 : index
    %get3A_10 = arith.constant 0 : index
    %get3A_11 = vector.load %arg1[%get3A_9, %get3A_10] : memref<10112x128xf32, #tpu.memory_space<vmem>>, vector<10112x128xf32>
    %add3A_12 = arith.addf %add3A, %get3A_11 : vector<10112x128xf32>
    %get3A_13 = arith.constant 0 : index
    %get3A_14 = arith.constant 0 : index
    %get3A_15 = vector.load %arg2[%get3A_13, %get3A_14] : memref<10112x1xf32, #tpu.memory_space<vmem>>, vector<10112x1xf32>
    %mul3A = vector.broadcast %get3A_15 : vector<10112x1xf32> to vector<10112x128xf32>
    %mul3A_16 = arith.mulf %add3A_12, %mul3A : vector<10112x128xf32>
    %get3A_17 = arith.constant 0 : index
    %get3A_18 = arith.constant 0 : index
    %get3A_19 = vector.load %arg3[%get3A_17, %get3A_18] : memref<1x128xf32, #tpu.memory_space<vmem>>, vector<1x128xf32>
    %add3A_20 = vector.broadcast %get3A_19 : vector<1x128xf32> to vector<10112x128xf32>
    %add3A_21 = arith.addf %mul3A_16, %add3A_20 : vector<10112x128xf32>
    %max3A = arith.constant 0.000000e+00 : f32
    %max3A_22 = vector.broadcast %max3A : f32 to vector<10112x128xf32>
    %max3A_23 = arith.maximumf %add3A_21, %max3A_22 : vector<10112x128xf32>
    %get3A_24 = arith.constant 0 : index
    %get3A_25 = arith.constant 0 : index
    %get3A_26 = vector.load %arg4[%get3A_24, %get3A_25] : memref<128x128xf32, #tpu.memory_space<vmem>>, vector<128x128xf32>
    %dot_general3A = arith.constant dense<0.000000e+00> : vector<10112x128xf32>
    %dot_general3A_27 = tpu.matmul %max3A_23, %get3A_26, %dot_general3A {dimension_numbers = #tpu.dot_dimension_numbers<[1], [0], [0], [1], [0, 0, 1, 1], [], []>, transpose_lhs_hint = false} : vector<10112x128xf32>, vector<128x128xf32>, vector<10112x128xf32> -> vector<10112x128xf32>
    %get3A_28 = arith.constant 0 : index
    %get3A_29 = arith.constant 0 : index
    %get3A_30 = vector.load %arg2[%get3A_28, %get3A_29] : memref<10112x1xf32, #tpu.memory_space<vmem>>, vector<10112x1xf32>
    %mul3A_31 = vector.broadcast %get3A_30 : vector<10112x1xf32> to vector<10112x128xf32>
    %mul3A_32 = arith.mulf %dot_general3A_27, %mul3A_31 : vector<10112x128xf32>
    %swap3A = arith.constant 0 : index
    %swap3A_33 = arith.constant 0 : index
    %swap3A_34 = vector.load %arg5[%swap3A, %swap3A_33] : memref<10112x128xf32, #tpu.memory_space<vmem>>, vector<10112x128xf32>
    tpu.vector_store %arg5[%swap3A, %swap3A_33], %mul3A_32 {strides = array<i32>} : memref<10112x128xf32, #tpu.memory_space<vmem>>, vector<10112x128xf32>,
    return
  }
}

module attributes {stable_mosaic.version = 14 : i64} {
  func.func @_final_body(%arg0: memref<2x10112x128xf32, #tpu.memory_space<vmem>>, %arg1: memref<10112x128xf32, #tpu.memory_space<vmem>>, %arg2: memref<10112x1xf32, #tpu.memory_space<vmem>>, %arg3: memref<1x128xf32, #tpu.memory_space<vmem>>, %arg4: memref<1x10112xi32, #tpu.memory_space<vmem>>, %arg5: memref<128x128xf32, #tpu.memory_space<vmem>>, %arg6: memref<1x128xf32, #tpu.memory_space<vmem>>, %arg7: memref<128x10xf32, #tpu.memory_space<vmem>>, %arg8: memref<1x10xf32, #tpu.memory_space<vmem>>, %arg9: memref<64x10xf32, #tpu.memory_space<vmem>>) attributes {dimension_semantics = [], scalar_prefetch = 0 : i64, scratch_operands = 0 : i64, tpu.core_type = #tpu.core_type<tc>} {
    %get3A = arith.constant 0 : index
    %get3A_0 = arith.constant 0 : index
    %get3A_1 = arith.constant 0 : index
    %get3A_2 = vector.load %arg0[%get3A, %get3A_0, %get3A_1] : memref<2x10112x128xf32, #tpu.memory_space<vmem>>, vector<1x10112x128xf32>
    %get3A_3 = vector.shape_cast %get3A_2 : vector<1x10112x128xf32> to vector<10112x128xf32>
    %get3A_4 = arith.constant 1 : index
    %get3A_5 = arith.constant 0 : index
    %get3A_6 = arith.constant 0 : index
    %get3A_7 = vector.load %arg0[%get3A_4, %get3A_5, %get3A_6] : memref<2x10112x128xf32, #tpu.memory_space<vmem>>, vector<1x10112x128xf32>
    %get3A_8 = vector.shape_cast %get3A_7 : vector<1x10112x128xf32> to vector<10112x128xf32>
    %add3A = arith.addf %get3A_3, %get3A_8 : vector<10112x128xf32>
    %get3A_9 = arith.constant 0 : index
    %get3A_10 = arith.constant 0 : index
    %get3A_11 = vector.load %arg1[%get3A_9, %get3A_10] : memref<10112x128xf32, #tpu.memory_space<vmem>>, vector<10112x128xf32>
    %add3A_12 = arith.addf %add3A, %get3A_11 : vector<10112x128xf32>
    %get3A_13 = arith.constant 0 : index
    %get3A_14 = arith.constant 0 : index
    %get3A_15 = vector.load %arg2[%get3A_13, %get3A_14] : memref<10112x1xf32, #tpu.memory_space<vmem>>, vector<10112x1xf32>
    %mul3A = vector.broadcast %get3A_15 : vector<10112x1xf32> to vector<10112x128xf32>
    %mul3A_16 = arith.mulf %add3A_12, %mul3A : vector<10112x128xf32>
    %get3A_17 = arith.constant 0 : index
    %get3A_18 = arith.constant 0 : index
    %get3A_19 = vector.load %arg3[%get3A_17, %get3A_18] : memref<1x128xf32, #tpu.memory_space<vmem>>, vector<1x128xf32>
    %add3A_20 = vector.broadcast %get3A_19 : vector<1x128xf32> to vector<10112x128xf32>
    %add3A_21 = arith.addf %mul3A_16, %add3A_20 : vector<10112x128xf32>
    %iota3A = tpu.iota {dimensions = array<i32: 0>} : vector<64x10112xi32>
    %get3A_22 = arith.constant 0 : index
    %get3A_23 = arith.constant 0 : index
    %get3A_24 = vector.load %arg4[%get3A_22, %get3A_23] : memref<1x10112xi32, #tpu.memory_space<vmem>>, vector<1x10112xi32>
    %eq3A = vector.broadcast %get3A_24 : vector<1x10112xi32> to vector<64x10112xi32>
    %eq3A_25 = arith.cmpi eq, %eq3A, %iota3A : vector<64x10112xi32>
    %convert_element_type3A = arith.extui %eq3A_25 : vector<64x10112xi1> to vector<64x10112xi32>
    %convert_element_type3A_26 = arith.sitofp %convert_element_type3A : vector<64x10112xi32> to vector<64x10112xf32>
    %dot_general3A = arith.constant dense<0.000000e+00> : vector<64x128xf32>
    %dot_general3A_27 = tpu.matmul %convert_element_type3A_26, %add3A_21, %dot_general3A {dimension_numbers = #tpu.dot_dimension_numbers<[1], [0], [0], [1], [0, 0, 1, 1], [], []>, precision = #tpu.contract_precision<fp32>, transpose_lhs_hint = false} : vector<64x10112xf32>, vector<10112x128xf32>, vector<64x128xf32> -> vector<64x128xf32>
    %reduce_sum3A = arith.constant dense<0.000000e+00> : vector<64xf32>
    %reduce_sum3A_28 = vector.multi_reduction <add>, %convert_element_type3A_26, %reduce_sum3A [1] : vector<64x10112xf32> to vector<64xf32>
    %broadcast_in_dim3A = vector.shape_cast %reduce_sum3A_28 : vector<64xf32> to vector<64x1xf32>
    %max3A = arith.constant 1.000000e+00 : f32
    %max3A_29 = vector.broadcast %max3A : f32 to vector<64x1xf32>
    %max3A_30 = arith.maximumf %broadcast_in_dim3A, %max3A_29 : vector<64x1xf32>
    %div3A = vector.broadcast %max3A_30 : vector<64x1xf32> to vector<64x128xf32>
    %div3A_31 = arith.divf %dot_general3A_27, %div3A : vector<64x128xf32>
    %get3A_32 = arith.constant 0 : index
    %get3A_33 = arith.constant 0 : index
    %get3A_34 = vector.load %arg5[%get3A_32, %get3A_33] : memref<128x128xf32, #tpu.memory_space<vmem>>, vector<128x128xf32>
    %dot_general3A_35 = arith.constant dense<0.000000e+00> : vector<64x128xf32>
    %dot_general3A_36 = tpu.matmul %div3A_31, %get3A_34, %dot_general3A_35 {dimension_numbers = #tpu.dot_dimension_numbers<[1], [0], [0], [1], [0, 0, 1, 1], [], []>, transpose_lhs_hint = false} : vector<64x128xf32>, vector<128x128xf32>, vector<64x128xf32> -> vector<64x128xf32>
    %get3A_37 = arith.constant 0 : index
    %get3A_38 = arith.constant 0 : index
    %get3A_39 = vector.load %arg6[%get3A_37, %get3A_38] : memref<1x128xf32, #tpu.memory_space<vmem>>, vector<1x128xf32>
    %add3A_40 = vector.broadcast %get3A_39 : vector<1x128xf32> to vector<64x128xf32>
    %add3A_41 = arith.addf %dot_general3A_36, %add3A_40 : vector<64x128xf32>
    %max3A_42 = arith.constant 0.000000e+00 : f32
    %max3A_43 = vector.broadcast %max3A_42 : f32 to vector<64x128xf32>
    %max3A_44 = arith.maximumf %add3A_41, %max3A_43 : vector<64x128xf32>
    %get3A_45 = arith.constant 0 : index
    %get3A_46 = arith.constant 0 : index
    %get3A_47 = vector.load %arg7[%get3A_45, %get3A_46] : memref<128x10xf32, #tpu.memory_space<vmem>>, vector<128x10xf32>
    %dot_general3A_48 = arith.constant dense<0.000000e+00> : vector<64x10xf32>
    %dot_general3A_49 = tpu.matmul %max3A_44, %get3A_47, %dot_general3A_48 {dimension_numbers = #tpu.dot_dimension_numbers<[1], [0], [0], [1], [0, 0, 1, 1], [], []>, transpose_lhs_hint = false} : vector<64x128xf32>, vector<128x10xf32>, vector<64x10xf32> -> vector<64x10xf32>
    %get3A_50 = arith.constant 0 : index
    %get3A_51 = arith.constant 0 : index
    %get3A_52 = vector.load %arg8[%get3A_50, %get3A_51] : memref<1x10xf32, #tpu.memory_space<vmem>>, vector<1x10xf32>
    %add3A_53 = vector.broadcast %get3A_52 : vector<1x10xf32> to vector<64x10xf32>
    %add3A_54 = arith.addf %dot_general3A_49, %add3A_53 : vector<64x10xf32>
    %swap3A = arith.constant 0 : index
    %swap3A_55 = arith.constant 0 : index
    %swap3A_56 = vector.load %arg9[%swap3A, %swap3A_55] : memref<64x10xf32, #tpu.memory_space<vmem>>, vector<64x10xf32>
    tpu.vector_store %arg9[%swap3A, %swap3A_55], %add3A_54 {strides = array<i32>} : memref<64x10xf32, #tpu.memory_space<vmem>>, vector<64x10xf32>,
    return
  }
}

</mosaic_0001>

<sc_bundles>
// kernel: kernel.12.cloned.1.call-start
scs
__scs_entry_jumppad:
0x0: {  	(pc) =	sbr.rel $0x88, $3  }
0x1: {  	(tag) =	ssettag $0x0;
	lr =	simm.s32 $0x1  }
0x2: {  	[smem:$0x3F94] =	sst lr;
	_ =	strace $0xD0000000  }
0x3: {  	_ = 	snop  }
0x4: {  	_ = 	snop  }
0x5: {  	_ = 	snop  }
0x6: {  	_ = 	snop  }
0x7: {  	_ = 	snop  }
__scs_overlays_trampoline_lowered:
0x8: {  	[smem:$0x3FA3] =	sst s0  }
0x9: {  	[smem:$0x3FA4] =	sst s1  }
0xa: {  	[smem:$0x3FA5] =	sst s2  }
0xb: {  	[smem:$0x3FA6] =	sst s3  }
0xc: {  	[smem:$0x3FA7] =	sst s4  }
0xd: {  	[smem:$0x3FA8] =	sst s5  }
0xe: {  	[smem:$0x3FA9] =	sst s6  }
0xf: {  	[smem:$0x3FAA] =	sst s7  }
0x10: {  	[smem:$0x3FAB] =	sst s8  }
0x11: {  	[smem:$0x3FAC] =	sst s9;
	s0 =	simm.s32 @!p0 $0x0  }
0x12: {  	s1 =	sld [smem:$0x3F92];
	s0 =	simm.s32 @p0 $0x1  }
0x13: {  	[smem:$0x3FAD] =	sst s0;
	s0 =	simm.s32 @!p1 $0x0  }
0x14: {  	s2 =	sld [smem:$0x3F91];
	s0 =	simm.s32 @p1 $0x1  }
0x15: {  	[smem:$0x3FAE] =	sst s0;
	s0 =	simm.s32 @!p2 $0x0  }
0x16: {  	s3 =	sld [smem:$0x3FDB];
	s0 =	simm.s32 @p2 $0x1  }
0x17: {  	s4 =	simm.s32 $0x1BF5;
	[smem:$0x3FB0] =	sst s0  }
0x18: {  	s0 =	sld [smem:$0x3F93];
	_ =	swait.ge [sflag:s4], $0x0  }
0x19: {  	s7 =	sld [smem:$0x3F94]  }
0x1a: {  	s8 =	sadd.s32 $0xFFFFE003, lr  }
0x1b: {  	s9 =	sadd.s32 $0xFFFFFEF7, lr;
	s5 =	simm.s32 $0xFFFFFFFF;
	p2 =	slt.u32 s8, $0xFFFFF086  }
0x1c: {  	p1 =	slt.u32 s9, $0xF7A;
	s5 =	simm.s32 @!p2 $0x0  }
0x1d: {  	s5 =	simm.s32 @p1 $0x1;
	p0 =	seq.s32 s7, s2  }
0x1e: {  	s7 =	smul.u32 @!p0 $0xF7A, s2;
	p2 =	seq.s32 @!p0 s5, $0x0  }
0x1f: {  	s9 =	smul.u32 $0xF7A, s1;
	s8 =	simm.s32 @!p0 $0x1BF5;
	p2 =	por !p2, p0  }
0x20: {  	[sflag:s8] =	ssyncset.s32 @!p0 $0xFFFFF086;
	s6 =	sadd.s32 @!p0 s3, s7;
	s7 =	simm.s32 @!p0 $0x108  }
0x21: {  	s3 =	sadd.s32 s3, s9;
	s6 =	sadd.s32 @!p0 $0x88, s6;
	s7 =	simm.s32 @p2 $0x1082  }
0x22: {  	[simem:s7], [sflag:s8] =	dma.local @!p0 [hbm:s6], $0xF7A  }
0x23: {  	s9 =	sor.u32 $0xD0000000, s2;
	s6 =	simm.s32 $0x108;
	_ =	swait.ge @!p0 [sflag:s8], $0x0  }
0x24: {  	s3 =	sadd.s32 $0x88, s3;
	s6 =	simm.s32 @!p1 $0x1082;
	[sflag:s4] =	ssyncset.s32 $0xFFFFF086  }
0x25: {  	[simem:s6], [sflag:s4] =	dma.local [hbm:s3], $0xF7A  }
0x26: {  	[smem:$0x3F94] =	sst s1;
	(tag) =	ssettag s2;
	_ =	strace s9  }
0x27: {  	s1 =	sld [smem:$0x3FA4]  }
0x28: {  	s2 =	sld [smem:$0x3FA5]  }
0x29: {  	s4 =	sld [smem:$0x3FA7]  }
0x2a: {  	p0 =	seq.s32 s5, $0x0;
	s5 =	sld [smem:$0x3FA8]  }
0x2b: {  	s6 =	sld [smem:$0x3FA9]  }
0x2c: {  	s7 =	sld [smem:$0x3FAA]  }
0x2d: {  	s3 =	simm.s32 $0x108;
	s8 =	sld [smem:$0x3FAB]  }
0x2e: {  	s3 =	simm.s32 @!p0 $0x1082;
	s9 =	sld [smem:$0x3FAC]  }
0x2f: {  	lr =	sadd.s32 s0, s3;
	s0 =	sld [smem:$0x3FA3]  }
0x30: {  	s3 =	sld [smem:$0x3FA6]  }
0x31: {  	[smem:$0x3FAF] =	sst s10  }
0x32: {  	s10 =	sld [smem:$0x3FAD];
	_ =	sdelay $0x3  }
0x33: {  	p0 =	seq.s32 s10, $0x1;
	s10 =	sld [smem:$0x3FAF];
	_ =	sdelay $0x3  }
0x34: {  	[smem:$0x3FAF] =	sst s10  }
0x35: {  	s10 =	sld [smem:$0x3FAE];
	_ =	sdelay $0x3  }
0x36: {  	p1 =	seq.s32 s10, $0x1;
	s10 =	sld [smem:$0x3FAF];
	_ =	sdelay $0x3  }
0x37: {  	[smem:$0x3FAF] =	sst s10  }
0x38: {  	s10 =	sld [smem:$0x3FB0]  }
0x39: {  	_ = 	snop;
	(pc) =	sbr.ind lr, $3  }
0x3a: {  	_ = 	snop  }
0x3b: {  	_ = 	snop  }
0x3c: {  	p2 =	seq.s32 s10, $0x1;
	s10 =	sld [smem:$0x3FAF]  }
0x3d: {  	_ =	shalt  }
0x3e: {  	_ =	shalt  }
0x3f: {  	_ =	shalt  }
0x40: {  	_ =	shalt  }
0x41: {  	_ =	shalt  }
0x42: {  	_ =	shalt  }
0x43: {  	_ =	shalt  }
0x44: {  	_ =	shalt  }
0x45: {  	_ =	shalt  }
0x46: {  	_ =	shalt  }
0x47: {  	_ =	shalt  }
0x48: {  	_ =	shalt  }
0x49: {  	_ =	shalt  }
0x4a: {  	_ =	shalt  }
0x4b: {  	_ =	shalt  }
0x4c: {  	_ =	shalt  }
0x4d: {  	_ =	shalt  }
0x4e: {  	_ =	shalt  }
0x4f: {  	_ =	shalt  }
0x50: {  	_ =	shalt  }
0x51: {  	_ =	shalt  }
0x52: {  	_ =	shalt  }
0x53: {  	_ =	shalt  }
0x54: {  	_ =	shalt  }
0x55: {  	_ =	shalt  }
0x56: {  	_ =	shalt  }
0x57: {  	_ =	shalt  }
0x58: {  	_ =	shalt  }
0x59: {  	_ =	shalt  }
0x5a: {  	_ =	shalt  }
0x5b: {  	_ =	shalt  }
0x5c: {  	_ =	shalt  }
0x5d: {  	_ =	shalt  }
0x5e: {  	_ =	shalt  }
0x5f: {  	_ =	shalt  }
0x60: {  	_ =	shalt  }
0x61: {  	_ =	shalt  }
0x62: {  	_ =	shalt  }
0x63: {  	_ =	shalt  }
0x64: {  	_ =	shalt  }
0x65: {  	_ =	shalt  }
0x66: {  	_ =	shalt  }
0x67: {  	_ =	shalt  }
0x68: {  	_ =	shalt  }
0x69: {  	_ =	shalt  }
0x6a: {  	_ =	shalt  }
0x6b: {  	_ =	shalt  }
0x6c: {  	_ =	shalt  }
0x6d: {  	_ =	shalt  }
0x6e: {  	_ =	shalt  }
0x6f: {  	_ =	shalt  }
0x70: {  	_ =	shalt  }
0x71: {  	_ =	shalt  }
0x72: {  	_ =	shalt  }
0x73: {  	_ =	shalt  }
0x74: {  	_ =	shalt  }
0x75: {  	_ =	shalt  }
0x76: {  	_ =	shalt  }
0x77: {  	_ =	shalt  }
0x78: {  	_ =	shalt  }
0x79: {  	_ =	shalt  }
0x7a: {  	_ =	shalt  }
0x7b: {  	_ =	shalt  }
0x7c: {  	_ =	shalt  }
0x7d: {  	_ =	shalt  }
0x7e: {  	_ =	shalt  }
0x7f: {  	_ =	shalt  }
0x80: {  	_ =	shalt  }
0x81: {  	_ =	shalt  }
0x82: {  	_ =	shalt  }
0x83: {  	_ =	shalt  }
0x84: {  	_ =	shalt  }
0x85: {  	_ =	shalt  }
0x86: {  	_ =	shalt  }
0x87: {  	_ =	shalt  }
.Lfunc_end0:
.L_simem_size_0:
called_computation_lowered:
.L_overlay_start_0:
0x88: {  	s2 =	sld [smem:$0x3FD9]  }
0x89: {  	s3 =	sld [smem:$0x3FFE];
	_ =	sdelay $0x1  }
0x8a: {  	s1 =	srdreg.scid  }
0x8b: {  	s0 =	sand.u32 $0x1, s1  }
0x8c: {  	s16 =	sshll.u32 s0, $0xA;
	s2 =	sadd.s32 s3, s2  }
0x8d: {  	s2 =	sadd.s32 s2, s16  }
0x8e: {  	[smem:$0x3FBB] =	sst s2  }
0x8f: {  	_ = 	snop  }
0x90: {  	(tm) =	ssettm $0x1  }
0x91: {  	s17 =	sld [smem:$0x3FFB];
	_ =	sdelay $0x3  }
0x92: {  	_ =	strace s17  }
0x93: {  	s2 =	sld [smem:$0x3FFC];
	_ =	sdelay $0x3  }
0x94: {  	_ =	strace s2  }
0x95: {  	s2 =	sld [smem:$0x3FFD];
	_ =	sdelay $0x3  }
0x96: {  	_ =	strace s2  }
0x97: {  	_ =	strace $0x8FFFFFFF  }
0x98: {  	s18 =	sld [smem:$0x3FDB];
	_ =	sdelay $0x1  }
0x99: {  	s19 =	simm.s32 $_scs_section_size  }
0x9a: {  	s4 =	simm.s32 $_size__tile_overlayer_lowered;
	s5 =	simm.s32 $_tile_overlayer_lowered  }
0x9b: {  	s22 =	simm.s32 $0x1BFF;
	s21 =	sshll.u32 s5, $0x1;
	s2 =	sadd.s32 s19, s18  }
0x9c: {  	s6 =	simm.s32 $0x0;
	s20 =	sshll.u32 s4, $0x1;
	s4 =	sadd.s32 s21, s2  }
0x9d: {  	[timem:s6], [sflag:s22] =	dma.local [hbm:s4], s20  }
0x9e: {  	_ =	swait.ge [sflag:s22], s20  }
0x9f: {  	s3 =	ssub.s32 $0x0, s20;
	[sflag:s22] =	ssyncset.done $0x0  }
0xa0: {  	[sflag:s22] =	ssyncadd.s32 s3;
	_ =	sdelay $0x1  }
0xa1: {  	s23 =	simm.s32 $0x1B8B  }
0xa2: {  	_ =	swait.ge [sflag:s23], $0x1  }
0xa3: {  	[sflag:s23] =	ssyncset.done $0x0  }
0xa4: {  	s25 =	simm.s32 $0x1B8E;
	s24 =	sld [smem:$0x3FFE];
	[sflag:s23] =	ssyncadd.s32 $0xFFFFFFFF  }
0xa5: {  	s26 =	simm.s32 $execute0_lowered;
	[smem:$0x3FD2] =	sst s25  }
0xa6: {  	s4 =	sshll.u32 s26, $0x1;
	_ =	strace $0x80000046;
	[dreg:$0x1] =	wrdreg $0xFFFFFFFF  }
0xa7: {  	s28 =	simm.s32 $_size_execute0_lowered;
	s2 =	sadd.s32 s2, s4;
	[dreg:$0x0] =	wrdreg $0x0  }
0xa8: {  	s4 =	sshll.u32 s28, $0x1;
	[dreg:$0x2] =	wrdreg s2  }
0xa9: {  	[dreg:$0x3] =	wrdreg s4  }
0xaa: {  	[dreg:$0x4] =	wrdreg $0xC0  }
0xab: {  	_ =	task [dreg:s6], $0x5FFFF  }
0xac: {  	[dreg:$0x1] =	wrdreg $0xFFFFFFFF  }
0xad: {  	[dreg:$0x0] =	wrdreg $0x60  }
0xae: {  	[dreg:$0x2] =	wrdreg s24  }
0xaf: {  	[dreg:$0x3] =	wrdreg $0x9  }
0xb0: {  	_ =	task.clear_ibuf [dreg:s6], $0x4FFFF;
	_ =	strace $0x90000046  }
0xb1: {  	s29 =	simm.s32 $0x9;
	_ =	strace $0x80000048  }
0xb2: {  	_ =	swait.ge [sflag:s29], $0x1  }
0xb3: {  	[sflag:s29] =	ssyncadd.s32 $0xFFFFFFFF  }
0xb4: {  	_ =	strace $0x90000048  }
0xb5: {  	_ =	sfence  }
0xb6: {  	s30 =	sld [smem:$0x0];
	_ =	sdelay $0x2  }
0xb7: {  	s31 =	sshll.u32 s1, $0xD;
	s1 =	sshrl.u32 s1, $0x2  }
0xb8: {  	s3 =	sand.u32 $0x4000, s31;
	s1 =	sadd.s32 s1, s30  }
0xb9: {  	s0 =	sor.u32 s3, s0;
	s1 =	sshll.u32 s1, $0x11  }
0xba: {  	s0 =	sor.u32 s1, s0  }
0xbb: {  	s0 =	sadd.s32 $0x8F2B, s0  }
0xbc: {  	[sflag:s0] =	ssyncadd.remote.s32 $0x1  }
0xbd: {  	_ =	sfence.sel $0xFFFF  }
0xbe: {  	[dreg:$0x0] =	wrdreg $0xFFFFFFFF;
	(pc) =	sbr.abs _section_cstart, $3  }
0xbf: {  	[dreg:$0x1] =	wrdreg $0xFFFFFFFF  }
0xc0: {  	_ =	task.clear_ibuf [dreg:s6], $0x2FFFF;
	_ =	strace $0x9FFFFFFF  }
0xc1: {  	(tm) =	ssettm $0x7FFFFFFF  }
tec
execute0_lowered:
.L_overlay_start_1:
0x0: {  	(tag) =	ssettag $0x1  }
0x1: {  	s1 =	srdreg.scid  }
0x2: {  	s0 =	stileid.u32;
	s5 =	rddreg [dreg:$0x0]  }
0x3: {  	s2 =	simm.s32 $0x0;
	s8 =	simm.s32 $0x80;
	s9 =	simm.s32 $0x400  }
0x4: {  	s10 =	simm.s32 $0x0;
	s3 =	sand.u32 $0x1, s1;
	s29 =	sshll.u32 s0, $0x1  }
0x5: {  	s30 =	sshrl.u32 s0, $0x2;
	s1 =	rddreg [dreg:$0x1];
	s4 =	sor.u32 s3, s29  }
0x6: {  	[smem:$0x7FF] =	sst s2;
	s6 =	smul.u32 $0x13C00, s30;
	s7 =	sshll.u32 s4, $0x7  }
0x7: {  	s3 =	ssub.s32 $0x2, s3;
	s4 =	smul.u32 $0x580, s4;
	s7 =	sand.u32 $0x380, s7  }
0x8: {  	_ =	strace $0x80000047;
	s31 =	sshrl.u32 s3, $0x1;
	s6 =	sor.u32 s6, s7  }
0x9: {  	s4 =	sadd.s32 s4, s5;
	s7 =	simm.s32 $0x2C00;
	s6 =	sshrl.u32 s6, $0x3  }
0xa: {  	s5 =	sadd.s32 s6, s5;
	s6 =	ssub.s32 s3, s31;
	s3 =	sadd.s32 $0x4200, s4  }
0xb: {  	v0 =	vimm.f32 $0.0e+00;
	v1 =	vimm.f32 $1.000000000e+00;
	s4 =	sadd.s32 $0xF200, s5;
	s5 =	smax.u32 s6, $0x1;
	s6 =	simm.s32 $0x1  }
.LBB2_1:
0xc: {  	[tilespmem:s2], [sflag:$0x1] =	stream.linear.gather [hbm4b:s3+s2], $0x2880, $0x38;
	[tilespmem:$0x5380] =	vst v63  }
0xd: {  	_ =	swait.ge [sflag:s6], $0x2880  }
0xe: {  	[sflag:s6] =	ssyncset.done $0x0  }
0xf: {  	s11 =	simm.s32 $0x0;
	[sflag:s6] =	ssyncadd.s32 $0xFFFFD780  }
.LBB2_2:
0x10: {  	p0 =	sne.s32 s11, $0x9DC0  }
.Ltmp0:
0x11: {  	_ = 	snop;
	(pc) =	sbr.rel @p0 .LBB2_2-.Ltmp0, $3  }
0x12: {  	_ =	sdelay $0x1  }
0x13: {  	s12 =	sshra.s32 s11, $0x2  }
0x14: {  	s11 =	sadd.s32 $0x40, s11;
	[tilespmem:s12+$0x2C00] =	vst v0  }
0x15: {  	s11 =	simm.s32 $0x1C0  }
.LBB2_4:
0x16: {  	s12 =	sshra.s32 s11, $0x2  }
0x17: {  	v2 =	vld [tilespmem:s12+$0xFFFFFF90];
	_ =	sdelay $0x7  }
0x18: {  	[tilespmem:v2+s7+$0x0] =	vst.idx.add.f32.msk $0xffff, v1  }
0x19: {  	v2 =	vld [tilespmem:s12+$0xFFFFFFA0];
	_ =	sdelay $0x7  }
0x1a: {  	[tilespmem:v2+s7+$0x0] =	vst.idx.add.f32.msk $0xffff, v1  }
0x1b: {  	v2 =	vld [tilespmem:s12+$0xFFFFFFB0];
	_ =	sdelay $0x7  }
0x1c: {  	[tilespmem:v2+s7+$0x0] =	vst.idx.add.f32.msk $0xffff, v1  }
0x1d: {  	v2 =	vld [tilespmem:s12+$0xFFFFFFC0];
	_ =	sdelay $0x7  }
0x1e: {  	[tilespmem:v2+s7+$0x0] =	vst.idx.add.f32.msk $0xffff, v1  }
0x1f: {  	v2 =	vld [tilespmem:s12+$0xFFFFFFD0];
	_ =	sdelay $0x7  }
0x20: {  	[tilespmem:v2+s7+$0x0] =	vst.idx.add.f32.msk $0xffff, v1  }
0x21: {  	v2 =	vld [tilespmem:s12+$0xFFFFFFE0];
	_ =	sdelay $0x7  }
0x22: {  	[tilespmem:v2+s7+$0x0] =	vst.idx.add.f32.msk $0xffff, v1  }
0x23: {  	v2 =	vld [tilespmem:s12+$0xFFFFFFF0];
	_ =	sdelay $0x7  }
0x24: {  	[tilespmem:v2+s7+$0x0] =	vst.idx.add.f32.msk $0xffff, v1  }
0x25: {  	v2 =	vld [tilespmem:s12+$0x0];
	_ =	sdelay $0x2  }
0x26: {  	p0 =	sne.s32 s11, $0xA1C0  }
.Ltmp1:
0x27: {  	_ = 	snop;
	(pc) =	sbr.rel @p0 .LBB2_4-.Ltmp1, $2  }
0x28: {  	_ =	sdelay $0x2  }
0x29: {  	s11 =	sadd.s32 $0x200, s11;
	[tilespmem:v2+s7+$0x0] =	vst.idx.add.f32.msk $0xffff, v1  }
0x2a: {  	s10 =	sadd.s32 $0x1, s10  }
0x2b: {  	p0 =	sne.s32 s10, s5  }
.Ltmp2:
0x2c: {  	_ = 	snop;
	(pc) =	sbr.rel @p0 .LBB2_1-.Ltmp2, $4  }
0x2d: {  	[hbm4b:s4+s8] =	stream.strided.scatter [tilespmem:s7], [sflag:$0x1], $0x2780, s9, s8, $0x38;
	[tilespmem:$0x5380] =	vst v63  }
0x2e: {  	_ =	swait.ge [sflag:s6], $0x2780  }
0x2f: {  	[sflag:s6] =	ssyncset.done $0x0  }
0x30: {  	[sflag:s6] =	ssyncadd.s32 $0xFFFFD880  }
0x31: {  	_ =	sfence.sel $0x180000  }
0x32: {  	[bflag:$0x0] =	sbarrier.arrive $0xFFFF  }
0x33: {  	p0 =	sne.s32 s0, $0x0;
	_ =	strace $0x90000047  }
0x34: {  	s0 =	sadd.s32 @!p0 $0x100000, s1;
	[bflag:$0x2] =	sbarrier.arrive $0xFFFF  }
0x35: {  	[sflag:s0] =	ssyncadd.tile.s32 @!p0 $0x1;
	_ =	shalt  }
.Lfunc_end2:
_tile_overlayer_lowered:
.L_overlay_start_2:
0x36: {  	(tag) =	ssettag $0x2  }
0x37: {  	s0 =	rddreg [dreg:$0x0];
	s2 =	stileid.u32  }
0x38: {  	s1 =	rddreg [dreg:$0x1];
	p0 =	sne.s32 s2, $0x0  }
0x39: {  	s3 =	rddreg [dreg:$0x2];
	[bflag:$0x3] =	sbarrier.arrive $0xFFFF;
	s2 =	simm.s32 @!p0 $0x1C01  }
0x3a: {  	[timem:s3], [sflag:s2] =	dma.local @!p0 [hbm:s0], s1  }
0x3b: {  	s0 =	simm.s32 @!p0 $0x1  }
0x3c: {  	_ =	swait.ge @!p0 [sflag:s0], s1  }
0x3d: {  	s1 =	ssub.s32 @!p0 $0x0, s1;
	[sflag:s0] =	ssyncset.done @!p0 $0x0  }
0x3e: {  	[sflag:s0] =	ssyncadd.s32 @!p0 s1  }
0x3f: {  	[bflag:$0x3] =	sbarrier.arrive $0xFFFF  }
0x40: {  	_ =	shalt  }

// kernel: kernel.15.cloned.1.call-start
scs
__scs_entry_jumppad:
0x0: {  	(pc) =	sbr.rel $0x88, $3  }
0x1: {  	(tag) =	ssettag $0x0;
	lr =	simm.s32 $0x1  }
0x2: {  	[smem:$0x3F94] =	sst lr;
	_ =	strace $0xD0000000  }
0x3: {  	_ = 	snop  }
0x4: {  	_ = 	snop  }
0x5: {  	_ = 	snop  }
0x6: {  	_ = 	snop  }
0x7: {  	_ = 	snop  }
__scs_overlays_trampoline_lowered:
0x8: {  	[smem:$0x3FA3] =	sst s0  }
0x9: {  	[smem:$0x3FA4] =	sst s1  }
0xa: {  	[smem:$0x3FA5] =	sst s2  }
0xb: {  	[smem:$0x3FA6] =	sst s3  }
0xc: {  	[smem:$0x3FA7] =	sst s4  }
0xd: {  	[smem:$0x3FA8] =	sst s5  }
0xe: {  	[smem:$0x3FA9] =	sst s6  }
0xf: {  	[smem:$0x3FAA] =	sst s7  }
0x10: {  	[smem:$0x3FAB] =	sst s8  }
0x11: {  	[smem:$0x3FAC] =	sst s9;
	s0 =	simm.s32 @!p0 $0x0  }
0x12: {  	s1 =	sld [smem:$0x3F92];
	s0 =	simm.s32 @p0 $0x1  }
0x13: {  	[smem:$0x3FAD] =	sst s0;
	s0 =	simm.s32 @!p1 $0x0  }
0x14: {  	s2 =	sld [smem:$0x3F91];
	s0 =	simm.s32 @p1 $0x1  }
0x15: {  	[smem:$0x3FAE] =	sst s0;
	s0 =	simm.s32 @!p2 $0x0  }
0x16: {  	s3 =	sld [smem:$0x3FDB];
	s0 =	simm.s32 @p2 $0x1  }
0x17: {  	s4 =	simm.s32 $0x1BF5;
	[smem:$0x3FB0] =	sst s0  }
0x18: {  	s0 =	sld [smem:$0x3F93];
	_ =	swait.ge [sflag:s4], $0x0  }
0x19: {  	s7 =	sld [smem:$0x3F94]  }
0x1a: {  	s8 =	sadd.s32 $0xFFFFE003, lr  }
0x1b: {  	s9 =	sadd.s32 $0xFFFFFEF7, lr;
	s5 =	simm.s32 $0xFFFFFFFF;
	p2 =	slt.u32 s8, $0xFFFFF086  }
0x1c: {  	p1 =	slt.u32 s9, $0xF7A;
	s5 =	simm.s32 @!p2 $0x0  }
0x1d: {  	s5 =	simm.s32 @p1 $0x1;
	p0 =	seq.s32 s7, s2  }
0x1e: {  	s7 =	smul.u32 @!p0 $0xF7A, s2;
	p2 =	seq.s32 @!p0 s5, $0x0  }
0x1f: {  	s9 =	smul.u32 $0xF7A, s1;
	s8 =	simm.s32 @!p0 $0x1BF5;
	p2 =	por !p2, p0  }
0x20: {  	[sflag:s8] =	ssyncset.s32 @!p0 $0xFFFFF086;
	s6 =	sadd.s32 @!p0 s3, s7;
	s7 =	simm.s32 @!p0 $0x108  }
0x21: {  	s3 =	sadd.s32 s3, s9;
	s6 =	sadd.s32 @!p0 $0x88, s6;
	s7 =	simm.s32 @p2 $0x1082  }
0x22: {  	[simem:s7], [sflag:s8] =	dma.local @!p0 [hbm:s6], $0xF7A  }
0x23: {  	s9 =	sor.u32 $0xD0000000, s2;
	s6 =	simm.s32 $0x108;
	_ =	swait.ge @!p0 [sflag:s8], $0x0  }
0x24: {  	s3 =	sadd.s32 $0x88, s3;
	s6 =	simm.s32 @!p1 $0x1082;
	[sflag:s4] =	ssyncset.s32 $0xFFFFF086  }
0x25: {  	[simem:s6], [sflag:s4] =	dma.local [hbm:s3], $0xF7A  }
0x26: {  	[smem:$0x3F94] =	sst s1;
	(tag) =	ssettag s2;
	_ =	strace s9  }
0x27: {  	s1 =	sld [smem:$0x3FA4]  }
0x28: {  	s2 =	sld [smem:$0x3FA5]  }
0x29: {  	s4 =	sld [smem:$0x3FA7]  }
0x2a: {  	p0 =	seq.s32 s5, $0x0;
	s5 =	sld [smem:$0x3FA8]  }
0x2b: {  	s6 =	sld [smem:$0x3FA9]  }
0x2c: {  	s7 =	sld [smem:$0x3FAA]  }
0x2d: {  	s3 =	simm.s32 $0x108;
	s8 =	sld [smem:$0x3FAB]  }
0x2e: {  	s3 =	simm.s32 @!p0 $0x1082;
	s9 =	sld [smem:$0x3FAC]  }
0x2f: {  	lr =	sadd.s32 s0, s3;
	s0 =	sld [smem:$0x3FA3]  }
0x30: {  	s3 =	sld [smem:$0x3FA6]  }
0x31: {  	[smem:$0x3FAF] =	sst s10  }
0x32: {  	s10 =	sld [smem:$0x3FAD];
	_ =	sdelay $0x3  }
0x33: {  	p0 =	seq.s32 s10, $0x1;
	s10 =	sld [smem:$0x3FAF];
	_ =	sdelay $0x3  }
0x34: {  	[smem:$0x3FAF] =	sst s10  }
0x35: {  	s10 =	sld [smem:$0x3FAE];
	_ =	sdelay $0x3  }
0x36: {  	p1 =	seq.s32 s10, $0x1;
	s10 =	sld [smem:$0x3FAF];
	_ =	sdelay $0x3  }
0x37: {  	[smem:$0x3FAF] =	sst s10  }
0x38: {  	s10 =	sld [smem:$0x3FB0]  }
0x39: {  	_ = 	snop;
	(pc) =	sbr.ind lr, $3  }
0x3a: {  	_ = 	snop  }
0x3b: {  	_ = 	snop  }
0x3c: {  	p2 =	seq.s32 s10, $0x1;
	s10 =	sld [smem:$0x3FAF]  }
0x3d: {  	_ =	shalt  }
0x3e: {  	_ =	shalt  }
0x3f: {  	_ =	shalt  }
0x40: {  	_ =	shalt  }
0x41: {  	_ =	shalt  }
0x42: {  	_ =	shalt  }
0x43: {  	_ =	shalt  }
0x44: {  	_ =	shalt  }
0x45: {  	_ =	shalt  }
0x46: {  	_ =	shalt  }
0x47: {  	_ =	shalt  }
0x48: {  	_ =	shalt  }
0x49: {  	_ =	shalt  }
0x4a: {  	_ =	shalt  }
0x4b: {  	_ =	shalt  }
0x4c: {  	_ =	shalt  }
0x4d: {  	_ =	shalt  }
0x4e: {  	_ =	shalt  }
0x4f: {  	_ =	shalt  }
0x50: {  	_ =	shalt  }
0x51: {  	_ =	shalt  }
0x52: {  	_ =	shalt  }
0x53: {  	_ =	shalt  }
0x54: {  	_ =	shalt  }
0x55: {  	_ =	shalt  }
0x56: {  	_ =	shalt  }
0x57: {  	_ =	shalt  }
0x58: {  	_ =	shalt  }
0x59: {  	_ =	shalt  }
0x5a: {  	_ =	shalt  }
0x5b: {  	_ =	shalt  }
0x5c: {  	_ =	shalt  }
0x5d: {  	_ =	shalt  }
0x5e: {  	_ =	shalt  }
0x5f: {  	_ =	shalt  }
0x60: {  	_ =	shalt  }
0x61: {  	_ =	shalt  }
0x62: {  	_ =	shalt  }
0x63: {  	_ =	shalt  }
0x64: {  	_ =	shalt  }
0x65: {  	_ =	shalt  }
0x66: {  	_ =	shalt  }
0x67: {  	_ =	shalt  }
0x68: {  	_ =	shalt  }
0x69: {  	_ =	shalt  }
0x6a: {  	_ =	shalt  }
0x6b: {  	_ =	shalt  }
0x6c: {  	_ =	shalt  }
0x6d: {  	_ =	shalt  }
0x6e: {  	_ =	shalt  }
0x6f: {  	_ =	shalt  }
0x70: {  	_ =	shalt  }
0x71: {  	_ =	shalt  }
0x72: {  	_ =	shalt  }
0x73: {  	_ =	shalt  }
0x74: {  	_ =	shalt  }
0x75: {  	_ =	shalt  }
0x76: {  	_ =	shalt  }
0x77: {  	_ =	shalt  }
0x78: {  	_ =	shalt  }
0x79: {  	_ =	shalt  }
0x7a: {  	_ =	shalt  }
0x7b: {  	_ =	shalt  }
0x7c: {  	_ =	shalt  }
0x7d: {  	_ =	shalt  }
0x7e: {  	_ =	shalt  }
0x7f: {  	_ =	shalt  }
0x80: {  	_ =	shalt  }
0x81: {  	_ =	shalt  }
0x82: {  	_ =	shalt  }
0x83: {  	_ =	shalt  }
0x84: {  	_ =	shalt  }
0x85: {  	_ =	shalt  }
0x86: {  	_ =	shalt  }
0x87: {  	_ =	shalt  }
.Lfunc_end0:
.L_simem_size_0:
called_computation.1_lowered:
.L_overlay_start_0:
0x88: {  	s2 =	sld [smem:$0x3FD9]  }
0x89: {  	s3 =	sld [smem:$0x3FFE];
	_ =	sdelay $0x1  }
0x8a: {  	s1 =	srdreg.scid  }
0x8b: {  	s0 =	sand.u32 $0x1, s1  }
0x8c: {  	s16 =	sshll.u32 s0, $0xA;
	s2 =	sadd.s32 s3, s2  }
0x8d: {  	s2 =	sadd.s32 s2, s16  }
0x8e: {  	[smem:$0x3FBB] =	sst s2  }
0x8f: {  	_ = 	snop  }
0x90: {  	(tm) =	ssettm $0x1  }
0x91: {  	s17 =	sld [smem:$0x3FFB];
	_ =	sdelay $0x3  }
0x92: {  	_ =	strace s17  }
0x93: {  	s2 =	sld [smem:$0x3FFC];
	_ =	sdelay $0x3  }
0x94: {  	_ =	strace s2  }
0x95: {  	s2 =	sld [smem:$0x3FFD];
	_ =	sdelay $0x3  }
0x96: {  	_ =	strace s2  }
0x97: {  	_ =	strace $0x8FFFFFFF  }
0x98: {  	s18 =	sld [smem:$0x3FDB];
	_ =	sdelay $0x1  }
0x99: {  	s19 =	simm.s32 $_scs_section_size  }
0x9a: {  	s4 =	simm.s32 $_size__tile_overlayer_lowered;
	s5 =	simm.s32 $_tile_overlayer_lowered  }
0x9b: {  	s22 =	simm.s32 $0x1BFF;
	s21 =	sshll.u32 s5, $0x1;
	s2 =	sadd.s32 s19, s18  }
0x9c: {  	s6 =	simm.s32 $0x0;
	s20 =	sshll.u32 s4, $0x1;
	s4 =	sadd.s32 s21, s2  }
0x9d: {  	[timem:s6], [sflag:s22] =	dma.local [hbm:s4], s20  }
0x9e: {  	_ =	swait.ge [sflag:s22], s20  }
0x9f: {  	s3 =	ssub.s32 $0x0, s20;
	[sflag:s22] =	ssyncset.done $0x0  }
0xa0: {  	[sflag:s22] =	ssyncadd.s32 s3;
	_ =	sdelay $0x1  }
0xa1: {  	s23 =	simm.s32 $0x1B8B  }
0xa2: {  	_ =	swait.ge [sflag:s23], $0x1  }
0xa3: {  	[sflag:s23] =	ssyncset.done $0x0  }
0xa4: {  	s25 =	simm.s32 $0x1B8E;
	s24 =	sld [smem:$0x3FFE];
	[sflag:s23] =	ssyncadd.s32 $0xFFFFFFFF  }
0xa5: {  	s26 =	simm.s32 $execute0_lowered;
	[smem:$0x3FD2] =	sst s25  }
0xa6: {  	s4 =	sshll.u32 s26, $0x1;
	_ =	strace $0x80000049;
	[dreg:$0x1] =	wrdreg $0xFFFFFFFF  }
0xa7: {  	s28 =	simm.s32 $_size_execute0_lowered;
	s2 =	sadd.s32 s2, s4;
	[dreg:$0x0] =	wrdreg $0x0  }
0xa8: {  	s4 =	sshll.u32 s28, $0x1;
	[dreg:$0x2] =	wrdreg s2  }
0xa9: {  	[dreg:$0x3] =	wrdreg s4  }
0xaa: {  	[dreg:$0x4] =	wrdreg $0xC0  }
0xab: {  	_ =	task [dreg:s6], $0x5FFFF  }
0xac: {  	[dreg:$0x1] =	wrdreg $0xFFFFFFFF  }
0xad: {  	[dreg:$0x0] =	wrdreg $0x60  }
0xae: {  	[dreg:$0x2] =	wrdreg s24  }
0xaf: {  	[dreg:$0x3] =	wrdreg $0xC3000  }
0xb0: {  	[dreg:$0x4] =	wrdreg $0x9  }
0xb1: {  	_ =	task.clear_ibuf [dreg:s6], $0x5FFFF;
	_ =	strace $0x90000049  }
0xb2: {  	s29 =	simm.s32 $0x9;
	_ =	strace $0x8000004B  }
0xb3: {  	_ =	swait.ge [sflag:s29], $0x1  }
0xb4: {  	[sflag:s29] =	ssyncadd.s32 $0xFFFFFFFF  }
0xb5: {  	_ =	strace $0x9000004B  }
0xb6: {  	_ =	sfence  }
0xb7: {  	s30 =	sld [smem:$0x0];
	_ =	sdelay $0x2  }
0xb8: {  	s31 =	sshll.u32 s1, $0xD;
	s1 =	sshrl.u32 s1, $0x2  }
0xb9: {  	s3 =	sand.u32 $0x4000, s31;
	s1 =	sadd.s32 s1, s30  }
0xba: {  	s0 =	sor.u32 s3, s0;
	s1 =	sshll.u32 s1, $0x11  }
0xbb: {  	s0 =	sor.u32 s1, s0  }
0xbc: {  	s0 =	sadd.s32 $0x8F2B, s0  }
0xbd: {  	[sflag:s0] =	ssyncadd.remote.s32 $0x1  }
0xbe: {  	_ =	sfence.sel $0xFFFF  }
0xbf: {  	[dreg:$0x0] =	wrdreg $0xFFFFFFFF;
	(pc) =	sbr.abs _section_cstart, $3  }
0xc0: {  	[dreg:$0x1] =	wrdreg $0xFFFFFFFF  }
0xc1: {  	_ =	task.clear_ibuf [dreg:s6], $0x2FFFF;
	_ =	strace $0x9FFFFFFF  }
0xc2: {  	(tm) =	ssettm $0x7FFFFFFF  }
0xc3: {  	_ =	shalt  }
tec
execute0_lowered:
.L_overlay_start_1:
0x0: {  	(tag) =	ssettag $0x1  }
0x1: {  	s0 =	rddreg [dreg:$0x0]  }
0x2: {  	s1 =	rddreg [dreg:$0x1];
	s3 =	simm.s32 $0x0  }
0x3: {  	s2 =	srdreg.scid;
	s10 =	stileid.u32;
	s28 =	simm.s32 $0x8300  }
0x4: {  	s29 =	simm.s32 $0xA;
	s30 =	simm.s32 $0x1;
	s31 =	simm.s32 $0x2  }
0x5: {  	[smem:$0x7FF] =	sst s3;
	s2 =	sand.u32 $0x1, s2;
	s8 =	smul.u32 $0x13C00, s10  }
0x6: {  	s6 =	sshll.u32 s10, $0x1;
	s4 =	sadd.s32 $0x24000, s0;
	s10 =	smul.u32 $0x4F000, s10  }
0x7: {  	s5 =	sadd.s32 $0x19000, s0;
	s17 =	sadd.s32 $0xF200, s0;
	s7 =	smul.u32 $0x13C000, s2  }
0x8: {  	_ =	strace $0x8000004A;
	s9 =	sor.u32 s2, s6;
	s2 =	ssub.s32 $0x2, s2  }
0x9: {  	s6 =	sadd.s32 $0x4200, s0;
	[dreg:$0x3] =	wrdreg s17;
	s18 =	sshrl.u32 s2, $0x1  }
0xa: {  	s24 =	sshrl.u32 s10, $0x2;
	s10 =	simm.s32 $0x6;
	s8 =	sadd.s32 s8, s7  }
0xb: {  	s7 =	smul.u32 $0x2C00, s9;
	s2 =	ssub.s32 s2, s18;
	s26 =	sadd.s32 s24, s1  }
0xc: {  	s18 =	simm.s32 $0x80;
	s24 =	simm.s32 $0x4300;
	s9 =	simm.s32 $0x5  }
0xd: {  	s8 =	sshrl.u32 s8, $0x3;
	[dreg:$0xa] =	wrdreg s26;
	s17 =	smax.u32 s2, $0x1  }
0xe: {  	s26 =	simm.s32 $0x9;
	s2 =	simm.s32 $0x280;
	s19 =	sshrl.u32 s7, $0x3  }
0xf: {  	s0 =	sadd.s32 s8, s0;
	s20 =	sor.u32 $0x10, s19;
	s11 =	sadd.s32 s5, s19  }
0x10: {  	s21 =	sadd.s32 s6, s19;
	s23 =	sor.u32 $0x20, s19;
	[dreg:$0x4] =	wrdreg s11  }
0x11: {  	s0 =	sadd.s32 $0x4B800, s0;
	s19 =	simm.s32 $0x7;
	[dreg:$0x5] =	wrdreg s21  }
0x12: {  	s22 =	sadd.s32 s5, s20;
	s8 =	sadd.s32 s6, s20;
	[dreg:$0xb] =	wrdreg s0  }
.Ltmp0:
0x13: {  	s25 =	sadd.s32 s5, s23;
	[dreg:$0x6] =	wrdreg s22;
	(pc) =	sbr.rel .LBB2_1-.Ltmp0, $4  }
0x14: {  	s20 =	simm.s32 $0x300;
	s21 =	simm.s32 $0x100;
	[dreg:$0x7] =	wrdreg s8  }
0x15: {  	s0 =	simm.s32 $0x3;
	s11 =	simm.s32 $0x0;
	[dreg:$0x8] =	wrdreg s25  }
0x16: {  	s8 =	sadd.s32 s6, s23;
	s22 =	simm.s32 $0x180;
	s23 =	simm.s32 $0x8  }
0x17: {  	s25 =	simm.s32 $0x200;
	[dreg:$0x9] =	wrdreg s8;
	s8 =	simm.s32 $0x4  }
.LBB2_4:
0x18: {  	_ =	swait.ge [sflag:s9], $0x4000  }
0x19: {  	[sflag:s9] =	ssyncset.done $0x0  }
0x1a: {  	[sflag:s9] =	ssyncadd.s32 $0xFFFFC000  }
0x1b: {  	_ =	swait.ge [sflag:s10], $0x4000  }
0x1c: {  	[sflag:s10] =	ssyncset.done $0x0  }
0x1d: {  	s11 =	sadd.s32 $0x1, s11;
	[sflag:s10] =	ssyncadd.s32 $0xFFFFC000  }
0x1e: {  	p0 =	sne.s32 s11, s17;
	[bflag:$0x0] =	sbarrier.arrive $0xFFFF  }
.Ltmp1:
0x1f: {  	s14 =	rddreg [dreg:$0xb];
	(pc) =	sbr.rel @!p0 .LBB2_5-.Ltmp1, $4  }
0x20: {  	[hbm:s14], [sflag:s12] =	dma.local [spmem:s13], $0x2780  }
0x21: {  	_ =	swait.ge [sflag:s29], $0x2780  }
0x22: {  	[sflag:s29] =	ssyncset.done $0x0  }
0x23: {  	[sflag:s29] =	ssyncadd.s32 $0xFFFFD880  }
.LBB2_1:
0x24: {  	s12 =	rddreg [dreg:$0x4]  }
0x25: {  	[tilespmem:s3], [sflag:$0x7] =	stream.linear.gather [hbm4b:s12+s3], $0x80, $0x38;
	[tilespmem:$0x1FF00] =	vst v63  }
0x26: {  	s15 =	rddreg [dreg:$0x5]  }
0x27: {  	[tilespmem:s18], [sflag:$0x7] =	stream.linear.gather [hbm4b:s15+s3], $0x80, $0x38;
	[tilespmem:$0x1FF00] =	vst v63  }
0x28: {  	_ =	swait.ge [sflag:s19], $0x80  }
0x29: {  	[sflag:s19] =	ssyncset.done $0x0  }
0x2a: {  	[sflag:s19] =	ssyncadd.s32 $0xFFFFFF80  }
0x2b: {  	_ =	swait.ge [sflag:s19], $0x80  }
0x2c: {  	[sflag:s19] =	ssyncset.done $0x0  }
0x2d: {  	[sflag:s19] =	ssyncadd.s32 $0xFFFFFF80  }
0x2e: {  	[tilespmem:s20], [sflag:$0x1] =	stream.indirect.gather [hbm4b:s4+s18], $0x80, s3, s18, $0xb8;
	[tilespmem:$0x1FF00] =	vst v63  }
0x2f: {  	s16 =	rddreg [dreg:$0x6]  }
0x30: {  	[tilespmem:s21], [sflag:$0x8] =	stream.linear.gather [hbm4b:s16+s3], $0x80, $0x38;
	[tilespmem:$0x1FF00] =	vst v63  }
0x31: {  	s13 =	rddreg [dreg:$0x7]  }
0x32: {  	[tilespmem:s22], [sflag:$0x8] =	stream.linear.gather [hbm4b:s13+s3], $0x80, $0x38;
	[tilespmem:$0x1FF00] =	vst v63  }
0x33: {  	_ =	swait.ge [sflag:s23], $0x80  }
0x34: {  	[sflag:s23] =	ssyncset.done $0x0  }
0x35: {  	[sflag:s23] =	ssyncadd.s32 $0xFFFFFF80  }
0x36: {  	_ =	swait.ge [sflag:s23], $0x80  }
0x37: {  	[sflag:s23] =	ssyncset.done $0x0  }
0x38: {  	[sflag:s23] =	ssyncadd.s32 $0xFFFFFF80  }
0x39: {  	[tilespmem:s24], [sflag:$0x2] =	stream.indirect.gather [hbm4b:s4+s18], $0x80, s21, s18, $0xb8;
	[tilespmem:$0x1FF00] =	vst v63  }
0x3a: {  	s14 =	rddreg [dreg:$0x8]  }
0x3b: {  	[tilespmem:s25], [sflag:$0x9] =	stream.linear.gather [hbm4b:s14+s3], $0x80, $0x38;
	[tilespmem:$0x1FF00] =	vst v63  }
0x3c: {  	s15 =	rddreg [dreg:$0x9]  }
0x3d: {  	[tilespmem:s2], [sflag:$0x9] =	stream.linear.gather [hbm4b:s15+s3], $0x80, $0x38;
	[tilespmem:$0x1FF00] =	vst v63  }
0x3e: {  	_ =	swait.ge [sflag:s26], $0x80  }
0x3f: {  	[sflag:s26] =	ssyncset.done $0x0  }
0x40: {  	s16 =	stileid.u32;
	[sflag:s26] =	ssyncadd.s32 $0xFFFFFF80  }
0x41: {  	s12 =	sshll.u32 s16, $0x6;
	_ =	swait.ge [sflag:s26], $0x80  }
0x42: {  	s12 =	sor.u32 $0x1C0A, s12;
	[sflag:s26] =	ssyncset.done $0x0;
	s13 =	rddreg [dreg:$0xa]  }
0x43: {  	s14 =	rddreg [dreg:$0x3];
	[sflag:s26] =	ssyncadd.s32 $0xFFFFFF80;
	s13 =	sshrl.u32 s13, $0x3  }
0x44: {  	[tilespmem:s28], [sflag:$0x3] =	stream.indirect.gather [hbm4b:s4+s18], $0x80, s25, s18, $0xb8;
	[tilespmem:$0x1FF00] =	vst v63  }
0x45: {  	[spmem:s13], [sflag:s12] =	dma.local [hbm:s14], $0x2780  }
0x46: {  	_ =	swait.ge [sflag:s29], $0x2780  }
0x47: {  	[sflag:s29] =	ssyncset.done $0x0  }
0x48: {  	[sflag:s29] =	ssyncadd.s32 $0xFFFFD880  }
0x49: {  	s14 =	simm.s32 $0x280;
	[bflag:$0x0] =	sbarrier.arrive $0xFFFF  }
.LBB2_2:
0x4a: {  	_ =	swait.ge [sflag:s30], $0x4000  }
0x4b: {  	[sflag:s30] =	ssyncset.done $0x0  }
0x4c: {  	[sflag:s30] =	ssyncadd.s32 $0xFFFFC000  }
0x4d: {  	[spmem:s1] =	stream.indirect.scatter.add.f32 [tilespmem:s20], [sflag:$0x4], $0x80, s18, s18, $0xb8;
	[tilespmem:$0x1FF00] =	vst v63  }
0x4e: {  	_ =	swait.ge [sflag:s31], $0x4000  }
0x4f: {  	[sflag:s31] =	ssyncset.done $0x0  }
0x50: {  	[sflag:s31] =	ssyncadd.s32 $0xFFFFC000  }
0x51: {  	[spmem:s1] =	stream.indirect.scatter.add.f32 [tilespmem:s24], [sflag:$0x5], $0x80, s22, s18, $0xb8;
	[tilespmem:$0x1FF00] =	vst v63  }
0x52: {  	_ =	swait.ge [sflag:s0], $0x4000  }
0x53: {  	p0 =	seq.s32 s14, $0x2980;
	[sflag:s0] =	ssyncset.done $0x0  }
.Ltmp2:
0x54: {  	[sflag:s0] =	ssyncadd.s32 $0xFFFFC000;
	(pc) =	sbr.rel @p0 .LBB2_4-.Ltmp2, $4  }
0x55: {  	[spmem:s1] =	stream.indirect.scatter.add.f32 [tilespmem:s28], [sflag:$0x6], $0x80, s2, s18, $0xb8;
	[tilespmem:$0x1FF00] =	vst v63  }
0x56: {  	_ =	swait.ge [sflag:s8], $0x4000  }
0x57: {  	[sflag:s8] =	ssyncset.done $0x0  }
0x58: {  	[sflag:s8] =	ssyncadd.s32 $0xFFFFC000  }
0x59: {  	s15 =	sadd.s32 $0xFFFFFF00, s14  }
0x5a: {  	s16 =	sand.u32 $0x7C00, s15  }
0x5b: {  	s15 =	sand.u32 $0x380, s15;
	s16 =	sadd.s32 s7, s16  }
0x5c: {  	s15 =	sor.u32 s15, s16  }
0x5d: {  	s15 =	sshrl.u32 s15, $0x3  }
0x5e: {  	s16 =	sadd.s32 s5, s15  }
0x5f: {  	[tilespmem:s3], [sflag:$0x7] =	stream.linear.gather [hbm4b:s16+s3], $0x80, $0x38;
	[tilespmem:$0x1FF00] =	vst v63  }
0x60: {  	s15 =	sadd.s32 s6, s15  }
0x61: {  	[tilespmem:s18], [sflag:$0x7] =	stream.linear.gather [hbm4b:s15+s3], $0x80, $0x38;
	[tilespmem:$0x1FF00] =	vst v63  }
0x62: {  	_ =	swait.ge [sflag:s19], $0x80  }
0x63: {  	[sflag:s19] =	ssyncset.done $0x0  }
0x64: {  	[sflag:s19] =	ssyncadd.s32 $0xFFFFFF80  }
0x65: {  	s15 =	sadd.s32 $0xFFFFFF80, s14;
	_ =	swait.ge [sflag:s19], $0x80  }
0x66: {  	s16 =	sand.u32 $0x7C00, s15;
	[sflag:s19] =	ssyncset.done $0x0  }
0x67: {  	s15 =	sand.u32 $0x380, s15;
	s16 =	sadd.s32 s7, s16;
	[sflag:s19] =	ssyncadd.s32 $0xFFFFFF80  }
0x68: {  	[tilespmem:s20], [sflag:$0x1] =	stream.indirect.gather [hbm4b:s4+s18], $0x80, s3, s18, $0xb8;
	[tilespmem:$0x1FF00] =	vst v63  }
0x69: {  	s15 =	sor.u32 s15, s16;
	_ =	swait.ge [sflag:s9], $0x4000  }
0x6a: {  	s15 =	sshrl.u32 s15, $0x3;
	[sflag:s9] =	ssyncset.done $0x0  }
0x6b: {  	s16 =	sadd.s32 s5, s15;
	[sflag:s9] =	ssyncadd.s32 $0xFFFFC000  }
0x6c: {  	[tilespmem:s21], [sflag:$0x8] =	stream.linear.gather [hbm4b:s16+s3], $0x80, $0x38;
	[tilespmem:$0x1FF00] =	vst v63  }
0x6d: {  	s15 =	sadd.s32 s6, s15  }
0x6e: {  	[tilespmem:s22], [sflag:$0x8] =	stream.linear.gather [hbm4b:s15+s3], $0x80, $0x38;
	[tilespmem:$0x1FF00] =	vst v63  }
0x6f: {  	_ =	swait.ge [sflag:s23], $0x80  }
0x70: {  	[sflag:s23] =	ssyncset.done $0x0  }
0x71: {  	[sflag:s23] =	ssyncadd.s32 $0xFFFFFF80  }
0x72: {  	_ =	swait.ge [sflag:s23], $0x80  }
0x73: {  	s16 =	sand.u32 $0x7C00, s14;
	[sflag:s23] =	ssyncset.done $0x0  }
0x74: {  	s15 =	sadd.s32 s7, s16;
	s16 =	sand.u32 $0x380, s14;
	[sflag:s23] =	ssyncadd.s32 $0xFFFFFF80  }
0x75: {  	[tilespmem:s24], [sflag:$0x2] =	stream.indirect.gather [hbm4b:s4+s18], $0x80, s21, s18, $0xb8;
	[tilespmem:$0x1FF00] =	vst v63  }
0x76: {  	s15 =	sor.u32 s16, s15;
	_ =	swait.ge [sflag:s10], $0x4000  }
0x77: {  	s15 =	sshrl.u32 s15, $0x3;
	[sflag:s10] =	ssyncset.done $0x0  }
0x78: {  	s16 =	sadd.s32 s5, s15;
	[sflag:s10] =	ssyncadd.s32 $0xFFFFC000  }
0x79: {  	[tilespmem:s25], [sflag:$0x9] =	stream.linear.gather [hbm4b:s16+s3], $0x80, $0x38;
	[tilespmem:$0x1FF00] =	vst v63  }
0x7a: {  	s15 =	sadd.s32 s6, s15  }
0x7b: {  	[tilespmem:s2], [sflag:$0x9] =	stream.linear.gather [hbm4b:s15+s3], $0x80, $0x38;
	[tilespmem:$0x1FF00] =	vst v63  }
0x7c: {  	_ =	swait.ge [sflag:s26], $0x80  }
0x7d: {  	[sflag:s26] =	ssyncset.done $0x0  }
.Ltmp3:
0x7e: {  	[sflag:s26] =	ssyncadd.s32 $0xFFFFFF80;
	(pc) =	sbr.rel .LBB2_2-.Ltmp3, $4  }
0x7f: {  	_ =	swait.ge [sflag:s26], $0x80  }
0x80: {  	[sflag:s26] =	ssyncset.done $0x0  }
0x81: {  	s14 =	sadd.s32 $0x180, s14;
	[sflag:s26] =	ssyncadd.s32 $0xFFFFFF80  }
0x82: {  	[tilespmem:s28], [sflag:$0x3] =	stream.indirect.gather [hbm4b:s4+s18], $0x80, s25, s18, $0xb8;
	[tilespmem:$0x1FF00] =	vst v63  }
.LBB2_5:
0x83: {  	_ =	sfence.sel $0x180000  }
0x84: {  	[bflag:$0x0] =	sbarrier.arrive $0xFFFF  }
0x85: {  	_ =	strace $0x9000004A  }
0x86: {  	s0 =	stileid.u32;
	[bflag:$0x2] =	sbarrier.arrive $0xFFFF  }
0x87: {  	p0 =	sne.s32 s0, $0x0;
	s0 =	rddreg [dreg:$0x2]  }
0x88: {  	s0 =	sadd.s32 @!p0 $0x100000, s0  }
0x89: {  	[sflag:s0] =	ssyncadd.tile.s32 @!p0 $0x1;
	_ =	shalt  }
.Lfunc_end2:
_tile_overlayer_lowered:
.L_overlay_start_2:
0x8a: {  	(tag) =	ssettag $0x2  }
0x8b: {  	s0 =	rddreg [dreg:$0x0];
	s2 =	stileid.u32  }
0x8c: {  	s1 =	rddreg [dreg:$0x1];
	p0 =	sne.s32 s2, $0x0  }
0x8d: {  	s3 =	rddreg [dreg:$0x2];
	[bflag:$0x3] =	sbarrier.arrive $0xFFFF;
	s2 =	simm.s32 @!p0 $0x1C0A  }
0x8e: {  	[timem:s3], [sflag:s2] =	dma.local @!p0 [hbm:s0], s1  }
0x8f: {  	s0 =	simm.s32 @!p0 $0xA  }
0x90: {  	_ =	swait.ge @!p0 [sflag:s0], s1  }
0x91: {  	s1 =	ssub.s32 @!p0 $0x0, s1;
	[sflag:s0] =	ssyncset.done @!p0 $0x0  }
0x92: {  	[sflag:s0] =	ssyncadd.s32 @!p0 s1  }
0x93: {  	[bflag:$0x3] =	sbarrier.arrive $0xFFFF  }
0x94: {  	_ =	shalt  }

// kernel: kernel.18.cloned.1.call-start
scs
__scs_entry_jumppad:
0x0: {  	(pc) =	sbr.rel $0x88, $3  }
0x1: {  	(tag) =	ssettag $0x0;
	lr =	simm.s32 $0x1  }
0x2: {  	[smem:$0x3F94] =	sst lr;
	_ =	strace $0xD0000000  }
0x3: {  	_ = 	snop  }
0x4: {  	_ = 	snop  }
0x5: {  	_ = 	snop  }
0x6: {  	_ = 	snop  }
0x7: {  	_ = 	snop  }
__scs_overlays_trampoline_lowered:
0x8: {  	[smem:$0x3FA3] =	sst s0  }
0x9: {  	[smem:$0x3FA4] =	sst s1  }
0xa: {  	[smem:$0x3FA5] =	sst s2  }
0xb: {  	[smem:$0x3FA6] =	sst s3  }
0xc: {  	[smem:$0x3FA7] =	sst s4  }
0xd: {  	[smem:$0x3FA8] =	sst s5  }
0xe: {  	[smem:$0x3FA9] =	sst s6  }
0xf: {  	[smem:$0x3FAA] =	sst s7  }
0x10: {  	[smem:$0x3FAB] =	sst s8  }
0x11: {  	[smem:$0x3FAC] =	sst s9;
	s0 =	simm.s32 @!p0 $0x0  }
0x12: {  	s1 =	sld [smem:$0x3F92];
	s0 =	simm.s32 @p0 $0x1  }
0x13: {  	[smem:$0x3FAD] =	sst s0;
	s0 =	simm.s32 @!p1 $0x0  }
0x14: {  	s2 =	sld [smem:$0x3F91];
	s0 =	simm.s32 @p1 $0x1  }
0x15: {  	[smem:$0x3FAE] =	sst s0;
	s0 =	simm.s32 @!p2 $0x0  }
0x16: {  	s3 =	sld [smem:$0x3FDB];
	s0 =	simm.s32 @p2 $0x1  }
0x17: {  	s4 =	simm.s32 $0x1BF5;
	[smem:$0x3FB0] =	sst s0  }
0x18: {  	s0 =	sld [smem:$0x3F93];
	_ =	swait.ge [sflag:s4], $0x0  }
0x19: {  	s7 =	sld [smem:$0x3F94]  }
0x1a: {  	s8 =	sadd.s32 $0xFFFFE003, lr  }
0x1b: {  	s9 =	sadd.s32 $0xFFFFFEF7, lr;
	s5 =	simm.s32 $0xFFFFFFFF;
	p2 =	slt.u32 s8, $0xFFFFF086  }
0x1c: {  	p1 =	slt.u32 s9, $0xF7A;
	s5 =	simm.s32 @!p2 $0x0  }
0x1d: {  	s5 =	simm.s32 @p1 $0x1;
	p0 =	seq.s32 s7, s2  }
0x1e: {  	s7 =	smul.u32 @!p0 $0xF7A, s2;
	p2 =	seq.s32 @!p0 s5, $0x0  }
0x1f: {  	s9 =	smul.u32 $0xF7A, s1;
	s8 =	simm.s32 @!p0 $0x1BF5;
	p2 =	por !p2, p0  }
0x20: {  	[sflag:s8] =	ssyncset.s32 @!p0 $0xFFFFF086;
	s6 =	sadd.s32 @!p0 s3, s7;
	s7 =	simm.s32 @!p0 $0x108  }
0x21: {  	s3 =	sadd.s32 s3, s9;
	s6 =	sadd.s32 @!p0 $0x88, s6;
	s7 =	simm.s32 @p2 $0x1082  }
0x22: {  	[simem:s7], [sflag:s8] =	dma.local @!p0 [hbm:s6], $0xF7A  }
0x23: {  	s9 =	sor.u32 $0xD0000000, s2;
	s6 =	simm.s32 $0x108;
	_ =	swait.ge @!p0 [sflag:s8], $0x0  }
0x24: {  	s3 =	sadd.s32 $0x88, s3;
	s6 =	simm.s32 @!p1 $0x1082;
	[sflag:s4] =	ssyncset.s32 $0xFFFFF086  }
0x25: {  	[simem:s6], [sflag:s4] =	dma.local [hbm:s3], $0xF7A  }
0x26: {  	[smem:$0x3F94] =	sst s1;
	(tag) =	ssettag s2;
	_ =	strace s9  }
0x27: {  	s1 =	sld [smem:$0x3FA4]  }
0x28: {  	s2 =	sld [smem:$0x3FA5]  }
0x29: {  	s4 =	sld [smem:$0x3FA7]  }
0x2a: {  	p0 =	seq.s32 s5, $0x0;
	s5 =	sld [smem:$0x3FA8]  }
0x2b: {  	s6 =	sld [smem:$0x3FA9]  }
0x2c: {  	s7 =	sld [smem:$0x3FAA]  }
0x2d: {  	s3 =	simm.s32 $0x108;
	s8 =	sld [smem:$0x3FAB]  }
0x2e: {  	s3 =	simm.s32 @!p0 $0x1082;
	s9 =	sld [smem:$0x3FAC]  }
0x2f: {  	lr =	sadd.s32 s0, s3;
	s0 =	sld [smem:$0x3FA3]  }
0x30: {  	s3 =	sld [smem:$0x3FA6]  }
0x31: {  	[smem:$0x3FAF] =	sst s10  }
0x32: {  	s10 =	sld [smem:$0x3FAD];
	_ =	sdelay $0x3  }
0x33: {  	p0 =	seq.s32 s10, $0x1;
	s10 =	sld [smem:$0x3FAF];
	_ =	sdelay $0x3  }
0x34: {  	[smem:$0x3FAF] =	sst s10  }
0x35: {  	s10 =	sld [smem:$0x3FAE];
	_ =	sdelay $0x3  }
0x36: {  	p1 =	seq.s32 s10, $0x1;
	s10 =	sld [smem:$0x3FAF];
	_ =	sdelay $0x3  }
0x37: {  	[smem:$0x3FAF] =	sst s10  }
0x38: {  	s10 =	sld [smem:$0x3FB0]  }
0x39: {  	_ = 	snop;
	(pc) =	sbr.ind lr, $3  }
0x3a: {  	_ = 	snop  }
0x3b: {  	_ = 	snop  }
0x3c: {  	p2 =	seq.s32 s10, $0x1;
	s10 =	sld [smem:$0x3FAF]  }
0x3d: {  	_ =	shalt  }
0x3e: {  	_ =	shalt  }
0x3f: {  	_ =	shalt  }
0x40: {  	_ =	shalt  }
0x41: {  	_ =	shalt  }
0x42: {  	_ =	shalt  }
0x43: {  	_ =	shalt  }
0x44: {  	_ =	shalt  }
0x45: {  	_ =	shalt  }
0x46: {  	_ =	shalt  }
0x47: {  	_ =	shalt  }
0x48: {  	_ =	shalt  }
0x49: {  	_ =	shalt  }
0x4a: {  	_ =	shalt  }
0x4b: {  	_ =	shalt  }
0x4c: {  	_ =	shalt  }
0x4d: {  	_ =	shalt  }
0x4e: {  	_ =	shalt  }
0x4f: {  	_ =	shalt  }
0x50: {  	_ =	shalt  }
0x51: {  	_ =	shalt  }
0x52: {  	_ =	shalt  }
0x53: {  	_ =	shalt  }
0x54: {  	_ =	shalt  }
0x55: {  	_ =	shalt  }
0x56: {  	_ =	shalt  }
0x57: {  	_ =	shalt  }
0x58: {  	_ =	shalt  }
0x59: {  	_ =	shalt  }
0x5a: {  	_ =	shalt  }
0x5b: {  	_ =	shalt  }
0x5c: {  	_ =	shalt  }
0x5d: {  	_ =	shalt  }
0x5e: {  	_ =	shalt  }
0x5f: {  	_ =	shalt  }
0x60: {  	_ =	shalt  }
0x61: {  	_ =	shalt  }
0x62: {  	_ =	shalt  }
0x63: {  	_ =	shalt  }
0x64: {  	_ =	shalt  }
0x65: {  	_ =	shalt  }
0x66: {  	_ =	shalt  }
0x67: {  	_ =	shalt  }
0x68: {  	_ =	shalt  }
0x69: {  	_ =	shalt  }
0x6a: {  	_ =	shalt  }
0x6b: {  	_ =	shalt  }
0x6c: {  	_ =	shalt  }
0x6d: {  	_ =	shalt  }
0x6e: {  	_ =	shalt  }
0x6f: {  	_ =	shalt  }
0x70: {  	_ =	shalt  }
0x71: {  	_ =	shalt  }
0x72: {  	_ =	shalt  }
0x73: {  	_ =	shalt  }
0x74: {  	_ =	shalt  }
0x75: {  	_ =	shalt  }
0x76: {  	_ =	shalt  }
0x77: {  	_ =	shalt  }
0x78: {  	_ =	shalt  }
0x79: {  	_ =	shalt  }
0x7a: {  	_ =	shalt  }
0x7b: {  	_ =	shalt  }
0x7c: {  	_ =	shalt  }
0x7d: {  	_ =	shalt  }
0x7e: {  	_ =	shalt  }
0x7f: {  	_ =	shalt  }
0x80: {  	_ =	shalt  }
0x81: {  	_ =	shalt  }
0x82: {  	_ =	shalt  }
0x83: {  	_ =	shalt  }
0x84: {  	_ =	shalt  }
0x85: {  	_ =	shalt  }
0x86: {  	_ =	shalt  }
0x87: {  	_ =	shalt  }
.Lfunc_end0:
.L_simem_size_0:
called_computation.2_lowered:
.L_overlay_start_0:
0x88: {  	s2 =	sld [smem:$0x3FD9]  }
0x89: {  	s3 =	sld [smem:$0x3FFE];
	_ =	sdelay $0x1  }
0x8a: {  	s1 =	srdreg.scid  }
0x8b: {  	s0 =	sand.u32 $0x1, s1  }
0x8c: {  	s16 =	sshll.u32 s0, $0xA;
	s2 =	sadd.s32 s3, s2  }
0x8d: {  	s2 =	sadd.s32 s2, s16  }
0x8e: {  	[smem:$0x3FBB] =	sst s2  }
0x8f: {  	_ = 	snop  }
0x90: {  	(tm) =	ssettm $0x1  }
0x91: {  	s17 =	sld [smem:$0x3FFB];
	_ =	sdelay $0x3  }
0x92: {  	_ =	strace s17  }
0x93: {  	s2 =	sld [smem:$0x3FFC];
	_ =	sdelay $0x3  }
0x94: {  	_ =	strace s2  }
0x95: {  	s2 =	sld [smem:$0x3FFD];
	_ =	sdelay $0x3  }
0x96: {  	_ =	strace s2  }
0x97: {  	_ =	strace $0x8FFFFFFF  }
0x98: {  	s18 =	sld [smem:$0x3FDB];
	_ =	sdelay $0x1  }
0x99: {  	s19 =	simm.s32 $_scs_section_size  }
0x9a: {  	s4 =	simm.s32 $_size__tile_overlayer_lowered;
	s5 =	simm.s32 $_tile_overlayer_lowered  }
0x9b: {  	s22 =	simm.s32 $0x1BFF;
	s21 =	sshll.u32 s5, $0x1;
	s2 =	sadd.s32 s19, s18  }
0x9c: {  	s6 =	simm.s32 $0x0;
	s20 =	sshll.u32 s4, $0x1;
	s4 =	sadd.s32 s21, s2  }
0x9d: {  	[timem:s6], [sflag:s22] =	dma.local [hbm:s4], s20  }
0x9e: {  	_ =	swait.ge [sflag:s22], s20  }
0x9f: {  	s3 =	ssub.s32 $0x0, s20;
	[sflag:s22] =	ssyncset.done $0x0  }
0xa0: {  	[sflag:s22] =	ssyncadd.s32 s3;
	_ =	sdelay $0x1  }
0xa1: {  	s23 =	simm.s32 $0x1B8B  }
0xa2: {  	_ =	swait.ge [sflag:s23], $0x1  }
0xa3: {  	[sflag:s23] =	ssyncset.done $0x0  }
0xa4: {  	s25 =	simm.s32 $0x1B8E;
	s24 =	sld [smem:$0x3FFE];
	[sflag:s23] =	ssyncadd.s32 $0xFFFFFFFF  }
0xa5: {  	s26 =	simm.s32 $execute0_lowered;
	[smem:$0x3FD2] =	sst s25  }
0xa6: {  	s4 =	sshll.u32 s26, $0x1;
	_ =	strace $0x8000004C;
	[dreg:$0x1] =	wrdreg $0xFFFFFFFF  }
0xa7: {  	s28 =	simm.s32 $_size_execute0_lowered;
	s2 =	sadd.s32 s2, s4;
	[dreg:$0x0] =	wrdreg $0x0  }
0xa8: {  	s4 =	sshll.u32 s28, $0x1;
	[dreg:$0x2] =	wrdreg s2  }
0xa9: {  	[dreg:$0x3] =	wrdreg s4  }
0xaa: {  	[dreg:$0x4] =	wrdreg $0xC0  }
0xab: {  	_ =	task [dreg:s6], $0x5FFFF  }
0xac: {  	[dreg:$0x1] =	wrdreg $0xFFFFFFFF  }
0xad: {  	[dreg:$0x0] =	wrdreg $0x60  }
0xae: {  	[dreg:$0x2] =	wrdreg s24  }
0xaf: {  	[dreg:$0x3] =	wrdreg $0xC3000  }
0xb0: {  	[dreg:$0x4] =	wrdreg $0x9  }
0xb1: {  	_ =	task.clear_ibuf [dreg:s6], $0x5FFFF;
	_ =	strace $0x9000004C  }
0xb2: {  	s29 =	simm.s32 $0x9;
	_ =	strace $0x8000004E  }
0xb3: {  	_ =	swait.ge [sflag:s29], $0x1  }
0xb4: {  	[sflag:s29] =	ssyncadd.s32 $0xFFFFFFFF  }
0xb5: {  	_ =	strace $0x9000004E  }
0xb6: {  	_ =	sfence  }
0xb7: {  	s30 =	sld [smem:$0x0];
	_ =	sdelay $0x2  }
0xb8: {  	s31 =	sshll.u32 s1, $0xD;
	s1 =	sshrl.u32 s1, $0x2  }
0xb9: {  	s3 =	sand.u32 $0x4000, s31;
	s1 =	sadd.s32 s1, s30  }
0xba: {  	s0 =	sor.u32 s3, s0;
	s1 =	sshll.u32 s1, $0x11  }
0xbb: {  	s0 =	sor.u32 s1, s0  }
0xbc: {  	s0 =	sadd.s32 $0x8F2B, s0  }
0xbd: {  	[sflag:s0] =	ssyncadd.remote.s32 $0x1  }
0xbe: {  	_ =	sfence.sel $0xFFFF  }
0xbf: {  	[dreg:$0x0] =	wrdreg $0xFFFFFFFF;
	(pc) =	sbr.abs _section_cstart, $3  }
0xc0: {  	[dreg:$0x1] =	wrdreg $0xFFFFFFFF  }
0xc1: {  	_ =	task.clear_ibuf [dreg:s6], $0x2FFFF;
	_ =	strace $0x9FFFFFFF  }
0xc2: {  	(tm) =	ssettm $0x7FFFFFFF  }
0xc3: {  	_ =	shalt  }
tec
execute0_lowered:
.L_overlay_start_1:
0x0: {  	(tag) =	ssettag $0x1  }
0x1: {  	s0 =	rddreg [dreg:$0x0]  }
0x2: {  	s1 =	rddreg [dreg:$0x1];
	s3 =	simm.s32 $0x0  }
0x3: {  	s2 =	srdreg.scid;
	s10 =	stileid.u32;
	s28 =	simm.s32 $0x8300  }
0x4: {  	s29 =	simm.s32 $0xA;
	s30 =	simm.s32 $0x1;
	s31 =	simm.s32 $0x2  }
0x5: {  	[smem:$0x7FF] =	sst s3;
	s2 =	sand.u32 $0x1, s2;
	s8 =	smul.u32 $0x13C00, s10  }
0x6: {  	s6 =	sshll.u32 s10, $0x1;
	s4 =	sadd.s32 $0x24000, s0;
	s10 =	smul.u32 $0x4F000, s10  }
0x7: {  	s5 =	sadd.s32 $0x19000, s0;
	s17 =	sadd.s32 $0xF200, s0;
	s7 =	smul.u32 $0x13C000, s2  }
0x8: {  	_ =	strace $0x8000004D;
	s9 =	sor.u32 s2, s6;
	s2 =	ssub.s32 $0x2, s2  }
0x9: {  	s6 =	sadd.s32 $0x4200, s0;
	[dreg:$0x3] =	wrdreg s17;
	s18 =	sshrl.u32 s2, $0x1  }
0xa: {  	s24 =	sshrl.u32 s10, $0x2;
	s10 =	simm.s32 $0x6;
	s8 =	sadd.s32 s8, s7  }
0xb: {  	s7 =	smul.u32 $0x2C00, s9;
	s2 =	ssub.s32 s2, s18;
	s26 =	sadd.s32 s24, s1  }
0xc: {  	s18 =	simm.s32 $0x80;
	s24 =	simm.s32 $0x4300;
	s9 =	simm.s32 $0x5  }
0xd: {  	s8 =	sshrl.u32 s8, $0x3;
	[dreg:$0xa] =	wrdreg s26;
	s17 =	smax.u32 s2, $0x1  }
0xe: {  	s26 =	simm.s32 $0x9;
	s2 =	simm.s32 $0x280;
	s19 =	sshrl.u32 s7, $0x3  }
0xf: {  	s0 =	sadd.s32 s8, s0;
	s20 =	sor.u32 $0x10, s19;
	s11 =	sadd.s32 s5, s19  }
0x10: {  	s21 =	sadd.s32 s6, s19;
	s23 =	sor.u32 $0x20, s19;
	[dreg:$0x4] =	wrdreg s11  }
0x11: {  	s0 =	sadd.s32 $0x4B800, s0;
	s19 =	simm.s32 $0x7;
	[dreg:$0x5] =	wrdreg s21  }
0x12: {  	s22 =	sadd.s32 s5, s20;
	s8 =	sadd.s32 s6, s20;
	[dreg:$0xb] =	wrdreg s0  }
.Ltmp0:
0x13: {  	s25 =	sadd.s32 s5, s23;
	[dreg:$0x6] =	wrdreg s22;
	(pc) =	sbr.rel .LBB2_1-.Ltmp0, $4  }
0x14: {  	s20 =	simm.s32 $0x300;
	s21 =	simm.s32 $0x100;
	[dreg:$0x7] =	wrdreg s8  }
0x15: {  	s0 =	simm.s32 $0x3;
	s11 =	simm.s32 $0x0;
	[dreg:$0x8] =	wrdreg s25  }
0x16: {  	s8 =	sadd.s32 s6, s23;
	s22 =	simm.s32 $0x180;
	s23 =	simm.s32 $0x8  }
0x17: {  	s25 =	simm.s32 $0x200;
	[dreg:$0x9] =	wrdreg s8;
	s8 =	simm.s32 $0x4  }
.LBB2_4:
0x18: {  	_ =	swait.ge [sflag:s9], $0x4000  }
0x19: {  	[sflag:s9] =	ssyncset.done $0x0  }
0x1a: {  	[sflag:s9] =	ssyncadd.s32 $0xFFFFC000  }
0x1b: {  	_ =	swait.ge [sflag:s10], $0x4000  }
0x1c: {  	[sflag:s10] =	ssyncset.done $0x0  }
0x1d: {  	s11 =	sadd.s32 $0x1, s11;
	[sflag:s10] =	ssyncadd.s32 $0xFFFFC000  }
0x1e: {  	p0 =	sne.s32 s11, s17;
	[bflag:$0x0] =	sbarrier.arrive $0xFFFF  }
.Ltmp1:
0x1f: {  	s14 =	rddreg [dreg:$0xb];
	(pc) =	sbr.rel @!p0 .LBB2_5-.Ltmp1, $4  }
0x20: {  	[hbm:s14], [sflag:s12] =	dma.local [spmem:s13], $0x2780  }
0x21: {  	_ =	swait.ge [sflag:s29], $0x2780  }
0x22: {  	[sflag:s29] =	ssyncset.done $0x0  }
0x23: {  	[sflag:s29] =	ssyncadd.s32 $0xFFFFD880  }
.LBB2_1:
0x24: {  	s12 =	rddreg [dreg:$0x4]  }
0x25: {  	[tilespmem:s3], [sflag:$0x7] =	stream.linear.gather [hbm4b:s12+s3], $0x80, $0x38;
	[tilespmem:$0x1FF00] =	vst v63  }
0x26: {  	s15 =	rddreg [dreg:$0x5]  }
0x27: {  	[tilespmem:s18], [sflag:$0x7] =	stream.linear.gather [hbm4b:s15+s3], $0x80, $0x38;
	[tilespmem:$0x1FF00] =	vst v63  }
0x28: {  	_ =	swait.ge [sflag:s19], $0x80  }
0x29: {  	[sflag:s19] =	ssyncset.done $0x0  }
0x2a: {  	[sflag:s19] =	ssyncadd.s32 $0xFFFFFF80  }
0x2b: {  	_ =	swait.ge [sflag:s19], $0x80  }
0x2c: {  	[sflag:s19] =	ssyncset.done $0x0  }
0x2d: {  	[sflag:s19] =	ssyncadd.s32 $0xFFFFFF80  }
0x2e: {  	[tilespmem:s20], [sflag:$0x1] =	stream.indirect.gather [hbm4b:s4+s18], $0x80, s3, s18, $0xb8;
	[tilespmem:$0x1FF00] =	vst v63  }
0x2f: {  	s16 =	rddreg [dreg:$0x6]  }
0x30: {  	[tilespmem:s21], [sflag:$0x8] =	stream.linear.gather [hbm4b:s16+s3], $0x80, $0x38;
	[tilespmem:$0x1FF00] =	vst v63  }
0x31: {  	s13 =	rddreg [dreg:$0x7]  }
0x32: {  	[tilespmem:s22], [sflag:$0x8] =	stream.linear.gather [hbm4b:s13+s3], $0x80, $0x38;
	[tilespmem:$0x1FF00] =	vst v63  }
0x33: {  	_ =	swait.ge [sflag:s23], $0x80  }
0x34: {  	[sflag:s23] =	ssyncset.done $0x0  }
0x35: {  	[sflag:s23] =	ssyncadd.s32 $0xFFFFFF80  }
0x36: {  	_ =	swait.ge [sflag:s23], $0x80  }
0x37: {  	[sflag:s23] =	ssyncset.done $0x0  }
0x38: {  	[sflag:s23] =	ssyncadd.s32 $0xFFFFFF80  }
0x39: {  	[tilespmem:s24], [sflag:$0x2] =	stream.indirect.gather [hbm4b:s4+s18], $0x80, s21, s18, $0xb8;
	[tilespmem:$0x1FF00] =	vst v63  }
0x3a: {  	s14 =	rddreg [dreg:$0x8]  }
0x3b: {  	[tilespmem:s25], [sflag:$0x9] =	stream.linear.gather [hbm4b:s14+s3], $0x80, $0x38;
	[tilespmem:$0x1FF00] =	vst v63  }
0x3c: {  	s15 =	rddreg [dreg:$0x9]  }
0x3d: {  	[tilespmem:s2], [sflag:$0x9] =	stream.linear.gather [hbm4b:s15+s3], $0x80, $0x38;
	[tilespmem:$0x1FF00] =	vst v63  }
0x3e: {  	_ =	swait.ge [sflag:s26], $0x80  }
0x3f: {  	[sflag:s26] =	ssyncset.done $0x0  }
0x40: {  	s16 =	stileid.u32;
	[sflag:s26] =	ssyncadd.s32 $0xFFFFFF80  }
0x41: {  	s12 =	sshll.u32 s16, $0x6;
	_ =	swait.ge [sflag:s26], $0x80  }
0x42: {  	s12 =	sor.u32 $0x1C0A, s12;
	[sflag:s26] =	ssyncset.done $0x0;
	s13 =	rddreg [dreg:$0xa]  }
0x43: {  	s14 =	rddreg [dreg:$0x3];
	[sflag:s26] =	ssyncadd.s32 $0xFFFFFF80;
	s13 =	sshrl.u32 s13, $0x3  }
0x44: {  	[tilespmem:s28], [sflag:$0x3] =	stream.indirect.gather [hbm4b:s4+s18], $0x80, s25, s18, $0xb8;
	[tilespmem:$0x1FF00] =	vst v63  }
0x45: {  	[spmem:s13], [sflag:s12] =	dma.local [hbm:s14], $0x2780  }
0x46: {  	_ =	swait.ge [sflag:s29], $0x2780  }
0x47: {  	[sflag:s29] =	ssyncset.done $0x0  }
0x48: {  	[sflag:s29] =	ssyncadd.s32 $0xFFFFD880  }
0x49: {  	s14 =	simm.s32 $0x280;
	[bflag:$0x0] =	sbarrier.arrive $0xFFFF  }
.LBB2_2:
0x4a: {  	_ =	swait.ge [sflag:s30], $0x4000  }
0x4b: {  	[sflag:s30] =	ssyncset.done $0x0  }
0x4c: {  	[sflag:s30] =	ssyncadd.s32 $0xFFFFC000  }
0x4d: {  	[spmem:s1] =	stream.indirect.scatter.add.f32 [tilespmem:s20], [sflag:$0x4], $0x80, s18, s18, $0xb8;
	[tilespmem:$0x1FF00] =	vst v63  }
0x4e: {  	_ =	swait.ge [sflag:s31], $0x4000  }
0x4f: {  	[sflag:s31] =	ssyncset.done $0x0  }
0x50: {  	[sflag:s31] =	ssyncadd.s32 $0xFFFFC000  }
0x51: {  	[spmem:s1] =	stream.indirect.scatter.add.f32 [tilespmem:s24], [sflag:$0x5], $0x80, s22, s18, $0xb8;
	[tilespmem:$0x1FF00] =	vst v63  }
0x52: {  	_ =	swait.ge [sflag:s0], $0x4000  }
0x53: {  	p0 =	seq.s32 s14, $0x2980;
	[sflag:s0] =	ssyncset.done $0x0  }
.Ltmp2:
0x54: {  	[sflag:s0] =	ssyncadd.s32 $0xFFFFC000;
	(pc) =	sbr.rel @p0 .LBB2_4-.Ltmp2, $4  }
0x55: {  	[spmem:s1] =	stream.indirect.scatter.add.f32 [tilespmem:s28], [sflag:$0x6], $0x80, s2, s18, $0xb8;
	[tilespmem:$0x1FF00] =	vst v63  }
0x56: {  	_ =	swait.ge [sflag:s8], $0x4000  }
0x57: {  	[sflag:s8] =	ssyncset.done $0x0  }
0x58: {  	[sflag:s8] =	ssyncadd.s32 $0xFFFFC000  }
0x59: {  	s15 =	sadd.s32 $0xFFFFFF00, s14  }
0x5a: {  	s16 =	sand.u32 $0x7C00, s15  }
0x5b: {  	s15 =	sand.u32 $0x380, s15;
	s16 =	sadd.s32 s7, s16  }
0x5c: {  	s15 =	sor.u32 s15, s16  }
0x5d: {  	s15 =	sshrl.u32 s15, $0x3  }
0x5e: {  	s16 =	sadd.s32 s5, s15  }
0x5f: {  	[tilespmem:s3], [sflag:$0x7] =	stream.linear.gather [hbm4b:s16+s3], $0x80, $0x38;
	[tilespmem:$0x1FF00] =	vst v63  }
0x60: {  	s15 =	sadd.s32 s6, s15  }
0x61: {  	[tilespmem:s18], [sflag:$0x7] =	stream.linear.gather [hbm4b:s15+s3], $0x80, $0x38;
	[tilespmem:$0x1FF00] =	vst v63  }
0x62: {  	_ =	swait.ge [sflag:s19], $0x80  }
0x63: {  	[sflag:s19] =	ssyncset.done $0x0  }
0x64: {  	[sflag:s19] =	ssyncadd.s32 $0xFFFFFF80  }
0x65: {  	s15 =	sadd.s32 $0xFFFFFF80, s14;
	_ =	swait.ge [sflag:s19], $0x80  }
0x66: {  	s16 =	sand.u32 $0x7C00, s15;
	[sflag:s19] =	ssyncset.done $0x0  }
0x67: {  	s15 =	sand.u32 $0x380, s15;
	s16 =	sadd.s32 s7, s16;
	[sflag:s19] =	ssyncadd.s32 $0xFFFFFF80  }
0x68: {  	[tilespmem:s20], [sflag:$0x1] =	stream.indirect.gather [hbm4b:s4+s18], $0x80, s3, s18, $0xb8;
	[tilespmem:$0x1FF00] =	vst v63  }
0x69: {  	s15 =	sor.u32 s15, s16;
	_ =	swait.ge [sflag:s9], $0x4000  }
0x6a: {  	s15 =	sshrl.u32 s15, $0x3;
	[sflag:s9] =	ssyncset.done $0x0  }
0x6b: {  	s16 =	sadd.s32 s5, s15;
	[sflag:s9] =	ssyncadd.s32 $0xFFFFC000  }
0x6c: {  	[tilespmem:s21], [sflag:$0x8] =	stream.linear.gather [hbm4b:s16+s3], $0x80, $0x38;
	[tilespmem:$0x1FF00] =	vst v63  }
0x6d: {  	s15 =	sadd.s32 s6, s15  }
0x6e: {  	[tilespmem:s22], [sflag:$0x8] =	stream.linear.gather [hbm4b:s15+s3], $0x80, $0x38;
	[tilespmem:$0x1FF00] =	vst v63  }
0x6f: {  	_ =	swait.ge [sflag:s23], $0x80  }
0x70: {  	[sflag:s23] =	ssyncset.done $0x0  }
0x71: {  	[sflag:s23] =	ssyncadd.s32 $0xFFFFFF80  }
0x72: {  	_ =	swait.ge [sflag:s23], $0x80  }
0x73: {  	s16 =	sand.u32 $0x7C00, s14;
	[sflag:s23] =	ssyncset.done $0x0  }
0x74: {  	s15 =	sadd.s32 s7, s16;
	s16 =	sand.u32 $0x380, s14;
	[sflag:s23] =	ssyncadd.s32 $0xFFFFFF80  }
0x75: {  	[tilespmem:s24], [sflag:$0x2] =	stream.indirect.gather [hbm4b:s4+s18], $0x80, s21, s18, $0xb8;
	[tilespmem:$0x1FF00] =	vst v63  }
0x76: {  	s15 =	sor.u32 s16, s15;
	_ =	swait.ge [sflag:s10], $0x4000  }
0x77: {  	s15 =	sshrl.u32 s15, $0x3;
	[sflag:s10] =	ssyncset.done $0x0  }
0x78: {  	s16 =	sadd.s32 s5, s15;
	[sflag:s10] =	ssyncadd.s32 $0xFFFFC000  }
0x79: {  	[tilespmem:s25], [sflag:$0x9] =	stream.linear.gather [hbm4b:s16+s3], $0x80, $0x38;
	[tilespmem:$0x1FF00] =	vst v63  }
0x7a: {  	s15 =	sadd.s32 s6, s15  }
0x7b: {  	[tilespmem:s2], [sflag:$0x9] =	stream.linear.gather [hbm4b:s15+s3], $0x80, $0x38;
	[tilespmem:$0x1FF00] =	vst v63  }
0x7c: {  	_ =	swait.ge [sflag:s26], $0x80  }
0x7d: {  	[sflag:s26] =	ssyncset.done $0x0  }
.Ltmp3:
0x7e: {  	[sflag:s26] =	ssyncadd.s32 $0xFFFFFF80;
	(pc) =	sbr.rel .LBB2_2-.Ltmp3, $4  }
0x7f: {  	_ =	swait.ge [sflag:s26], $0x80  }
0x80: {  	[sflag:s26] =	ssyncset.done $0x0  }
0x81: {  	s14 =	sadd.s32 $0x180, s14;
	[sflag:s26] =	ssyncadd.s32 $0xFFFFFF80  }
0x82: {  	[tilespmem:s28], [sflag:$0x3] =	stream.indirect.gather [hbm4b:s4+s18], $0x80, s25, s18, $0xb8;
	[tilespmem:$0x1FF00] =	vst v63  }
.LBB2_5:
0x83: {  	_ =	sfence.sel $0x180000  }
0x84: {  	[bflag:$0x0] =	sbarrier.arrive $0xFFFF  }
0x85: {  	_ =	strace $0x9000004D  }
0x86: {  	s0 =	stileid.u32;
	[bflag:$0x2] =	sbarrier.arrive $0xFFFF  }
0x87: {  	p0 =	sne.s32 s0, $0x0;
	s0 =	rddreg [dreg:$0x2]  }
0x88: {  	s0 =	sadd.s32 @!p0 $0x100000, s0  }
0x89: {  	[sflag:s0] =	ssyncadd.tile.s32 @!p0 $0x1;
	_ =	shalt  }
.Lfunc_end2:
_tile_overlayer_lowered:
.L_overlay_start_2:
0x8a: {  	(tag) =	ssettag $0x2  }
0x8b: {  	s0 =	rddreg [dreg:$0x0];
	s2 =	stileid.u32  }
0x8c: {  	s1 =	rddreg [dreg:$0x1];
	p0 =	sne.s32 s2, $0x0  }
0x8d: {  	s3 =	rddreg [dreg:$0x2];
	[bflag:$0x3] =	sbarrier.arrive $0xFFFF;
	s2 =	simm.s32 @!p0 $0x1C0A  }
0x8e: {  	[timem:s3], [sflag:s2] =	dma.local @!p0 [hbm:s0], s1  }
0x8f: {  	s0 =	simm.s32 @!p0 $0xA  }
0x90: {  	_ =	swait.ge @!p0 [sflag:s0], s1  }
0x91: {  	s1 =	ssub.s32 @!p0 $0x0, s1;
	[sflag:s0] =	ssyncset.done @!p0 $0x0  }
0x92: {  	[sflag:s0] =	ssyncadd.s32 @!p0 s1  }
0x93: {  	[bflag:$0x3] =	sbarrier.arrive $0xFFFF  }
0x94: {  	_ =	shalt  }

// kernel: kernel.21.cloned.1.call-start
scs
__scs_entry_jumppad:
0x0: {  	(pc) =	sbr.rel $0x88, $3  }
0x1: {  	(tag) =	ssettag $0x0;
	lr =	simm.s32 $0x1  }
0x2: {  	[smem:$0x3F94] =	sst lr;
	_ =	strace $0xD0000000  }
0x3: {  	_ = 	snop  }
0x4: {  	_ = 	snop  }
0x5: {  	_ = 	snop  }
0x6: {  	_ = 	snop  }
0x7: {  	_ = 	snop  }
__scs_overlays_trampoline_lowered:
0x8: {  	[smem:$0x3FA3] =	sst s0  }
0x9: {  	[smem:$0x3FA4] =	sst s1  }
0xa: {  	[smem:$0x3FA5] =	sst s2  }
0xb: {  	[smem:$0x3FA6] =	sst s3  }
0xc: {  	[smem:$0x3FA7] =	sst s4  }
0xd: {  	[smem:$0x3FA8] =	sst s5  }
0xe: {  	[smem:$0x3FA9] =	sst s6  }
0xf: {  	[smem:$0x3FAA] =	sst s7  }
0x10: {  	[smem:$0x3FAB] =	sst s8  }
0x11: {  	[smem:$0x3FAC] =	sst s9;
	s0 =	simm.s32 @!p0 $0x0  }
0x12: {  	s1 =	sld [smem:$0x3F92];
	s0 =	simm.s32 @p0 $0x1  }
0x13: {  	[smem:$0x3FAD] =	sst s0;
	s0 =	simm.s32 @!p1 $0x0  }
0x14: {  	s2 =	sld [smem:$0x3F91];
	s0 =	simm.s32 @p1 $0x1  }
0x15: {  	[smem:$0x3FAE] =	sst s0;
	s0 =	simm.s32 @!p2 $0x0  }
0x16: {  	s3 =	sld [smem:$0x3FDB];
	s0 =	simm.s32 @p2 $0x1  }
0x17: {  	s4 =	simm.s32 $0x1BF5;
	[smem:$0x3FB0] =	sst s0  }
0x18: {  	s0 =	sld [smem:$0x3F93];
	_ =	swait.ge [sflag:s4], $0x0  }
0x19: {  	s7 =	sld [smem:$0x3F94]  }
0x1a: {  	s8 =	sadd.s32 $0xFFFFE003, lr  }
0x1b: {  	s9 =	sadd.s32 $0xFFFFFEF7, lr;
	s5 =	simm.s32 $0xFFFFFFFF;
	p2 =	slt.u32 s8, $0xFFFFF086  }
0x1c: {  	p1 =	slt.u32 s9, $0xF7A;
	s5 =	simm.s32 @!p2 $0x0  }
0x1d: {  	s5 =	simm.s32 @p1 $0x1;
	p0 =	seq.s32 s7, s2  }
0x1e: {  	s7 =	smul.u32 @!p0 $0xF7A, s2;
	p2 =	seq.s32 @!p0 s5, $0x0  }
0x1f: {  	s9 =	smul.u32 $0xF7A, s1;
	s8 =	simm.s32 @!p0 $0x1BF5;
	p2 =	por !p2, p0  }
0x20: {  	[sflag:s8] =	ssyncset.s32 @!p0 $0xFFFFF086;
	s6 =	sadd.s32 @!p0 s3, s7;
	s7 =	simm.s32 @!p0 $0x108  }
0x21: {  	s3 =	sadd.s32 s3, s9;
	s6 =	sadd.s32 @!p0 $0x88, s6;
	s7 =	simm.s32 @p2 $0x1082  }
0x22: {  	[simem:s7], [sflag:s8] =	dma.local @!p0 [hbm:s6], $0xF7A  }
0x23: {  	s9 =	sor.u32 $0xD0000000, s2;
	s6 =	simm.s32 $0x108;
	_ =	swait.ge @!p0 [sflag:s8], $0x0  }
0x24: {  	s3 =	sadd.s32 $0x88, s3;
	s6 =	simm.s32 @!p1 $0x1082;
	[sflag:s4] =	ssyncset.s32 $0xFFFFF086  }
0x25: {  	[simem:s6], [sflag:s4] =	dma.local [hbm:s3], $0xF7A  }
0x26: {  	[smem:$0x3F94] =	sst s1;
	(tag) =	ssettag s2;
	_ =	strace s9  }
0x27: {  	s1 =	sld [smem:$0x3FA4]  }
0x28: {  	s2 =	sld [smem:$0x3FA5]  }
0x29: {  	s4 =	sld [smem:$0x3FA7]  }
0x2a: {  	p0 =	seq.s32 s5, $0x0;
	s5 =	sld [smem:$0x3FA8]  }
0x2b: {  	s6 =	sld [smem:$0x3FA9]  }
0x2c: {  	s7 =	sld [smem:$0x3FAA]  }
0x2d: {  	s3 =	simm.s32 $0x108;
	s8 =	sld [smem:$0x3FAB]  }
0x2e: {  	s3 =	simm.s32 @!p0 $0x1082;
	s9 =	sld [smem:$0x3FAC]  }
0x2f: {  	lr =	sadd.s32 s0, s3;
	s0 =	sld [smem:$0x3FA3]  }
0x30: {  	s3 =	sld [smem:$0x3FA6]  }
0x31: {  	[smem:$0x3FAF] =	sst s10  }
0x32: {  	s10 =	sld [smem:$0x3FAD];
	_ =	sdelay $0x3  }
0x33: {  	p0 =	seq.s32 s10, $0x1;
	s10 =	sld [smem:$0x3FAF];
	_ =	sdelay $0x3  }
0x34: {  	[smem:$0x3FAF] =	sst s10  }
0x35: {  	s10 =	sld [smem:$0x3FAE];
	_ =	sdelay $0x3  }
0x36: {  	p1 =	seq.s32 s10, $0x1;
	s10 =	sld [smem:$0x3FAF];
	_ =	sdelay $0x3  }
0x37: {  	[smem:$0x3FAF] =	sst s10  }
0x38: {  	s10 =	sld [smem:$0x3FB0]  }
0x39: {  	_ = 	snop;
	(pc) =	sbr.ind lr, $3  }
0x3a: {  	_ = 	snop  }
0x3b: {  	_ = 	snop  }
0x3c: {  	p2 =	seq.s32 s10, $0x1;
	s10 =	sld [smem:$0x3FAF]  }
0x3d: {  	_ =	shalt  }
0x3e: {  	_ =	shalt  }
0x3f: {  	_ =	shalt  }
0x40: {  	_ =	shalt  }
0x41: {  	_ =	shalt  }
0x42: {  	_ =	shalt  }
0x43: {  	_ =	shalt  }
0x44: {  	_ =	shalt  }
0x45: {  	_ =	shalt  }
0x46: {  	_ =	shalt  }
0x47: {  	_ =	shalt  }
0x48: {  	_ =	shalt  }
0x49: {  	_ =	shalt  }
0x4a: {  	_ =	shalt  }
0x4b: {  	_ =	shalt  }
0x4c: {  	_ =	shalt  }
0x4d: {  	_ =	shalt  }
0x4e: {  	_ =	shalt  }
0x4f: {  	_ =	shalt  }
0x50: {  	_ =	shalt  }
0x51: {  	_ =	shalt  }
0x52: {  	_ =	shalt  }
0x53: {  	_ =	shalt  }
0x54: {  	_ =	shalt  }
0x55: {  	_ =	shalt  }
0x56: {  	_ =	shalt  }
0x57: {  	_ =	shalt  }
0x58: {  	_ =	shalt  }
0x59: {  	_ =	shalt  }
0x5a: {  	_ =	shalt  }
0x5b: {  	_ =	shalt  }
0x5c: {  	_ =	shalt  }
0x5d: {  	_ =	shalt  }
0x5e: {  	_ =	shalt  }
0x5f: {  	_ =	shalt  }
0x60: {  	_ =	shalt  }
0x61: {  	_ =	shalt  }
0x62: {  	_ =	shalt  }
0x63: {  	_ =	shalt  }
0x64: {  	_ =	shalt  }
0x65: {  	_ =	shalt  }
0x66: {  	_ =	shalt  }
0x67: {  	_ =	shalt  }
0x68: {  	_ =	shalt  }
0x69: {  	_ =	shalt  }
0x6a: {  	_ =	shalt  }
0x6b: {  	_ =	shalt  }
0x6c: {  	_ =	shalt  }
0x6d: {  	_ =	shalt  }
0x6e: {  	_ =	shalt  }
0x6f: {  	_ =	shalt  }
0x70: {  	_ =	shalt  }
0x71: {  	_ =	shalt  }
0x72: {  	_ =	shalt  }
0x73: {  	_ =	shalt  }
0x74: {  	_ =	shalt  }
0x75: {  	_ =	shalt  }
0x76: {  	_ =	shalt  }
0x77: {  	_ =	shalt  }
0x78: {  	_ =	shalt  }
0x79: {  	_ =	shalt  }
0x7a: {  	_ =	shalt  }
0x7b: {  	_ =	shalt  }
0x7c: {  	_ =	shalt  }
0x7d: {  	_ =	shalt  }
0x7e: {  	_ =	shalt  }
0x7f: {  	_ =	shalt  }
0x80: {  	_ =	shalt  }
0x81: {  	_ =	shalt  }
0x82: {  	_ =	shalt  }
0x83: {  	_ =	shalt  }
0x84: {  	_ =	shalt  }
0x85: {  	_ =	shalt  }
0x86: {  	_ =	shalt  }
0x87: {  	_ =	shalt  }
.Lfunc_end0:
.L_simem_size_0:
called_computation.3_lowered:
.L_overlay_start_0:
0x88: {  	s2 =	sld [smem:$0x3FD9]  }
0x89: {  	s3 =	sld [smem:$0x3FFE];
	_ =	sdelay $0x1  }
0x8a: {  	s1 =	srdreg.scid  }
0x8b: {  	s0 =	sand.u32 $0x1, s1  }
0x8c: {  	s16 =	sshll.u32 s0, $0xA;
	s2 =	sadd.s32 s3, s2  }
0x8d: {  	s2 =	sadd.s32 s2, s16  }
0x8e: {  	[smem:$0x3FBB] =	sst s2  }
0x8f: {  	_ = 	snop  }
0x90: {  	(tm) =	ssettm $0x1  }
0x91: {  	s17 =	sld [smem:$0x3FFB];
	_ =	sdelay $0x3  }
0x92: {  	_ =	strace s17  }
0x93: {  	s2 =	sld [smem:$0x3FFC];
	_ =	sdelay $0x3  }
0x94: {  	_ =	strace s2  }
0x95: {  	s2 =	sld [smem:$0x3FFD];
	_ =	sdelay $0x3  }
0x96: {  	_ =	strace s2  }
0x97: {  	_ =	strace $0x8FFFFFFF  }
0x98: {  	s18 =	sld [smem:$0x3FDB];
	_ =	sdelay $0x1  }
0x99: {  	s19 =	simm.s32 $_scs_section_size  }
0x9a: {  	s4 =	simm.s32 $_size__tile_overlayer_lowered;
	s5 =	simm.s32 $_tile_overlayer_lowered  }
0x9b: {  	s22 =	simm.s32 $0x1BFF;
	s21 =	sshll.u32 s5, $0x1;
	s2 =	sadd.s32 s19, s18  }
0x9c: {  	s6 =	simm.s32 $0x0;
	s20 =	sshll.u32 s4, $0x1;
	s4 =	sadd.s32 s21, s2  }
0x9d: {  	[timem:s6], [sflag:s22] =	dma.local [hbm:s4], s20  }
0x9e: {  	_ =	swait.ge [sflag:s22], s20  }
0x9f: {  	s3 =	ssub.s32 $0x0, s20;
	[sflag:s22] =	ssyncset.done $0x0  }
0xa0: {  	[sflag:s22] =	ssyncadd.s32 s3;
	_ =	sdelay $0x1  }
0xa1: {  	s23 =	simm.s32 $0x1B8B  }
0xa2: {  	_ =	swait.ge [sflag:s23], $0x1  }
0xa3: {  	[sflag:s23] =	ssyncset.done $0x0  }
0xa4: {  	s25 =	simm.s32 $0x1B8E;
	s24 =	sld [smem:$0x3FFE];
	[sflag:s23] =	ssyncadd.s32 $0xFFFFFFFF  }
0xa5: {  	s26 =	simm.s32 $execute0_lowered;
	[smem:$0x3FD2] =	sst s25  }
0xa6: {  	s4 =	sshll.u32 s26, $0x1;
	_ =	strace $0x8000004F;
	[dreg:$0x1] =	wrdreg $0xFFFFFFFF  }
0xa7: {  	s28 =	simm.s32 $_size_execute0_lowered;
	s2 =	sadd.s32 s2, s4;
	[dreg:$0x0] =	wrdreg $0x0  }
0xa8: {  	s4 =	sshll.u32 s28, $0x1;
	[dreg:$0x2] =	wrdreg s2  }
0xa9: {  	[dreg:$0x3] =	wrdreg s4  }
0xaa: {  	[dreg:$0x4] =	wrdreg $0xC0  }
0xab: {  	_ =	task [dreg:s6], $0x5FFFF  }
0xac: {  	[dreg:$0x1] =	wrdreg $0xFFFFFFFF  }
0xad: {  	[dreg:$0x0] =	wrdreg $0x60  }
0xae: {  	[dreg:$0x2] =	wrdreg s24  }
0xaf: {  	[dreg:$0x3] =	wrdreg $0xC3000  }
0xb0: {  	[dreg:$0x4] =	wrdreg $0x9  }
0xb1: {  	_ =	task.clear_ibuf [dreg:s6], $0x5FFFF;
	_ =	strace $0x9000004F  }
0xb2: {  	s29 =	simm.s32 $0x9;
	_ =	strace $0x80000051  }
0xb3: {  	_ =	swait.ge [sflag:s29], $0x1  }
0xb4: {  	[sflag:s29] =	ssyncadd.s32 $0xFFFFFFFF  }
0xb5: {  	_ =	strace $0x90000051  }
0xb6: {  	_ =	sfence  }
0xb7: {  	s30 =	sld [smem:$0x0];
	_ =	sdelay $0x2  }
0xb8: {  	s31 =	sshll.u32 s1, $0xD;
	s1 =	sshrl.u32 s1, $0x2  }
0xb9: {  	s3 =	sand.u32 $0x4000, s31;
	s1 =	sadd.s32 s1, s30  }
0xba: {  	s0 =	sor.u32 s3, s0;
	s1 =	sshll.u32 s1, $0x11  }
0xbb: {  	s0 =	sor.u32 s1, s0  }
0xbc: {  	s0 =	sadd.s32 $0x8F2B, s0  }
0xbd: {  	[sflag:s0] =	ssyncadd.remote.s32 $0x1  }
0xbe: {  	_ =	sfence.sel $0xFFFF  }
0xbf: {  	[dreg:$0x0] =	wrdreg $0xFFFFFFFF;
	(pc) =	sbr.abs _section_cstart, $3  }
0xc0: {  	[dreg:$0x1] =	wrdreg $0xFFFFFFFF  }
0xc1: {  	_ =	task.clear_ibuf [dreg:s6], $0x2FFFF;
	_ =	strace $0x9FFFFFFF  }
0xc2: {  	(tm) =	ssettm $0x7FFFFFFF  }
0xc3: {  	_ =	shalt  }
tec
execute0_lowered:
.L_overlay_start_1:
0x0: {  	(tag) =	ssettag $0x1  }
0x1: {  	s0 =	rddreg [dreg:$0x0]  }
0x2: {  	s1 =	rddreg [dreg:$0x1];
	s3 =	simm.s32 $0x0  }
0x3: {  	s2 =	srdreg.scid;
	s10 =	stileid.u32;
	s28 =	simm.s32 $0x8300  }
0x4: {  	s29 =	simm.s32 $0xA;
	s30 =	simm.s32 $0x1;
	s31 =	simm.s32 $0x2  }
0x5: {  	[smem:$0x7FF] =	sst s3;
	s2 =	sand.u32 $0x1, s2;
	s8 =	smul.u32 $0x13C00, s10  }
0x6: {  	s6 =	sshll.u32 s10, $0x1;
	s4 =	sadd.s32 $0x24000, s0;
	s10 =	smul.u32 $0x4F000, s10  }
0x7: {  	s5 =	sadd.s32 $0x19000, s0;
	s17 =	sadd.s32 $0xF200, s0;
	s7 =	smul.u32 $0x13C000, s2  }
0x8: {  	_ =	strace $0x80000050;
	s9 =	sor.u32 s2, s6;
	s2 =	ssub.s32 $0x2, s2  }
0x9: {  	s6 =	sadd.s32 $0x4200, s0;
	[dreg:$0x3] =	wrdreg s17;
	s18 =	sshrl.u32 s2, $0x1  }
0xa: {  	s24 =	sshrl.u32 s10, $0x2;
	s10 =	simm.s32 $0x6;
	s8 =	sadd.s32 s8, s7  }
0xb: {  	s7 =	smul.u32 $0x2C00, s9;
	s2 =	ssub.s32 s2, s18;
	s26 =	sadd.s32 s24, s1  }
0xc: {  	s18 =	simm.s32 $0x80;
	s24 =	simm.s32 $0x4300;
	s9 =	simm.s32 $0x5  }
0xd: {  	s8 =	sshrl.u32 s8, $0x3;
	[dreg:$0xa] =	wrdreg s26;
	s17 =	smax.u32 s2, $0x1  }
0xe: {  	s26 =	simm.s32 $0x9;
	s2 =	simm.s32 $0x280;
	s19 =	sshrl.u32 s7, $0x3  }
0xf: {  	s0 =	sadd.s32 s8, s0;
	s20 =	sor.u32 $0x10, s19;
	s11 =	sadd.s32 s5, s19  }
0x10: {  	s21 =	sadd.s32 s6, s19;
	s23 =	sor.u32 $0x20, s19;
	[dreg:$0x4] =	wrdreg s11  }
0x11: {  	s0 =	sadd.s32 $0x4B800, s0;
	s19 =	simm.s32 $0x7;
	[dreg:$0x5] =	wrdreg s21  }
0x12: {  	s22 =	sadd.s32 s5, s20;
	s8 =	sadd.s32 s6, s20;
	[dreg:$0xb] =	wrdreg s0  }
.Ltmp0:
0x13: {  	s25 =	sadd.s32 s5, s23;
	[dreg:$0x6] =	wrdreg s22;
	(pc) =	sbr.rel .LBB2_1-.Ltmp0, $4  }
0x14: {  	s20 =	simm.s32 $0x300;
	s21 =	simm.s32 $0x100;
	[dreg:$0x7] =	wrdreg s8  }
0x15: {  	s0 =	simm.s32 $0x3;
	s11 =	simm.s32 $0x0;
	[dreg:$0x8] =	wrdreg s25  }
0x16: {  	s8 =	sadd.s32 s6, s23;
	s22 =	simm.s32 $0x180;
	s23 =	simm.s32 $0x8  }
0x17: {  	s25 =	simm.s32 $0x200;
	[dreg:$0x9] =	wrdreg s8;
	s8 =	simm.s32 $0x4  }
.LBB2_4:
0x18: {  	_ =	swait.ge [sflag:s9], $0x4000  }
0x19: {  	[sflag:s9] =	ssyncset.done $0x0  }
0x1a: {  	[sflag:s9] =	ssyncadd.s32 $0xFFFFC000  }
0x1b: {  	_ =	swait.ge [sflag:s10], $0x4000  }
0x1c: {  	[sflag:s10] =	ssyncset.done $0x0  }
0x1d: {  	s11 =	sadd.s32 $0x1, s11;
	[sflag:s10] =	ssyncadd.s32 $0xFFFFC000  }
0x1e: {  	p0 =	sne.s32 s11, s17;
	[bflag:$0x0] =	sbarrier.arrive $0xFFFF  }
.Ltmp1:
0x1f: {  	s14 =	rddreg [dreg:$0xb];
	(pc) =	sbr.rel @!p0 .LBB2_5-.Ltmp1, $4  }
0x20: {  	[hbm:s14], [sflag:s12] =	dma.local [spmem:s13], $0x2780  }
0x21: {  	_ =	swait.ge [sflag:s29], $0x2780  }
0x22: {  	[sflag:s29] =	ssyncset.done $0x0  }
0x23: {  	[sflag:s29] =	ssyncadd.s32 $0xFFFFD880  }
.LBB2_1:
0x24: {  	s12 =	rddreg [dreg:$0x4]  }
0x25: {  	[tilespmem:s3], [sflag:$0x7] =	stream.linear.gather [hbm4b:s12+s3], $0x80, $0x38;
	[tilespmem:$0x1FF00] =	vst v63  }
0x26: {  	s15 =	rddreg [dreg:$0x5]  }
0x27: {  	[tilespmem:s18], [sflag:$0x7] =	stream.linear.gather [hbm4b:s15+s3], $0x80, $0x38;
	[tilespmem:$0x1FF00] =	vst v63  }
0x28: {  	_ =	swait.ge [sflag:s19], $0x80  }
0x29: {  	[sflag:s19] =	ssyncset.done $0x0  }
0x2a: {  	[sflag:s19] =	ssyncadd.s32 $0xFFFFFF80  }
0x2b: {  	_ =	swait.ge [sflag:s19], $0x80  }
0x2c: {  	[sflag:s19] =	ssyncset.done $0x0  }
0x2d: {  	[sflag:s19] =	ssyncadd.s32 $0xFFFFFF80  }
0x2e: {  	[tilespmem:s20], [sflag:$0x1] =	stream.indirect.gather [hbm4b:s4+s18], $0x80, s3, s18, $0xb8;
	[tilespmem:$0x1FF00] =	vst v63  }
0x2f: {  	s16 =	rddreg [dreg:$0x6]  }
0x30: {  	[tilespmem:s21], [sflag:$0x8] =	stream.linear.gather [hbm4b:s16+s3], $0x80, $0x38;
	[tilespmem:$0x1FF00] =	vst v63  }
0x31: {  	s13 =	rddreg [dreg:$0x7]  }
0x32: {  	[tilespmem:s22], [sflag:$0x8] =	stream.linear.gather [hbm4b:s13+s3], $0x80, $0x38;
	[tilespmem:$0x1FF00] =	vst v63  }
0x33: {  	_ =	swait.ge [sflag:s23], $0x80  }
0x34: {  	[sflag:s23] =	ssyncset.done $0x0  }
0x35: {  	[sflag:s23] =	ssyncadd.s32 $0xFFFFFF80  }
0x36: {  	_ =	swait.ge [sflag:s23], $0x80  }
0x37: {  	[sflag:s23] =	ssyncset.done $0x0  }
0x38: {  	[sflag:s23] =	ssyncadd.s32 $0xFFFFFF80  }
0x39: {  	[tilespmem:s24], [sflag:$0x2] =	stream.indirect.gather [hbm4b:s4+s18], $0x80, s21, s18, $0xb8;
	[tilespmem:$0x1FF00] =	vst v63  }
0x3a: {  	s14 =	rddreg [dreg:$0x8]  }
0x3b: {  	[tilespmem:s25], [sflag:$0x9] =	stream.linear.gather [hbm4b:s14+s3], $0x80, $0x38;
	[tilespmem:$0x1FF00] =	vst v63  }
0x3c: {  	s15 =	rddreg [dreg:$0x9]  }
0x3d: {  	[tilespmem:s2], [sflag:$0x9] =	stream.linear.gather [hbm4b:s15+s3], $0x80, $0x38;
	[tilespmem:$0x1FF00] =	vst v63  }
0x3e: {  	_ =	swait.ge [sflag:s26], $0x80  }
0x3f: {  	[sflag:s26] =	ssyncset.done $0x0  }
0x40: {  	s16 =	stileid.u32;
	[sflag:s26] =	ssyncadd.s32 $0xFFFFFF80  }
0x41: {  	s12 =	sshll.u32 s16, $0x6;
	_ =	swait.ge [sflag:s26], $0x80  }
0x42: {  	s12 =	sor.u32 $0x1C0A, s12;
	[sflag:s26] =	ssyncset.done $0x0;
	s13 =	rddreg [dreg:$0xa]  }
0x43: {  	s14 =	rddreg [dreg:$0x3];
	[sflag:s26] =	ssyncadd.s32 $0xFFFFFF80;
	s13 =	sshrl.u32 s13, $0x3  }
0x44: {  	[tilespmem:s28], [sflag:$0x3] =	stream.indirect.gather [hbm4b:s4+s18], $0x80, s25, s18, $0xb8;
	[tilespmem:$0x1FF00] =	vst v63  }
0x45: {  	[spmem:s13], [sflag:s12] =	dma.local [hbm:s14], $0x2780  }
0x46: {  	_ =	swait.ge [sflag:s29], $0x2780  }
0x47: {  	[sflag:s29] =	ssyncset.done $0x0  }
0x48: {  	[sflag:s29] =	ssyncadd.s32 $0xFFFFD880  }
0x49: {  	s14 =	simm.s32 $0x280;
	[bflag:$0x0] =	sbarrier.arrive $0xFFFF  }
.LBB2_2:
0x4a: {  	_ =	swait.ge [sflag:s30], $0x4000  }
0x4b: {  	[sflag:s30] =	ssyncset.done $0x0  }
0x4c: {  	[sflag:s30] =	ssyncadd.s32 $0xFFFFC000  }
0x4d: {  	[spmem:s1] =	stream.indirect.scatter.add.f32 [tilespmem:s20], [sflag:$0x4], $0x80, s18, s18, $0xb8;
	[tilespmem:$0x1FF00] =	vst v63  }
0x4e: {  	_ =	swait.ge [sflag:s31], $0x4000  }
0x4f: {  	[sflag:s31] =	ssyncset.done $0x0  }
0x50: {  	[sflag:s31] =	ssyncadd.s32 $0xFFFFC000  }
0x51: {  	[spmem:s1] =	stream.indirect.scatter.add.f32 [tilespmem:s24], [sflag:$0x5], $0x80, s22, s18, $0xb8;
	[tilespmem:$0x1FF00] =	vst v63  }
0x52: {  	_ =	swait.ge [sflag:s0], $0x4000  }
0x53: {  	p0 =	seq.s32 s14, $0x2980;
	[sflag:s0] =	ssyncset.done $0x0  }
.Ltmp2:
0x54: {  	[sflag:s0] =	ssyncadd.s32 $0xFFFFC000;
	(pc) =	sbr.rel @p0 .LBB2_4-.Ltmp2, $4  }
0x55: {  	[spmem:s1] =	stream.indirect.scatter.add.f32 [tilespmem:s28], [sflag:$0x6], $0x80, s2, s18, $0xb8;
	[tilespmem:$0x1FF00] =	vst v63  }
0x56: {  	_ =	swait.ge [sflag:s8], $0x4000  }
0x57: {  	[sflag:s8] =	ssyncset.done $0x0  }
0x58: {  	[sflag:s8] =	ssyncadd.s32 $0xFFFFC000  }
0x59: {  	s15 =	sadd.s32 $0xFFFFFF00, s14  }
0x5a: {  	s16 =	sand.u32 $0x7C00, s15  }
0x5b: {  	s15 =	sand.u32 $0x380, s15;
	s16 =	sadd.s32 s7, s16  }
0x5c: {  	s15 =	sor.u32 s15, s16  }
0x5d: {  	s15 =	sshrl.u32 s15, $0x3  }
0x5e: {  	s16 =	sadd.s32 s5, s15  }
0x5f: {  	[tilespmem:s3], [sflag:$0x7] =	stream.linear.gather [hbm4b:s16+s3], $0x80, $0x38;
	[tilespmem:$0x1FF00] =	vst v63  }
0x60: {  	s15 =	sadd.s32 s6, s15  }
0x61: {  	[tilespmem:s18], [sflag:$0x7] =	stream.linear.gather [hbm4b:s15+s3], $0x80, $0x38;
	[tilespmem:$0x1FF00] =	vst v63  }
0x62: {  	_ =	swait.ge [sflag:s19], $0x80  }
0x63: {  	[sflag:s19] =	ssyncset.done $0x0  }
0x64: {  	[sflag:s19] =	ssyncadd.s32 $0xFFFFFF80  }
0x65: {  	s15 =	sadd.s32 $0xFFFFFF80, s14;
	_ =	swait.ge [sflag:s19], $0x80  }
0x66: {  	s16 =	sand.u32 $0x7C00, s15;
	[sflag:s19] =	ssyncset.done $0x0  }
0x67: {  	s15 =	sand.u32 $0x380, s15;
	s16 =	sadd.s32 s7, s16;
	[sflag:s19] =	ssyncadd.s32 $0xFFFFFF80  }
0x68: {  	[tilespmem:s20], [sflag:$0x1] =	stream.indirect.gather [hbm4b:s4+s18], $0x80, s3, s18, $0xb8;
	[tilespmem:$0x1FF00] =	vst v63  }
0x69: {  	s15 =	sor.u32 s15, s16;
	_ =	swait.ge [sflag:s9], $0x4000  }
0x6a: {  	s15 =	sshrl.u32 s15, $0x3;
	[sflag:s9] =	ssyncset.done $0x0  }
0x6b: {  	s16 =	sadd.s32 s5, s15;
	[sflag:s9] =	ssyncadd.s32 $0xFFFFC000  }
0x6c: {  	[tilespmem:s21], [sflag:$0x8] =	stream.linear.gather [hbm4b:s16+s3], $0x80, $0x38;
	[tilespmem:$0x1FF00] =	vst v63  }
0x6d: {  	s15 =	sadd.s32 s6, s15  }
0x6e: {  	[tilespmem:s22], [sflag:$0x8] =	stream.linear.gather [hbm4b:s15+s3], $0x80, $0x38;
	[tilespmem:$0x1FF00] =	vst v63  }
0x6f: {  	_ =	swait.ge [sflag:s23], $0x80  }
0x70: {  	[sflag:s23] =	ssyncset.done $0x0  }
0x71: {  	[sflag:s23] =	ssyncadd.s32 $0xFFFFFF80  }
0x72: {  	_ =	swait.ge [sflag:s23], $0x80  }
0x73: {  	s16 =	sand.u32 $0x7C00, s14;
	[sflag:s23] =	ssyncset.done $0x0  }
0x74: {  	s15 =	sadd.s32 s7, s16;
	s16 =	sand.u32 $0x380, s14;
	[sflag:s23] =	ssyncadd.s32 $0xFFFFFF80  }
0x75: {  	[tilespmem:s24], [sflag:$0x2] =	stream.indirect.gather [hbm4b:s4+s18], $0x80, s21, s18, $0xb8;
	[tilespmem:$0x1FF00] =	vst v63  }
0x76: {  	s15 =	sor.u32 s16, s15;
	_ =	swait.ge [sflag:s10], $0x4000  }
0x77: {  	s15 =	sshrl.u32 s15, $0x3;
	[sflag:s10] =	ssyncset.done $0x0  }
0x78: {  	s16 =	sadd.s32 s5, s15;
	[sflag:s10] =	ssyncadd.s32 $0xFFFFC000  }
0x79: {  	[tilespmem:s25], [sflag:$0x9] =	stream.linear.gather [hbm4b:s16+s3], $0x80, $0x38;
	[tilespmem:$0x1FF00] =	vst v63  }
0x7a: {  	s15 =	sadd.s32 s6, s15  }
0x7b: {  	[tilespmem:s2], [sflag:$0x9] =	stream.linear.gather [hbm4b:s15+s3], $0x80, $0x38;
	[tilespmem:$0x1FF00] =	vst v63  }
0x7c: {  	_ =	swait.ge [sflag:s26], $0x80  }
0x7d: {  	[sflag:s26] =	ssyncset.done $0x0  }
.Ltmp3:
0x7e: {  	[sflag:s26] =	ssyncadd.s32 $0xFFFFFF80;
	(pc) =	sbr.rel .LBB2_2-.Ltmp3, $4  }
0x7f: {  	_ =	swait.ge [sflag:s26], $0x80  }
0x80: {  	[sflag:s26] =	ssyncset.done $0x0  }
0x81: {  	s14 =	sadd.s32 $0x180, s14;
	[sflag:s26] =	ssyncadd.s32 $0xFFFFFF80  }
0x82: {  	[tilespmem:s28], [sflag:$0x3] =	stream.indirect.gather [hbm4b:s4+s18], $0x80, s25, s18, $0xb8;
	[tilespmem:$0x1FF00] =	vst v63  }
.LBB2_5:
0x83: {  	_ =	sfence.sel $0x180000  }
0x84: {  	[bflag:$0x0] =	sbarrier.arrive $0xFFFF  }
0x85: {  	_ =	strace $0x90000050  }
0x86: {  	s0 =	stileid.u32;
	[bflag:$0x2] =	sbarrier.arrive $0xFFFF  }
0x87: {  	p0 =	sne.s32 s0, $0x0;
	s0 =	rddreg [dreg:$0x2]  }
0x88: {  	s0 =	sadd.s32 @!p0 $0x100000, s0  }
0x89: {  	[sflag:s0] =	ssyncadd.tile.s32 @!p0 $0x1;
	_ =	shalt  }
.Lfunc_end2:
_tile_overlayer_lowered:
.L_overlay_start_2:
0x8a: {  	(tag) =	ssettag $0x2  }
0x8b: {  	s0 =	rddreg [dreg:$0x0];
	s2 =	stileid.u32  }
0x8c: {  	s1 =	rddreg [dreg:$0x1];
	p0 =	sne.s32 s2, $0x0  }
0x8d: {  	s3 =	rddreg [dreg:$0x2];
	[bflag:$0x3] =	sbarrier.arrive $0xFFFF;
	s2 =	simm.s32 @!p0 $0x1C0A  }
0x8e: {  	[timem:s3], [sflag:s2] =	dma.local @!p0 [hbm:s0], s1  }
0x8f: {  	s0 =	simm.s32 @!p0 $0xA  }
0x90: {  	_ =	swait.ge @!p0 [sflag:s0], s1  }
0x91: {  	s1 =	ssub.s32 @!p0 $0x0, s1;
	[sflag:s0] =	ssyncset.done @!p0 $0x0  }
0x92: {  	[sflag:s0] =	ssyncadd.s32 @!p0 s1  }
0x93: {  	[bflag:$0x3] =	sbarrier.arrive $0xFFFF  }
0x94: {  	_ =	shalt  }

</sc_bundles>
